<compile_context>
chip_gen: v7x
topology: tpu7x:2x2x1
jax: 0.10.2.dev20260603
libtpu: 0.0.44.dev20260713+nightly
codegen_flags: <defaults>
</compile_context>

<pallas_src>
import functools

import jax
import jax.numpy as jnp
from jax import lax
from jax.experimental import pallas as pl
from jax.experimental.pallas import tpu as pltpu
from jax.experimental.pallas import tpu_sc as plsc

N = 10000
E = 320000
NC, NS = 2, 16
NW = NC * NS
CHUNK = 128
EPW = 10240
EPAD = NW * EPW
NIT = EPW // CHUNK
BLK = 16
CPS0 = 112
CPS1 = 48
assert CPS0 % BLK == 0 and CPS1 % BLK == 0 and CPS0 + CPS1 == 2 * NIT
ACC_ROWS = 10240
ZR = 64
ROWS_WB = N // NS

_MESH = plsc.VectorSubcoreMesh(
    core_axis_name="c", subcore_axis_name="s", num_cores=NC, num_subcores=NS
)


def _zero_vmem_2d(ref, rows, d):
    cols = d // 16

    def body(t, _):
        ref[t // cols, pl.ds((t % cols) * 16, 16)] = jnp.zeros((16,), jnp.float32)
        return 0

    lax.fori_loop(0, rows * cols, body, 0)


def _zero_vmem_1d(ref, n):
    def body(t, _):
        ref[pl.ds(t * 16, 16)] = jnp.zeros((16,), jnp.float32)
        return 0

    lax.fori_loop(0, n // 16, body, 0)


@functools.partial(
    pl.kernel,
    out_type=jax.ShapeDtypeStruct((NC * N,), jnp.float32),
    mesh=_MESH,
    scratch_types=[
        pltpu.VMEM((NIT, CHUNK), jnp.int32),
        pltpu.VMEM((CHUNK,), jnp.float32),
        pltpu.VMEM((640,), jnp.float32),
        pltpu.VMEM((1000,), jnp.float32),
        pltpu.VMEM_SHARED((ACC_ROWS,), jnp.float32),
    ],
)
def _deg_kernel(dst_hbm, out_hbm, didxb, ones, ztile, wbuf, acc):
    c = lax.axis_index("c")
    s = lax.axis_index("s")
    wid = c * NS + s

    _zero_vmem_1d(ztile, 640)

    def fill_ones(t, _):
        ones[pl.ds(t * 16, 16)] = jnp.ones((16,), jnp.float32)
        return 0

    lax.fori_loop(0, CHUNK // 16, fill_ones, 0)

    pltpu.sync_copy(ztile, acc.at[pl.ds(s * 640, 640)])
    plsc.subcore_barrier()

    pltpu.sync_copy(dst_hbm.at[pl.ds(wid * NIT, NIT)], didxb)

    def body(t, _):
        pltpu.sync_copy(ones, acc.at[didxb.at[t]], add=True)
        return 0

    lax.fori_loop(0, NIT, body, 0)
    plsc.subcore_barrier()

    @pl.when(s < 10)
    def _():
        pltpu.sync_copy(acc.at[pl.ds(s * 1000, 1000)], wbuf)
        pltpu.sync_copy(wbuf, out_hbm.at[pl.ds(c * N + s * 1000, 1000)])


def _make_agg(d):
    @functools.partial(
        pl.kernel,
        out_type=jax.ShapeDtypeStruct((NC, N, d), jnp.float32),
        mesh=_MESH,
        scratch_types=[
            pltpu.VMEM((BLK, CHUNK), jnp.int32),
            pltpu.VMEM((BLK, CHUNK), jnp.int32),
            pltpu.VMEM((CHUNK, d), jnp.float32),
            pltpu.VMEM((CHUNK, d), jnp.float32),
            pltpu.VMEM_SHARED((ACC_ROWS, d), jnp.float32),
            pltpu.SemaphoreType.DMA,
            pltpu.SemaphoreType.DMA,
        ],
    )
    def agg(src_hbm, dst_hbm, h_hbm, out_hbm, sidxb, didxb, rowsa, rowsb,
            acc, sema, semb):
        c = lax.axis_index("c")
        s = lax.axis_index("s")

        _zero_vmem_2d(rowsa, CHUNK, d)
        for j in range(ACC_ROWS // NS // CHUNK):
            pltpu.sync_copy(rowsa, acc.at[pl.ds(s * 640 + j * CHUNK, CHUNK)])
        plsc.subcore_barrier()

        nblk = lax.select(c == 0, CPS0 // BLK, CPS1 // BLK)
        base = lax.select(c == 0, s * CPS0, NS * CPS0 + s * CPS1)

        def block(bi, _):
            r0 = base + bi * BLK
            pltpu.sync_copy(src_hbm.at[pl.ds(r0, BLK)], sidxb)
            pltpu.sync_copy(dst_hbm.at[pl.ds(r0, BLK)], didxb)
            pltpu.async_copy(h_hbm.at[sidxb.at[0]], rowsa, sema)

            def pair(g, _):
                t = 2 * g
                pltpu.async_copy(h_hbm.at[sidxb.at[t + 1]], rowsb, semb)
                pltpu.make_async_copy(h_hbm.at[sidxb.at[t]], rowsa, sema).wait()
                pltpu.sync_copy(rowsa, acc.at[didxb.at[t]], add=True)

                @pl.when(t + 2 < BLK)
                def _():
                    pltpu.async_copy(h_hbm.at[sidxb.at[t + 2]], rowsa, sema)

                pltpu.make_async_copy(
                    h_hbm.at[sidxb.at[t + 1]], rowsb, semb
                ).wait()
                pltpu.sync_copy(rowsb, acc.at[didxb.at[t + 1]], add=True)
                return 0

            lax.fori_loop(0, BLK // 2, pair, 0)
            return 0

        lax.fori_loop(0, nblk, block, 0)
        plsc.subcore_barrier()
        rows = rowsa

        @pl.when(s < 15)
        def _():
            for j in range(5):
                sz = 120 if j == 4 else CHUNK
                r0 = s * 632 + j * CHUNK
                pltpu.sync_copy(acc.at[pl.ds(r0, sz)], rows.at[pl.ds(0, sz)])
                pltpu.sync_copy(rows.at[pl.ds(0, sz)], out_hbm.at[c, pl.ds(r0, sz)])

        @pl.when(s == 15)
        def _():
            for j in range(5):
                sz = 8 if j == 4 else CHUNK
                r0 = 15 * 632 + j * CHUNK
                pltpu.sync_copy(acc.at[pl.ds(r0, sz)], rows.at[pl.ds(0, sz)])
                pltpu.sync_copy(rows.at[pl.ds(0, sz)], out_hbm.at[c, pl.ds(r0, sz)])

    return agg


_agg128 = _make_agg(128)


_GRID = 10
_BR = N // _GRID


def _h1_body(x_ref, w_ref, d0_ref, d1_ref, o_ref, dinv_ref):
    dinv = lax.rsqrt(d0_ref[...] + d1_ref[...] + 1.0)
    dinv_ref[...] = dinv
    h = jnp.dot(x_ref[...], w_ref[...], preferred_element_type=jnp.float32)
    o_ref[...] = dinv * h


def _h1(x, w, d0, d1):
    return pl.pallas_call(
        _h1_body,
        grid=(_GRID,),
        in_specs=[
            pl.BlockSpec((_BR, 128), lambda i: (i, 0)),
            pl.BlockSpec((128, 128), lambda i: (0, 0)),
            pl.BlockSpec((_BR, 1), lambda i: (i, 0)),
            pl.BlockSpec((_BR, 1), lambda i: (i, 0)),
        ],
        out_specs=[
            pl.BlockSpec((_BR, 128), lambda i: (i, 0)),
            pl.BlockSpec((_BR, 1), lambda i: (i, 0)),
        ],
        out_shape=[
            jax.ShapeDtypeStruct((N, 128), jnp.float32),
            jax.ShapeDtypeStruct((N, 1), jnp.float32),
        ],
    )(x, w, d0, d1)


def _fuse_body(aggp_ref, ht_ref, dinv_ref, b_ref, w_ref, o_ref):
    dinv = dinv_ref[...]
    pre = dinv * (aggp_ref[0] + aggp_ref[1] + ht_ref[...]) + b_ref[...]
    x = jnp.maximum(pre, 0.0)
    o_ref[...] = dinv * jnp.dot(
        x, w_ref[...], preferred_element_type=jnp.float32
    )


def _fuse(aggp, ht, dinv, b, w, din, dout):
    return pl.pallas_call(
        _fuse_body,
        grid=(_GRID,),
        in_specs=[
            pl.BlockSpec((NC, _BR, din), lambda i: (0, i, 0)),
            pl.BlockSpec((_BR, din), lambda i: (i, 0)),
            pl.BlockSpec((_BR, 1), lambda i: (i, 0)),
            pl.BlockSpec((1, din), lambda i: (0, 0)),
            pl.BlockSpec((din, dout), lambda i: (0, 0)),
        ],
        out_specs=pl.BlockSpec((_BR, dout), lambda i: (i, 0)),
        out_shape=jax.ShapeDtypeStruct((N, dout), jnp.float32),
    )(aggp, ht, dinv, b, w)


def _final_body(aggp_ref, ht_ref, dinv_ref, b_ref, o_ref):
    dinv = dinv_ref[...]
    tot = aggp_ref[0] + aggp_ref[1] + ht_ref[...]
    o_ref[...] = dinv * tot[:, :64] + b_ref[...]


def _final(aggp, ht, dinv, b):
    return pl.pallas_call(
        _final_body,
        grid=(_GRID,),
        in_specs=[
            pl.BlockSpec((NC, _BR, 128), lambda i: (0, i, 0)),
            pl.BlockSpec((_BR, 128), lambda i: (i, 0)),
            pl.BlockSpec((_BR, 1), lambda i: (i, 0)),
            pl.BlockSpec((1, 64), lambda i: (0, 0)),
        ],
        out_specs=pl.BlockSpec((_BR, 64), lambda i: (i, 0)),
        out_shape=jax.ShapeDtypeStruct((N, 64), jnp.float32),
    )(aggp, ht, dinv, b)


def kernel(features, edge_index, W1, b1, W2, b2, W3, b3):
    pad = EPAD - E
    src = jnp.concatenate(
        [edge_index[0].astype(jnp.int32), jnp.zeros((pad,), jnp.int32)]
    ).reshape(EPAD // CHUNK, CHUNK)
    dst = jnp.concatenate(
        [edge_index[1].astype(jnp.int32), jnp.full((pad,), N, jnp.int32)]
    ).reshape(EPAD // CHUNK, CHUNK)
    degp = _deg_kernel(dst).reshape(NC, N)
    ht1, dinv = _h1(features, W1, degp[0][:, None], degp[1][:, None])
    agg1 = _agg128(src, dst, ht1)
    ht2 = _fuse(agg1, ht1, dinv, b1[None, :], W2, 128, 128)
    agg2 = _agg128(src, dst, ht2)
    w3p = jnp.pad(W3, ((0, 0), (0, 64)))
    ht3 = _fuse(agg2, ht2, dinv, b2[None, :], w3p, 128, 128)
    agg3 = _agg128(src, dst, ht3)
    return _final(agg3, ht3, dinv, b3[None, :])

# --- scband reference (transcript-rebuilt; emitter-appended) ---
"""Pipeline reference for scband-gcn-16552803959294 (READ-ONLY COPY).

The authoritative reference and input builder live on the scoring server;
editing this copy changes nothing except your own understanding.
"""

import jax, jax.numpy as jnp
import numpy as np

N_NODES = 10000
N_EDGES = 320000
IN_FEATS = 128
N_HIDDEN = 128
N_CLASSES = 64


def setup_inputs(seed: int = 0) -> dict:
    key = jax.random.key(seed)
    k = jax.random.split(key, 8)
    features = jax.random.normal(k[0], (N_NODES, IN_FEATS), dtype=jnp.float32)
    edge_index = jax.random.randint(k[1], (2, N_EDGES), 0, N_NODES, dtype=jnp.int64)
    # glorot-style init for GCNConv weights, zero bias (PyG default)
    def glorot(kk, fan_in, fan_out):
        limit = np.sqrt(6.0 / (fan_in + fan_out))
        return jax.random.uniform(kk, (fan_in, fan_out), dtype=jnp.float32, minval=-limit, maxval=limit)
    W1 = glorot(k[2], IN_FEATS, N_HIDDEN)
    b1 = jnp.zeros((N_HIDDEN,), dtype=jnp.float32)
    W2 = glorot(k[3], N_HIDDEN, N_HIDDEN)
    b2 = jnp.zeros((N_HIDDEN,), dtype=jnp.float32)
    W3 = glorot(k[4], N_HIDDEN, N_CLASSES)
    b3 = jnp.zeros((N_CLASSES,), dtype=jnp.float32)
    return {"features": features, "edge_index": edge_index, "W1": W1, "b1": b1, "W2": W2, "b2": b2, "W3": W3, "b3": b3}


def _gcn_conv(x, edge_index, W, b):
    # PyG GCNConv: add self-loops, symmetric normalization D^-1/2 (A+I) D^-1/2, then + bias
    num_nodes = x.shape[0]
    loop = jnp.arange(num_nodes, dtype=edge_index.dtype)
    src = jnp.concatenate([edge_index[0], loop])
    dst = jnp.concatenate([edge_index[1], loop])
    deg = jnp.zeros((num_nodes,), dtype=x.dtype).at[dst].add(1.0)
    dinv = jnp.where(deg > 0, jax.lax.rsqrt(deg), 0.0)
    norm = dinv[src] * dinv[dst]
    h = x @ W
    msg = h[src] * norm[:, None]
    out = jnp.zeros((num_nodes, W.shape[1]), dtype=x.dtype).at[dst].add(msg)
    return out + b


def reference(features, edge_index, W1, b1, W2, b2, W3, b3):
    # eval-mode forward: dropout is identity (training=False)
    h = _gcn_conv(features, edge_index, W1, b1)
    h = jax.nn.relu(h)
    h = _gcn_conv(h, edge_index, W2, b2)
    h = jax.nn.relu(h)
    h = _gcn_conv(h, edge_index, W3, b3)
    return h

if __name__ == "__main__":
    import jax
    _d = setup_inputs()
    print(jax.jit(kernel)(*tuple(_d.values())))

</pallas_src>

<mosaic_0001>
#map = affine_map<(d0, d1) -> (0, 0)>
#map1 = affine_map<(d0, d1) -> (0, 0, 0)>
module attributes {stable_mosaic.version = 14 : i64} {
  func.func @agg(%arg0: i32, %arg1: i32, %arg2: memref<2560x128xi32, #tpu.memory_space<hbm>>, %arg3: memref<2560x128xi32, #tpu.memory_space<hbm>>, %arg4: memref<10000x128xf32, #tpu.memory_space<hbm>>, %arg5: memref<2x10000x128xf32, #tpu.memory_space<hbm>>, %arg6: memref<16x128xi32, #tpu.memory_space<vmem>>, %arg7: memref<16x128xi32, #tpu.memory_space<vmem>>, %arg8: memref<128x128xf32, #tpu.memory_space<vmem>>, %arg9: memref<128x128xf32, #tpu.memory_space<vmem>>, %arg10: memref<10240x128xf32, #tpu.memory_space<vmem_shared>>, %arg11: memref<!tpu.dma_semaphore, #tpu.memory_space<semaphore_mem>>, %arg12: memref<!tpu.dma_semaphore, #tpu.memory_space<semaphore_mem>>) attributes {dimension_semantics = [#tpu.dimension_semantics<core_parallel>, #tpu.dimension_semantics<subcore_parallel>], iteration_bounds = array<i64: 2, 16>, scalar_prefetch = 0 : i64, scratch_operands = 7 : i64, tpu.core_type = #tpu.core_type<sc_vector_subcore>, window_params = [{transform_indices = #map}, {transform_indices = #map}, {transform_indices = #map}, {transform_indices = #map1}]} {
    %scan3A = arith.constant 0 : i32
    %scan3A_0 = arith.constant 0 : i32
    %scan3A_1 = arith.constant 1024 : i32
    %scan3A_2 = arith.addi %scan3A_0, %scan3A_1 : i32
    %scan3A_3 = arith.constant 1 : i32
    %scan3A_4 = scf.for %scan3A_55 = %scan3A_0 to %scan3A_2 step %scan3A_3 iter_args(%scan3A_56 = %scan3A) -> (i32)  : i32 {
      %broadcast_in_dim3A = arith.constant 0.000000e+00 : f32
      %broadcast_in_dim3A_57 = vector.broadcast %broadcast_in_dim3A : f32 to vector<16xf32>
      %jit3A = arith.constant 8 : i32
      %div3A = arith.divsi %scan3A_55, %jit3A : i32
      %sign3A = arith.constant 0 : i32
      %sign3A_58 = arith.cmpi sgt, %scan3A_55, %sign3A : i32
      %sign3A_59 = arith.extui %sign3A_58 : i1 to i32
      %sign3A_60 = arith.constant 0 : i32
      %sign3A_61 = arith.cmpi slt, %scan3A_55, %sign3A_60 : i32
      %sign3A_62 = arith.extui %sign3A_61 : i1 to i32
      %sign3A_63 = arith.subi %sign3A_59, %sign3A_62 : i32
      %sign3A_64 = arith.constant 0 : i32
      %sign3A_65 = arith.cmpi sgt, %jit3A, %sign3A_64 : i32
      %sign3A_66 = arith.extui %sign3A_65 : i1 to i32
      %sign3A_67 = arith.constant 0 : i32
      %sign3A_68 = arith.cmpi slt, %jit3A, %sign3A_67 : i32
      %sign3A_69 = arith.extui %sign3A_68 : i1 to i32
      %sign3A_70 = arith.subi %sign3A_66, %sign3A_69 : i32
      %ne3A = arith.cmpi ne, %sign3A_63, %sign3A_70 : i32
      %rem3A = arith.remsi %scan3A_55, %jit3A : i32
      %ne3A_71 = arith.constant 0 : i32
      %ne3A_72 = arith.cmpi ne, %rem3A, %ne3A_71 : i32
      %and3A = arith.andi %ne3A, %ne3A_72 : i1
      %sub3A = arith.constant 1 : i32
      %sub3A_73 = arith.subi %div3A, %sub3A : i32
      %select_n3A_74 = arith.select %and3A, %sub3A_73, %div3A : i32
      %jit3A_75 = arith.constant 8 : i32
      %eq3A_76 = arith.constant 0 : i32
      %eq3A_77 = arith.cmpi eq, %jit3A_75, %eq3A_76 : i32
      %jit3A_78 = arith.constant 1 : i32
      %select_n3A_79 = arith.select %eq3A_77, %jit3A_78, %jit3A_75 : i32
      %rem3A_80 = arith.remsi %scan3A_55, %select_n3A_79 : i32
      %ne3A_81 = arith.constant 0 : i32
      %ne3A_82 = arith.cmpi ne, %rem3A_80, %ne3A_81 : i32
      %lt3A_83 = arith.constant 0 : i32
      %lt3A_84 = arith.cmpi slt, %rem3A_80, %lt3A_83 : i32
      %lt3A_85 = arith.constant 0 : i32
      %lt3A_86 = arith.cmpi slt, %select_n3A_79, %lt3A_85 : i32
      %ne3A_87 = arith.xori %lt3A_84, %lt3A_86 : i1
      %and3A_88 = arith.andi %ne3A_87, %ne3A_82 : i1
      %add3A_89 = arith.addi %rem3A_80, %select_n3A_79 : i32
      %select_n3A_90 = arith.select %and3A_88, %add3A_89, %rem3A_80 : i32
      %mul3A_91 = arith.constant 16 : i32
      %mul3A_92 = arith.muli %select_n3A_90, %mul3A_91 : i32
      %swap3A = arith.index_cast %select_n3A_74 : i32 to index
      %swap3A_93 = arith.index_cast %mul3A_92 : i32 to index
      %swap3A_94 = tpu.vector_load %arg8[%swap3A, %swap3A_93] {strides = array<i32>} : memref<128x128xf32, #tpu.memory_space<vmem>>, vector<1x16xf32>,
      %swap3A_95 = vector.shape_cast %swap3A_94 : vector<1x16xf32> to vector<16xf32>
      %swap3A_96 = vector.shape_cast %broadcast_in_dim3A_57 : vector<16xf32> to vector<1x16xf32>
      tpu.vector_store %arg8[%swap3A, %swap3A_93], %swap3A_96 {strides = array<i32>} : memref<128x128xf32, #tpu.memory_space<vmem>>, vector<1x16xf32>,
      %scan3A_97 = arith.constant 0 : i32
      scf.yield %scan3A_97 : i32
    }
    %scan3A_5 = arith.constant 1024 : i32
    %mul3A = arith.constant 640 : i32
    %mul3A_6 = arith.muli %arg1, %mul3A : i32
    %add3A = arith.constant 0 : i32
    %add3A_7 = arith.addi %mul3A_6, %add3A : i32
    "tpu.region"() ({
      %run_scoped3A = tpu.sem_alloc : memref<!tpu.dma_semaphore, #tpu.memory_space<semaphore_mem>>
      %dma_start3A = arith.constant 0 : i32
      %dma_start3A_55 = tpu.memref_slice %arg10[%add3A_7, %dma_start3A] : memref<10240x128xf32, #tpu.memory_space<vmem_shared>> -> memref<128x128xf32, #tpu.memory_space<vmem_shared>>
      %dma_start3A_56 = arith.constant 0 : i32
      %dma_start3A_57 = tpu.memref_slice %arg10[%add3A_7, %dma_start3A_56] : memref<10240x128xf32, #tpu.memory_space<vmem_shared>> -> memref<128x128xf32, #tpu.memory_space<vmem_shared>>
      tpu.enqueue_dma source(%arg8 : memref<128x128xf32, #tpu.memory_space<vmem>>) target(%dma_start3A_57 : memref<128x128xf32, #tpu.memory_space<vmem_shared>>) target_semaphore(%run_scoped3A : memref<!tpu.dma_semaphore, #tpu.memory_space<semaphore_mem>>)
      %dma_wait3A = arith.constant 0 : i32
      %dma_wait3A_58 = tpu.memref_slice %arg10[%add3A_7, %dma_wait3A] : memref<10240x128xf32, #tpu.memory_space<vmem_shared>> -> memref<128x128xf32, #tpu.memory_space<vmem_shared>>
      %dma_wait3A_59 = arith.constant 0 : i32
      %dma_wait3A_60 = tpu.memref_slice %arg10[%add3A_7, %dma_wait3A_59] : memref<10240x128xf32, #tpu.memory_space<vmem_shared>> -> memref<128x128xf32, #tpu.memory_space<vmem_shared>>
      tpu.wait_dma2 semaphore(%run_scoped3A : memref<!tpu.dma_semaphore, #tpu.memory_space<semaphore_mem>>) src(%arg8 : memref<128x128xf32, #tpu.memory_space<vmem>>) dst(%dma_wait3A_60 : memref<128x128xf32, #tpu.memory_space<vmem_shared>>)
      tpu.yield
    }) : () -> ()
    %mul3A_8 = arith.constant 640 : i32
    %mul3A_9 = arith.muli %arg1, %mul3A_8 : i32
    %add3A_10 = arith.constant 128 : i32
    %add3A_11 = arith.addi %mul3A_9, %add3A_10 : i32
    "tpu.region"() ({
      %run_scoped3A = tpu.sem_alloc : memref<!tpu.dma_semaphore, #tpu.memory_space<semaphore_mem>>
      %dma_start3A = arith.constant 0 : i32
      %dma_start3A_55 = tpu.memref_slice %arg10[%add3A_11, %dma_start3A] : memref<10240x128xf32, #tpu.memory_space<vmem_shared>> -> memref<128x128xf32, #tpu.memory_space<vmem_shared>>
      %dma_start3A_56 = arith.constant 0 : i32
      %dma_start3A_57 = tpu.memref_slice %arg10[%add3A_11, %dma_start3A_56] : memref<10240x128xf32, #tpu.memory_space<vmem_shared>> -> memref<128x128xf32, #tpu.memory_space<vmem_shared>>
      tpu.enqueue_dma source(%arg8 : memref<128x128xf32, #tpu.memory_space<vmem>>) target(%dma_start3A_57 : memref<128x128xf32, #tpu.memory_space<vmem_shared>>) target_semaphore(%run_scoped3A : memref<!tpu.dma_semaphore, #tpu.memory_space<semaphore_mem>>)
      %dma_wait3A = arith.constant 0 : i32
      %dma_wait3A_58 = tpu.memref_slice %arg10[%add3A_11, %dma_wait3A] : memref<10240x128xf32, #tpu.memory_space<vmem_shared>> -> memref<128x128xf32, #tpu.memory_space<vmem_shared>>
      %dma_wait3A_59 = arith.constant 0 : i32
      %dma_wait3A_60 = tpu.memref_slice %arg10[%add3A_11, %dma_wait3A_59] : memref<10240x128xf32, #tpu.memory_space<vmem_shared>> -> memref<128x128xf32, #tpu.memory_space<vmem_shared>>
      tpu.wait_dma2 semaphore(%run_scoped3A : memref<!tpu.dma_semaphore, #tpu.memory_space<semaphore_mem>>) src(%arg8 : memref<128x128xf32, #tpu.memory_space<vmem>>) dst(%dma_wait3A_60 : memref<128x128xf32, #tpu.memory_space<vmem_shared>>)
      tpu.yield
    }) : () -> ()
    %mul3A_12 = arith.constant 640 : i32
    %mul3A_13 = arith.muli %arg1, %mul3A_12 : i32
    %add3A_14 = arith.constant 256 : i32
    %add3A_15 = arith.addi %mul3A_13, %add3A_14 : i32
    "tpu.region"() ({
      %run_scoped3A = tpu.sem_alloc : memref<!tpu.dma_semaphore, #tpu.memory_space<semaphore_mem>>
      %dma_start3A = arith.constant 0 : i32
      %dma_start3A_55 = tpu.memref_slice %arg10[%add3A_15, %dma_start3A] : memref<10240x128xf32, #tpu.memory_space<vmem_shared>> -> memref<128x128xf32, #tpu.memory_space<vmem_shared>>
      %dma_start3A_56 = arith.constant 0 : i32
      %dma_start3A_57 = tpu.memref_slice %arg10[%add3A_15, %dma_start3A_56] : memref<10240x128xf32, #tpu.memory_space<vmem_shared>> -> memref<128x128xf32, #tpu.memory_space<vmem_shared>>
      tpu.enqueue_dma source(%arg8 : memref<128x128xf32, #tpu.memory_space<vmem>>) target(%dma_start3A_57 : memref<128x128xf32, #tpu.memory_space<vmem_shared>>) target_semaphore(%run_scoped3A : memref<!tpu.dma_semaphore, #tpu.memory_space<semaphore_mem>>)
      %dma_wait3A = arith.constant 0 : i32
      %dma_wait3A_58 = tpu.memref_slice %arg10[%add3A_15, %dma_wait3A] : memref<10240x128xf32, #tpu.memory_space<vmem_shared>> -> memref<128x128xf32, #tpu.memory_space<vmem_shared>>
      %dma_wait3A_59 = arith.constant 0 : i32
      %dma_wait3A_60 = tpu.memref_slice %arg10[%add3A_15, %dma_wait3A_59] : memref<10240x128xf32, #tpu.memory_space<vmem_shared>> -> memref<128x128xf32, #tpu.memory_space<vmem_shared>>
      tpu.wait_dma2 semaphore(%run_scoped3A : memref<!tpu.dma_semaphore, #tpu.memory_space<semaphore_mem>>) src(%arg8 : memref<128x128xf32, #tpu.memory_space<vmem>>) dst(%dma_wait3A_60 : memref<128x128xf32, #tpu.memory_space<vmem_shared>>)
      tpu.yield
    }) : () -> ()
    %mul3A_16 = arith.constant 640 : i32
    %mul3A_17 = arith.muli %arg1, %mul3A_16 : i32
    %add3A_18 = arith.constant 384 : i32
    %add3A_19 = arith.addi %mul3A_17, %add3A_18 : i32
    "tpu.region"() ({
      %run_scoped3A = tpu.sem_alloc : memref<!tpu.dma_semaphore, #tpu.memory_space<semaphore_mem>>
      %dma_start3A = arith.constant 0 : i32
      %dma_start3A_55 = tpu.memref_slice %arg10[%add3A_19, %dma_start3A] : memref<10240x128xf32, #tpu.memory_space<vmem_shared>> -> memref<128x128xf32, #tpu.memory_space<vmem_shared>>
      %dma_start3A_56 = arith.constant 0 : i32
      %dma_start3A_57 = tpu.memref_slice %arg10[%add3A_19, %dma_start3A_56] : memref<10240x128xf32, #tpu.memory_space<vmem_shared>> -> memref<128x128xf32, #tpu.memory_space<vmem_shared>>
      tpu.enqueue_dma source(%arg8 : memref<128x128xf32, #tpu.memory_space<vmem>>) target(%dma_start3A_57 : memref<128x128xf32, #tpu.memory_space<vmem_shared>>) target_semaphore(%run_scoped3A : memref<!tpu.dma_semaphore, #tpu.memory_space<semaphore_mem>>)
      %dma_wait3A = arith.constant 0 : i32
      %dma_wait3A_58 = tpu.memref_slice %arg10[%add3A_19, %dma_wait3A] : memref<10240x128xf32, #tpu.memory_space<vmem_shared>> -> memref<128x128xf32, #tpu.memory_space<vmem_shared>>
      %dma_wait3A_59 = arith.constant 0 : i32
      %dma_wait3A_60 = tpu.memref_slice %arg10[%add3A_19, %dma_wait3A_59] : memref<10240x128xf32, #tpu.memory_space<vmem_shared>> -> memref<128x128xf32, #tpu.memory_space<vmem_shared>>
      tpu.wait_dma2 semaphore(%run_scoped3A : memref<!tpu.dma_semaphore, #tpu.memory_space<semaphore_mem>>) src(%arg8 : memref<128x128xf32, #tpu.memory_space<vmem>>) dst(%dma_wait3A_60 : memref<128x128xf32, #tpu.memory_space<vmem_shared>>)
      tpu.yield
    }) : () -> ()
    %mul3A_20 = arith.constant 640 : i32
    %mul3A_21 = arith.muli %arg1, %mul3A_20 : i32
    %add3A_22 = arith.constant 512 : i32
    %add3A_23 = arith.addi %mul3A_21, %add3A_22 : i32
    "tpu.region"() ({
      %run_scoped3A = tpu.sem_alloc : memref<!tpu.dma_semaphore, #tpu.memory_space<semaphore_mem>>
      %dma_start3A = arith.constant 0 : i32
      %dma_start3A_55 = tpu.memref_slice %arg10[%add3A_23, %dma_start3A] : memref<10240x128xf32, #tpu.memory_space<vmem_shared>> -> memref<128x128xf32, #tpu.memory_space<vmem_shared>>
      %dma_start3A_56 = arith.constant 0 : i32
      %dma_start3A_57 = tpu.memref_slice %arg10[%add3A_23, %dma_start3A_56] : memref<10240x128xf32, #tpu.memory_space<vmem_shared>> -> memref<128x128xf32, #tpu.memory_space<vmem_shared>>
      tpu.enqueue_dma source(%arg8 : memref<128x128xf32, #tpu.memory_space<vmem>>) target(%dma_start3A_57 : memref<128x128xf32, #tpu.memory_space<vmem_shared>>) target_semaphore(%run_scoped3A : memref<!tpu.dma_semaphore, #tpu.memory_space<semaphore_mem>>)
      %dma_wait3A = arith.constant 0 : i32
      %dma_wait3A_58 = tpu.memref_slice %arg10[%add3A_23, %dma_wait3A] : memref<10240x128xf32, #tpu.memory_space<vmem_shared>> -> memref<128x128xf32, #tpu.memory_space<vmem_shared>>
      %dma_wait3A_59 = arith.constant 0 : i32
      %dma_wait3A_60 = tpu.memref_slice %arg10[%add3A_23, %dma_wait3A_59] : memref<10240x128xf32, #tpu.memory_space<vmem_shared>> -> memref<128x128xf32, #tpu.memory_space<vmem_shared>>
      tpu.wait_dma2 semaphore(%run_scoped3A : memref<!tpu.dma_semaphore, #tpu.memory_space<semaphore_mem>>) src(%arg8 : memref<128x128xf32, #tpu.memory_space<vmem>>) dst(%dma_wait3A_60 : memref<128x128xf32, #tpu.memory_space<vmem_shared>>)
      tpu.yield
    }) : () -> ()
    %barrier3A = arith.constant 0 : index
    tpu.barrier barrier_id(%barrier3A)
    %eq3A = arith.constant 0 : i32
    %eq3A_24 = arith.cmpi eq, %arg0, %eq3A : i32
    %select_n3A = arith.constant 3 : i32
    %select_n3A_25 = arith.constant 7 : i32
    %select_n3A_26 = arith.select %eq3A_24, %select_n3A_25, %select_n3A : i32
    %eq3A_27 = arith.constant 0 : i32
    %eq3A_28 = arith.cmpi eq, %arg0, %eq3A_27 : i32
    %mul3A_29 = arith.constant 112 : i32
    %mul3A_30 = arith.muli %arg1, %mul3A_29 : i32
    %mul3A_31 = arith.constant 48 : i32
    %mul3A_32 = arith.muli %arg1, %mul3A_31 : i32
    %add3A_33 = arith.constant 1792 : i32
    %add3A_34 = arith.addi %add3A_33, %mul3A_32 : i32
    %select_n3A_35 = arith.select %eq3A_28, %mul3A_30, %add3A_34 : i32
    %while3A = arith.constant 0 : i32
    %while3A_36 = arith.constant 0 : i32
    %while3A_37 = arith.subi %select_n3A_26, %while3A : i32
    %while3A_38 = arith.addi %while3A, %while3A_37 : i32
    %while3A_39 = arith.constant 1 : i32
    %while3A_40 = arith.divsi %while3A_37, %while3A_39 : i32
    %while3A_41 = arith.muli %while3A_40, %while3A_39 : i32
    %while3A_42 = arith.addi %while3A, %while3A_41 : i32
    %while3A_43 = arith.constant 1 : i32
    %while3A_44 = scf.for %while3A_55 = %while3A to %while3A_42 step %while3A_43 iter_args(%while3A_56 = %while3A_36) -> (i32)  : i32 {
      %mul3A_57 = arith.constant 16 : i32
      %mul3A_58 = arith.muli %while3A_55, %mul3A_57 : i32
      %add3A_59 = arith.addi %select_n3A_35, %mul3A_58 : i32
      "tpu.region"() ({
        %run_scoped3A = tpu.sem_alloc : memref<!tpu.dma_semaphore, #tpu.memory_space<semaphore_mem>>
        %dma_start3A_74 = arith.constant 0 : i32
        %dma_start3A_75 = tpu.memref_slice %arg2[%add3A_59, %dma_start3A_74] : memref<2560x128xi32, #tpu.memory_space<hbm>> -> memref<16x128xi32, #tpu.memory_space<hbm>>
        %dma_start3A_76 = arith.constant 0 : i32
        %dma_start3A_77 = tpu.memref_slice %arg2[%add3A_59, %dma_start3A_76] : memref<2560x128xi32, #tpu.memory_space<hbm>> -> memref<16x128xi32, #tpu.memory_space<hbm>>
        tpu.enqueue_dma source(%dma_start3A_77 : memref<16x128xi32, #tpu.memory_space<hbm>>) target(%arg6 : memref<16x128xi32, #tpu.memory_space<vmem>>) target_semaphore(%run_scoped3A : memref<!tpu.dma_semaphore, #tpu.memory_space<semaphore_mem>>)
        %dma_wait3A = arith.constant 0 : i32
        %dma_wait3A_78 = tpu.memref_slice %arg2[%add3A_59, %dma_wait3A] : memref<2560x128xi32, #tpu.memory_space<hbm>> -> memref<16x128xi32, #tpu.memory_space<hbm>>
        %dma_wait3A_79 = arith.constant 0 : i32
        %dma_wait3A_80 = tpu.memref_slice %arg2[%add3A_59, %dma_wait3A_79] : memref<2560x128xi32, #tpu.memory_space<hbm>> -> memref<16x128xi32, #tpu.memory_space<hbm>>
        tpu.wait_dma2 semaphore(%run_scoped3A : memref<!tpu.dma_semaphore, #tpu.memory_space<semaphore_mem>>) src(%dma_wait3A_80 : memref<16x128xi32, #tpu.memory_space<hbm>>) dst(%arg6 : memref<16x128xi32, #tpu.memory_space<vmem>>)
        tpu.yield
      }) : () -> ()
      "tpu.region"() ({
        %run_scoped3A = tpu.sem_alloc : memref<!tpu.dma_semaphore, #tpu.memory_space<semaphore_mem>>
        %dma_start3A_74 = arith.constant 0 : i32
        %dma_start3A_75 = tpu.memref_slice %arg3[%add3A_59, %dma_start3A_74] : memref<2560x128xi32, #tpu.memory_space<hbm>> -> memref<16x128xi32, #tpu.memory_space<hbm>>
        %dma_start3A_76 = arith.constant 0 : i32
        %dma_start3A_77 = tpu.memref_slice %arg3[%add3A_59, %dma_start3A_76] : memref<2560x128xi32, #tpu.memory_space<hbm>> -> memref<16x128xi32, #tpu.memory_space<hbm>>
        tpu.enqueue_dma source(%dma_start3A_77 : memref<16x128xi32, #tpu.memory_space<hbm>>) target(%arg7 : memref<16x128xi32, #tpu.memory_space<vmem>>) target_semaphore(%run_scoped3A : memref<!tpu.dma_semaphore, #tpu.memory_space<semaphore_mem>>)
        %dma_wait3A = arith.constant 0 : i32
        %dma_wait3A_78 = tpu.memref_slice %arg3[%add3A_59, %dma_wait3A] : memref<2560x128xi32, #tpu.memory_space<hbm>> -> memref<16x128xi32, #tpu.memory_space<hbm>>
        %dma_wait3A_79 = arith.constant 0 : i32
        %dma_wait3A_80 = tpu.memref_slice %arg3[%add3A_59, %dma_wait3A_79] : memref<2560x128xi32, #tpu.memory_space<hbm>> -> memref<16x128xi32, #tpu.memory_space<hbm>>
        tpu.wait_dma2 semaphore(%run_scoped3A : memref<!tpu.dma_semaphore, #tpu.memory_space<semaphore_mem>>) src(%dma_wait3A_80 : memref<16x128xi32, #tpu.memory_space<hbm>>) dst(%arg7 : memref<16x128xi32, #tpu.memory_space<vmem>>)
        tpu.yield
      }) : () -> ()
      %dma_start3A = arith.constant 0 : i32
      %dma_start3A_60 = arith.constant 0 : i32
      %dma_start3A_61 = tpu.memref_slice %arg6[%dma_start3A, %dma_start3A_60] : memref<16x128xi32, #tpu.memory_space<vmem>> -> memref<1x128xi32, #tpu.memory_space<vmem>>
      %dma_start3A_62 = tpu.memref_squeeze %dma_start3A_61 : memref<1x128xi32, #tpu.memory_space<vmem>> -> memref<128xi32, #tpu.memory_space<vmem>>
      %dma_start3A_63 = arith.constant 0 : i32
      %dma_start3A_64 = arith.constant 0 : i32
      %dma_start3A_65 = tpu.memref_slice %arg4[%dma_start3A_63, %dma_start3A_64] : memref<10000x128xf32, #tpu.memory_space<hbm>> -> memref<10000x128xf32, #tpu.memory_space<hbm>>
      tpu.enqueue_indirect_dma source(%dma_start3A_65 : memref<10000x128xf32, #tpu.memory_space<hbm>>) target(%arg8 : memref<128x128xf32, #tpu.memory_space<vmem>>) offsets(%dma_start3A_62 : memref<128xi32, #tpu.memory_space<vmem>>) semaphore(%arg11 : memref<!tpu.dma_semaphore, #tpu.memory_space<semaphore_mem>>)
      %scan3A_66 = arith.constant 0 : i32
      %scan3A_67 = arith.constant 0 : i32
      %scan3A_68 = arith.constant 8 : i32
      %scan3A_69 = arith.addi %scan3A_67, %scan3A_68 : i32
      %scan3A_70 = arith.constant 1 : i32
      %scan3A_71 = scf.for %scan3A_74 = %scan3A_67 to %scan3A_69 step %scan3A_70 iter_args(%scan3A_75 = %scan3A_66) -> (i32)  : i32 {
        %mul3A_76 = arith.constant 2 : i32
        %mul3A_77 = arith.muli %mul3A_76, %scan3A_74 : i32
        %add3A_78 = arith.constant 1 : i32
        %add3A_79 = arith.addi %mul3A_77, %add3A_78 : i32
        %dma_start3A_80 = arith.constant 0 : i32
        %dma_start3A_81 = tpu.memref_slice %arg6[%add3A_79, %dma_start3A_80] : memref<16x128xi32, #tpu.memory_space<vmem>> -> memref<1x128xi32, #tpu.memory_space<vmem>>
        %dma_start3A_82 = tpu.memref_squeeze %dma_start3A_81 : memref<1x128xi32, #tpu.memory_space<vmem>> -> memref<128xi32, #tpu.memory_space<vmem>>
        %dma_start3A_83 = arith.constant 0 : i32
        %dma_start3A_84 = arith.constant 0 : i32
        %dma_start3A_85 = tpu.memref_slice %arg4[%dma_start3A_83, %dma_start3A_84] : memref<10000x128xf32, #tpu.memory_space<hbm>> -> memref<10000x128xf32, #tpu.memory_space<hbm>>
        tpu.enqueue_indirect_dma source(%dma_start3A_85 : memref<10000x128xf32, #tpu.memory_space<hbm>>) target(%arg9 : memref<128x128xf32, #tpu.memory_space<vmem>>) offsets(%dma_start3A_82 : memref<128xi32, #tpu.memory_space<vmem>>) semaphore(%arg12 : memref<!tpu.dma_semaphore, #tpu.memory_space<semaphore_mem>>)
        %dma_wait3A = arith.constant 0 : i32
        %dma_wait3A_86 = tpu.memref_slice %arg6[%mul3A_77, %dma_wait3A] : memref<16x128xi32, #tpu.memory_space<vmem>> -> memref<1x128xi32, #tpu.memory_space<vmem>>
        %dma_wait3A_87 = tpu.memref_squeeze %dma_wait3A_86 : memref<1x128xi32, #tpu.memory_space<vmem>> -> memref<128xi32, #tpu.memory_space<vmem>>
        %dma_wait3A_88 = arith.constant 0 : i32
        %dma_wait3A_89 = arith.constant 0 : i32
        %dma_wait3A_90 = tpu.memref_slice %arg4[%dma_wait3A_88, %dma_wait3A_89] : memref<10000x128xf32, #tpu.memory_space<hbm>> -> memref<10000x128xf32, #tpu.memory_space<hbm>>
        tpu.wait_indirect_dma semaphore(%arg11 : memref<!tpu.dma_semaphore, #tpu.memory_space<semaphore_mem>>) src(%dma_wait3A_90 : memref<10000x128xf32, #tpu.memory_space<hbm>>) dst(%arg8 : memref<128x128xf32, #tpu.memory_space<vmem>>)
        "tpu.region"() ({
          %run_scoped3A = tpu.sem_alloc : memref<!tpu.dma_semaphore, #tpu.memory_space<semaphore_mem>>
          %dma_start3A_109 = arith.constant 0 : i32
          %dma_start3A_110 = tpu.memref_slice %arg7[%mul3A_77, %dma_start3A_109] : memref<16x128xi32, #tpu.memory_space<vmem>> -> memref<1x128xi32, #tpu.memory_space<vmem>>
          %dma_start3A_111 = tpu.memref_squeeze %dma_start3A_110 : memref<1x128xi32, #tpu.memory_space<vmem>> -> memref<128xi32, #tpu.memory_space<vmem>>
          %dma_start3A_112 = arith.constant 0 : i32
          %dma_start3A_113 = arith.constant 0 : i32
          %dma_start3A_114 = tpu.memref_slice %arg10[%dma_start3A_112, %dma_start3A_113] : memref<10240x128xf32, #tpu.memory_space<vmem_shared>> -> memref<10240x128xf32, #tpu.memory_space<vmem_shared>>
          tpu.enqueue_indirect_dma source(%arg8 : memref<128x128xf32, #tpu.memory_space<vmem>>) target(%dma_start3A_114 : memref<10240x128xf32, #tpu.memory_space<vmem_shared>>) offsets(%dma_start3A_111 : memref<128xi32, #tpu.memory_space<vmem>>) semaphore(%run_scoped3A : memref<!tpu.dma_semaphore, #tpu.memory_space<semaphore_mem>>) {add = true}
          %dma_wait3A_115 = arith.constant 0 : i32
          %dma_wait3A_116 = tpu.memref_slice %arg7[%mul3A_77, %dma_wait3A_115] : memref<16x128xi32, #tpu.memory_space<vmem>> -> memref<1x128xi32, #tpu.memory_space<vmem>>
          %dma_wait3A_117 = tpu.memref_squeeze %dma_wait3A_116 : memref<1x128xi32, #tpu.memory_space<vmem>> -> memref<128xi32, #tpu.memory_space<vmem>>
          %dma_wait3A_118 = arith.constant 0 : i32
          %dma_wait3A_119 = arith.constant 0 : i32
          %dma_wait3A_120 = tpu.memref_slice %arg10[%dma_wait3A_118, %dma_wait3A_119] : memref<10240x128xf32, #tpu.memory_space<vmem_shared>> -> memref<10240x128xf32, #tpu.memory_space<vmem_shared>>
          tpu.wait_indirect_dma semaphore(%run_scoped3A : memref<!tpu.dma_semaphore, #tpu.memory_space<semaphore_mem>>) src(%arg8 : memref<128x128xf32, #tpu.memory_space<vmem>>) dst(%dma_wait3A_120 : memref<10240x128xf32, #tpu.memory_space<vmem_shared>>)
          tpu.yield
        }) : () -> ()
        %add3A_91 = arith.constant 2 : i32
        %add3A_92 = arith.addi %mul3A_77, %add3A_91 : i32
        %lt3A_93 = arith.constant 16 : i32
        %lt3A_94 = arith.cmpi slt, %add3A_92, %lt3A_93 : i32
        %convert_element_type3A_95 = arith.extui %lt3A_94 : i1 to i32
        %cond3A_96 = arith.constant 0 : i32
        %cond3A_97 = arith.cmpi ne, %convert_element_type3A_95, %cond3A_96 : i32
        scf.if %cond3A_97 {
          %add3A_109 = arith.constant 2 : i32
          %add3A_110 = arith.addi %mul3A_77, %add3A_109 : i32
          %dma_start3A_111 = arith.constant 0 : i32
          %dma_start3A_112 = tpu.memref_slice %arg6[%add3A_110, %dma_start3A_111] : memref<16x128xi32, #tpu.memory_space<vmem>> -> memref<1x128xi32, #tpu.memory_space<vmem>>
          %dma_start3A_113 = tpu.memref_squeeze %dma_start3A_112 : memref<1x128xi32, #tpu.memory_space<vmem>> -> memref<128xi32, #tpu.memory_space<vmem>>
          %dma_start3A_114 = arith.constant 0 : i32
          %dma_start3A_115 = arith.constant 0 : i32
          %dma_start3A_116 = tpu.memref_slice %arg4[%dma_start3A_114, %dma_start3A_115] : memref<10000x128xf32, #tpu.memory_space<hbm>> -> memref<10000x128xf32, #tpu.memory_space<hbm>>
          tpu.enqueue_indirect_dma source(%dma_start3A_116 : memref<10000x128xf32, #tpu.memory_space<hbm>>) target(%arg8 : memref<128x128xf32, #tpu.memory_space<vmem>>) offsets(%dma_start3A_113 : memref<128xi32, #tpu.memory_space<vmem>>) semaphore(%arg11 : memref<!tpu.dma_semaphore, #tpu.memory_space<semaphore_mem>>)
        } else {
        }
        %add3A_98 = arith.constant 1 : i32
        %add3A_99 = arith.addi %mul3A_77, %add3A_98 : i32
        %dma_wait3A_100 = arith.constant 0 : i32
        %dma_wait3A_101 = tpu.memref_slice %arg6[%add3A_99, %dma_wait3A_100] : memref<16x128xi32, #tpu.memory_space<vmem>> -> memref<1x128xi32, #tpu.memory_space<vmem>>
        %dma_wait3A_102 = tpu.memref_squeeze %dma_wait3A_101 : memref<1x128xi32, #tpu.memory_space<vmem>> -> memref<128xi32, #tpu.memory_space<vmem>>
        %dma_wait3A_103 = arith.constant 0 : i32
        %dma_wait3A_104 = arith.constant 0 : i32
        %dma_wait3A_105 = tpu.memref_slice %arg4[%dma_wait3A_103, %dma_wait3A_104] : memref<10000x128xf32, #tpu.memory_space<hbm>> -> memref<10000x128xf32, #tpu.memory_space<hbm>>
        tpu.wait_indirect_dma semaphore(%arg12 : memref<!tpu.dma_semaphore, #tpu.memory_space<semaphore_mem>>) src(%dma_wait3A_105 : memref<10000x128xf32, #tpu.memory_space<hbm>>) dst(%arg9 : memref<128x128xf32, #tpu.memory_space<vmem>>)
        %add3A_106 = arith.constant 1 : i32
        %add3A_107 = arith.addi %mul3A_77, %add3A_106 : i32
        "tpu.region"() ({
          %run_scoped3A = tpu.sem_alloc : memref<!tpu.dma_semaphore, #tpu.memory_space<semaphore_mem>>
          %dma_start3A_109 = arith.constant 0 : i32
          %dma_start3A_110 = tpu.memref_slice %arg7[%add3A_107, %dma_start3A_109] : memref<16x128xi32, #tpu.memory_space<vmem>> -> memref<1x128xi32, #tpu.memory_space<vmem>>
          %dma_start3A_111 = tpu.memref_squeeze %dma_start3A_110 : memref<1x128xi32, #tpu.memory_space<vmem>> -> memref<128xi32, #tpu.memory_space<vmem>>
          %dma_start3A_112 = arith.constant 0 : i32
          %dma_start3A_113 = arith.constant 0 : i32
          %dma_start3A_114 = tpu.memref_slice %arg10[%dma_start3A_112, %dma_start3A_113] : memref<10240x128xf32, #tpu.memory_space<vmem_shared>> -> memref<10240x128xf32, #tpu.memory_space<vmem_shared>>
          tpu.enqueue_indirect_dma source(%arg9 : memref<128x128xf32, #tpu.memory_space<vmem>>) target(%dma_start3A_114 : memref<10240x128xf32, #tpu.memory_space<vmem_shared>>) offsets(%dma_start3A_111 : memref<128xi32, #tpu.memory_space<vmem>>) semaphore(%run_scoped3A : memref<!tpu.dma_semaphore, #tpu.memory_space<semaphore_mem>>) {add = true}
          %dma_wait3A_115 = arith.constant 0 : i32
          %dma_wait3A_116 = tpu.memref_slice %arg7[%add3A_107, %dma_wait3A_115] : memref<16x128xi32, #tpu.memory_space<vmem>> -> memref<1x128xi32, #tpu.memory_space<vmem>>
          %dma_wait3A_117 = tpu.memref_squeeze %dma_wait3A_116 : memref<1x128xi32, #tpu.memory_space<vmem>> -> memref<128xi32, #tpu.memory_space<vmem>>
          %dma_wait3A_118 = arith.constant 0 : i32
          %dma_wait3A_119 = arith.constant 0 : i32
          %dma_wait3A_120 = tpu.memref_slice %arg10[%dma_wait3A_118, %dma_wait3A_119] : memref<10240x128xf32, #tpu.memory_space<vmem_shared>> -> memref<10240x128xf32, #tpu.memory_space<vmem_shared>>
          tpu.wait_indirect_dma semaphore(%run_scoped3A : memref<!tpu.dma_semaphore, #tpu.memory_space<semaphore_mem>>) src(%arg9 : memref<128x128xf32, #tpu.memory_space<vmem>>) dst(%dma_wait3A_120 : memref<10240x128xf32, #tpu.memory_space<vmem_shared>>)
          tpu.yield
        }) : () -> ()
        %scan3A_108 = arith.constant 0 : i32
        scf.yield %scan3A_108 : i32
      }
      %scan3A_72 = arith.constant 8 : i32
      %while3A_73 = arith.constant 0 : i32
      scf.yield %while3A_73 : i32
    }
    %while3A_45 = arith.constant 1 : i32
    %while3A_46 = scf.for %while3A_55 = %while3A_42 to %while3A_38 step %while3A_45 iter_args(%while3A_56 = %while3A_44) -> (i32)  : i32 {
      %mul3A_57 = arith.constant 16 : i32
      %mul3A_58 = arith.muli %while3A_55, %mul3A_57 : i32
      %add3A_59 = arith.addi %select_n3A_35, %mul3A_58 : i32
      "tpu.region"() ({
        %run_scoped3A = tpu.sem_alloc : memref<!tpu.dma_semaphore, #tpu.memory_space<semaphore_mem>>
        %dma_start3A_74 = arith.constant 0 : i32
        %dma_start3A_75 = tpu.memref_slice %arg2[%add3A_59, %dma_start3A_74] : memref<2560x128xi32, #tpu.memory_space<hbm>> -> memref<16x128xi32, #tpu.memory_space<hbm>>
        %dma_start3A_76 = arith.constant 0 : i32
        %dma_start3A_77 = tpu.memref_slice %arg2[%add3A_59, %dma_start3A_76] : memref<2560x128xi32, #tpu.memory_space<hbm>> -> memref<16x128xi32, #tpu.memory_space<hbm>>
        tpu.enqueue_dma source(%dma_start3A_77 : memref<16x128xi32, #tpu.memory_space<hbm>>) target(%arg6 : memref<16x128xi32, #tpu.memory_space<vmem>>) target_semaphore(%run_scoped3A : memref<!tpu.dma_semaphore, #tpu.memory_space<semaphore_mem>>)
        %dma_wait3A = arith.constant 0 : i32
        %dma_wait3A_78 = tpu.memref_slice %arg2[%add3A_59, %dma_wait3A] : memref<2560x128xi32, #tpu.memory_space<hbm>> -> memref<16x128xi32, #tpu.memory_space<hbm>>
        %dma_wait3A_79 = arith.constant 0 : i32
        %dma_wait3A_80 = tpu.memref_slice %arg2[%add3A_59, %dma_wait3A_79] : memref<2560x128xi32, #tpu.memory_space<hbm>> -> memref<16x128xi32, #tpu.memory_space<hbm>>
        tpu.wait_dma2 semaphore(%run_scoped3A : memref<!tpu.dma_semaphore, #tpu.memory_space<semaphore_mem>>) src(%dma_wait3A_80 : memref<16x128xi32, #tpu.memory_space<hbm>>) dst(%arg6 : memref<16x128xi32, #tpu.memory_space<vmem>>)
        tpu.yield
      }) : () -> ()
      "tpu.region"() ({
        %run_scoped3A = tpu.sem_alloc : memref<!tpu.dma_semaphore, #tpu.memory_space<semaphore_mem>>
        %dma_start3A_74 = arith.constant 0 : i32
        %dma_start3A_75 = tpu.memref_slice %arg3[%add3A_59, %dma_start3A_74] : memref<2560x128xi32, #tpu.memory_space<hbm>> -> memref<16x128xi32, #tpu.memory_space<hbm>>
        %dma_start3A_76 = arith.constant 0 : i32
        %dma_start3A_77 = tpu.memref_slice %arg3[%add3A_59, %dma_start3A_76] : memref<2560x128xi32, #tpu.memory_space<hbm>> -> memref<16x128xi32, #tpu.memory_space<hbm>>
        tpu.enqueue_dma source(%dma_start3A_77 : memref<16x128xi32, #tpu.memory_space<hbm>>) target(%arg7 : memref<16x128xi32, #tpu.memory_space<vmem>>) target_semaphore(%run_scoped3A : memref<!tpu.dma_semaphore, #tpu.memory_space<semaphore_mem>>)
        %dma_wait3A = arith.constant 0 : i32
        %dma_wait3A_78 = tpu.memref_slice %arg3[%add3A_59, %dma_wait3A] : memref<2560x128xi32, #tpu.memory_space<hbm>> -> memref<16x128xi32, #tpu.memory_space<hbm>>
        %dma_wait3A_79 = arith.constant 0 : i32
        %dma_wait3A_80 = tpu.memref_slice %arg3[%add3A_59, %dma_wait3A_79] : memref<2560x128xi32, #tpu.memory_space<hbm>> -> memref<16x128xi32, #tpu.memory_space<hbm>>
        tpu.wait_dma2 semaphore(%run_scoped3A : memref<!tpu.dma_semaphore, #tpu.memory_space<semaphore_mem>>) src(%dma_wait3A_80 : memref<16x128xi32, #tpu.memory_space<hbm>>) dst(%arg7 : memref<16x128xi32, #tpu.memory_space<vmem>>)
        tpu.yield
      }) : () -> ()
      %dma_start3A = arith.constant 0 : i32
      %dma_start3A_60 = arith.constant 0 : i32
      %dma_start3A_61 = tpu.memref_slice %arg6[%dma_start3A, %dma_start3A_60] : memref<16x128xi32, #tpu.memory_space<vmem>> -> memref<1x128xi32, #tpu.memory_space<vmem>>
      %dma_start3A_62 = tpu.memref_squeeze %dma_start3A_61 : memref<1x128xi32, #tpu.memory_space<vmem>> -> memref<128xi32, #tpu.memory_space<vmem>>
      %dma_start3A_63 = arith.constant 0 : i32
      %dma_start3A_64 = arith.constant 0 : i32
      %dma_start3A_65 = tpu.memref_slice %arg4[%dma_start3A_63, %dma_start3A_64] : memref<10000x128xf32, #tpu.memory_space<hbm>> -> memref<10000x128xf32, #tpu.memory_space<hbm>>
      tpu.enqueue_indirect_dma source(%dma_start3A_65 : memref<10000x128xf32, #tpu.memory_space<hbm>>) target(%arg8 : memref<128x128xf32, #tpu.memory_space<vmem>>) offsets(%dma_start3A_62 : memref<128xi32, #tpu.memory_space<vmem>>) semaphore(%arg11 : memref<!tpu.dma_semaphore, #tpu.memory_space<semaphore_mem>>)
      %scan3A_66 = arith.constant 0 : i32
      %scan3A_67 = arith.constant 0 : i32
      %scan3A_68 = arith.constant 8 : i32
      %scan3A_69 = arith.addi %scan3A_67, %scan3A_68 : i32
      %scan3A_70 = arith.constant 1 : i32
      %scan3A_71 = scf.for %scan3A_74 = %scan3A_67 to %scan3A_69 step %scan3A_70 iter_args(%scan3A_75 = %scan3A_66) -> (i32)  : i32 {
        %mul3A_76 = arith.constant 2 : i32
        %mul3A_77 = arith.muli %mul3A_76, %scan3A_74 : i32
        %add3A_78 = arith.constant 1 : i32
        %add3A_79 = arith.addi %mul3A_77, %add3A_78 : i32
        %dma_start3A_80 = arith.constant 0 : i32
        %dma_start3A_81 = tpu.memref_slice %arg6[%add3A_79, %dma_start3A_80] : memref<16x128xi32, #tpu.memory_space<vmem>> -> memref<1x128xi32, #tpu.memory_space<vmem>>
        %dma_start3A_82 = tpu.memref_squeeze %dma_start3A_81 : memref<1x128xi32, #tpu.memory_space<vmem>> -> memref<128xi32, #tpu.memory_space<vmem>>
        %dma_start3A_83 = arith.constant 0 : i32
        %dma_start3A_84 = arith.constant 0 : i32
        %dma_start3A_85 = tpu.memref_slice %arg4[%dma_start3A_83, %dma_start3A_84] : memref<10000x128xf32, #tpu.memory_space<hbm>> -> memref<10000x128xf32, #tpu.memory_space<hbm>>
        tpu.enqueue_indirect_dma source(%dma_start3A_85 : memref<10000x128xf32, #tpu.memory_space<hbm>>) target(%arg9 : memref<128x128xf32, #tpu.memory_space<vmem>>) offsets(%dma_start3A_82 : memref<128xi32, #tpu.memory_space<vmem>>) semaphore(%arg12 : memref<!tpu.dma_semaphore, #tpu.memory_space<semaphore_mem>>)
        %dma_wait3A = arith.constant 0 : i32
        %dma_wait3A_86 = tpu.memref_slice %arg6[%mul3A_77, %dma_wait3A] : memref<16x128xi32, #tpu.memory_space<vmem>> -> memref<1x128xi32, #tpu.memory_space<vmem>>
        %dma_wait3A_87 = tpu.memref_squeeze %dma_wait3A_86 : memref<1x128xi32, #tpu.memory_space<vmem>> -> memref<128xi32, #tpu.memory_space<vmem>>
        %dma_wait3A_88 = arith.constant 0 : i32
        %dma_wait3A_89 = arith.constant 0 : i32
        %dma_wait3A_90 = tpu.memref_slice %arg4[%dma_wait3A_88, %dma_wait3A_89] : memref<10000x128xf32, #tpu.memory_space<hbm>> -> memref<10000x128xf32, #tpu.memory_space<hbm>>
        tpu.wait_indirect_dma semaphore(%arg11 : memref<!tpu.dma_semaphore, #tpu.memory_space<semaphore_mem>>) src(%dma_wait3A_90 : memref<10000x128xf32, #tpu.memory_space<hbm>>) dst(%arg8 : memref<128x128xf32, #tpu.memory_space<vmem>>)
        "tpu.region"() ({
          %run_scoped3A = tpu.sem_alloc : memref<!tpu.dma_semaphore, #tpu.memory_space<semaphore_mem>>
          %dma_start3A_109 = arith.constant 0 : i32
          %dma_start3A_110 = tpu.memref_slice %arg7[%mul3A_77, %dma_start3A_109] : memref<16x128xi32, #tpu.memory_space<vmem>> -> memref<1x128xi32, #tpu.memory_space<vmem>>
          %dma_start3A_111 = tpu.memref_squeeze %dma_start3A_110 : memref<1x128xi32, #tpu.memory_space<vmem>> -> memref<128xi32, #tpu.memory_space<vmem>>
          %dma_start3A_112 = arith.constant 0 : i32
          %dma_start3A_113 = arith.constant 0 : i32
          %dma_start3A_114 = tpu.memref_slice %arg10[%dma_start3A_112, %dma_start3A_113] : memref<10240x128xf32, #tpu.memory_space<vmem_shared>> -> memref<10240x128xf32, #tpu.memory_space<vmem_shared>>
          tpu.enqueue_indirect_dma source(%arg8 : memref<128x128xf32, #tpu.memory_space<vmem>>) target(%dma_start3A_114 : memref<10240x128xf32, #tpu.memory_space<vmem_shared>>) offsets(%dma_start3A_111 : memref<128xi32, #tpu.memory_space<vmem>>) semaphore(%run_scoped3A : memref<!tpu.dma_semaphore, #tpu.memory_space<semaphore_mem>>) {add = true}
          %dma_wait3A_115 = arith.constant 0 : i32
          %dma_wait3A_116 = tpu.memref_slice %arg7[%mul3A_77, %dma_wait3A_115] : memref<16x128xi32, #tpu.memory_space<vmem>> -> memref<1x128xi32, #tpu.memory_space<vmem>>
          %dma_wait3A_117 = tpu.memref_squeeze %dma_wait3A_116 : memref<1x128xi32, #tpu.memory_space<vmem>> -> memref<128xi32, #tpu.memory_space<vmem>>
          %dma_wait3A_118 = arith.constant 0 : i32
          %dma_wait3A_119 = arith.constant 0 : i32
          %dma_wait3A_120 = tpu.memref_slice %arg10[%dma_wait3A_118, %dma_wait3A_119] : memref<10240x128xf32, #tpu.memory_space<vmem_shared>> -> memref<10240x128xf32, #tpu.memory_space<vmem_shared>>
          tpu.wait_indirect_dma semaphore(%run_scoped3A : memref<!tpu.dma_semaphore, #tpu.memory_space<semaphore_mem>>) src(%arg8 : memref<128x128xf32, #tpu.memory_space<vmem>>) dst(%dma_wait3A_120 : memref<10240x128xf32, #tpu.memory_space<vmem_shared>>)
          tpu.yield
        }) : () -> ()
        %add3A_91 = arith.constant 2 : i32
        %add3A_92 = arith.addi %mul3A_77, %add3A_91 : i32
        %lt3A_93 = arith.constant 16 : i32
        %lt3A_94 = arith.cmpi slt, %add3A_92, %lt3A_93 : i32
        %convert_element_type3A_95 = arith.extui %lt3A_94 : i1 to i32
        %cond3A_96 = arith.constant 0 : i32
        %cond3A_97 = arith.cmpi ne, %convert_element_type3A_95, %cond3A_96 : i32
        scf.if %cond3A_97 {
          %add3A_109 = arith.constant 2 : i32
          %add3A_110 = arith.addi %mul3A_77, %add3A_109 : i32
          %dma_start3A_111 = arith.constant 0 : i32
          %dma_start3A_112 = tpu.memref_slice %arg6[%add3A_110, %dma_start3A_111] : memref<16x128xi32, #tpu.memory_space<vmem>> -> memref<1x128xi32, #tpu.memory_space<vmem>>
          %dma_start3A_113 = tpu.memref_squeeze %dma_start3A_112 : memref<1x128xi32, #tpu.memory_space<vmem>> -> memref<128xi32, #tpu.memory_space<vmem>>
          %dma_start3A_114 = arith.constant 0 : i32
          %dma_start3A_115 = arith.constant 0 : i32
          %dma_start3A_116 = tpu.memref_slice %arg4[%dma_start3A_114, %dma_start3A_115] : memref<10000x128xf32, #tpu.memory_space<hbm>> -> memref<10000x128xf32, #tpu.memory_space<hbm>>
          tpu.enqueue_indirect_dma source(%dma_start3A_116 : memref<10000x128xf32, #tpu.memory_space<hbm>>) target(%arg8 : memref<128x128xf32, #tpu.memory_space<vmem>>) offsets(%dma_start3A_113 : memref<128xi32, #tpu.memory_space<vmem>>) semaphore(%arg11 : memref<!tpu.dma_semaphore, #tpu.memory_space<semaphore_mem>>)
        } else {
        }
        %add3A_98 = arith.constant 1 : i32
        %add3A_99 = arith.addi %mul3A_77, %add3A_98 : i32
        %dma_wait3A_100 = arith.constant 0 : i32
        %dma_wait3A_101 = tpu.memref_slice %arg6[%add3A_99, %dma_wait3A_100] : memref<16x128xi32, #tpu.memory_space<vmem>> -> memref<1x128xi32, #tpu.memory_space<vmem>>
        %dma_wait3A_102 = tpu.memref_squeeze %dma_wait3A_101 : memref<1x128xi32, #tpu.memory_space<vmem>> -> memref<128xi32, #tpu.memory_space<vmem>>
        %dma_wait3A_103 = arith.constant 0 : i32
        %dma_wait3A_104 = arith.constant 0 : i32
        %dma_wait3A_105 = tpu.memref_slice %arg4[%dma_wait3A_103, %dma_wait3A_104] : memref<10000x128xf32, #tpu.memory_space<hbm>> -> memref<10000x128xf32, #tpu.memory_space<hbm>>
        tpu.wait_indirect_dma semaphore(%arg12 : memref<!tpu.dma_semaphore, #tpu.memory_space<semaphore_mem>>) src(%dma_wait3A_105 : memref<10000x128xf32, #tpu.memory_space<hbm>>) dst(%arg9 : memref<128x128xf32, #tpu.memory_space<vmem>>)
        %add3A_106 = arith.constant 1 : i32
        %add3A_107 = arith.addi %mul3A_77, %add3A_106 : i32
        "tpu.region"() ({
          %run_scoped3A = tpu.sem_alloc : memref<!tpu.dma_semaphore, #tpu.memory_space<semaphore_mem>>
          %dma_start3A_109 = arith.constant 0 : i32
          %dma_start3A_110 = tpu.memref_slice %arg7[%add3A_107, %dma_start3A_109] : memref<16x128xi32, #tpu.memory_space<vmem>> -> memref<1x128xi32, #tpu.memory_space<vmem>>
          %dma_start3A_111 = tpu.memref_squeeze %dma_start3A_110 : memref<1x128xi32, #tpu.memory_space<vmem>> -> memref<128xi32, #tpu.memory_space<vmem>>
          %dma_start3A_112 = arith.constant 0 : i32
          %dma_start3A_113 = arith.constant 0 : i32
          %dma_start3A_114 = tpu.memref_slice %arg10[%dma_start3A_112, %dma_start3A_113] : memref<10240x128xf32, #tpu.memory_space<vmem_shared>> -> memref<10240x128xf32, #tpu.memory_space<vmem_shared>>
          tpu.enqueue_indirect_dma source(%arg9 : memref<128x128xf32, #tpu.memory_space<vmem>>) target(%dma_start3A_114 : memref<10240x128xf32, #tpu.memory_space<vmem_shared>>) offsets(%dma_start3A_111 : memref<128xi32, #tpu.memory_space<vmem>>) semaphore(%run_scoped3A : memref<!tpu.dma_semaphore, #tpu.memory_space<semaphore_mem>>) {add = true}
          %dma_wait3A_115 = arith.constant 0 : i32
          %dma_wait3A_116 = tpu.memref_slice %arg7[%add3A_107, %dma_wait3A_115] : memref<16x128xi32, #tpu.memory_space<vmem>> -> memref<1x128xi32, #tpu.memory_space<vmem>>
          %dma_wait3A_117 = tpu.memref_squeeze %dma_wait3A_116 : memref<1x128xi32, #tpu.memory_space<vmem>> -> memref<128xi32, #tpu.memory_space<vmem>>
          %dma_wait3A_118 = arith.constant 0 : i32
          %dma_wait3A_119 = arith.constant 0 : i32
          %dma_wait3A_120 = tpu.memref_slice %arg10[%dma_wait3A_118, %dma_wait3A_119] : memref<10240x128xf32, #tpu.memory_space<vmem_shared>> -> memref<10240x128xf32, #tpu.memory_space<vmem_shared>>
          tpu.wait_indirect_dma semaphore(%run_scoped3A : memref<!tpu.dma_semaphore, #tpu.memory_space<semaphore_mem>>) src(%arg9 : memref<128x128xf32, #tpu.memory_space<vmem>>) dst(%dma_wait3A_120 : memref<10240x128xf32, #tpu.memory_space<vmem_shared>>)
          tpu.yield
        }) : () -> ()
        %scan3A_108 = arith.constant 0 : i32
        scf.yield %scan3A_108 : i32
      }
      %scan3A_72 = arith.constant 8 : i32
      %while3A_73 = arith.constant 0 : i32
      scf.yield %while3A_73 : i32
    }
    %barrier3A_47 = arith.constant 0 : index
    tpu.barrier barrier_id(%barrier3A_47)
    %lt3A = arith.constant 15 : i32
    %lt3A_48 = arith.cmpi slt, %arg1, %lt3A : i32
    %convert_element_type3A = arith.extui %lt3A_48 : i1 to i32
    %cond3A = arith.constant 0 : i32
    %cond3A_49 = arith.cmpi ne, %convert_element_type3A, %cond3A : i32
    scf.if %cond3A_49 {
      %mul3A_55 = arith.constant 632 : i32
      %mul3A_56 = arith.muli %arg1, %mul3A_55 : i32
      %add3A_57 = arith.constant 0 : i32
      %add3A_58 = arith.addi %mul3A_56, %add3A_57 : i32
      "tpu.region"() ({
        %run_scoped3A = tpu.sem_alloc : memref<!tpu.dma_semaphore, #tpu.memory_space<semaphore_mem>>
        %dma_start3A = arith.constant 0 : i32
        %dma_start3A_75 = arith.constant 0 : i32
        %dma_start3A_76 = tpu.memref_slice %arg8[%dma_start3A, %dma_start3A_75] : memref<128x128xf32, #tpu.memory_space<vmem>> -> memref<128x128xf32, #tpu.memory_space<vmem>>
        %dma_start3A_77 = arith.constant 0 : i32
        %dma_start3A_78 = tpu.memref_slice %arg10[%add3A_58, %dma_start3A_77] : memref<10240x128xf32, #tpu.memory_space<vmem_shared>> -> memref<128x128xf32, #tpu.memory_space<vmem_shared>>
        %dma_start3A_79 = arith.constant 0 : i32
        %dma_start3A_80 = arith.constant 0 : i32
        %dma_start3A_81 = tpu.memref_slice %arg8[%dma_start3A_79, %dma_start3A_80] : memref<128x128xf32, #tpu.memory_space<vmem>> -> memref<128x128xf32, #tpu.memory_space<vmem>>
        %dma_start3A_82 = arith.constant 0 : i32
        %dma_start3A_83 = tpu.memref_slice %arg10[%add3A_58, %dma_start3A_82] : memref<10240x128xf32, #tpu.memory_space<vmem_shared>> -> memref<128x128xf32, #tpu.memory_space<vmem_shared>>
        tpu.enqueue_dma source(%dma_start3A_83 : memref<128x128xf32, #tpu.memory_space<vmem_shared>>) target(%dma_start3A_81 : memref<128x128xf32, #tpu.memory_space<vmem>>) target_semaphore(%run_scoped3A : memref<!tpu.dma_semaphore, #tpu.memory_space<semaphore_mem>>)
        %dma_wait3A = arith.constant 0 : i32
        %dma_wait3A_84 = arith.constant 0 : i32
        %dma_wait3A_85 = tpu.memref_slice %arg8[%dma_wait3A, %dma_wait3A_84] : memref<128x128xf32, #tpu.memory_space<vmem>> -> memref<128x128xf32, #tpu.memory_space<vmem>>
        %dma_wait3A_86 = arith.constant 0 : i32
        %dma_wait3A_87 = tpu.memref_slice %arg10[%add3A_58, %dma_wait3A_86] : memref<10240x128xf32, #tpu.memory_space<vmem_shared>> -> memref<128x128xf32, #tpu.memory_space<vmem_shared>>
        %dma_wait3A_88 = arith.constant 0 : i32
        %dma_wait3A_89 = arith.constant 0 : i32
        %dma_wait3A_90 = tpu.memref_slice %arg8[%dma_wait3A_88, %dma_wait3A_89] : memref<128x128xf32, #tpu.memory_space<vmem>> -> memref<128x128xf32, #tpu.memory_space<vmem>>
        %dma_wait3A_91 = arith.constant 0 : i32
        %dma_wait3A_92 = tpu.memref_slice %arg10[%add3A_58, %dma_wait3A_91] : memref<10240x128xf32, #tpu.memory_space<vmem_shared>> -> memref<128x128xf32, #tpu.memory_space<vmem_shared>>
        tpu.wait_dma2 semaphore(%run_scoped3A : memref<!tpu.dma_semaphore, #tpu.memory_space<semaphore_mem>>) src(%dma_wait3A_92 : memref<128x128xf32, #tpu.memory_space<vmem_shared>>) dst(%dma_wait3A_90 : memref<128x128xf32, #tpu.memory_space<vmem>>)
        tpu.yield
      }) : () -> ()
      "tpu.region"() ({
        %run_scoped3A = tpu.sem_alloc : memref<!tpu.dma_semaphore, #tpu.memory_space<semaphore_mem>>
        %dma_start3A = arith.constant 0 : i32
        %dma_start3A_75 = arith.constant 0 : i32
        %dma_start3A_76 = tpu.memref_slice %arg8[%dma_start3A, %dma_start3A_75] : memref<128x128xf32, #tpu.memory_space<vmem>> -> memref<128x128xf32, #tpu.memory_space<vmem>>
        %dma_start3A_77 = arith.constant 0 : i32
        %dma_start3A_78 = tpu.memref_slice %arg5[%arg0, %add3A_58, %dma_start3A_77] : memref<2x10000x128xf32, #tpu.memory_space<hbm>> -> memref<1x128x128xf32, #tpu.memory_space<hbm>>
        %dma_start3A_79 = tpu.memref_squeeze %dma_start3A_78 : memref<1x128x128xf32, #tpu.memory_space<hbm>> -> memref<128x128xf32, #tpu.memory_space<hbm>>
        %dma_start3A_80 = arith.constant 0 : i32
        %dma_start3A_81 = tpu.memref_slice %arg5[%arg0, %add3A_58, %dma_start3A_80] : memref<2x10000x128xf32, #tpu.memory_space<hbm>> -> memref<1x128x128xf32, #tpu.memory_space<hbm>>
        %dma_start3A_82 = tpu.memref_squeeze %dma_start3A_81 : memref<1x128x128xf32, #tpu.memory_space<hbm>> -> memref<128x128xf32, #tpu.memory_space<hbm>>
        %dma_start3A_83 = arith.constant 0 : i32
        %dma_start3A_84 = arith.constant 0 : i32
        %dma_start3A_85 = tpu.memref_slice %arg8[%dma_start3A_83, %dma_start3A_84] : memref<128x128xf32, #tpu.memory_space<vmem>> -> memref<128x128xf32, #tpu.memory_space<vmem>>
        tpu.enqueue_dma source(%dma_start3A_85 : memref<128x128xf32, #tpu.memory_space<vmem>>) target(%dma_start3A_82 : memref<128x128xf32, #tpu.memory_space<hbm>>) target_semaphore(%run_scoped3A : memref<!tpu.dma_semaphore, #tpu.memory_space<semaphore_mem>>)
        %dma_wait3A = arith.constant 0 : i32
        %dma_wait3A_86 = arith.constant 0 : i32
        %dma_wait3A_87 = tpu.memref_slice %arg8[%dma_wait3A, %dma_wait3A_86] : memref<128x128xf32, #tpu.memory_space<vmem>> -> memref<128x128xf32, #tpu.memory_space<vmem>>
        %dma_wait3A_88 = arith.constant 0 : i32
        %dma_wait3A_89 = tpu.memref_slice %arg5[%arg0, %add3A_58, %dma_wait3A_88] : memref<2x10000x128xf32, #tpu.memory_space<hbm>> -> memref<1x128x128xf32, #tpu.memory_space<hbm>>
        %dma_wait3A_90 = tpu.memref_squeeze %dma_wait3A_89 : memref<1x128x128xf32, #tpu.memory_space<hbm>> -> memref<128x128xf32, #tpu.memory_space<hbm>>
        %dma_wait3A_91 = arith.constant 0 : i32
        %dma_wait3A_92 = tpu.memref_slice %arg5[%arg0, %add3A_58, %dma_wait3A_91] : memref<2x10000x128xf32, #tpu.memory_space<hbm>> -> memref<1x128x128xf32, #tpu.memory_space<hbm>>
        %dma_wait3A_93 = tpu.memref_squeeze %dma_wait3A_92 : memref<1x128x128xf32, #tpu.memory_space<hbm>> -> memref<128x128xf32, #tpu.memory_space<hbm>>
        %dma_wait3A_94 = arith.constant 0 : i32
        %dma_wait3A_95 = arith.constant 0 : i32
        %dma_wait3A_96 = tpu.memref_slice %arg8[%dma_wait3A_94, %dma_wait3A_95] : memref<128x128xf32, #tpu.memory_space<vmem>> -> memref<128x128xf32, #tpu.memory_space<vmem>>
        tpu.wait_dma2 semaphore(%run_scoped3A : memref<!tpu.dma_semaphore, #tpu.memory_space<semaphore_mem>>) src(%dma_wait3A_96 : memref<128x128xf32, #tpu.memory_space<vmem>>) dst(%dma_wait3A_93 : memref<128x128xf32, #tpu.memory_space<hbm>>)
        tpu.yield
      }) : () -> ()
      %mul3A_59 = arith.constant 632 : i32
      %mul3A_60 = arith.muli %arg1, %mul3A_59 : i32
      %add3A_61 = arith.constant 128 : i32
      %add3A_62 = arith.addi %mul3A_60, %add3A_61 : i32
      "tpu.region"() ({
        %run_scoped3A = tpu.sem_alloc : memref<!tpu.dma_semaphore, #tpu.memory_space<semaphore_mem>>
        %dma_start3A = arith.constant 0 : i32
        %dma_start3A_75 = arith.constant 0 : i32
        %dma_start3A_76 = tpu.memref_slice %arg8[%dma_start3A, %dma_start3A_75] : memref<128x128xf32, #tpu.memory_space<vmem>> -> memref<128x128xf32, #tpu.memory_space<vmem>>
        %dma_start3A_77 = arith.constant 0 : i32
        %dma_start3A_78 = tpu.memref_slice %arg10[%add3A_62, %dma_start3A_77] : memref<10240x128xf32, #tpu.memory_space<vmem_shared>> -> memref<128x128xf32, #tpu.memory_space<vmem_shared>>
        %dma_start3A_79 = arith.constant 0 : i32
        %dma_start3A_80 = arith.constant 0 : i32
        %dma_start3A_81 = tpu.memref_slice %arg8[%dma_start3A_79, %dma_start3A_80] : memref<128x128xf32, #tpu.memory_space<vmem>> -> memref<128x128xf32, #tpu.memory_space<vmem>>
        %dma_start3A_82 = arith.constant 0 : i32
        %dma_start3A_83 = tpu.memref_slice %arg10[%add3A_62, %dma_start3A_82] : memref<10240x128xf32, #tpu.memory_space<vmem_shared>> -> memref<128x128xf32, #tpu.memory_space<vmem_shared>>
        tpu.enqueue_dma source(%dma_start3A_83 : memref<128x128xf32, #tpu.memory_space<vmem_shared>>) target(%dma_start3A_81 : memref<128x128xf32, #tpu.memory_space<vmem>>) target_semaphore(%run_scoped3A : memref<!tpu.dma_semaphore, #tpu.memory_space<semaphore_mem>>)
        %dma_wait3A = arith.constant 0 : i32
        %dma_wait3A_84 = arith.constant 0 : i32
        %dma_wait3A_85 = tpu.memref_slice %arg8[%dma_wait3A, %dma_wait3A_84] : memref<128x128xf32, #tpu.memory_space<vmem>> -> memref<128x128xf32, #tpu.memory_space<vmem>>
        %dma_wait3A_86 = arith.constant 0 : i32
        %dma_wait3A_87 = tpu.memref_slice %arg10[%add3A_62, %dma_wait3A_86] : memref<10240x128xf32, #tpu.memory_space<vmem_shared>> -> memref<128x128xf32, #tpu.memory_space<vmem_shared>>
        %dma_wait3A_88 = arith.constant 0 : i32
        %dma_wait3A_89 = arith.constant 0 : i32
        %dma_wait3A_90 = tpu.memref_slice %arg8[%dma_wait3A_88, %dma_wait3A_89] : memref<128x128xf32, #tpu.memory_space<vmem>> -> memref<128x128xf32, #tpu.memory_space<vmem>>
        %dma_wait3A_91 = arith.constant 0 : i32
        %dma_wait3A_92 = tpu.memref_slice %arg10[%add3A_62, %dma_wait3A_91] : memref<10240x128xf32, #tpu.memory_space<vmem_shared>> -> memref<128x128xf32, #tpu.memory_space<vmem_shared>>
        tpu.wait_dma2 semaphore(%run_scoped3A : memref<!tpu.dma_semaphore, #tpu.memory_space<semaphore_mem>>) src(%dma_wait3A_92 : memref<128x128xf32, #tpu.memory_space<vmem_shared>>) dst(%dma_wait3A_90 : memref<128x128xf32, #tpu.memory_space<vmem>>)
        tpu.yield
      }) : () -> ()
      "tpu.region"() ({
        %run_scoped3A = tpu.sem_alloc : memref<!tpu.dma_semaphore, #tpu.memory_space<semaphore_mem>>
        %dma_start3A = arith.constant 0 : i32
        %dma_start3A_75 = arith.constant 0 : i32
        %dma_start3A_76 = tpu.memref_slice %arg8[%dma_start3A, %dma_start3A_75] : memref<128x128xf32, #tpu.memory_space<vmem>> -> memref<128x128xf32, #tpu.memory_space<vmem>>
        %dma_start3A_77 = arith.constant 0 : i32
        %dma_start3A_78 = tpu.memref_slice %arg5[%arg0, %add3A_62, %dma_start3A_77] : memref<2x10000x128xf32, #tpu.memory_space<hbm>> -> memref<1x128x128xf32, #tpu.memory_space<hbm>>
        %dma_start3A_79 = tpu.memref_squeeze %dma_start3A_78 : memref<1x128x128xf32, #tpu.memory_space<hbm>> -> memref<128x128xf32, #tpu.memory_space<hbm>>
        %dma_start3A_80 = arith.constant 0 : i32
        %dma_start3A_81 = tpu.memref_slice %arg5[%arg0, %add3A_62, %dma_start3A_80] : memref<2x10000x128xf32, #tpu.memory_space<hbm>> -> memref<1x128x128xf32, #tpu.memory_space<hbm>>
        %dma_start3A_82 = tpu.memref_squeeze %dma_start3A_81 : memref<1x128x128xf32, #tpu.memory_space<hbm>> -> memref<128x128xf32, #tpu.memory_space<hbm>>
        %dma_start3A_83 = arith.constant 0 : i32
        %dma_start3A_84 = arith.constant 0 : i32
        %dma_start3A_85 = tpu.memref_slice %arg8[%dma_start3A_83, %dma_start3A_84] : memref<128x128xf32, #tpu.memory_space<vmem>> -> memref<128x128xf32, #tpu.memory_space<vmem>>
        tpu.enqueue_dma source(%dma_start3A_85 : memref<128x128xf32, #tpu.memory_space<vmem>>) target(%dma_start3A_82 : memref<128x128xf32, #tpu.memory_space<hbm>>) target_semaphore(%run_scoped3A : memref<!tpu.dma_semaphore, #tpu.memory_space<semaphore_mem>>)
        %dma_wait3A = arith.constant 0 : i32
        %dma_wait3A_86 = arith.constant 0 : i32
        %dma_wait3A_87 = tpu.memref_slice %arg8[%dma_wait3A, %dma_wait3A_86] : memref<128x128xf32, #tpu.memory_space<vmem>> -> memref<128x128xf32, #tpu.memory_space<vmem>>
        %dma_wait3A_88 = arith.constant 0 : i32
        %dma_wait3A_89 = tpu.memref_slice %arg5[%arg0, %add3A_62, %dma_wait3A_88] : memref<2x10000x128xf32, #tpu.memory_space<hbm>> -> memref<1x128x128xf32, #tpu.memory_space<hbm>>
        %dma_wait3A_90 = tpu.memref_squeeze %dma_wait3A_89 : memref<1x128x128xf32, #tpu.memory_space<hbm>> -> memref<128x128xf32, #tpu.memory_space<hbm>>
        %dma_wait3A_91 = arith.constant 0 : i32
        %dma_wait3A_92 = tpu.memref_slice %arg5[%arg0, %add3A_62, %dma_wait3A_91] : memref<2x10000x128xf32, #tpu.memory_space<hbm>> -> memref<1x128x128xf32, #tpu.memory_space<hbm>>
        %dma_wait3A_93 = tpu.memref_squeeze %dma_wait3A_92 : memref<1x128x128xf32, #tpu.memory_space<hbm>> -> memref<128x128xf32, #tpu.memory_space<hbm>>
        %dma_wait3A_94 = arith.constant 0 : i32
        %dma_wait3A_95 = arith.constant 0 : i32
        %dma_wait3A_96 = tpu.memref_slice %arg8[%dma_wait3A_94, %dma_wait3A_95] : memref<128x128xf32, #tpu.memory_space<vmem>> -> memref<128x128xf32, #tpu.memory_space<vmem>>
        tpu.wait_dma2 semaphore(%run_scoped3A : memref<!tpu.dma_semaphore, #tpu.memory_space<semaphore_mem>>) src(%dma_wait3A_96 : memref<128x128xf32, #tpu.memory_space<vmem>>) dst(%dma_wait3A_93 : memref<128x128xf32, #tpu.memory_space<hbm>>)
        tpu.yield
      }) : () -> ()
      %mul3A_63 = arith.constant 632 : i32
      %mul3A_64 = arith.muli %arg1, %mul3A_63 : i32
      %add3A_65 = arith.constant 256 : i32
      %add3A_66 = arith.addi %mul3A_64, %add3A_65 : i32
      "tpu.region"() ({
        %run_scoped3A = tpu.sem_alloc : memref<!tpu.dma_semaphore, #tpu.memory_space<semaphore_mem>>
        %dma_start3A = arith.constant 0 : i32
        %dma_start3A_75 = arith.constant 0 : i32
        %dma_start3A_76 = tpu.memref_slice %arg8[%dma_start3A, %dma_start3A_75] : memref<128x128xf32, #tpu.memory_space<vmem>> -> memref<128x128xf32, #tpu.memory_space<vmem>>
        %dma_start3A_77 = arith.constant 0 : i32
        %dma_start3A_78 = tpu.memref_slice %arg10[%add3A_66, %dma_start3A_77] : memref<10240x128xf32, #tpu.memory_space<vmem_shared>> -> memref<128x128xf32, #tpu.memory_space<vmem_shared>>
        %dma_start3A_79 = arith.constant 0 : i32
        %dma_start3A_80 = arith.constant 0 : i32
        %dma_start3A_81 = tpu.memref_slice %arg8[%dma_start3A_79, %dma_start3A_80] : memref<128x128xf32, #tpu.memory_space<vmem>> -> memref<128x128xf32, #tpu.memory_space<vmem>>
        %dma_start3A_82 = arith.constant 0 : i32
        %dma_start3A_83 = tpu.memref_slice %arg10[%add3A_66, %dma_start3A_82] : memref<10240x128xf32, #tpu.memory_space<vmem_shared>> -> memref<128x128xf32, #tpu.memory_space<vmem_shared>>
        tpu.enqueue_dma source(%dma_start3A_83 : memref<128x128xf32, #tpu.memory_space<vmem_shared>>) target(%dma_start3A_81 : memref<128x128xf32, #tpu.memory_space<vmem>>) target_semaphore(%run_scoped3A : memref<!tpu.dma_semaphore, #tpu.memory_space<semaphore_mem>>)
        %dma_wait3A = arith.constant 0 : i32
        %dma_wait3A_84 = arith.constant 0 : i32
        %dma_wait3A_85 = tpu.memref_slice %arg8[%dma_wait3A, %dma_wait3A_84] : memref<128x128xf32, #tpu.memory_space<vmem>> -> memref<128x128xf32, #tpu.memory_space<vmem>>
        %dma_wait3A_86 = arith.constant 0 : i32
        %dma_wait3A_87 = tpu.memref_slice %arg10[%add3A_66, %dma_wait3A_86] : memref<10240x128xf32, #tpu.memory_space<vmem_shared>> -> memref<128x128xf32, #tpu.memory_space<vmem_shared>>
        %dma_wait3A_88 = arith.constant 0 : i32
        %dma_wait3A_89 = arith.constant 0 : i32
        %dma_wait3A_90 = tpu.memref_slice %arg8[%dma_wait3A_88, %dma_wait3A_89] : memref<128x128xf32, #tpu.memory_space<vmem>> -> memref<128x128xf32, #tpu.memory_space<vmem>>
        %dma_wait3A_91 = arith.constant 0 : i32
        %dma_wait3A_92 = tpu.memref_slice %arg10[%add3A_66, %dma_wait3A_91] : memref<10240x128xf32, #tpu.memory_space<vmem_shared>> -> memref<128x128xf32, #tpu.memory_space<vmem_shared>>
        tpu.wait_dma2 semaphore(%run_scoped3A : memref<!tpu.dma_semaphore, #tpu.memory_space<semaphore_mem>>) src(%dma_wait3A_92 : memref<128x128xf32, #tpu.memory_space<vmem_shared>>) dst(%dma_wait3A_90 : memref<128x128xf32, #tpu.memory_space<vmem>>)
        tpu.yield
      }) : () -> ()
      "tpu.region"() ({
        %run_scoped3A = tpu.sem_alloc : memref<!tpu.dma_semaphore, #tpu.memory_space<semaphore_mem>>
        %dma_start3A = arith.constant 0 : i32
        %dma_start3A_75 = arith.constant 0 : i32
        %dma_start3A_76 = tpu.memref_slice %arg8[%dma_start3A, %dma_start3A_75] : memref<128x128xf32, #tpu.memory_space<vmem>> -> memref<128x128xf32, #tpu.memory_space<vmem>>
        %dma_start3A_77 = arith.constant 0 : i32
        %dma_start3A_78 = tpu.memref_slice %arg5[%arg0, %add3A_66, %dma_start3A_77] : memref<2x10000x128xf32, #tpu.memory_space<hbm>> -> memref<1x128x128xf32, #tpu.memory_space<hbm>>
        %dma_start3A_79 = tpu.memref_squeeze %dma_start3A_78 : memref<1x128x128xf32, #tpu.memory_space<hbm>> -> memref<128x128xf32, #tpu.memory_space<hbm>>
        %dma_start3A_80 = arith.constant 0 : i32
        %dma_start3A_81 = tpu.memref_slice %arg5[%arg0, %add3A_66, %dma_start3A_80] : memref<2x10000x128xf32, #tpu.memory_space<hbm>> -> memref<1x128x128xf32, #tpu.memory_space<hbm>>
        %dma_start3A_82 = tpu.memref_squeeze %dma_start3A_81 : memref<1x128x128xf32, #tpu.memory_space<hbm>> -> memref<128x128xf32, #tpu.memory_space<hbm>>
        %dma_start3A_83 = arith.constant 0 : i32
        %dma_start3A_84 = arith.constant 0 : i32
        %dma_start3A_85 = tpu.memref_slice %arg8[%dma_start3A_83, %dma_start3A_84] : memref<128x128xf32, #tpu.memory_space<vmem>> -> memref<128x128xf32, #tpu.memory_space<vmem>>
        tpu.enqueue_dma source(%dma_start3A_85 : memref<128x128xf32, #tpu.memory_space<vmem>>) target(%dma_start3A_82 : memref<128x128xf32, #tpu.memory_space<hbm>>) target_semaphore(%run_scoped3A : memref<!tpu.dma_semaphore, #tpu.memory_space<semaphore_mem>>)
        %dma_wait3A = arith.constant 0 : i32
        %dma_wait3A_86 = arith.constant 0 : i32
        %dma_wait3A_87 = tpu.memref_slice %arg8[%dma_wait3A, %dma_wait3A_86] : memref<128x128xf32, #tpu.memory_space<vmem>> -> memref<128x128xf32, #tpu.memory_space<vmem>>
        %dma_wait3A_88 = arith.constant 0 : i32
        %dma_wait3A_89 = tpu.memref_slice %arg5[%arg0, %add3A_66, %dma_wait3A_88] : memref<2x10000x128xf32, #tpu.memory_space<hbm>> -> memref<1x128x128xf32, #tpu.memory_space<hbm>>
        %dma_wait3A_90 = tpu.memref_squeeze %dma_wait3A_89 : memref<1x128x128xf32, #tpu.memory_space<hbm>> -> memref<128x128xf32, #tpu.memory_space<hbm>>
        %dma_wait3A_91 = arith.constant 0 : i32
        %dma_wait3A_92 = tpu.memref_slice %arg5[%arg0, %add3A_66, %dma_wait3A_91] : memref<2x10000x128xf32, #tpu.memory_space<hbm>> -> memref<1x128x128xf32, #tpu.memory_space<hbm>>
        %dma_wait3A_93 = tpu.memref_squeeze %dma_wait3A_92 : memref<1x128x128xf32, #tpu.memory_space<hbm>> -> memref<128x128xf32, #tpu.memory_space<hbm>>
        %dma_wait3A_94 = arith.constant 0 : i32
        %dma_wait3A_95 = arith.constant 0 : i32
        %dma_wait3A_96 = tpu.memref_slice %arg8[%dma_wait3A_94, %dma_wait3A_95] : memref<128x128xf32, #tpu.memory_space<vmem>> -> memref<128x128xf32, #tpu.memory_space<vmem>>
        tpu.wait_dma2 semaphore(%run_scoped3A : memref<!tpu.dma_semaphore, #tpu.memory_space<semaphore_mem>>) src(%dma_wait3A_96 : memref<128x128xf32, #tpu.memory_space<vmem>>) dst(%dma_wait3A_93 : memref<128x128xf32, #tpu.memory_space<hbm>>)
        tpu.yield
      }) : () -> ()
      %mul3A_67 = arith.constant 632 : i32
      %mul3A_68 = arith.muli %arg1, %mul3A_67 : i32
      %add3A_69 = arith.constant 384 : i32
      %add3A_70 = arith.addi %mul3A_68, %add3A_69 : i32
      "tpu.region"() ({
        %run_scoped3A = tpu.sem_alloc : memref<!tpu.dma_semaphore, #tpu.memory_space<semaphore_mem>>
        %dma_start3A = arith.constant 0 : i32
        %dma_start3A_75 = arith.constant 0 : i32
        %dma_start3A_76 = tpu.memref_slice %arg8[%dma_start3A, %dma_start3A_75] : memref<128x128xf32, #tpu.memory_space<vmem>> -> memref<128x128xf32, #tpu.memory_space<vmem>>
        %dma_start3A_77 = arith.constant 0 : i32
        %dma_start3A_78 = tpu.memref_slice %arg10[%add3A_70, %dma_start3A_77] : memref<10240x128xf32, #tpu.memory_space<vmem_shared>> -> memref<128x128xf32, #tpu.memory_space<vmem_shared>>
        %dma_start3A_79 = arith.constant 0 : i32
        %dma_start3A_80 = arith.constant 0 : i32
        %dma_start3A_81 = tpu.memref_slice %arg8[%dma_start3A_79, %dma_start3A_80] : memref<128x128xf32, #tpu.memory_space<vmem>> -> memref<128x128xf32, #tpu.memory_space<vmem>>
        %dma_start3A_82 = arith.constant 0 : i32
        %dma_start3A_83 = tpu.memref_slice %arg10[%add3A_70, %dma_start3A_82] : memref<10240x128xf32, #tpu.memory_space<vmem_shared>> -> memref<128x128xf32, #tpu.memory_space<vmem_shared>>
        tpu.enqueue_dma source(%dma_start3A_83 : memref<128x128xf32, #tpu.memory_space<vmem_shared>>) target(%dma_start3A_81 : memref<128x128xf32, #tpu.memory_space<vmem>>) target_semaphore(%run_scoped3A : memref<!tpu.dma_semaphore, #tpu.memory_space<semaphore_mem>>)
        %dma_wait3A = arith.constant 0 : i32
        %dma_wait3A_84 = arith.constant 0 : i32
        %dma_wait3A_85 = tpu.memref_slice %arg8[%dma_wait3A, %dma_wait3A_84] : memref<128x128xf32, #tpu.memory_space<vmem>> -> memref<128x128xf32, #tpu.memory_space<vmem>>
        %dma_wait3A_86 = arith.constant 0 : i32
        %dma_wait3A_87 = tpu.memref_slice %arg10[%add3A_70, %dma_wait3A_86] : memref<10240x128xf32, #tpu.memory_space<vmem_shared>> -> memref<128x128xf32, #tpu.memory_space<vmem_shared>>
        %dma_wait3A_88 = arith.constant 0 : i32
        %dma_wait3A_89 = arith.constant 0 : i32
        %dma_wait3A_90 = tpu.memref_slice %arg8[%dma_wait3A_88, %dma_wait3A_89] : memref<128x128xf32, #tpu.memory_space<vmem>> -> memref<128x128xf32, #tpu.memory_space<vmem>>
        %dma_wait3A_91 = arith.constant 0 : i32
        %dma_wait3A_92 = tpu.memref_slice %arg10[%add3A_70, %dma_wait3A_91] : memref<10240x128xf32, #tpu.memory_space<vmem_shared>> -> memref<128x128xf32, #tpu.memory_space<vmem_shared>>
        tpu.wait_dma2 semaphore(%run_scoped3A : memref<!tpu.dma_semaphore, #tpu.memory_space<semaphore_mem>>) src(%dma_wait3A_92 : memref<128x128xf32, #tpu.memory_space<vmem_shared>>) dst(%dma_wait3A_90 : memref<128x128xf32, #tpu.memory_space<vmem>>)
        tpu.yield
      }) : () -> ()
      "tpu.region"() ({
        %run_scoped3A = tpu.sem_alloc : memref<!tpu.dma_semaphore, #tpu.memory_space<semaphore_mem>>
        %dma_start3A = arith.constant 0 : i32
        %dma_start3A_75 = arith.constant 0 : i32
        %dma_start3A_76 = tpu.memref_slice %arg8[%dma_start3A, %dma_start3A_75] : memref<128x128xf32, #tpu.memory_space<vmem>> -> memref<128x128xf32, #tpu.memory_space<vmem>>
        %dma_start3A_77 = arith.constant 0 : i32
        %dma_start3A_78 = tpu.memref_slice %arg5[%arg0, %add3A_70, %dma_start3A_77] : memref<2x10000x128xf32, #tpu.memory_space<hbm>> -> memref<1x128x128xf32, #tpu.memory_space<hbm>>
        %dma_start3A_79 = tpu.memref_squeeze %dma_start3A_78 : memref<1x128x128xf32, #tpu.memory_space<hbm>> -> memref<128x128xf32, #tpu.memory_space<hbm>>
        %dma_start3A_80 = arith.constant 0 : i32
        %dma_start3A_81 = tpu.memref_slice %arg5[%arg0, %add3A_70, %dma_start3A_80] : memref<2x10000x128xf32, #tpu.memory_space<hbm>> -> memref<1x128x128xf32, #tpu.memory_space<hbm>>
        %dma_start3A_82 = tpu.memref_squeeze %dma_start3A_81 : memref<1x128x128xf32, #tpu.memory_space<hbm>> -> memref<128x128xf32, #tpu.memory_space<hbm>>
        %dma_start3A_83 = arith.constant 0 : i32
        %dma_start3A_84 = arith.constant 0 : i32
        %dma_start3A_85 = tpu.memref_slice %arg8[%dma_start3A_83, %dma_start3A_84] : memref<128x128xf32, #tpu.memory_space<vmem>> -> memref<128x128xf32, #tpu.memory_space<vmem>>
        tpu.enqueue_dma source(%dma_start3A_85 : memref<128x128xf32, #tpu.memory_space<vmem>>) target(%dma_start3A_82 : memref<128x128xf32, #tpu.memory_space<hbm>>) target_semaphore(%run_scoped3A : memref<!tpu.dma_semaphore, #tpu.memory_space<semaphore_mem>>)
        %dma_wait3A = arith.constant 0 : i32
        %dma_wait3A_86 = arith.constant 0 : i32
        %dma_wait3A_87 = tpu.memref_slice %arg8[%dma_wait3A, %dma_wait3A_86] : memref<128x128xf32, #tpu.memory_space<vmem>> -> memref<128x128xf32, #tpu.memory_space<vmem>>
        %dma_wait3A_88 = arith.constant 0 : i32
        %dma_wait3A_89 = tpu.memref_slice %arg5[%arg0, %add3A_70, %dma_wait3A_88] : memref<2x10000x128xf32, #tpu.memory_space<hbm>> -> memref<1x128x128xf32, #tpu.memory_space<hbm>>
        %dma_wait3A_90 = tpu.memref_squeeze %dma_wait3A_89 : memref<1x128x128xf32, #tpu.memory_space<hbm>> -> memref<128x128xf32, #tpu.memory_space<hbm>>
        %dma_wait3A_91 = arith.constant 0 : i32
        %dma_wait3A_92 = tpu.memref_slice %arg5[%arg0, %add3A_70, %dma_wait3A_91] : memref<2x10000x128xf32, #tpu.memory_space<hbm>> -> memref<1x128x128xf32, #tpu.memory_space<hbm>>
        %dma_wait3A_93 = tpu.memref_squeeze %dma_wait3A_92 : memref<1x128x128xf32, #tpu.memory_space<hbm>> -> memref<128x128xf32, #tpu.memory_space<hbm>>
        %dma_wait3A_94 = arith.constant 0 : i32
        %dma_wait3A_95 = arith.constant 0 : i32
        %dma_wait3A_96 = tpu.memref_slice %arg8[%dma_wait3A_94, %dma_wait3A_95] : memref<128x128xf32, #tpu.memory_space<vmem>> -> memref<128x128xf32, #tpu.memory_space<vmem>>
        tpu.wait_dma2 semaphore(%run_scoped3A : memref<!tpu.dma_semaphore, #tpu.memory_space<semaphore_mem>>) src(%dma_wait3A_96 : memref<128x128xf32, #tpu.memory_space<vmem>>) dst(%dma_wait3A_93 : memref<128x128xf32, #tpu.memory_space<hbm>>)
        tpu.yield
      }) : () -> ()
      %mul3A_71 = arith.constant 632 : i32
      %mul3A_72 = arith.muli %arg1, %mul3A_71 : i32
      %add3A_73 = arith.constant 512 : i32
      %add3A_74 = arith.addi %mul3A_72, %add3A_73 : i32
      "tpu.region"() ({
        %run_scoped3A = tpu.sem_alloc : memref<!tpu.dma_semaphore, #tpu.memory_space<semaphore_mem>>
        %dma_start3A = arith.constant 0 : i32
        %dma_start3A_75 = arith.constant 0 : i32
        %dma_start3A_76 = tpu.memref_slice %arg8[%dma_start3A, %dma_start3A_75] : memref<128x128xf32, #tpu.memory_space<vmem>> -> memref<120x128xf32, #tpu.memory_space<vmem>>
        %dma_start3A_77 = arith.constant 0 : i32
        %dma_start3A_78 = tpu.memref_slice %arg10[%add3A_74, %dma_start3A_77] : memref<10240x128xf32, #tpu.memory_space<vmem_shared>> -> memref<120x128xf32, #tpu.memory_space<vmem_shared>>
        %dma_start3A_79 = arith.constant 0 : i32
        %dma_start3A_80 = arith.constant 0 : i32
        %dma_start3A_81 = tpu.memref_slice %arg8[%dma_start3A_79, %dma_start3A_80] : memref<128x128xf32, #tpu.memory_space<vmem>> -> memref<120x128xf32, #tpu.memory_space<vmem>>
        %dma_start3A_82 = arith.constant 0 : i32
        %dma_start3A_83 = tpu.memref_slice %arg10[%add3A_74, %dma_start3A_82] : memref<10240x128xf32, #tpu.memory_space<vmem_shared>> -> memref<120x128xf32, #tpu.memory_space<vmem_shared>>
        tpu.enqueue_dma source(%dma_start3A_83 : memref<120x128xf32, #tpu.memory_space<vmem_shared>>) target(%dma_start3A_81 : memref<120x128xf32, #tpu.memory_space<vmem>>) target_semaphore(%run_scoped3A : memref<!tpu.dma_semaphore, #tpu.memory_space<semaphore_mem>>)
        %dma_wait3A = arith.constant 0 : i32
        %dma_wait3A_84 = arith.constant 0 : i32
        %dma_wait3A_85 = tpu.memref_slice %arg8[%dma_wait3A, %dma_wait3A_84] : memref<128x128xf32, #tpu.memory_space<vmem>> -> memref<120x128xf32, #tpu.memory_space<vmem>>
        %dma_wait3A_86 = arith.constant 0 : i32
        %dma_wait3A_87 = tpu.memref_slice %arg10[%add3A_74, %dma_wait3A_86] : memref<10240x128xf32, #tpu.memory_space<vmem_shared>> -> memref<120x128xf32, #tpu.memory_space<vmem_shared>>
        %dma_wait3A_88 = arith.constant 0 : i32
        %dma_wait3A_89 = arith.constant 0 : i32
        %dma_wait3A_90 = tpu.memref_slice %arg8[%dma_wait3A_88, %dma_wait3A_89] : memref<128x128xf32, #tpu.memory_space<vmem>> -> memref<120x128xf32, #tpu.memory_space<vmem>>
        %dma_wait3A_91 = arith.constant 0 : i32
        %dma_wait3A_92 = tpu.memref_slice %arg10[%add3A_74, %dma_wait3A_91] : memref<10240x128xf32, #tpu.memory_space<vmem_shared>> -> memref<120x128xf32, #tpu.memory_space<vmem_shared>>
        tpu.wait_dma2 semaphore(%run_scoped3A : memref<!tpu.dma_semaphore, #tpu.memory_space<semaphore_mem>>) src(%dma_wait3A_92 : memref<120x128xf32, #tpu.memory_space<vmem_shared>>) dst(%dma_wait3A_90 : memref<120x128xf32, #tpu.memory_space<vmem>>)
        tpu.yield
      }) : () -> ()
      "tpu.region"() ({
        %run_scoped3A = tpu.sem_alloc : memref<!tpu.dma_semaphore, #tpu.memory_space<semaphore_mem>>
        %dma_start3A = arith.constant 0 : i32
        %dma_start3A_75 = arith.constant 0 : i32
        %dma_start3A_76 = tpu.memref_slice %arg8[%dma_start3A, %dma_start3A_75] : memref<128x128xf32, #tpu.memory_space<vmem>> -> memref<120x128xf32, #tpu.memory_space<vmem>>
        %dma_start3A_77 = arith.constant 0 : i32
        %dma_start3A_78 = tpu.memref_slice %arg5[%arg0, %add3A_74, %dma_start3A_77] : memref<2x10000x128xf32, #tpu.memory_space<hbm>> -> memref<1x120x128xf32, #tpu.memory_space<hbm>>
        %dma_start3A_79 = tpu.memref_squeeze %dma_start3A_78 : memref<1x120x128xf32, #tpu.memory_space<hbm>> -> memref<120x128xf32, #tpu.memory_space<hbm>>
        %dma_start3A_80 = arith.constant 0 : i32
        %dma_start3A_81 = tpu.memref_slice %arg5[%arg0, %add3A_74, %dma_start3A_80] : memref<2x10000x128xf32, #tpu.memory_space<hbm>> -> memref<1x120x128xf32, #tpu.memory_space<hbm>>
        %dma_start3A_82 = tpu.memref_squeeze %dma_start3A_81 : memref<1x120x128xf32, #tpu.memory_space<hbm>> -> memref<120x128xf32, #tpu.memory_space<hbm>>
        %dma_start3A_83 = arith.constant 0 : i32
        %dma_start3A_84 = arith.constant 0 : i32
        %dma_start3A_85 = tpu.memref_slice %arg8[%dma_start3A_83, %dma_start3A_84] : memref<128x128xf32, #tpu.memory_space<vmem>> -> memref<120x128xf32, #tpu.memory_space<vmem>>
        tpu.enqueue_dma source(%dma_start3A_85 : memref<120x128xf32, #tpu.memory_space<vmem>>) target(%dma_start3A_82 : memref<120x128xf32, #tpu.memory_space<hbm>>) target_semaphore(%run_scoped3A : memref<!tpu.dma_semaphore, #tpu.memory_space<semaphore_mem>>)
        %dma_wait3A = arith.constant 0 : i32
        %dma_wait3A_86 = arith.constant 0 : i32
        %dma_wait3A_87 = tpu.memref_slice %arg8[%dma_wait3A, %dma_wait3A_86] : memref<128x128xf32, #tpu.memory_space<vmem>> -> memref<120x128xf32, #tpu.memory_space<vmem>>
        %dma_wait3A_88 = arith.constant 0 : i32
        %dma_wait3A_89 = tpu.memref_slice %arg5[%arg0, %add3A_74, %dma_wait3A_88] : memref<2x10000x128xf32, #tpu.memory_space<hbm>> -> memref<1x120x128xf32, #tpu.memory_space<hbm>>
        %dma_wait3A_90 = tpu.memref_squeeze %dma_wait3A_89 : memref<1x120x128xf32, #tpu.memory_space<hbm>> -> memref<120x128xf32, #tpu.memory_space<hbm>>
        %dma_wait3A_91 = arith.constant 0 : i32
        %dma_wait3A_92 = tpu.memref_slice %arg5[%arg0, %add3A_74, %dma_wait3A_91] : memref<2x10000x128xf32, #tpu.memory_space<hbm>> -> memref<1x120x128xf32, #tpu.memory_space<hbm>>
        %dma_wait3A_93 = tpu.memref_squeeze %dma_wait3A_92 : memref<1x120x128xf32, #tpu.memory_space<hbm>> -> memref<120x128xf32, #tpu.memory_space<hbm>>
        %dma_wait3A_94 = arith.constant 0 : i32
        %dma_wait3A_95 = arith.constant 0 : i32
        %dma_wait3A_96 = tpu.memref_slice %arg8[%dma_wait3A_94, %dma_wait3A_95] : memref<128x128xf32, #tpu.memory_space<vmem>> -> memref<120x128xf32, #tpu.memory_space<vmem>>
        tpu.wait_dma2 semaphore(%run_scoped3A : memref<!tpu.dma_semaphore, #tpu.memory_space<semaphore_mem>>) src(%dma_wait3A_96 : memref<120x128xf32, #tpu.memory_space<vmem>>) dst(%dma_wait3A_93 : memref<120x128xf32, #tpu.memory_space<hbm>>)
        tpu.yield
      }) : () -> ()
    } else {
    }
    %eq3A_50 = arith.constant 15 : i32
    %eq3A_51 = arith.cmpi eq, %arg1, %eq3A_50 : i32
    %convert_element_type3A_52 = arith.extui %eq3A_51 : i1 to i32
    %cond3A_53 = arith.constant 0 : i32
    %cond3A_54 = arith.cmpi ne, %convert_element_type3A_52, %cond3A_53 : i32
    scf.if %cond3A_54 {
      "tpu.region"() ({
        %run_scoped3A = tpu.sem_alloc : memref<!tpu.dma_semaphore, #tpu.memory_space<semaphore_mem>>
        %dma_start3A = arith.constant 0 : i32
        %dma_start3A_55 = arith.constant 0 : i32
        %dma_start3A_56 = tpu.memref_slice %arg8[%dma_start3A, %dma_start3A_55] : memref<128x128xf32, #tpu.memory_space<vmem>> -> memref<128x128xf32, #tpu.memory_space<vmem>>
        %dma_start3A_57 = arith.constant 9480 : i32
        %dma_start3A_58 = arith.constant 0 : i32
        %dma_start3A_59 = tpu.memref_slice %arg10[%dma_start3A_57, %dma_start3A_58] : memref<10240x128xf32, #tpu.memory_space<vmem_shared>> -> memref<128x128xf32, #tpu.memory_space<vmem_shared>>
        %dma_start3A_60 = arith.constant 0 : i32
        %dma_start3A_61 = arith.constant 0 : i32
        %dma_start3A_62 = tpu.memref_slice %arg8[%dma_start3A_60, %dma_start3A_61] : memref<128x128xf32, #tpu.memory_space<vmem>> -> memref<128x128xf32, #tpu.memory_space<vmem>>
        %dma_start3A_63 = arith.constant 9480 : i32
        %dma_start3A_64 = arith.constant 0 : i32
        %dma_start3A_65 = tpu.memref_slice %arg10[%dma_start3A_63, %dma_start3A_64] : memref<10240x128xf32, #tpu.memory_space<vmem_shared>> -> memref<128x128xf32, #tpu.memory_space<vmem_shared>>
        tpu.enqueue_dma source(%dma_start3A_65 : memref<128x128xf32, #tpu.memory_space<vmem_shared>>) target(%dma_start3A_62 : memref<128x128xf32, #tpu.memory_space<vmem>>) target_semaphore(%run_scoped3A : memref<!tpu.dma_semaphore, #tpu.memory_space<semaphore_mem>>)
        %dma_wait3A = arith.constant 0 : i32
        %dma_wait3A_66 = arith.constant 0 : i32
        %dma_wait3A_67 = tpu.memref_slice %arg8[%dma_wait3A, %dma_wait3A_66] : memref<128x128xf32, #tpu.memory_space<vmem>> -> memref<128x128xf32, #tpu.memory_space<vmem>>
        %dma_wait3A_68 = arith.constant 9480 : i32
        %dma_wait3A_69 = arith.constant 0 : i32
        %dma_wait3A_70 = tpu.memref_slice %arg10[%dma_wait3A_68, %dma_wait3A_69] : memref<10240x128xf32, #tpu.memory_space<vmem_shared>> -> memref<128x128xf32, #tpu.memory_space<vmem_shared>>
        %dma_wait3A_71 = arith.constant 0 : i32
        %dma_wait3A_72 = arith.constant 0 : i32
        %dma_wait3A_73 = tpu.memref_slice %arg8[%dma_wait3A_71, %dma_wait3A_72] : memref<128x128xf32, #tpu.memory_space<vmem>> -> memref<128x128xf32, #tpu.memory_space<vmem>>
        %dma_wait3A_74 = arith.constant 9480 : i32
        %dma_wait3A_75 = arith.constant 0 : i32
        %dma_wait3A_76 = tpu.memref_slice %arg10[%dma_wait3A_74, %dma_wait3A_75] : memref<10240x128xf32, #tpu.memory_space<vmem_shared>> -> memref<128x128xf32, #tpu.memory_space<vmem_shared>>
        tpu.wait_dma2 semaphore(%run_scoped3A : memref<!tpu.dma_semaphore, #tpu.memory_space<semaphore_mem>>) src(%dma_wait3A_76 : memref<128x128xf32, #tpu.memory_space<vmem_shared>>) dst(%dma_wait3A_73 : memref<128x128xf32, #tpu.memory_space<vmem>>)
        tpu.yield
      }) : () -> ()
      "tpu.region"() ({
        %run_scoped3A = tpu.sem_alloc : memref<!tpu.dma_semaphore, #tpu.memory_space<semaphore_mem>>
        %dma_start3A = arith.constant 0 : i32
        %dma_start3A_55 = arith.constant 0 : i32
        %dma_start3A_56 = tpu.memref_slice %arg8[%dma_start3A, %dma_start3A_55] : memref<128x128xf32, #tpu.memory_space<vmem>> -> memref<128x128xf32, #tpu.memory_space<vmem>>
        %dma_start3A_57 = arith.constant 9480 : i32
        %dma_start3A_58 = arith.constant 0 : i32
        %dma_start3A_59 = tpu.memref_slice %arg5[%arg0, %dma_start3A_57, %dma_start3A_58] : memref<2x10000x128xf32, #tpu.memory_space<hbm>> -> memref<1x128x128xf32, #tpu.memory_space<hbm>>
        %dma_start3A_60 = tpu.memref_squeeze %dma_start3A_59 : memref<1x128x128xf32, #tpu.memory_space<hbm>> -> memref<128x128xf32, #tpu.memory_space<hbm>>
        %dma_start3A_61 = arith.constant 9480 : i32
        %dma_start3A_62 = arith.constant 0 : i32
        %dma_start3A_63 = tpu.memref_slice %arg5[%arg0, %dma_start3A_61, %dma_start3A_62] : memref<2x10000x128xf32, #tpu.memory_space<hbm>> -> memref<1x128x128xf32, #tpu.memory_space<hbm>>
        %dma_start3A_64 = tpu.memref_squeeze %dma_start3A_63 : memref<1x128x128xf32, #tpu.memory_space<hbm>> -> memref<128x128xf32, #tpu.memory_space<hbm>>
        %dma_start3A_65 = arith.constant 0 : i32
        %dma_start3A_66 = arith.constant 0 : i32
        %dma_start3A_67 = tpu.memref_slice %arg8[%dma_start3A_65, %dma_start3A_66] : memref<128x128xf32, #tpu.memory_space<vmem>> -> memref<128x128xf32, #tpu.memory_space<vmem>>
        tpu.enqueue_dma source(%dma_start3A_67 : memref<128x128xf32, #tpu.memory_space<vmem>>) target(%dma_start3A_64 : memref<128x128xf32, #tpu.memory_space<hbm>>) target_semaphore(%run_scoped3A : memref<!tpu.dma_semaphore, #tpu.memory_space<semaphore_mem>>)
        %dma_wait3A = arith.constant 0 : i32
        %dma_wait3A_68 = arith.constant 0 : i32
        %dma_wait3A_69 = tpu.memref_slice %arg8[%dma_wait3A, %dma_wait3A_68] : memref<128x128xf32, #tpu.memory_space<vmem>> -> memref<128x128xf32, #tpu.memory_space<vmem>>
        %dma_wait3A_70 = arith.constant 9480 : i32
        %dma_wait3A_71 = arith.constant 0 : i32
        %dma_wait3A_72 = tpu.memref_slice %arg5[%arg0, %dma_wait3A_70, %dma_wait3A_71] : memref<2x10000x128xf32, #tpu.memory_space<hbm>> -> memref<1x128x128xf32, #tpu.memory_space<hbm>>
        %dma_wait3A_73 = tpu.memref_squeeze %dma_wait3A_72 : memref<1x128x128xf32, #tpu.memory_space<hbm>> -> memref<128x128xf32, #tpu.memory_space<hbm>>
        %dma_wait3A_74 = arith.constant 9480 : i32
        %dma_wait3A_75 = arith.constant 0 : i32
        %dma_wait3A_76 = tpu.memref_slice %arg5[%arg0, %dma_wait3A_74, %dma_wait3A_75] : memref<2x10000x128xf32, #tpu.memory_space<hbm>> -> memref<1x128x128xf32, #tpu.memory_space<hbm>>
        %dma_wait3A_77 = tpu.memref_squeeze %dma_wait3A_76 : memref<1x128x128xf32, #tpu.memory_space<hbm>> -> memref<128x128xf32, #tpu.memory_space<hbm>>
        %dma_wait3A_78 = arith.constant 0 : i32
        %dma_wait3A_79 = arith.constant 0 : i32
        %dma_wait3A_80 = tpu.memref_slice %arg8[%dma_wait3A_78, %dma_wait3A_79] : memref<128x128xf32, #tpu.memory_space<vmem>> -> memref<128x128xf32, #tpu.memory_space<vmem>>
        tpu.wait_dma2 semaphore(%run_scoped3A : memref<!tpu.dma_semaphore, #tpu.memory_space<semaphore_mem>>) src(%dma_wait3A_80 : memref<128x128xf32, #tpu.memory_space<vmem>>) dst(%dma_wait3A_77 : memref<128x128xf32, #tpu.memory_space<hbm>>)
        tpu.yield
      }) : () -> ()
      "tpu.region"() ({
        %run_scoped3A = tpu.sem_alloc : memref<!tpu.dma_semaphore, #tpu.memory_space<semaphore_mem>>
        %dma_start3A = arith.constant 0 : i32
        %dma_start3A_55 = arith.constant 0 : i32
        %dma_start3A_56 = tpu.memref_slice %arg8[%dma_start3A, %dma_start3A_55] : memref<128x128xf32, #tpu.memory_space<vmem>> -> memref<128x128xf32, #tpu.memory_space<vmem>>
        %dma_start3A_57 = arith.constant 9608 : i32
        %dma_start3A_58 = arith.constant 0 : i32
        %dma_start3A_59 = tpu.memref_slice %arg10[%dma_start3A_57, %dma_start3A_58] : memref<10240x128xf32, #tpu.memory_space<vmem_shared>> -> memref<128x128xf32, #tpu.memory_space<vmem_shared>>
        %dma_start3A_60 = arith.constant 0 : i32
        %dma_start3A_61 = arith.constant 0 : i32
        %dma_start3A_62 = tpu.memref_slice %arg8[%dma_start3A_60, %dma_start3A_61] : memref<128x128xf32, #tpu.memory_space<vmem>> -> memref<128x128xf32, #tpu.memory_space<vmem>>
        %dma_start3A_63 = arith.constant 9608 : i32
        %dma_start3A_64 = arith.constant 0 : i32
        %dma_start3A_65 = tpu.memref_slice %arg10[%dma_start3A_63, %dma_start3A_64] : memref<10240x128xf32, #tpu.memory_space<vmem_shared>> -> memref<128x128xf32, #tpu.memory_space<vmem_shared>>
        tpu.enqueue_dma source(%dma_start3A_65 : memref<128x128xf32, #tpu.memory_space<vmem_shared>>) target(%dma_start3A_62 : memref<128x128xf32, #tpu.memory_space<vmem>>) target_semaphore(%run_scoped3A : memref<!tpu.dma_semaphore, #tpu.memory_space<semaphore_mem>>)
        %dma_wait3A = arith.constant 0 : i32
        %dma_wait3A_66 = arith.constant 0 : i32
        %dma_wait3A_67 = tpu.memref_slice %arg8[%dma_wait3A, %dma_wait3A_66] : memref<128x128xf32, #tpu.memory_space<vmem>> -> memref<128x128xf32, #tpu.memory_space<vmem>>
        %dma_wait3A_68 = arith.constant 9608 : i32
        %dma_wait3A_69 = arith.constant 0 : i32
        %dma_wait3A_70 = tpu.memref_slice %arg10[%dma_wait3A_68, %dma_wait3A_69] : memref<10240x128xf32, #tpu.memory_space<vmem_shared>> -> memref<128x128xf32, #tpu.memory_space<vmem_shared>>
        %dma_wait3A_71 = arith.constant 0 : i32
        %dma_wait3A_72 = arith.constant 0 : i32
        %dma_wait3A_73 = tpu.memref_slice %arg8[%dma_wait3A_71, %dma_wait3A_72] : memref<128x128xf32, #tpu.memory_space<vmem>> -> memref<128x128xf32, #tpu.memory_space<vmem>>
        %dma_wait3A_74 = arith.constant 9608 : i32
        %dma_wait3A_75 = arith.constant 0 : i32
        %dma_wait3A_76 = tpu.memref_slice %arg10[%dma_wait3A_74, %dma_wait3A_75] : memref<10240x128xf32, #tpu.memory_space<vmem_shared>> -> memref<128x128xf32, #tpu.memory_space<vmem_shared>>
        tpu.wait_dma2 semaphore(%run_scoped3A : memref<!tpu.dma_semaphore, #tpu.memory_space<semaphore_mem>>) src(%dma_wait3A_76 : memref<128x128xf32, #tpu.memory_space<vmem_shared>>) dst(%dma_wait3A_73 : memref<128x128xf32, #tpu.memory_space<vmem>>)
        tpu.yield
      }) : () -> ()
      "tpu.region"() ({
        %run_scoped3A = tpu.sem_alloc : memref<!tpu.dma_semaphore, #tpu.memory_space<semaphore_mem>>
        %dma_start3A = arith.constant 0 : i32
        %dma_start3A_55 = arith.constant 0 : i32
        %dma_start3A_56 = tpu.memref_slice %arg8[%dma_start3A, %dma_start3A_55] : memref<128x128xf32, #tpu.memory_space<vmem>> -> memref<128x128xf32, #tpu.memory_space<vmem>>
        %dma_start3A_57 = arith.constant 9608 : i32
        %dma_start3A_58 = arith.constant 0 : i32
        %dma_start3A_59 = tpu.memref_slice %arg5[%arg0, %dma_start3A_57, %dma_start3A_58] : memref<2x10000x128xf32, #tpu.memory_space<hbm>> -> memref<1x128x128xf32, #tpu.memory_space<hbm>>
        %dma_start3A_60 = tpu.memref_squeeze %dma_start3A_59 : memref<1x128x128xf32, #tpu.memory_space<hbm>> -> memref<128x128xf32, #tpu.memory_space<hbm>>
        %dma_start3A_61 = arith.constant 9608 : i32
        %dma_start3A_62 = arith.constant 0 : i32
        %dma_start3A_63 = tpu.memref_slice %arg5[%arg0, %dma_start3A_61, %dma_start3A_62] : memref<2x10000x128xf32, #tpu.memory_space<hbm>> -> memref<1x128x128xf32, #tpu.memory_space<hbm>>
        %dma_start3A_64 = tpu.memref_squeeze %dma_start3A_63 : memref<1x128x128xf32, #tpu.memory_space<hbm>> -> memref<128x128xf32, #tpu.memory_space<hbm>>
        %dma_start3A_65 = arith.constant 0 : i32
        %dma_start3A_66 = arith.constant 0 : i32
        %dma_start3A_67 = tpu.memref_slice %arg8[%dma_start3A_65, %dma_start3A_66] : memref<128x128xf32, #tpu.memory_space<vmem>> -> memref<128x128xf32, #tpu.memory_space<vmem>>
        tpu.enqueue_dma source(%dma_start3A_67 : memref<128x128xf32, #tpu.memory_space<vmem>>) target(%dma_start3A_64 : memref<128x128xf32, #tpu.memory_space<hbm>>) target_semaphore(%run_scoped3A : memref<!tpu.dma_semaphore, #tpu.memory_space<semaphore_mem>>)
        %dma_wait3A = arith.constant 0 : i32
        %dma_wait3A_68 = arith.constant 0 : i32
        %dma_wait3A_69 = tpu.memref_slice %arg8[%dma_wait3A, %dma_wait3A_68] : memref<128x128xf32, #tpu.memory_space<vmem>> -> memref<128x128xf32, #tpu.memory_space<vmem>>
        %dma_wait3A_70 = arith.constant 9608 : i32
        %dma_wait3A_71 = arith.constant 0 : i32
        %dma_wait3A_72 = tpu.memref_slice %arg5[%arg0, %dma_wait3A_70, %dma_wait3A_71] : memref<2x10000x128xf32, #tpu.memory_space<hbm>> -> memref<1x128x128xf32, #tpu.memory_space<hbm>>
        %dma_wait3A_73 = tpu.memref_squeeze %dma_wait3A_72 : memref<1x128x128xf32, #tpu.memory_space<hbm>> -> memref<128x128xf32, #tpu.memory_space<hbm>>
        %dma_wait3A_74 = arith.constant 9608 : i32
        %dma_wait3A_75 = arith.constant 0 : i32
        %dma_wait3A_76 = tpu.memref_slice %arg5[%arg0, %dma_wait3A_74, %dma_wait3A_75] : memref<2x10000x128xf32, #tpu.memory_space<hbm>> -> memref<1x128x128xf32, #tpu.memory_space<hbm>>
        %dma_wait3A_77 = tpu.memref_squeeze %dma_wait3A_76 : memref<1x128x128xf32, #tpu.memory_space<hbm>> -> memref<128x128xf32, #tpu.memory_space<hbm>>
        %dma_wait3A_78 = arith.constant 0 : i32
        %dma_wait3A_79 = arith.constant 0 : i32
        %dma_wait3A_80 = tpu.memref_slice %arg8[%dma_wait3A_78, %dma_wait3A_79] : memref<128x128xf32, #tpu.memory_space<vmem>> -> memref<128x128xf32, #tpu.memory_space<vmem>>
        tpu.wait_dma2 semaphore(%run_scoped3A : memref<!tpu.dma_semaphore, #tpu.memory_space<semaphore_mem>>) src(%dma_wait3A_80 : memref<128x128xf32, #tpu.memory_space<vmem>>) dst(%dma_wait3A_77 : memref<128x128xf32, #tpu.memory_space<hbm>>)
        tpu.yield
      }) : () -> ()
      "tpu.region"() ({
        %run_scoped3A = tpu.sem_alloc : memref<!tpu.dma_semaphore, #tpu.memory_space<semaphore_mem>>
        %dma_start3A = arith.constant 0 : i32
        %dma_start3A_55 = arith.constant 0 : i32
        %dma_start3A_56 = tpu.memref_slice %arg8[%dma_start3A, %dma_start3A_55] : memref<128x128xf32, #tpu.memory_space<vmem>> -> memref<128x128xf32, #tpu.memory_space<vmem>>
        %dma_start3A_57 = arith.constant 9736 : i32
        %dma_start3A_58 = arith.constant 0 : i32
        %dma_start3A_59 = tpu.memref_slice %arg10[%dma_start3A_57, %dma_start3A_58] : memref<10240x128xf32, #tpu.memory_space<vmem_shared>> -> memref<128x128xf32, #tpu.memory_space<vmem_shared>>
        %dma_start3A_60 = arith.constant 0 : i32
        %dma_start3A_61 = arith.constant 0 : i32
        %dma_start3A_62 = tpu.memref_slice %arg8[%dma_start3A_60, %dma_start3A_61] : memref<128x128xf32, #tpu.memory_space<vmem>> -> memref<128x128xf32, #tpu.memory_space<vmem>>
        %dma_start3A_63 = arith.constant 9736 : i32
        %dma_start3A_64 = arith.constant 0 : i32
        %dma_start3A_65 = tpu.memref_slice %arg10[%dma_start3A_63, %dma_start3A_64] : memref<10240x128xf32, #tpu.memory_space<vmem_shared>> -> memref<128x128xf32, #tpu.memory_space<vmem_shared>>
        tpu.enqueue_dma source(%dma_start3A_65 : memref<128x128xf32, #tpu.memory_space<vmem_shared>>) target(%dma_start3A_62 : memref<128x128xf32, #tpu.memory_space<vmem>>) target_semaphore(%run_scoped3A : memref<!tpu.dma_semaphore, #tpu.memory_space<semaphore_mem>>)
        %dma_wait3A = arith.constant 0 : i32
        %dma_wait3A_66 = arith.constant 0 : i32
        %dma_wait3A_67 = tpu.memref_slice %arg8[%dma_wait3A, %dma_wait3A_66] : memref<128x128xf32, #tpu.memory_space<vmem>> -> memref<128x128xf32, #tpu.memory_space<vmem>>
        %dma_wait3A_68 = arith.constant 9736 : i32
        %dma_wait3A_69 = arith.constant 0 : i32
        %dma_wait3A_70 = tpu.memref_slice %arg10[%dma_wait3A_68, %dma_wait3A_69] : memref<10240x128xf32, #tpu.memory_space<vmem_shared>> -> memref<128x128xf32, #tpu.memory_space<vmem_shared>>
        %dma_wait3A_71 = arith.constant 0 : i32
        %dma_wait3A_72 = arith.constant 0 : i32
        %dma_wait3A_73 = tpu.memref_slice %arg8[%dma_wait3A_71, %dma_wait3A_72] : memref<128x128xf32, #tpu.memory_space<vmem>> -> memref<128x128xf32, #tpu.memory_space<vmem>>
        %dma_wait3A_74 = arith.constant 9736 : i32
        %dma_wait3A_75 = arith.constant 0 : i32
        %dma_wait3A_76 = tpu.memref_slice %arg10[%dma_wait3A_74, %dma_wait3A_75] : memref<10240x128xf32, #tpu.memory_space<vmem_shared>> -> memref<128x128xf32, #tpu.memory_space<vmem_shared>>
        tpu.wait_dma2 semaphore(%run_scoped3A : memref<!tpu.dma_semaphore, #tpu.memory_space<semaphore_mem>>) src(%dma_wait3A_76 : memref<128x128xf32, #tpu.memory_space<vmem_shared>>) dst(%dma_wait3A_73 : memref<128x128xf32, #tpu.memory_space<vmem>>)
        tpu.yield
      }) : () -> ()
      "tpu.region"() ({
        %run_scoped3A = tpu.sem_alloc : memref<!tpu.dma_semaphore, #tpu.memory_space<semaphore_mem>>
        %dma_start3A = arith.constant 0 : i32
        %dma_start3A_55 = arith.constant 0 : i32
        %dma_start3A_56 = tpu.memref_slice %arg8[%dma_start3A, %dma_start3A_55] : memref<128x128xf32, #tpu.memory_space<vmem>> -> memref<128x128xf32, #tpu.memory_space<vmem>>
        %dma_start3A_57 = arith.constant 9736 : i32
        %dma_start3A_58 = arith.constant 0 : i32
        %dma_start3A_59 = tpu.memref_slice %arg5[%arg0, %dma_start3A_57, %dma_start3A_58] : memref<2x10000x128xf32, #tpu.memory_space<hbm>> -> memref<1x128x128xf32, #tpu.memory_space<hbm>>
        %dma_start3A_60 = tpu.memref_squeeze %dma_start3A_59 : memref<1x128x128xf32, #tpu.memory_space<hbm>> -> memref<128x128xf32, #tpu.memory_space<hbm>>
        %dma_start3A_61 = arith.constant 9736 : i32
        %dma_start3A_62 = arith.constant 0 : i32
        %dma_start3A_63 = tpu.memref_slice %arg5[%arg0, %dma_start3A_61, %dma_start3A_62] : memref<2x10000x128xf32, #tpu.memory_space<hbm>> -> memref<1x128x128xf32, #tpu.memory_space<hbm>>
        %dma_start3A_64 = tpu.memref_squeeze %dma_start3A_63 : memref<1x128x128xf32, #tpu.memory_space<hbm>> -> memref<128x128xf32, #tpu.memory_space<hbm>>
        %dma_start3A_65 = arith.constant 0 : i32
        %dma_start3A_66 = arith.constant 0 : i32
        %dma_start3A_67 = tpu.memref_slice %arg8[%dma_start3A_65, %dma_start3A_66] : memref<128x128xf32, #tpu.memory_space<vmem>> -> memref<128x128xf32, #tpu.memory_space<vmem>>
        tpu.enqueue_dma source(%dma_start3A_67 : memref<128x128xf32, #tpu.memory_space<vmem>>) target(%dma_start3A_64 : memref<128x128xf32, #tpu.memory_space<hbm>>) target_semaphore(%run_scoped3A : memref<!tpu.dma_semaphore, #tpu.memory_space<semaphore_mem>>)
        %dma_wait3A = arith.constant 0 : i32
        %dma_wait3A_68 = arith.constant 0 : i32
        %dma_wait3A_69 = tpu.memref_slice %arg8[%dma_wait3A, %dma_wait3A_68] : memref<128x128xf32, #tpu.memory_space<vmem>> -> memref<128x128xf32, #tpu.memory_space<vmem>>
        %dma_wait3A_70 = arith.constant 9736 : i32
        %dma_wait3A_71 = arith.constant 0 : i32
        %dma_wait3A_72 = tpu.memref_slice %arg5[%arg0, %dma_wait3A_70, %dma_wait3A_71] : memref<2x10000x128xf32, #tpu.memory_space<hbm>> -> memref<1x128x128xf32, #tpu.memory_space<hbm>>
        %dma_wait3A_73 = tpu.memref_squeeze %dma_wait3A_72 : memref<1x128x128xf32, #tpu.memory_space<hbm>> -> memref<128x128xf32, #tpu.memory_space<hbm>>
        %dma_wait3A_74 = arith.constant 9736 : i32
        %dma_wait3A_75 = arith.constant 0 : i32
        %dma_wait3A_76 = tpu.memref_slice %arg5[%arg0, %dma_wait3A_74, %dma_wait3A_75] : memref<2x10000x128xf32, #tpu.memory_space<hbm>> -> memref<1x128x128xf32, #tpu.memory_space<hbm>>
        %dma_wait3A_77 = tpu.memref_squeeze %dma_wait3A_76 : memref<1x128x128xf32, #tpu.memory_space<hbm>> -> memref<128x128xf32, #tpu.memory_space<hbm>>
        %dma_wait3A_78 = arith.constant 0 : i32
        %dma_wait3A_79 = arith.constant 0 : i32
        %dma_wait3A_80 = tpu.memref_slice %arg8[%dma_wait3A_78, %dma_wait3A_79] : memref<128x128xf32, #tpu.memory_space<vmem>> -> memref<128x128xf32, #tpu.memory_space<vmem>>
        tpu.wait_dma2 semaphore(%run_scoped3A : memref<!tpu.dma_semaphore, #tpu.memory_space<semaphore_mem>>) src(%dma_wait3A_80 : memref<128x128xf32, #tpu.memory_space<vmem>>) dst(%dma_wait3A_77 : memref<128x128xf32, #tpu.memory_space<hbm>>)
        tpu.yield
      }) : () -> ()
      "tpu.region"() ({
        %run_scoped3A = tpu.sem_alloc : memref<!tpu.dma_semaphore, #tpu.memory_space<semaphore_mem>>
        %dma_start3A = arith.constant 0 : i32
        %dma_start3A_55 = arith.constant 0 : i32
        %dma_start3A_56 = tpu.memref_slice %arg8[%dma_start3A, %dma_start3A_55] : memref<128x128xf32, #tpu.memory_space<vmem>> -> memref<128x128xf32, #tpu.memory_space<vmem>>
        %dma_start3A_57 = arith.constant 9864 : i32
        %dma_start3A_58 = arith.constant 0 : i32
        %dma_start3A_59 = tpu.memref_slice %arg10[%dma_start3A_57, %dma_start3A_58] : memref<10240x128xf32, #tpu.memory_space<vmem_shared>> -> memref<128x128xf32, #tpu.memory_space<vmem_shared>>
        %dma_start3A_60 = arith.constant 0 : i32
        %dma_start3A_61 = arith.constant 0 : i32
        %dma_start3A_62 = tpu.memref_slice %arg8[%dma_start3A_60, %dma_start3A_61] : memref<128x128xf32, #tpu.memory_space<vmem>> -> memref<128x128xf32, #tpu.memory_space<vmem>>
        %dma_start3A_63 = arith.constant 9864 : i32
        %dma_start3A_64 = arith.constant 0 : i32
        %dma_start3A_65 = tpu.memref_slice %arg10[%dma_start3A_63, %dma_start3A_64] : memref<10240x128xf32, #tpu.memory_space<vmem_shared>> -> memref<128x128xf32, #tpu.memory_space<vmem_shared>>
        tpu.enqueue_dma source(%dma_start3A_65 : memref<128x128xf32, #tpu.memory_space<vmem_shared>>) target(%dma_start3A_62 : memref<128x128xf32, #tpu.memory_space<vmem>>) target_semaphore(%run_scoped3A : memref<!tpu.dma_semaphore, #tpu.memory_space<semaphore_mem>>)
        %dma_wait3A = arith.constant 0 : i32
        %dma_wait3A_66 = arith.constant 0 : i32
        %dma_wait3A_67 = tpu.memref_slice %arg8[%dma_wait3A, %dma_wait3A_66] : memref<128x128xf32, #tpu.memory_space<vmem>> -> memref<128x128xf32, #tpu.memory_space<vmem>>
        %dma_wait3A_68 = arith.constant 9864 : i32
        %dma_wait3A_69 = arith.constant 0 : i32
        %dma_wait3A_70 = tpu.memref_slice %arg10[%dma_wait3A_68, %dma_wait3A_69] : memref<10240x128xf32, #tpu.memory_space<vmem_shared>> -> memref<128x128xf32, #tpu.memory_space<vmem_shared>>
        %dma_wait3A_71 = arith.constant 0 : i32
        %dma_wait3A_72 = arith.constant 0 : i32
        %dma_wait3A_73 = tpu.memref_slice %arg8[%dma_wait3A_71, %dma_wait3A_72] : memref<128x128xf32, #tpu.memory_space<vmem>> -> memref<128x128xf32, #tpu.memory_space<vmem>>
        %dma_wait3A_74 = arith.constant 9864 : i32
        %dma_wait3A_75 = arith.constant 0 : i32
        %dma_wait3A_76 = tpu.memref_slice %arg10[%dma_wait3A_74, %dma_wait3A_75] : memref<10240x128xf32, #tpu.memory_space<vmem_shared>> -> memref<128x128xf32, #tpu.memory_space<vmem_shared>>
        tpu.wait_dma2 semaphore(%run_scoped3A : memref<!tpu.dma_semaphore, #tpu.memory_space<semaphore_mem>>) src(%dma_wait3A_76 : memref<128x128xf32, #tpu.memory_space<vmem_shared>>) dst(%dma_wait3A_73 : memref<128x128xf32, #tpu.memory_space<vmem>>)
        tpu.yield
      }) : () -> ()
      "tpu.region"() ({
        %run_scoped3A = tpu.sem_alloc : memref<!tpu.dma_semaphore, #tpu.memory_space<semaphore_mem>>
        %dma_start3A = arith.constant 0 : i32
        %dma_start3A_55 = arith.constant 0 : i32
        %dma_start3A_56 = tpu.memref_slice %arg8[%dma_start3A, %dma_start3A_55] : memref<128x128xf32, #tpu.memory_space<vmem>> -> memref<128x128xf32, #tpu.memory_space<vmem>>
        %dma_start3A_57 = arith.constant 9864 : i32
        %dma_start3A_58 = arith.constant 0 : i32
        %dma_start3A_59 = tpu.memref_slice %arg5[%arg0, %dma_start3A_57, %dma_start3A_58] : memref<2x10000x128xf32, #tpu.memory_space<hbm>> -> memref<1x128x128xf32, #tpu.memory_space<hbm>>
        %dma_start3A_60 = tpu.memref_squeeze %dma_start3A_59 : memref<1x128x128xf32, #tpu.memory_space<hbm>> -> memref<128x128xf32, #tpu.memory_space<hbm>>
        %dma_start3A_61 = arith.constant 9864 : i32
        %dma_start3A_62 = arith.constant 0 : i32
        %dma_start3A_63 = tpu.memref_slice %arg5[%arg0, %dma_start3A_61, %dma_start3A_62] : memref<2x10000x128xf32, #tpu.memory_space<hbm>> -> memref<1x128x128xf32, #tpu.memory_space<hbm>>
        %dma_start3A_64 = tpu.memref_squeeze %dma_start3A_63 : memref<1x128x128xf32, #tpu.memory_space<hbm>> -> memref<128x128xf32, #tpu.memory_space<hbm>>
        %dma_start3A_65 = arith.constant 0 : i32
        %dma_start3A_66 = arith.constant 0 : i32
        %dma_start3A_67 = tpu.memref_slice %arg8[%dma_start3A_65, %dma_start3A_66] : memref<128x128xf32, #tpu.memory_space<vmem>> -> memref<128x128xf32, #tpu.memory_space<vmem>>
        tpu.enqueue_dma source(%dma_start3A_67 : memref<128x128xf32, #tpu.memory_space<vmem>>) target(%dma_start3A_64 : memref<128x128xf32, #tpu.memory_space<hbm>>) target_semaphore(%run_scoped3A : memref<!tpu.dma_semaphore, #tpu.memory_space<semaphore_mem>>)
        %dma_wait3A = arith.constant 0 : i32
        %dma_wait3A_68 = arith.constant 0 : i32
        %dma_wait3A_69 = tpu.memref_slice %arg8[%dma_wait3A, %dma_wait3A_68] : memref<128x128xf32, #tpu.memory_space<vmem>> -> memref<128x128xf32, #tpu.memory_space<vmem>>
        %dma_wait3A_70 = arith.constant 9864 : i32
        %dma_wait3A_71 = arith.constant 0 : i32
        %dma_wait3A_72 = tpu.memref_slice %arg5[%arg0, %dma_wait3A_70, %dma_wait3A_71] : memref<2x10000x128xf32, #tpu.memory_space<hbm>> -> memref<1x128x128xf32, #tpu.memory_space<hbm>>
        %dma_wait3A_73 = tpu.memref_squeeze %dma_wait3A_72 : memref<1x128x128xf32, #tpu.memory_space<hbm>> -> memref<128x128xf32, #tpu.memory_space<hbm>>
        %dma_wait3A_74 = arith.constant 9864 : i32
        %dma_wait3A_75 = arith.constant 0 : i32
        %dma_wait3A_76 = tpu.memref_slice %arg5[%arg0, %dma_wait3A_74, %dma_wait3A_75] : memref<2x10000x128xf32, #tpu.memory_space<hbm>> -> memref<1x128x128xf32, #tpu.memory_space<hbm>>
        %dma_wait3A_77 = tpu.memref_squeeze %dma_wait3A_76 : memref<1x128x128xf32, #tpu.memory_space<hbm>> -> memref<128x128xf32, #tpu.memory_space<hbm>>
        %dma_wait3A_78 = arith.constant 0 : i32
        %dma_wait3A_79 = arith.constant 0 : i32
        %dma_wait3A_80 = tpu.memref_slice %arg8[%dma_wait3A_78, %dma_wait3A_79] : memref<128x128xf32, #tpu.memory_space<vmem>> -> memref<128x128xf32, #tpu.memory_space<vmem>>
        tpu.wait_dma2 semaphore(%run_scoped3A : memref<!tpu.dma_semaphore, #tpu.memory_space<semaphore_mem>>) src(%dma_wait3A_80 : memref<128x128xf32, #tpu.memory_space<vmem>>) dst(%dma_wait3A_77 : memref<128x128xf32, #tpu.memory_space<hbm>>)
        tpu.yield
      }) : () -> ()
      "tpu.region"() ({
        %run_scoped3A = tpu.sem_alloc : memref<!tpu.dma_semaphore, #tpu.memory_space<semaphore_mem>>
        %dma_start3A = arith.constant 0 : i32
        %dma_start3A_55 = arith.constant 0 : i32
        %dma_start3A_56 = tpu.memref_slice %arg8[%dma_start3A, %dma_start3A_55] : memref<128x128xf32, #tpu.memory_space<vmem>> -> memref<8x128xf32, #tpu.memory_space<vmem>>
        %dma_start3A_57 = arith.constant 9992 : i32
        %dma_start3A_58 = arith.constant 0 : i32
        %dma_start3A_59 = tpu.memref_slice %arg10[%dma_start3A_57, %dma_start3A_58] : memref<10240x128xf32, #tpu.memory_space<vmem_shared>> -> memref<8x128xf32, #tpu.memory_space<vmem_shared>>
        %dma_start3A_60 = arith.constant 0 : i32
        %dma_start3A_61 = arith.constant 0 : i32
        %dma_start3A_62 = tpu.memref_slice %arg8[%dma_start3A_60, %dma_start3A_61] : memref<128x128xf32, #tpu.memory_space<vmem>> -> memref<8x128xf32, #tpu.memory_space<vmem>>
        %dma_start3A_63 = arith.constant 9992 : i32
        %dma_start3A_64 = arith.constant 0 : i32
        %dma_start3A_65 = tpu.memref_slice %arg10[%dma_start3A_63, %dma_start3A_64] : memref<10240x128xf32, #tpu.memory_space<vmem_shared>> -> memref<8x128xf32, #tpu.memory_space<vmem_shared>>
        tpu.enqueue_dma source(%dma_start3A_65 : memref<8x128xf32, #tpu.memory_space<vmem_shared>>) target(%dma_start3A_62 : memref<8x128xf32, #tpu.memory_space<vmem>>) target_semaphore(%run_scoped3A : memref<!tpu.dma_semaphore, #tpu.memory_space<semaphore_mem>>)
        %dma_wait3A = arith.constant 0 : i32
        %dma_wait3A_66 = arith.constant 0 : i32
        %dma_wait3A_67 = tpu.memref_slice %arg8[%dma_wait3A, %dma_wait3A_66] : memref<128x128xf32, #tpu.memory_space<vmem>> -> memref<8x128xf32, #tpu.memory_space<vmem>>
        %dma_wait3A_68 = arith.constant 9992 : i32
        %dma_wait3A_69 = arith.constant 0 : i32
        %dma_wait3A_70 = tpu.memref_slice %arg10[%dma_wait3A_68, %dma_wait3A_69] : memref<10240x128xf32, #tpu.memory_space<vmem_shared>> -> memref<8x128xf32, #tpu.memory_space<vmem_shared>>
        %dma_wait3A_71 = arith.constant 0 : i32
        %dma_wait3A_72 = arith.constant 0 : i32
        %dma_wait3A_73 = tpu.memref_slice %arg8[%dma_wait3A_71, %dma_wait3A_72] : memref<128x128xf32, #tpu.memory_space<vmem>> -> memref<8x128xf32, #tpu.memory_space<vmem>>
        %dma_wait3A_74 = arith.constant 9992 : i32
        %dma_wait3A_75 = arith.constant 0 : i32
        %dma_wait3A_76 = tpu.memref_slice %arg10[%dma_wait3A_74, %dma_wait3A_75] : memref<10240x128xf32, #tpu.memory_space<vmem_shared>> -> memref<8x128xf32, #tpu.memory_space<vmem_shared>>
        tpu.wait_dma2 semaphore(%run_scoped3A : memref<!tpu.dma_semaphore, #tpu.memory_space<semaphore_mem>>) src(%dma_wait3A_76 : memref<8x128xf32, #tpu.memory_space<vmem_shared>>) dst(%dma_wait3A_73 : memref<8x128xf32, #tpu.memory_space<vmem>>)
        tpu.yield
      }) : () -> ()
      "tpu.region"() ({
        %run_scoped3A = tpu.sem_alloc : memref<!tpu.dma_semaphore, #tpu.memory_space<semaphore_mem>>
        %dma_start3A = arith.constant 0 : i32
        %dma_start3A_55 = arith.constant 0 : i32
        %dma_start3A_56 = tpu.memref_slice %arg8[%dma_start3A, %dma_start3A_55] : memref<128x128xf32, #tpu.memory_space<vmem>> -> memref<8x128xf32, #tpu.memory_space<vmem>>
        %dma_start3A_57 = arith.constant 9992 : i32
        %dma_start3A_58 = arith.constant 0 : i32
        %dma_start3A_59 = tpu.memref_slice %arg5[%arg0, %dma_start3A_57, %dma_start3A_58] : memref<2x10000x128xf32, #tpu.memory_space<hbm>> -> memref<1x8x128xf32, #tpu.memory_space<hbm>>
        %dma_start3A_60 = tpu.memref_squeeze %dma_start3A_59 : memref<1x8x128xf32, #tpu.memory_space<hbm>> -> memref<8x128xf32, #tpu.memory_space<hbm>>
        %dma_start3A_61 = arith.constant 9992 : i32
        %dma_start3A_62 = arith.constant 0 : i32
        %dma_start3A_63 = tpu.memref_slice %arg5[%arg0, %dma_start3A_61, %dma_start3A_62] : memref<2x10000x128xf32, #tpu.memory_space<hbm>> -> memref<1x8x128xf32, #tpu.memory_space<hbm>>
        %dma_start3A_64 = tpu.memref_squeeze %dma_start3A_63 : memref<1x8x128xf32, #tpu.memory_space<hbm>> -> memref<8x128xf32, #tpu.memory_space<hbm>>
        %dma_start3A_65 = arith.constant 0 : i32
        %dma_start3A_66 = arith.constant 0 : i32
        %dma_start3A_67 = tpu.memref_slice %arg8[%dma_start3A_65, %dma_start3A_66] : memref<128x128xf32, #tpu.memory_space<vmem>> -> memref<8x128xf32, #tpu.memory_space<vmem>>
        tpu.enqueue_dma source(%dma_start3A_67 : memref<8x128xf32, #tpu.memory_space<vmem>>) target(%dma_start3A_64 : memref<8x128xf32, #tpu.memory_space<hbm>>) target_semaphore(%run_scoped3A : memref<!tpu.dma_semaphore, #tpu.memory_space<semaphore_mem>>)
        %dma_wait3A = arith.constant 0 : i32
        %dma_wait3A_68 = arith.constant 0 : i32
        %dma_wait3A_69 = tpu.memref_slice %arg8[%dma_wait3A, %dma_wait3A_68] : memref<128x128xf32, #tpu.memory_space<vmem>> -> memref<8x128xf32, #tpu.memory_space<vmem>>
        %dma_wait3A_70 = arith.constant 9992 : i32
        %dma_wait3A_71 = arith.constant 0 : i32
        %dma_wait3A_72 = tpu.memref_slice %arg5[%arg0, %dma_wait3A_70, %dma_wait3A_71] : memref<2x10000x128xf32, #tpu.memory_space<hbm>> -> memref<1x8x128xf32, #tpu.memory_space<hbm>>
        %dma_wait3A_73 = tpu.memref_squeeze %dma_wait3A_72 : memref<1x8x128xf32, #tpu.memory_space<hbm>> -> memref<8x128xf32, #tpu.memory_space<hbm>>
        %dma_wait3A_74 = arith.constant 9992 : i32
        %dma_wait3A_75 = arith.constant 0 : i32
        %dma_wait3A_76 = tpu.memref_slice %arg5[%arg0, %dma_wait3A_74, %dma_wait3A_75] : memref<2x10000x128xf32, #tpu.memory_space<hbm>> -> memref<1x8x128xf32, #tpu.memory_space<hbm>>
        %dma_wait3A_77 = tpu.memref_squeeze %dma_wait3A_76 : memref<1x8x128xf32, #tpu.memory_space<hbm>> -> memref<8x128xf32, #tpu.memory_space<hbm>>
        %dma_wait3A_78 = arith.constant 0 : i32
        %dma_wait3A_79 = arith.constant 0 : i32
        %dma_wait3A_80 = tpu.memref_slice %arg8[%dma_wait3A_78, %dma_wait3A_79] : memref<128x128xf32, #tpu.memory_space<vmem>> -> memref<8x128xf32, #tpu.memory_space<vmem>>
        tpu.wait_dma2 semaphore(%run_scoped3A : memref<!tpu.dma_semaphore, #tpu.memory_space<semaphore_mem>>) src(%dma_wait3A_80 : memref<8x128xf32, #tpu.memory_space<vmem>>) dst(%dma_wait3A_77 : memref<8x128xf32, #tpu.memory_space<hbm>>)
        tpu.yield
      }) : () -> ()
    } else {
    }
    return
  }
}

#map = affine_map<(d0, d1) -> (0, 0)>
#map1 = affine_map<(d0, d1) -> (0)>
module attributes {stable_mosaic.version = 14 : i64} {
  func.func @_deg_kernel(%arg0: i32, %arg1: i32, %arg2: memref<2560x128xi32, #tpu.memory_space<hbm>>, %arg3: memref<20000xf32, #tpu.memory_space<hbm>>, %arg4: memref<80x128xi32, #tpu.memory_space<vmem>>, %arg5: memref<128xf32, #tpu.memory_space<vmem>>, %arg6: memref<640xf32, #tpu.memory_space<vmem>>, %arg7: memref<1000xf32, #tpu.memory_space<vmem>>, %arg8: memref<10240xf32, #tpu.memory_space<vmem_shared>>) attributes {dimension_semantics = [#tpu.dimension_semantics<core_parallel>, #tpu.dimension_semantics<subcore_parallel>], iteration_bounds = array<i64: 2, 16>, scalar_prefetch = 0 : i64, scratch_operands = 5 : i64, tpu.core_type = #tpu.core_type<sc_vector_subcore>, window_params = [{transform_indices = #map}, {transform_indices = #map1}]} {
    %mul3A = arith.constant 16 : i32
    %mul3A_0 = arith.muli %arg0, %mul3A : i32
    %add3A = arith.addi %mul3A_0, %arg1 : i32
    %scan3A = arith.constant 0 : i32
    %scan3A_1 = arith.constant 0 : i32
    %scan3A_2 = arith.constant 40 : i32
    %scan3A_3 = arith.addi %scan3A_1, %scan3A_2 : i32
    %scan3A_4 = arith.constant 1 : i32
    %scan3A_5 = scf.for %scan3A_28 = %scan3A_1 to %scan3A_3 step %scan3A_4 iter_args(%scan3A_29 = %scan3A) -> (i32)  : i32 {
      %broadcast_in_dim3A = arith.constant 0.000000e+00 : f32
      %broadcast_in_dim3A_30 = vector.broadcast %broadcast_in_dim3A : f32 to vector<16xf32>
      %mul3A_31 = arith.constant 16 : i32
      %mul3A_32 = arith.muli %scan3A_28, %mul3A_31 : i32
      %swap3A = arith.index_cast %mul3A_32 : i32 to index
      %swap3A_33 = tpu.vector_load %arg6[%swap3A] {strides = array<i32>} : memref<640xf32, #tpu.memory_space<vmem>>, vector<16xf32>,
      %swap3A_34 = vector.shape_cast %swap3A_33 : vector<16xf32> to vector<16xf32>
      %swap3A_35 = vector.shape_cast %broadcast_in_dim3A_30 : vector<16xf32> to vector<16xf32>
      tpu.vector_store %arg6[%swap3A], %swap3A_35 {strides = array<i32>} : memref<640xf32, #tpu.memory_space<vmem>>, vector<16xf32>,
      %scan3A_36 = arith.constant 0 : i32
      scf.yield %scan3A_36 : i32
    }
    %scan3A_6 = arith.constant 40 : i32
    %scan3A_7 = arith.constant 0 : i32
    %scan3A_8 = arith.constant 0 : i32
    %scan3A_9 = arith.constant 8 : i32
    %scan3A_10 = arith.addi %scan3A_8, %scan3A_9 : i32
    %scan3A_11 = arith.constant 1 : i32
    %scan3A_12 = scf.for %scan3A_28 = %scan3A_8 to %scan3A_10 step %scan3A_11 iter_args(%scan3A_29 = %scan3A_7) -> (i32)  : i32 {
      %broadcast_in_dim3A = arith.constant 1.000000e+00 : f32
      %broadcast_in_dim3A_30 = vector.broadcast %broadcast_in_dim3A : f32 to vector<16xf32>
      %mul3A_31 = arith.constant 16 : i32
      %mul3A_32 = arith.muli %scan3A_28, %mul3A_31 : i32
      %swap3A = arith.index_cast %mul3A_32 : i32 to index
      %swap3A_33 = tpu.vector_load %arg5[%swap3A] {strides = array<i32>} : memref<128xf32, #tpu.memory_space<vmem>>, vector<16xf32>,
      %swap3A_34 = vector.shape_cast %swap3A_33 : vector<16xf32> to vector<16xf32>
      %swap3A_35 = vector.shape_cast %broadcast_in_dim3A_30 : vector<16xf32> to vector<16xf32>
      tpu.vector_store %arg5[%swap3A], %swap3A_35 {strides = array<i32>} : memref<128xf32, #tpu.memory_space<vmem>>, vector<16xf32>,
      %scan3A_36 = arith.constant 0 : i32
      scf.yield %scan3A_36 : i32
    }
    %scan3A_13 = arith.constant 8 : i32
    %mul3A_14 = arith.constant 640 : i32
    %mul3A_15 = arith.muli %arg1, %mul3A_14 : i32
    "tpu.region"() ({
      %run_scoped3A = tpu.sem_alloc : memref<!tpu.dma_semaphore, #tpu.memory_space<semaphore_mem>>
      %dma_start3A = tpu.memref_slice %arg8[%mul3A_15] : memref<10240xf32, #tpu.memory_space<vmem_shared>> -> memref<640xf32, #tpu.memory_space<vmem_shared>>
      %dma_start3A_28 = tpu.memref_slice %arg8[%mul3A_15] : memref<10240xf32, #tpu.memory_space<vmem_shared>> -> memref<640xf32, #tpu.memory_space<vmem_shared>>
      tpu.enqueue_dma source(%arg6 : memref<640xf32, #tpu.memory_space<vmem>>) target(%dma_start3A_28 : memref<640xf32, #tpu.memory_space<vmem_shared>>) target_semaphore(%run_scoped3A : memref<!tpu.dma_semaphore, #tpu.memory_space<semaphore_mem>>)
      %dma_wait3A = tpu.memref_slice %arg8[%mul3A_15] : memref<10240xf32, #tpu.memory_space<vmem_shared>> -> memref<640xf32, #tpu.memory_space<vmem_shared>>
      %dma_wait3A_29 = tpu.memref_slice %arg8[%mul3A_15] : memref<10240xf32, #tpu.memory_space<vmem_shared>> -> memref<640xf32, #tpu.memory_space<vmem_shared>>
      tpu.wait_dma2 semaphore(%run_scoped3A : memref<!tpu.dma_semaphore, #tpu.memory_space<semaphore_mem>>) src(%arg6 : memref<640xf32, #tpu.memory_space<vmem>>) dst(%dma_wait3A_29 : memref<640xf32, #tpu.memory_space<vmem_shared>>)
      tpu.yield
    }) : () -> ()
    %barrier3A = arith.constant 0 : index
    tpu.barrier barrier_id(%barrier3A)
    %mul3A_16 = arith.constant 80 : i32
    %mul3A_17 = arith.muli %add3A, %mul3A_16 : i32
    "tpu.region"() ({
      %run_scoped3A = tpu.sem_alloc : memref<!tpu.dma_semaphore, #tpu.memory_space<semaphore_mem>>
      %dma_start3A = arith.constant 0 : i32
      %dma_start3A_28 = tpu.memref_slice %arg2[%mul3A_17, %dma_start3A] : memref<2560x128xi32, #tpu.memory_space<hbm>> -> memref<80x128xi32, #tpu.memory_space<hbm>>
      %dma_start3A_29 = arith.constant 0 : i32
      %dma_start3A_30 = tpu.memref_slice %arg2[%mul3A_17, %dma_start3A_29] : memref<2560x128xi32, #tpu.memory_space<hbm>> -> memref<80x128xi32, #tpu.memory_space<hbm>>
      tpu.enqueue_dma source(%dma_start3A_30 : memref<80x128xi32, #tpu.memory_space<hbm>>) target(%arg4 : memref<80x128xi32, #tpu.memory_space<vmem>>) target_semaphore(%run_scoped3A : memref<!tpu.dma_semaphore, #tpu.memory_space<semaphore_mem>>)
      %dma_wait3A = arith.constant 0 : i32
      %dma_wait3A_31 = tpu.memref_slice %arg2[%mul3A_17, %dma_wait3A] : memref<2560x128xi32, #tpu.memory_space<hbm>> -> memref<80x128xi32, #tpu.memory_space<hbm>>
      %dma_wait3A_32 = arith.constant 0 : i32
      %dma_wait3A_33 = tpu.memref_slice %arg2[%mul3A_17, %dma_wait3A_32] : memref<2560x128xi32, #tpu.memory_space<hbm>> -> memref<80x128xi32, #tpu.memory_space<hbm>>
      tpu.wait_dma2 semaphore(%run_scoped3A : memref<!tpu.dma_semaphore, #tpu.memory_space<semaphore_mem>>) src(%dma_wait3A_33 : memref<80x128xi32, #tpu.memory_space<hbm>>) dst(%arg4 : memref<80x128xi32, #tpu.memory_space<vmem>>)
      tpu.yield
    }) : () -> ()
    %scan3A_18 = arith.constant 0 : i32
    %scan3A_19 = arith.constant 0 : i32
    %scan3A_20 = arith.constant 80 : i32
    %scan3A_21 = arith.addi %scan3A_19, %scan3A_20 : i32
    %scan3A_22 = arith.constant 1 : i32
    %scan3A_23 = scf.for %scan3A_28 = %scan3A_19 to %scan3A_21 step %scan3A_22 iter_args(%scan3A_29 = %scan3A_18) -> (i32)  : i32 {
      "tpu.region"() ({
        %run_scoped3A = tpu.sem_alloc : memref<!tpu.dma_semaphore, #tpu.memory_space<semaphore_mem>>
        %dma_start3A = arith.constant 0 : i32
        %dma_start3A_31 = tpu.memref_slice %arg4[%scan3A_28, %dma_start3A] : memref<80x128xi32, #tpu.memory_space<vmem>> -> memref<1x128xi32, #tpu.memory_space<vmem>>
        %dma_start3A_32 = tpu.memref_squeeze %dma_start3A_31 : memref<1x128xi32, #tpu.memory_space<vmem>> -> memref<128xi32, #tpu.memory_space<vmem>>
        %dma_start3A_33 = arith.constant 0 : i32
        %dma_start3A_34 = tpu.memref_slice %arg8[%dma_start3A_33] : memref<10240xf32, #tpu.memory_space<vmem_shared>> -> memref<10240xf32, #tpu.memory_space<vmem_shared>>
        tpu.enqueue_indirect_dma source(%arg5 : memref<128xf32, #tpu.memory_space<vmem>>) target(%dma_start3A_34 : memref<10240xf32, #tpu.memory_space<vmem_shared>>) offsets(%dma_start3A_32 : memref<128xi32, #tpu.memory_space<vmem>>) semaphore(%run_scoped3A : memref<!tpu.dma_semaphore, #tpu.memory_space<semaphore_mem>>) {add = true}
        %dma_wait3A = arith.constant 0 : i32
        %dma_wait3A_35 = tpu.memref_slice %arg4[%scan3A_28, %dma_wait3A] : memref<80x128xi32, #tpu.memory_space<vmem>> -> memref<1x128xi32, #tpu.memory_space<vmem>>
        %dma_wait3A_36 = tpu.memref_squeeze %dma_wait3A_35 : memref<1x128xi32, #tpu.memory_space<vmem>> -> memref<128xi32, #tpu.memory_space<vmem>>
        %dma_wait3A_37 = arith.constant 0 : i32
        %dma_wait3A_38 = tpu.memref_slice %arg8[%dma_wait3A_37] : memref<10240xf32, #tpu.memory_space<vmem_shared>> -> memref<10240xf32, #tpu.memory_space<vmem_shared>>
        tpu.wait_indirect_dma semaphore(%run_scoped3A : memref<!tpu.dma_semaphore, #tpu.memory_space<semaphore_mem>>) src(%arg5 : memref<128xf32, #tpu.memory_space<vmem>>) dst(%dma_wait3A_38 : memref<10240xf32, #tpu.memory_space<vmem_shared>>)
        tpu.yield
      }) : () -> ()
      %scan3A_30 = arith.constant 0 : i32
      scf.yield %scan3A_30 : i32
    }
    %scan3A_24 = arith.constant 80 : i32
    %barrier3A_25 = arith.constant 0 : index
    tpu.barrier barrier_id(%barrier3A_25)
    %lt3A = arith.constant 10 : i32
    %lt3A_26 = arith.cmpi slt, %arg1, %lt3A : i32
    %convert_element_type3A = arith.extui %lt3A_26 : i1 to i32
    %cond3A = arith.constant 0 : i32
    %cond3A_27 = arith.cmpi ne, %convert_element_type3A, %cond3A : i32
    scf.if %cond3A_27 {
      %mul3A_28 = arith.constant 1000 : i32
      %mul3A_29 = arith.muli %arg1, %mul3A_28 : i32
      "tpu.region"() ({
        %run_scoped3A = tpu.sem_alloc : memref<!tpu.dma_semaphore, #tpu.memory_space<semaphore_mem>>
        %dma_start3A = tpu.memref_slice %arg8[%mul3A_29] : memref<10240xf32, #tpu.memory_space<vmem_shared>> -> memref<1000xf32, #tpu.memory_space<vmem_shared>>
        %dma_start3A_35 = tpu.memref_slice %arg8[%mul3A_29] : memref<10240xf32, #tpu.memory_space<vmem_shared>> -> memref<1000xf32, #tpu.memory_space<vmem_shared>>
        tpu.enqueue_dma source(%dma_start3A_35 : memref<1000xf32, #tpu.memory_space<vmem_shared>>) target(%arg7 : memref<1000xf32, #tpu.memory_space<vmem>>) target_semaphore(%run_scoped3A : memref<!tpu.dma_semaphore, #tpu.memory_space<semaphore_mem>>)
        %dma_wait3A = tpu.memref_slice %arg8[%mul3A_29] : memref<10240xf32, #tpu.memory_space<vmem_shared>> -> memref<1000xf32, #tpu.memory_space<vmem_shared>>
        %dma_wait3A_36 = tpu.memref_slice %arg8[%mul3A_29] : memref<10240xf32, #tpu.memory_space<vmem_shared>> -> memref<1000xf32, #tpu.memory_space<vmem_shared>>
        tpu.wait_dma2 semaphore(%run_scoped3A : memref<!tpu.dma_semaphore, #tpu.memory_space<semaphore_mem>>) src(%dma_wait3A_36 : memref<1000xf32, #tpu.memory_space<vmem_shared>>) dst(%arg7 : memref<1000xf32, #tpu.memory_space<vmem>>)
        tpu.yield
      }) : () -> ()
      %mul3A_30 = arith.constant 10000 : i32
      %mul3A_31 = arith.muli %arg0, %mul3A_30 : i32
      %mul3A_32 = arith.constant 1000 : i32
      %mul3A_33 = arith.muli %arg1, %mul3A_32 : i32
      %add3A_34 = arith.addi %mul3A_31, %mul3A_33 : i32
      "tpu.region"() ({
        %run_scoped3A = tpu.sem_alloc : memref<!tpu.dma_semaphore, #tpu.memory_space<semaphore_mem>>
        %dma_start3A = tpu.memref_slice %arg3[%add3A_34] : memref<20000xf32, #tpu.memory_space<hbm>> -> memref<1000xf32, #tpu.memory_space<hbm>>
        %dma_start3A_35 = tpu.memref_slice %arg3[%add3A_34] : memref<20000xf32, #tpu.memory_space<hbm>> -> memref<1000xf32, #tpu.memory_space<hbm>>
        tpu.enqueue_dma source(%arg7 : memref<1000xf32, #tpu.memory_space<vmem>>) target(%dma_start3A_35 : memref<1000xf32, #tpu.memory_space<hbm>>) target_semaphore(%run_scoped3A : memref<!tpu.dma_semaphore, #tpu.memory_space<semaphore_mem>>)
        %dma_wait3A = tpu.memref_slice %arg3[%add3A_34] : memref<20000xf32, #tpu.memory_space<hbm>> -> memref<1000xf32, #tpu.memory_space<hbm>>
        %dma_wait3A_36 = tpu.memref_slice %arg3[%add3A_34] : memref<20000xf32, #tpu.memory_space<hbm>> -> memref<1000xf32, #tpu.memory_space<hbm>>
        tpu.wait_dma2 semaphore(%run_scoped3A : memref<!tpu.dma_semaphore, #tpu.memory_space<semaphore_mem>>) src(%arg7 : memref<1000xf32, #tpu.memory_space<vmem>>) dst(%dma_wait3A_36 : memref<1000xf32, #tpu.memory_space<hbm>>)
        tpu.yield
      }) : () -> ()
    } else {
    }
    return
  }
}

#map = affine_map<(d0, d1) -> (0, 0)>
#map1 = affine_map<(d0, d1) -> (0, 0, 0)>
module attributes {stable_mosaic.version = 14 : i64} {
  func.func @agg(%arg0: i32, %arg1: i32, %arg2: memref<2560x128xi32, #tpu.memory_space<hbm>>, %arg3: memref<2560x128xi32, #tpu.memory_space<hbm>>, %arg4: memref<10000x128xf32, #tpu.memory_space<hbm>>, %arg5: memref<2x10000x128xf32, #tpu.memory_space<hbm>>, %arg6: memref<16x128xi32, #tpu.memory_space<vmem>>, %arg7: memref<16x128xi32, #tpu.memory_space<vmem>>, %arg8: memref<128x128xf32, #tpu.memory_space<vmem>>, %arg9: memref<128x128xf32, #tpu.memory_space<vmem>>, %arg10: memref<10240x128xf32, #tpu.memory_space<vmem_shared>>, %arg11: memref<!tpu.dma_semaphore, #tpu.memory_space<semaphore_mem>>, %arg12: memref<!tpu.dma_semaphore, #tpu.memory_space<semaphore_mem>>) attributes {dimension_semantics = [#tpu.dimension_semantics<core_parallel>, #tpu.dimension_semantics<subcore_parallel>], iteration_bounds = array<i64: 2, 16>, scalar_prefetch = 0 : i64, scratch_operands = 7 : i64, tpu.core_type = #tpu.core_type<sc_vector_subcore>, window_params = [{transform_indices = #map}, {transform_indices = #map}, {transform_indices = #map}, {transform_indices = #map1}]} {
    %scan3A = arith.constant 0 : i32
    %scan3A_0 = arith.constant 0 : i32
    %scan3A_1 = arith.constant 1024 : i32
    %scan3A_2 = arith.addi %scan3A_0, %scan3A_1 : i32
    %scan3A_3 = arith.constant 1 : i32
    %scan3A_4 = scf.for %scan3A_55 = %scan3A_0 to %scan3A_2 step %scan3A_3 iter_args(%scan3A_56 = %scan3A) -> (i32)  : i32 {
      %broadcast_in_dim3A = arith.constant 0.000000e+00 : f32
      %broadcast_in_dim3A_57 = vector.broadcast %broadcast_in_dim3A : f32 to vector<16xf32>
      %jit3A = arith.constant 8 : i32
      %div3A = arith.divsi %scan3A_55, %jit3A : i32
      %sign3A = arith.constant 0 : i32
      %sign3A_58 = arith.cmpi sgt, %scan3A_55, %sign3A : i32
      %sign3A_59 = arith.extui %sign3A_58 : i1 to i32
      %sign3A_60 = arith.constant 0 : i32
      %sign3A_61 = arith.cmpi slt, %scan3A_55, %sign3A_60 : i32
      %sign3A_62 = arith.extui %sign3A_61 : i1 to i32
      %sign3A_63 = arith.subi %sign3A_59, %sign3A_62 : i32
      %sign3A_64 = arith.constant 0 : i32
      %sign3A_65 = arith.cmpi sgt, %jit3A, %sign3A_64 : i32
      %sign3A_66 = arith.extui %sign3A_65 : i1 to i32
      %sign3A_67 = arith.constant 0 : i32
      %sign3A_68 = arith.cmpi slt, %jit3A, %sign3A_67 : i32
      %sign3A_69 = arith.extui %sign3A_68 : i1 to i32
      %sign3A_70 = arith.subi %sign3A_66, %sign3A_69 : i32
      %ne3A = arith.cmpi ne, %sign3A_63, %sign3A_70 : i32
      %rem3A = arith.remsi %scan3A_55, %jit3A : i32
      %ne3A_71 = arith.constant 0 : i32
      %ne3A_72 = arith.cmpi ne, %rem3A, %ne3A_71 : i32
      %and3A = arith.andi %ne3A, %ne3A_72 : i1
      %sub3A = arith.constant 1 : i32
      %sub3A_73 = arith.subi %div3A, %sub3A : i32
      %select_n3A_74 = arith.select %and3A, %sub3A_73, %div3A : i32
      %jit3A_75 = arith.constant 8 : i32
      %eq3A_76 = arith.constant 0 : i32
      %eq3A_77 = arith.cmpi eq, %jit3A_75, %eq3A_76 : i32
      %jit3A_78 = arith.constant 1 : i32
      %select_n3A_79 = arith.select %eq3A_77, %jit3A_78, %jit3A_75 : i32
      %rem3A_80 = arith.remsi %scan3A_55, %select_n3A_79 : i32
      %ne3A_81 = arith.constant 0 : i32
      %ne3A_82 = arith.cmpi ne, %rem3A_80, %ne3A_81 : i32
      %lt3A_83 = arith.constant 0 : i32
      %lt3A_84 = arith.cmpi slt, %rem3A_80, %lt3A_83 : i32
      %lt3A_85 = arith.constant 0 : i32
      %lt3A_86 = arith.cmpi slt, %select_n3A_79, %lt3A_85 : i32
      %ne3A_87 = arith.xori %lt3A_84, %lt3A_86 : i1
      %and3A_88 = arith.andi %ne3A_87, %ne3A_82 : i1
      %add3A_89 = arith.addi %rem3A_80, %select_n3A_79 : i32
      %select_n3A_90 = arith.select %and3A_88, %add3A_89, %rem3A_80 : i32
      %mul3A_91 = arith.constant 16 : i32
      %mul3A_92 = arith.muli %select_n3A_90, %mul3A_91 : i32
      %swap3A = arith.index_cast %select_n3A_74 : i32 to index
      %swap3A_93 = arith.index_cast %mul3A_92 : i32 to index
      %swap3A_94 = tpu.vector_load %arg8[%swap3A, %swap3A_93] {strides = array<i32>} : memref<128x128xf32, #tpu.memory_space<vmem>>, vector<1x16xf32>,
      %swap3A_95 = vector.shape_cast %swap3A_94 : vector<1x16xf32> to vector<16xf32>
      %swap3A_96 = vector.shape_cast %broadcast_in_dim3A_57 : vector<16xf32> to vector<1x16xf32>
      tpu.vector_store %arg8[%swap3A, %swap3A_93], %swap3A_96 {strides = array<i32>} : memref<128x128xf32, #tpu.memory_space<vmem>>, vector<1x16xf32>,
      %scan3A_97 = arith.constant 0 : i32
      scf.yield %scan3A_97 : i32
    }
    %scan3A_5 = arith.constant 1024 : i32
    %mul3A = arith.constant 640 : i32
    %mul3A_6 = arith.muli %arg1, %mul3A : i32
    %add3A = arith.constant 0 : i32
    %add3A_7 = arith.addi %mul3A_6, %add3A : i32
    "tpu.region"() ({
      %run_scoped3A = tpu.sem_alloc : memref<!tpu.dma_semaphore, #tpu.memory_space<semaphore_mem>>
      %dma_start3A = arith.constant 0 : i32
      %dma_start3A_55 = tpu.memref_slice %arg10[%add3A_7, %dma_start3A] : memref<10240x128xf32, #tpu.memory_space<vmem_shared>> -> memref<128x128xf32, #tpu.memory_space<vmem_shared>>
      %dma_start3A_56 = arith.constant 0 : i32
      %dma_start3A_57 = tpu.memref_slice %arg10[%add3A_7, %dma_start3A_56] : memref<10240x128xf32, #tpu.memory_space<vmem_shared>> -> memref<128x128xf32, #tpu.memory_space<vmem_shared>>
      tpu.enqueue_dma source(%arg8 : memref<128x128xf32, #tpu.memory_space<vmem>>) target(%dma_start3A_57 : memref<128x128xf32, #tpu.memory_space<vmem_shared>>) target_semaphore(%run_scoped3A : memref<!tpu.dma_semaphore, #tpu.memory_space<semaphore_mem>>)
      %dma_wait3A = arith.constant 0 : i32
      %dma_wait3A_58 = tpu.memref_slice %arg10[%add3A_7, %dma_wait3A] : memref<10240x128xf32, #tpu.memory_space<vmem_shared>> -> memref<128x128xf32, #tpu.memory_space<vmem_shared>>
      %dma_wait3A_59 = arith.constant 0 : i32
      %dma_wait3A_60 = tpu.memref_slice %arg10[%add3A_7, %dma_wait3A_59] : memref<10240x128xf32, #tpu.memory_space<vmem_shared>> -> memref<128x128xf32, #tpu.memory_space<vmem_shared>>
      tpu.wait_dma2 semaphore(%run_scoped3A : memref<!tpu.dma_semaphore, #tpu.memory_space<semaphore_mem>>) src(%arg8 : memref<128x128xf32, #tpu.memory_space<vmem>>) dst(%dma_wait3A_60 : memref<128x128xf32, #tpu.memory_space<vmem_shared>>)
      tpu.yield
    }) : () -> ()
    %mul3A_8 = arith.constant 640 : i32
    %mul3A_9 = arith.muli %arg1, %mul3A_8 : i32
    %add3A_10 = arith.constant 128 : i32
    %add3A_11 = arith.addi %mul3A_9, %add3A_10 : i32
    "tpu.region"() ({
      %run_scoped3A = tpu.sem_alloc : memref<!tpu.dma_semaphore, #tpu.memory_space<semaphore_mem>>
      %dma_start3A = arith.constant 0 : i32
      %dma_start3A_55 = tpu.memref_slice %arg10[%add3A_11, %dma_start3A] : memref<10240x128xf32, #tpu.memory_space<vmem_shared>> -> memref<128x128xf32, #tpu.memory_space<vmem_shared>>
      %dma_start3A_56 = arith.constant 0 : i32
      %dma_start3A_57 = tpu.memref_slice %arg10[%add3A_11, %dma_start3A_56] : memref<10240x128xf32, #tpu.memory_space<vmem_shared>> -> memref<128x128xf32, #tpu.memory_space<vmem_shared>>
      tpu.enqueue_dma source(%arg8 : memref<128x128xf32, #tpu.memory_space<vmem>>) target(%dma_start3A_57 : memref<128x128xf32, #tpu.memory_space<vmem_shared>>) target_semaphore(%run_scoped3A : memref<!tpu.dma_semaphore, #tpu.memory_space<semaphore_mem>>)
      %dma_wait3A = arith.constant 0 : i32
      %dma_wait3A_58 = tpu.memref_slice %arg10[%add3A_11, %dma_wait3A] : memref<10240x128xf32, #tpu.memory_space<vmem_shared>> -> memref<128x128xf32, #tpu.memory_space<vmem_shared>>
      %dma_wait3A_59 = arith.constant 0 : i32
      %dma_wait3A_60 = tpu.memref_slice %arg10[%add3A_11, %dma_wait3A_59] : memref<10240x128xf32, #tpu.memory_space<vmem_shared>> -> memref<128x128xf32, #tpu.memory_space<vmem_shared>>
      tpu.wait_dma2 semaphore(%run_scoped3A : memref<!tpu.dma_semaphore, #tpu.memory_space<semaphore_mem>>) src(%arg8 : memref<128x128xf32, #tpu.memory_space<vmem>>) dst(%dma_wait3A_60 : memref<128x128xf32, #tpu.memory_space<vmem_shared>>)
      tpu.yield
    }) : () -> ()
    %mul3A_12 = arith.constant 640 : i32
    %mul3A_13 = arith.muli %arg1, %mul3A_12 : i32
    %add3A_14 = arith.constant 256 : i32
    %add3A_15 = arith.addi %mul3A_13, %add3A_14 : i32
    "tpu.region"() ({
      %run_scoped3A = tpu.sem_alloc : memref<!tpu.dma_semaphore, #tpu.memory_space<semaphore_mem>>
      %dma_start3A = arith.constant 0 : i32
      %dma_start3A_55 = tpu.memref_slice %arg10[%add3A_15, %dma_start3A] : memref<10240x128xf32, #tpu.memory_space<vmem_shared>> -> memref<128x128xf32, #tpu.memory_space<vmem_shared>>
      %dma_start3A_56 = arith.constant 0 : i32
      %dma_start3A_57 = tpu.memref_slice %arg10[%add3A_15, %dma_start3A_56] : memref<10240x128xf32, #tpu.memory_space<vmem_shared>> -> memref<128x128xf32, #tpu.memory_space<vmem_shared>>
      tpu.enqueue_dma source(%arg8 : memref<128x128xf32, #tpu.memory_space<vmem>>) target(%dma_start3A_57 : memref<128x128xf32, #tpu.memory_space<vmem_shared>>) target_semaphore(%run_scoped3A : memref<!tpu.dma_semaphore, #tpu.memory_space<semaphore_mem>>)
      %dma_wait3A = arith.constant 0 : i32
      %dma_wait3A_58 = tpu.memref_slice %arg10[%add3A_15, %dma_wait3A] : memref<10240x128xf32, #tpu.memory_space<vmem_shared>> -> memref<128x128xf32, #tpu.memory_space<vmem_shared>>
      %dma_wait3A_59 = arith.constant 0 : i32
      %dma_wait3A_60 = tpu.memref_slice %arg10[%add3A_15, %dma_wait3A_59] : memref<10240x128xf32, #tpu.memory_space<vmem_shared>> -> memref<128x128xf32, #tpu.memory_space<vmem_shared>>
      tpu.wait_dma2 semaphore(%run_scoped3A : memref<!tpu.dma_semaphore, #tpu.memory_space<semaphore_mem>>) src(%arg8 : memref<128x128xf32, #tpu.memory_space<vmem>>) dst(%dma_wait3A_60 : memref<128x128xf32, #tpu.memory_space<vmem_shared>>)
      tpu.yield
    }) : () -> ()
    %mul3A_16 = arith.constant 640 : i32
    %mul3A_17 = arith.muli %arg1, %mul3A_16 : i32
    %add3A_18 = arith.constant 384 : i32
    %add3A_19 = arith.addi %mul3A_17, %add3A_18 : i32
    "tpu.region"() ({
      %run_scoped3A = tpu.sem_alloc : memref<!tpu.dma_semaphore, #tpu.memory_space<semaphore_mem>>
      %dma_start3A = arith.constant 0 : i32
      %dma_start3A_55 = tpu.memref_slice %arg10[%add3A_19, %dma_start3A] : memref<10240x128xf32, #tpu.memory_space<vmem_shared>> -> memref<128x128xf32, #tpu.memory_space<vmem_shared>>
      %dma_start3A_56 = arith.constant 0 : i32
      %dma_start3A_57 = tpu.memref_slice %arg10[%add3A_19, %dma_start3A_56] : memref<10240x128xf32, #tpu.memory_space<vmem_shared>> -> memref<128x128xf32, #tpu.memory_space<vmem_shared>>
      tpu.enqueue_dma source(%arg8 : memref<128x128xf32, #tpu.memory_space<vmem>>) target(%dma_start3A_57 : memref<128x128xf32, #tpu.memory_space<vmem_shared>>) target_semaphore(%run_scoped3A : memref<!tpu.dma_semaphore, #tpu.memory_space<semaphore_mem>>)
      %dma_wait3A = arith.constant 0 : i32
      %dma_wait3A_58 = tpu.memref_slice %arg10[%add3A_19, %dma_wait3A] : memref<10240x128xf32, #tpu.memory_space<vmem_shared>> -> memref<128x128xf32, #tpu.memory_space<vmem_shared>>
      %dma_wait3A_59 = arith.constant 0 : i32
      %dma_wait3A_60 = tpu.memref_slice %arg10[%add3A_19, %dma_wait3A_59] : memref<10240x128xf32, #tpu.memory_space<vmem_shared>> -> memref<128x128xf32, #tpu.memory_space<vmem_shared>>
      tpu.wait_dma2 semaphore(%run_scoped3A : memref<!tpu.dma_semaphore, #tpu.memory_space<semaphore_mem>>) src(%arg8 : memref<128x128xf32, #tpu.memory_space<vmem>>) dst(%dma_wait3A_60 : memref<128x128xf32, #tpu.memory_space<vmem_shared>>)
      tpu.yield
    }) : () -> ()
    %mul3A_20 = arith.constant 640 : i32
    %mul3A_21 = arith.muli %arg1, %mul3A_20 : i32
    %add3A_22 = arith.constant 512 : i32
    %add3A_23 = arith.addi %mul3A_21, %add3A_22 : i32
    "tpu.region"() ({
      %run_scoped3A = tpu.sem_alloc : memref<!tpu.dma_semaphore, #tpu.memory_space<semaphore_mem>>
      %dma_start3A = arith.constant 0 : i32
      %dma_start3A_55 = tpu.memref_slice %arg10[%add3A_23, %dma_start3A] : memref<10240x128xf32, #tpu.memory_space<vmem_shared>> -> memref<128x128xf32, #tpu.memory_space<vmem_shared>>
      %dma_start3A_56 = arith.constant 0 : i32
      %dma_start3A_57 = tpu.memref_slice %arg10[%add3A_23, %dma_start3A_56] : memref<10240x128xf32, #tpu.memory_space<vmem_shared>> -> memref<128x128xf32, #tpu.memory_space<vmem_shared>>
      tpu.enqueue_dma source(%arg8 : memref<128x128xf32, #tpu.memory_space<vmem>>) target(%dma_start3A_57 : memref<128x128xf32, #tpu.memory_space<vmem_shared>>) target_semaphore(%run_scoped3A : memref<!tpu.dma_semaphore, #tpu.memory_space<semaphore_mem>>)
      %dma_wait3A = arith.constant 0 : i32
      %dma_wait3A_58 = tpu.memref_slice %arg10[%add3A_23, %dma_wait3A] : memref<10240x128xf32, #tpu.memory_space<vmem_shared>> -> memref<128x128xf32, #tpu.memory_space<vmem_shared>>
      %dma_wait3A_59 = arith.constant 0 : i32
      %dma_wait3A_60 = tpu.memref_slice %arg10[%add3A_23, %dma_wait3A_59] : memref<10240x128xf32, #tpu.memory_space<vmem_shared>> -> memref<128x128xf32, #tpu.memory_space<vmem_shared>>
      tpu.wait_dma2 semaphore(%run_scoped3A : memref<!tpu.dma_semaphore, #tpu.memory_space<semaphore_mem>>) src(%arg8 : memref<128x128xf32, #tpu.memory_space<vmem>>) dst(%dma_wait3A_60 : memref<128x128xf32, #tpu.memory_space<vmem_shared>>)
      tpu.yield
    }) : () -> ()
    %barrier3A = arith.constant 0 : index
    tpu.barrier barrier_id(%barrier3A)
    %eq3A = arith.constant 0 : i32
    %eq3A_24 = arith.cmpi eq, %arg0, %eq3A : i32
    %select_n3A = arith.constant 3 : i32
    %select_n3A_25 = arith.constant 7 : i32
    %select_n3A_26 = arith.select %eq3A_24, %select_n3A_25, %select_n3A : i32
    %eq3A_27 = arith.constant 0 : i32
    %eq3A_28 = arith.cmpi eq, %arg0, %eq3A_27 : i32
    %mul3A_29 = arith.constant 112 : i32
    %mul3A_30 = arith.muli %arg1, %mul3A_29 : i32
    %mul3A_31 = arith.constant 48 : i32
    %mul3A_32 = arith.muli %arg1, %mul3A_31 : i32
    %add3A_33 = arith.constant 1792 : i32
    %add3A_34 = arith.addi %add3A_33, %mul3A_32 : i32
    %select_n3A_35 = arith.select %eq3A_28, %mul3A_30, %add3A_34 : i32
    %while3A = arith.constant 0 : i32
    %while3A_36 = arith.constant 0 : i32
    %while3A_37 = arith.subi %select_n3A_26, %while3A : i32
    %while3A_38 = arith.addi %while3A, %while3A_37 : i32
    %while3A_39 = arith.constant 1 : i32
    %while3A_40 = arith.divsi %while3A_37, %while3A_39 : i32
    %while3A_41 = arith.muli %while3A_40, %while3A_39 : i32
    %while3A_42 = arith.addi %while3A, %while3A_41 : i32
    %while3A_43 = arith.constant 1 : i32
    %while3A_44 = scf.for %while3A_55 = %while3A to %while3A_42 step %while3A_43 iter_args(%while3A_56 = %while3A_36) -> (i32)  : i32 {
      %mul3A_57 = arith.constant 16 : i32
      %mul3A_58 = arith.muli %while3A_55, %mul3A_57 : i32
      %add3A_59 = arith.addi %select_n3A_35, %mul3A_58 : i32
      "tpu.region"() ({
        %run_scoped3A = tpu.sem_alloc : memref<!tpu.dma_semaphore, #tpu.memory_space<semaphore_mem>>
        %dma_start3A_74 = arith.constant 0 : i32
        %dma_start3A_75 = tpu.memref_slice %arg2[%add3A_59, %dma_start3A_74] : memref<2560x128xi32, #tpu.memory_space<hbm>> -> memref<16x128xi32, #tpu.memory_space<hbm>>
        %dma_start3A_76 = arith.constant 0 : i32
        %dma_start3A_77 = tpu.memref_slice %arg2[%add3A_59, %dma_start3A_76] : memref<2560x128xi32, #tpu.memory_space<hbm>> -> memref<16x128xi32, #tpu.memory_space<hbm>>
        tpu.enqueue_dma source(%dma_start3A_77 : memref<16x128xi32, #tpu.memory_space<hbm>>) target(%arg6 : memref<16x128xi32, #tpu.memory_space<vmem>>) target_semaphore(%run_scoped3A : memref<!tpu.dma_semaphore, #tpu.memory_space<semaphore_mem>>)
        %dma_wait3A = arith.constant 0 : i32
        %dma_wait3A_78 = tpu.memref_slice %arg2[%add3A_59, %dma_wait3A] : memref<2560x128xi32, #tpu.memory_space<hbm>> -> memref<16x128xi32, #tpu.memory_space<hbm>>
        %dma_wait3A_79 = arith.constant 0 : i32
        %dma_wait3A_80 = tpu.memref_slice %arg2[%add3A_59, %dma_wait3A_79] : memref<2560x128xi32, #tpu.memory_space<hbm>> -> memref<16x128xi32, #tpu.memory_space<hbm>>
        tpu.wait_dma2 semaphore(%run_scoped3A : memref<!tpu.dma_semaphore, #tpu.memory_space<semaphore_mem>>) src(%dma_wait3A_80 : memref<16x128xi32, #tpu.memory_space<hbm>>) dst(%arg6 : memref<16x128xi32, #tpu.memory_space<vmem>>)
        tpu.yield
      }) : () -> ()
      "tpu.region"() ({
        %run_scoped3A = tpu.sem_alloc : memref<!tpu.dma_semaphore, #tpu.memory_space<semaphore_mem>>
        %dma_start3A_74 = arith.constant 0 : i32
        %dma_start3A_75 = tpu.memref_slice %arg3[%add3A_59, %dma_start3A_74] : memref<2560x128xi32, #tpu.memory_space<hbm>> -> memref<16x128xi32, #tpu.memory_space<hbm>>
        %dma_start3A_76 = arith.constant 0 : i32
        %dma_start3A_77 = tpu.memref_slice %arg3[%add3A_59, %dma_start3A_76] : memref<2560x128xi32, #tpu.memory_space<hbm>> -> memref<16x128xi32, #tpu.memory_space<hbm>>
        tpu.enqueue_dma source(%dma_start3A_77 : memref<16x128xi32, #tpu.memory_space<hbm>>) target(%arg7 : memref<16x128xi32, #tpu.memory_space<vmem>>) target_semaphore(%run_scoped3A : memref<!tpu.dma_semaphore, #tpu.memory_space<semaphore_mem>>)
        %dma_wait3A = arith.constant 0 : i32
        %dma_wait3A_78 = tpu.memref_slice %arg3[%add3A_59, %dma_wait3A] : memref<2560x128xi32, #tpu.memory_space<hbm>> -> memref<16x128xi32, #tpu.memory_space<hbm>>
        %dma_wait3A_79 = arith.constant 0 : i32
        %dma_wait3A_80 = tpu.memref_slice %arg3[%add3A_59, %dma_wait3A_79] : memref<2560x128xi32, #tpu.memory_space<hbm>> -> memref<16x128xi32, #tpu.memory_space<hbm>>
        tpu.wait_dma2 semaphore(%run_scoped3A : memref<!tpu.dma_semaphore, #tpu.memory_space<semaphore_mem>>) src(%dma_wait3A_80 : memref<16x128xi32, #tpu.memory_space<hbm>>) dst(%arg7 : memref<16x128xi32, #tpu.memory_space<vmem>>)
        tpu.yield
      }) : () -> ()
      %dma_start3A = arith.constant 0 : i32
      %dma_start3A_60 = arith.constant 0 : i32
      %dma_start3A_61 = tpu.memref_slice %arg6[%dma_start3A, %dma_start3A_60] : memref<16x128xi32, #tpu.memory_space<vmem>> -> memref<1x128xi32, #tpu.memory_space<vmem>>
      %dma_start3A_62 = tpu.memref_squeeze %dma_start3A_61 : memref<1x128xi32, #tpu.memory_space<vmem>> -> memref<128xi32, #tpu.memory_space<vmem>>
      %dma_start3A_63 = arith.constant 0 : i32
      %dma_start3A_64 = arith.constant 0 : i32
      %dma_start3A_65 = tpu.memref_slice %arg4[%dma_start3A_63, %dma_start3A_64] : memref<10000x128xf32, #tpu.memory_space<hbm>> -> memref<10000x128xf32, #tpu.memory_space<hbm>>
      tpu.enqueue_indirect_dma source(%dma_start3A_65 : memref<10000x128xf32, #tpu.memory_space<hbm>>) target(%arg8 : memref<128x128xf32, #tpu.memory_space<vmem>>) offsets(%dma_start3A_62 : memref<128xi32, #tpu.memory_space<vmem>>) semaphore(%arg11 : memref<!tpu.dma_semaphore, #tpu.memory_space<semaphore_mem>>)
      %scan3A_66 = arith.constant 0 : i32
      %scan3A_67 = arith.constant 0 : i32
      %scan3A_68 = arith.constant 8 : i32
      %scan3A_69 = arith.addi %scan3A_67, %scan3A_68 : i32
      %scan3A_70 = arith.constant 1 : i32
      %scan3A_71 = scf.for %scan3A_74 = %scan3A_67 to %scan3A_69 step %scan3A_70 iter_args(%scan3A_75 = %scan3A_66) -> (i32)  : i32 {
        %mul3A_76 = arith.constant 2 : i32
        %mul3A_77 = arith.muli %mul3A_76, %scan3A_74 : i32
        %add3A_78 = arith.constant 1 : i32
        %add3A_79 = arith.addi %mul3A_77, %add3A_78 : i32
        %dma_start3A_80 = arith.constant 0 : i32
        %dma_start3A_81 = tpu.memref_slice %arg6[%add3A_79, %dma_start3A_80] : memref<16x128xi32, #tpu.memory_space<vmem>> -> memref<1x128xi32, #tpu.memory_space<vmem>>
        %dma_start3A_82 = tpu.memref_squeeze %dma_start3A_81 : memref<1x128xi32, #tpu.memory_space<vmem>> -> memref<128xi32, #tpu.memory_space<vmem>>
        %dma_start3A_83 = arith.constant 0 : i32
        %dma_start3A_84 = arith.constant 0 : i32
        %dma_start3A_85 = tpu.memref_slice %arg4[%dma_start3A_83, %dma_start3A_84] : memref<10000x128xf32, #tpu.memory_space<hbm>> -> memref<10000x128xf32, #tpu.memory_space<hbm>>
        tpu.enqueue_indirect_dma source(%dma_start3A_85 : memref<10000x128xf32, #tpu.memory_space<hbm>>) target(%arg9 : memref<128x128xf32, #tpu.memory_space<vmem>>) offsets(%dma_start3A_82 : memref<128xi32, #tpu.memory_space<vmem>>) semaphore(%arg12 : memref<!tpu.dma_semaphore, #tpu.memory_space<semaphore_mem>>)
        %dma_wait3A = arith.constant 0 : i32
        %dma_wait3A_86 = tpu.memref_slice %arg6[%mul3A_77, %dma_wait3A] : memref<16x128xi32, #tpu.memory_space<vmem>> -> memref<1x128xi32, #tpu.memory_space<vmem>>
        %dma_wait3A_87 = tpu.memref_squeeze %dma_wait3A_86 : memref<1x128xi32, #tpu.memory_space<vmem>> -> memref<128xi32, #tpu.memory_space<vmem>>
        %dma_wait3A_88 = arith.constant 0 : i32
        %dma_wait3A_89 = arith.constant 0 : i32
        %dma_wait3A_90 = tpu.memref_slice %arg4[%dma_wait3A_88, %dma_wait3A_89] : memref<10000x128xf32, #tpu.memory_space<hbm>> -> memref<10000x128xf32, #tpu.memory_space<hbm>>
        tpu.wait_indirect_dma semaphore(%arg11 : memref<!tpu.dma_semaphore, #tpu.memory_space<semaphore_mem>>) src(%dma_wait3A_90 : memref<10000x128xf32, #tpu.memory_space<hbm>>) dst(%arg8 : memref<128x128xf32, #tpu.memory_space<vmem>>)
        "tpu.region"() ({
          %run_scoped3A = tpu.sem_alloc : memref<!tpu.dma_semaphore, #tpu.memory_space<semaphore_mem>>
          %dma_start3A_109 = arith.constant 0 : i32
          %dma_start3A_110 = tpu.memref_slice %arg7[%mul3A_77, %dma_start3A_109] : memref<16x128xi32, #tpu.memory_space<vmem>> -> memref<1x128xi32, #tpu.memory_space<vmem>>
          %dma_start3A_111 = tpu.memref_squeeze %dma_start3A_110 : memref<1x128xi32, #tpu.memory_space<vmem>> -> memref<128xi32, #tpu.memory_space<vmem>>
          %dma_start3A_112 = arith.constant 0 : i32
          %dma_start3A_113 = arith.constant 0 : i32
          %dma_start3A_114 = tpu.memref_slice %arg10[%dma_start3A_112, %dma_start3A_113] : memref<10240x128xf32, #tpu.memory_space<vmem_shared>> -> memref<10240x128xf32, #tpu.memory_space<vmem_shared>>
          tpu.enqueue_indirect_dma source(%arg8 : memref<128x128xf32, #tpu.memory_space<vmem>>) target(%dma_start3A_114 : memref<10240x128xf32, #tpu.memory_space<vmem_shared>>) offsets(%dma_start3A_111 : memref<128xi32, #tpu.memory_space<vmem>>) semaphore(%run_scoped3A : memref<!tpu.dma_semaphore, #tpu.memory_space<semaphore_mem>>) {add = true}
          %dma_wait3A_115 = arith.constant 0 : i32
          %dma_wait3A_116 = tpu.memref_slice %arg7[%mul3A_77, %dma_wait3A_115] : memref<16x128xi32, #tpu.memory_space<vmem>> -> memref<1x128xi32, #tpu.memory_space<vmem>>
          %dma_wait3A_117 = tpu.memref_squeeze %dma_wait3A_116 : memref<1x128xi32, #tpu.memory_space<vmem>> -> memref<128xi32, #tpu.memory_space<vmem>>
          %dma_wait3A_118 = arith.constant 0 : i32
          %dma_wait3A_119 = arith.constant 0 : i32
          %dma_wait3A_120 = tpu.memref_slice %arg10[%dma_wait3A_118, %dma_wait3A_119] : memref<10240x128xf32, #tpu.memory_space<vmem_shared>> -> memref<10240x128xf32, #tpu.memory_space<vmem_shared>>
          tpu.wait_indirect_dma semaphore(%run_scoped3A : memref<!tpu.dma_semaphore, #tpu.memory_space<semaphore_mem>>) src(%arg8 : memref<128x128xf32, #tpu.memory_space<vmem>>) dst(%dma_wait3A_120 : memref<10240x128xf32, #tpu.memory_space<vmem_shared>>)
          tpu.yield
        }) : () -> ()
        %add3A_91 = arith.constant 2 : i32
        %add3A_92 = arith.addi %mul3A_77, %add3A_91 : i32
        %lt3A_93 = arith.constant 16 : i32
        %lt3A_94 = arith.cmpi slt, %add3A_92, %lt3A_93 : i32
        %convert_element_type3A_95 = arith.extui %lt3A_94 : i1 to i32
        %cond3A_96 = arith.constant 0 : i32
        %cond3A_97 = arith.cmpi ne, %convert_element_type3A_95, %cond3A_96 : i32
        scf.if %cond3A_97 {
          %add3A_109 = arith.constant 2 : i32
          %add3A_110 = arith.addi %mul3A_77, %add3A_109 : i32
          %dma_start3A_111 = arith.constant 0 : i32
          %dma_start3A_112 = tpu.memref_slice %arg6[%add3A_110, %dma_start3A_111] : memref<16x128xi32, #tpu.memory_space<vmem>> -> memref<1x128xi32, #tpu.memory_space<vmem>>
          %dma_start3A_113 = tpu.memref_squeeze %dma_start3A_112 : memref<1x128xi32, #tpu.memory_space<vmem>> -> memref<128xi32, #tpu.memory_space<vmem>>
          %dma_start3A_114 = arith.constant 0 : i32
          %dma_start3A_115 = arith.constant 0 : i32
          %dma_start3A_116 = tpu.memref_slice %arg4[%dma_start3A_114, %dma_start3A_115] : memref<10000x128xf32, #tpu.memory_space<hbm>> -> memref<10000x128xf32, #tpu.memory_space<hbm>>
          tpu.enqueue_indirect_dma source(%dma_start3A_116 : memref<10000x128xf32, #tpu.memory_space<hbm>>) target(%arg8 : memref<128x128xf32, #tpu.memory_space<vmem>>) offsets(%dma_start3A_113 : memref<128xi32, #tpu.memory_space<vmem>>) semaphore(%arg11 : memref<!tpu.dma_semaphore, #tpu.memory_space<semaphore_mem>>)
        } else {
        }
        %add3A_98 = arith.constant 1 : i32
        %add3A_99 = arith.addi %mul3A_77, %add3A_98 : i32
        %dma_wait3A_100 = arith.constant 0 : i32
        %dma_wait3A_101 = tpu.memref_slice %arg6[%add3A_99, %dma_wait3A_100] : memref<16x128xi32, #tpu.memory_space<vmem>> -> memref<1x128xi32, #tpu.memory_space<vmem>>
        %dma_wait3A_102 = tpu.memref_squeeze %dma_wait3A_101 : memref<1x128xi32, #tpu.memory_space<vmem>> -> memref<128xi32, #tpu.memory_space<vmem>>
        %dma_wait3A_103 = arith.constant 0 : i32
        %dma_wait3A_104 = arith.constant 0 : i32
        %dma_wait3A_105 = tpu.memref_slice %arg4[%dma_wait3A_103, %dma_wait3A_104] : memref<10000x128xf32, #tpu.memory_space<hbm>> -> memref<10000x128xf32, #tpu.memory_space<hbm>>
        tpu.wait_indirect_dma semaphore(%arg12 : memref<!tpu.dma_semaphore, #tpu.memory_space<semaphore_mem>>) src(%dma_wait3A_105 : memref<10000x128xf32, #tpu.memory_space<hbm>>) dst(%arg9 : memref<128x128xf32, #tpu.memory_space<vmem>>)
        %add3A_106 = arith.constant 1 : i32
        %add3A_107 = arith.addi %mul3A_77, %add3A_106 : i32
        "tpu.region"() ({
          %run_scoped3A = tpu.sem_alloc : memref<!tpu.dma_semaphore, #tpu.memory_space<semaphore_mem>>
          %dma_start3A_109 = arith.constant 0 : i32
          %dma_start3A_110 = tpu.memref_slice %arg7[%add3A_107, %dma_start3A_109] : memref<16x128xi32, #tpu.memory_space<vmem>> -> memref<1x128xi32, #tpu.memory_space<vmem>>
          %dma_start3A_111 = tpu.memref_squeeze %dma_start3A_110 : memref<1x128xi32, #tpu.memory_space<vmem>> -> memref<128xi32, #tpu.memory_space<vmem>>
          %dma_start3A_112 = arith.constant 0 : i32
          %dma_start3A_113 = arith.constant 0 : i32
          %dma_start3A_114 = tpu.memref_slice %arg10[%dma_start3A_112, %dma_start3A_113] : memref<10240x128xf32, #tpu.memory_space<vmem_shared>> -> memref<10240x128xf32, #tpu.memory_space<vmem_shared>>
          tpu.enqueue_indirect_dma source(%arg9 : memref<128x128xf32, #tpu.memory_space<vmem>>) target(%dma_start3A_114 : memref<10240x128xf32, #tpu.memory_space<vmem_shared>>) offsets(%dma_start3A_111 : memref<128xi32, #tpu.memory_space<vmem>>) semaphore(%run_scoped3A : memref<!tpu.dma_semaphore, #tpu.memory_space<semaphore_mem>>) {add = true}
          %dma_wait3A_115 = arith.constant 0 : i32
          %dma_wait3A_116 = tpu.memref_slice %arg7[%add3A_107, %dma_wait3A_115] : memref<16x128xi32, #tpu.memory_space<vmem>> -> memref<1x128xi32, #tpu.memory_space<vmem>>
          %dma_wait3A_117 = tpu.memref_squeeze %dma_wait3A_116 : memref<1x128xi32, #tpu.memory_space<vmem>> -> memref<128xi32, #tpu.memory_space<vmem>>
          %dma_wait3A_118 = arith.constant 0 : i32
          %dma_wait3A_119 = arith.constant 0 : i32
          %dma_wait3A_120 = tpu.memref_slice %arg10[%dma_wait3A_118, %dma_wait3A_119] : memref<10240x128xf32, #tpu.memory_space<vmem_shared>> -> memref<10240x128xf32, #tpu.memory_space<vmem_shared>>
          tpu.wait_indirect_dma semaphore(%run_scoped3A : memref<!tpu.dma_semaphore, #tpu.memory_space<semaphore_mem>>) src(%arg9 : memref<128x128xf32, #tpu.memory_space<vmem>>) dst(%dma_wait3A_120 : memref<10240x128xf32, #tpu.memory_space<vmem_shared>>)
          tpu.yield
        }) : () -> ()
        %scan3A_108 = arith.constant 0 : i32
        scf.yield %scan3A_108 : i32
      }
      %scan3A_72 = arith.constant 8 : i32
      %while3A_73 = arith.constant 0 : i32
      scf.yield %while3A_73 : i32
    }
    %while3A_45 = arith.constant 1 : i32
    %while3A_46 = scf.for %while3A_55 = %while3A_42 to %while3A_38 step %while3A_45 iter_args(%while3A_56 = %while3A_44) -> (i32)  : i32 {
      %mul3A_57 = arith.constant 16 : i32
      %mul3A_58 = arith.muli %while3A_55, %mul3A_57 : i32
      %add3A_59 = arith.addi %select_n3A_35, %mul3A_58 : i32
      "tpu.region"() ({
        %run_scoped3A = tpu.sem_alloc : memref<!tpu.dma_semaphore, #tpu.memory_space<semaphore_mem>>
        %dma_start3A_74 = arith.constant 0 : i32
        %dma_start3A_75 = tpu.memref_slice %arg2[%add3A_59, %dma_start3A_74] : memref<2560x128xi32, #tpu.memory_space<hbm>> -> memref<16x128xi32, #tpu.memory_space<hbm>>
        %dma_start3A_76 = arith.constant 0 : i32
        %dma_start3A_77 = tpu.memref_slice %arg2[%add3A_59, %dma_start3A_76] : memref<2560x128xi32, #tpu.memory_space<hbm>> -> memref<16x128xi32, #tpu.memory_space<hbm>>
        tpu.enqueue_dma source(%dma_start3A_77 : memref<16x128xi32, #tpu.memory_space<hbm>>) target(%arg6 : memref<16x128xi32, #tpu.memory_space<vmem>>) target_semaphore(%run_scoped3A : memref<!tpu.dma_semaphore, #tpu.memory_space<semaphore_mem>>)
        %dma_wait3A = arith.constant 0 : i32
        %dma_wait3A_78 = tpu.memref_slice %arg2[%add3A_59, %dma_wait3A] : memref<2560x128xi32, #tpu.memory_space<hbm>> -> memref<16x128xi32, #tpu.memory_space<hbm>>
        %dma_wait3A_79 = arith.constant 0 : i32
        %dma_wait3A_80 = tpu.memref_slice %arg2[%add3A_59, %dma_wait3A_79] : memref<2560x128xi32, #tpu.memory_space<hbm>> -> memref<16x128xi32, #tpu.memory_space<hbm>>
        tpu.wait_dma2 semaphore(%run_scoped3A : memref<!tpu.dma_semaphore, #tpu.memory_space<semaphore_mem>>) src(%dma_wait3A_80 : memref<16x128xi32, #tpu.memory_space<hbm>>) dst(%arg6 : memref<16x128xi32, #tpu.memory_space<vmem>>)
        tpu.yield
      }) : () -> ()
      "tpu.region"() ({
        %run_scoped3A = tpu.sem_alloc : memref<!tpu.dma_semaphore, #tpu.memory_space<semaphore_mem>>
        %dma_start3A_74 = arith.constant 0 : i32
        %dma_start3A_75 = tpu.memref_slice %arg3[%add3A_59, %dma_start3A_74] : memref<2560x128xi32, #tpu.memory_space<hbm>> -> memref<16x128xi32, #tpu.memory_space<hbm>>
        %dma_start3A_76 = arith.constant 0 : i32
        %dma_start3A_77 = tpu.memref_slice %arg3[%add3A_59, %dma_start3A_76] : memref<2560x128xi32, #tpu.memory_space<hbm>> -> memref<16x128xi32, #tpu.memory_space<hbm>>
        tpu.enqueue_dma source(%dma_start3A_77 : memref<16x128xi32, #tpu.memory_space<hbm>>) target(%arg7 : memref<16x128xi32, #tpu.memory_space<vmem>>) target_semaphore(%run_scoped3A : memref<!tpu.dma_semaphore, #tpu.memory_space<semaphore_mem>>)
        %dma_wait3A = arith.constant 0 : i32
        %dma_wait3A_78 = tpu.memref_slice %arg3[%add3A_59, %dma_wait3A] : memref<2560x128xi32, #tpu.memory_space<hbm>> -> memref<16x128xi32, #tpu.memory_space<hbm>>
        %dma_wait3A_79 = arith.constant 0 : i32
        %dma_wait3A_80 = tpu.memref_slice %arg3[%add3A_59, %dma_wait3A_79] : memref<2560x128xi32, #tpu.memory_space<hbm>> -> memref<16x128xi32, #tpu.memory_space<hbm>>
        tpu.wait_dma2 semaphore(%run_scoped3A : memref<!tpu.dma_semaphore, #tpu.memory_space<semaphore_mem>>) src(%dma_wait3A_80 : memref<16x128xi32, #tpu.memory_space<hbm>>) dst(%arg7 : memref<16x128xi32, #tpu.memory_space<vmem>>)
        tpu.yield
      }) : () -> ()
      %dma_start3A = arith.constant 0 : i32
      %dma_start3A_60 = arith.constant 0 : i32
      %dma_start3A_61 = tpu.memref_slice %arg6[%dma_start3A, %dma_start3A_60] : memref<16x128xi32, #tpu.memory_space<vmem>> -> memref<1x128xi32, #tpu.memory_space<vmem>>
      %dma_start3A_62 = tpu.memref_squeeze %dma_start3A_61 : memref<1x128xi32, #tpu.memory_space<vmem>> -> memref<128xi32, #tpu.memory_space<vmem>>
      %dma_start3A_63 = arith.constant 0 : i32
      %dma_start3A_64 = arith.constant 0 : i32
      %dma_start3A_65 = tpu.memref_slice %arg4[%dma_start3A_63, %dma_start3A_64] : memref<10000x128xf32, #tpu.memory_space<hbm>> -> memref<10000x128xf32, #tpu.memory_space<hbm>>
      tpu.enqueue_indirect_dma source(%dma_start3A_65 : memref<10000x128xf32, #tpu.memory_space<hbm>>) target(%arg8 : memref<128x128xf32, #tpu.memory_space<vmem>>) offsets(%dma_start3A_62 : memref<128xi32, #tpu.memory_space<vmem>>) semaphore(%arg11 : memref<!tpu.dma_semaphore, #tpu.memory_space<semaphore_mem>>)
      %scan3A_66 = arith.constant 0 : i32
      %scan3A_67 = arith.constant 0 : i32
      %scan3A_68 = arith.constant 8 : i32
      %scan3A_69 = arith.addi %scan3A_67, %scan3A_68 : i32
      %scan3A_70 = arith.constant 1 : i32
      %scan3A_71 = scf.for %scan3A_74 = %scan3A_67 to %scan3A_69 step %scan3A_70 iter_args(%scan3A_75 = %scan3A_66) -> (i32)  : i32 {
        %mul3A_76 = arith.constant 2 : i32
        %mul3A_77 = arith.muli %mul3A_76, %scan3A_74 : i32
        %add3A_78 = arith.constant 1 : i32
        %add3A_79 = arith.addi %mul3A_77, %add3A_78 : i32
        %dma_start3A_80 = arith.constant 0 : i32
        %dma_start3A_81 = tpu.memref_slice %arg6[%add3A_79, %dma_start3A_80] : memref<16x128xi32, #tpu.memory_space<vmem>> -> memref<1x128xi32, #tpu.memory_space<vmem>>
        %dma_start3A_82 = tpu.memref_squeeze %dma_start3A_81 : memref<1x128xi32, #tpu.memory_space<vmem>> -> memref<128xi32, #tpu.memory_space<vmem>>
        %dma_start3A_83 = arith.constant 0 : i32
        %dma_start3A_84 = arith.constant 0 : i32
        %dma_start3A_85 = tpu.memref_slice %arg4[%dma_start3A_83, %dma_start3A_84] : memref<10000x128xf32, #tpu.memory_space<hbm>> -> memref<10000x128xf32, #tpu.memory_space<hbm>>
        tpu.enqueue_indirect_dma source(%dma_start3A_85 : memref<10000x128xf32, #tpu.memory_space<hbm>>) target(%arg9 : memref<128x128xf32, #tpu.memory_space<vmem>>) offsets(%dma_start3A_82 : memref<128xi32, #tpu.memory_space<vmem>>) semaphore(%arg12 : memref<!tpu.dma_semaphore, #tpu.memory_space<semaphore_mem>>)
        %dma_wait3A = arith.constant 0 : i32
        %dma_wait3A_86 = tpu.memref_slice %arg6[%mul3A_77, %dma_wait3A] : memref<16x128xi32, #tpu.memory_space<vmem>> -> memref<1x128xi32, #tpu.memory_space<vmem>>
        %dma_wait3A_87 = tpu.memref_squeeze %dma_wait3A_86 : memref<1x128xi32, #tpu.memory_space<vmem>> -> memref<128xi32, #tpu.memory_space<vmem>>
        %dma_wait3A_88 = arith.constant 0 : i32
        %dma_wait3A_89 = arith.constant 0 : i32
        %dma_wait3A_90 = tpu.memref_slice %arg4[%dma_wait3A_88, %dma_wait3A_89] : memref<10000x128xf32, #tpu.memory_space<hbm>> -> memref<10000x128xf32, #tpu.memory_space<hbm>>
        tpu.wait_indirect_dma semaphore(%arg11 : memref<!tpu.dma_semaphore, #tpu.memory_space<semaphore_mem>>) src(%dma_wait3A_90 : memref<10000x128xf32, #tpu.memory_space<hbm>>) dst(%arg8 : memref<128x128xf32, #tpu.memory_space<vmem>>)
        "tpu.region"() ({
          %run_scoped3A = tpu.sem_alloc : memref<!tpu.dma_semaphore, #tpu.memory_space<semaphore_mem>>
          %dma_start3A_109 = arith.constant 0 : i32
          %dma_start3A_110 = tpu.memref_slice %arg7[%mul3A_77, %dma_start3A_109] : memref<16x128xi32, #tpu.memory_space<vmem>> -> memref<1x128xi32, #tpu.memory_space<vmem>>
          %dma_start3A_111 = tpu.memref_squeeze %dma_start3A_110 : memref<1x128xi32, #tpu.memory_space<vmem>> -> memref<128xi32, #tpu.memory_space<vmem>>
          %dma_start3A_112 = arith.constant 0 : i32
          %dma_start3A_113 = arith.constant 0 : i32
          %dma_start3A_114 = tpu.memref_slice %arg10[%dma_start3A_112, %dma_start3A_113] : memref<10240x128xf32, #tpu.memory_space<vmem_shared>> -> memref<10240x128xf32, #tpu.memory_space<vmem_shared>>
          tpu.enqueue_indirect_dma source(%arg8 : memref<128x128xf32, #tpu.memory_space<vmem>>) target(%dma_start3A_114 : memref<10240x128xf32, #tpu.memory_space<vmem_shared>>) offsets(%dma_start3A_111 : memref<128xi32, #tpu.memory_space<vmem>>) semaphore(%run_scoped3A : memref<!tpu.dma_semaphore, #tpu.memory_space<semaphore_mem>>) {add = true}
          %dma_wait3A_115 = arith.constant 0 : i32
          %dma_wait3A_116 = tpu.memref_slice %arg7[%mul3A_77, %dma_wait3A_115] : memref<16x128xi32, #tpu.memory_space<vmem>> -> memref<1x128xi32, #tpu.memory_space<vmem>>
          %dma_wait3A_117 = tpu.memref_squeeze %dma_wait3A_116 : memref<1x128xi32, #tpu.memory_space<vmem>> -> memref<128xi32, #tpu.memory_space<vmem>>
          %dma_wait3A_118 = arith.constant 0 : i32
          %dma_wait3A_119 = arith.constant 0 : i32
          %dma_wait3A_120 = tpu.memref_slice %arg10[%dma_wait3A_118, %dma_wait3A_119] : memref<10240x128xf32, #tpu.memory_space<vmem_shared>> -> memref<10240x128xf32, #tpu.memory_space<vmem_shared>>
          tpu.wait_indirect_dma semaphore(%run_scoped3A : memref<!tpu.dma_semaphore, #tpu.memory_space<semaphore_mem>>) src(%arg8 : memref<128x128xf32, #tpu.memory_space<vmem>>) dst(%dma_wait3A_120 : memref<10240x128xf32, #tpu.memory_space<vmem_shared>>)
          tpu.yield
        }) : () -> ()
        %add3A_91 = arith.constant 2 : i32
        %add3A_92 = arith.addi %mul3A_77, %add3A_91 : i32
        %lt3A_93 = arith.constant 16 : i32
        %lt3A_94 = arith.cmpi slt, %add3A_92, %lt3A_93 : i32
        %convert_element_type3A_95 = arith.extui %lt3A_94 : i1 to i32
        %cond3A_96 = arith.constant 0 : i32
        %cond3A_97 = arith.cmpi ne, %convert_element_type3A_95, %cond3A_96 : i32
        scf.if %cond3A_97 {
          %add3A_109 = arith.constant 2 : i32
          %add3A_110 = arith.addi %mul3A_77, %add3A_109 : i32
          %dma_start3A_111 = arith.constant 0 : i32
          %dma_start3A_112 = tpu.memref_slice %arg6[%add3A_110, %dma_start3A_111] : memref<16x128xi32, #tpu.memory_space<vmem>> -> memref<1x128xi32, #tpu.memory_space<vmem>>
          %dma_start3A_113 = tpu.memref_squeeze %dma_start3A_112 : memref<1x128xi32, #tpu.memory_space<vmem>> -> memref<128xi32, #tpu.memory_space<vmem>>
          %dma_start3A_114 = arith.constant 0 : i32
          %dma_start3A_115 = arith.constant 0 : i32
          %dma_start3A_116 = tpu.memref_slice %arg4[%dma_start3A_114, %dma_start3A_115] : memref<10000x128xf32, #tpu.memory_space<hbm>> -> memref<10000x128xf32, #tpu.memory_space<hbm>>
          tpu.enqueue_indirect_dma source(%dma_start3A_116 : memref<10000x128xf32, #tpu.memory_space<hbm>>) target(%arg8 : memref<128x128xf32, #tpu.memory_space<vmem>>) offsets(%dma_start3A_113 : memref<128xi32, #tpu.memory_space<vmem>>) semaphore(%arg11 : memref<!tpu.dma_semaphore, #tpu.memory_space<semaphore_mem>>)
        } else {
        }
        %add3A_98 = arith.constant 1 : i32
        %add3A_99 = arith.addi %mul3A_77, %add3A_98 : i32
        %dma_wait3A_100 = arith.constant 0 : i32
        %dma_wait3A_101 = tpu.memref_slice %arg6[%add3A_99, %dma_wait3A_100] : memref<16x128xi32, #tpu.memory_space<vmem>> -> memref<1x128xi32, #tpu.memory_space<vmem>>
        %dma_wait3A_102 = tpu.memref_squeeze %dma_wait3A_101 : memref<1x128xi32, #tpu.memory_space<vmem>> -> memref<128xi32, #tpu.memory_space<vmem>>
        %dma_wait3A_103 = arith.constant 0 : i32
        %dma_wait3A_104 = arith.constant 0 : i32
        %dma_wait3A_105 = tpu.memref_slice %arg4[%dma_wait3A_103, %dma_wait3A_104] : memref<10000x128xf32, #tpu.memory_space<hbm>> -> memref<10000x128xf32, #tpu.memory_space<hbm>>
        tpu.wait_indirect_dma semaphore(%arg12 : memref<!tpu.dma_semaphore, #tpu.memory_space<semaphore_mem>>) src(%dma_wait3A_105 : memref<10000x128xf32, #tpu.memory_space<hbm>>) dst(%arg9 : memref<128x128xf32, #tpu.memory_space<vmem>>)
        %add3A_106 = arith.constant 1 : i32
        %add3A_107 = arith.addi %mul3A_77, %add3A_106 : i32
        "tpu.region"() ({
          %run_scoped3A = tpu.sem_alloc : memref<!tpu.dma_semaphore, #tpu.memory_space<semaphore_mem>>
          %dma_start3A_109 = arith.constant 0 : i32
          %dma_start3A_110 = tpu.memref_slice %arg7[%add3A_107, %dma_start3A_109] : memref<16x128xi32, #tpu.memory_space<vmem>> -> memref<1x128xi32, #tpu.memory_space<vmem>>
          %dma_start3A_111 = tpu.memref_squeeze %dma_start3A_110 : memref<1x128xi32, #tpu.memory_space<vmem>> -> memref<128xi32, #tpu.memory_space<vmem>>
          %dma_start3A_112 = arith.constant 0 : i32
          %dma_start3A_113 = arith.constant 0 : i32
          %dma_start3A_114 = tpu.memref_slice %arg10[%dma_start3A_112, %dma_start3A_113] : memref<10240x128xf32, #tpu.memory_space<vmem_shared>> -> memref<10240x128xf32, #tpu.memory_space<vmem_shared>>
          tpu.enqueue_indirect_dma source(%arg9 : memref<128x128xf32, #tpu.memory_space<vmem>>) target(%dma_start3A_114 : memref<10240x128xf32, #tpu.memory_space<vmem_shared>>) offsets(%dma_start3A_111 : memref<128xi32, #tpu.memory_space<vmem>>) semaphore(%run_scoped3A : memref<!tpu.dma_semaphore, #tpu.memory_space<semaphore_mem>>) {add = true}
          %dma_wait3A_115 = arith.constant 0 : i32
          %dma_wait3A_116 = tpu.memref_slice %arg7[%add3A_107, %dma_wait3A_115] : memref<16x128xi32, #tpu.memory_space<vmem>> -> memref<1x128xi32, #tpu.memory_space<vmem>>
          %dma_wait3A_117 = tpu.memref_squeeze %dma_wait3A_116 : memref<1x128xi32, #tpu.memory_space<vmem>> -> memref<128xi32, #tpu.memory_space<vmem>>
          %dma_wait3A_118 = arith.constant 0 : i32
          %dma_wait3A_119 = arith.constant 0 : i32
          %dma_wait3A_120 = tpu.memref_slice %arg10[%dma_wait3A_118, %dma_wait3A_119] : memref<10240x128xf32, #tpu.memory_space<vmem_shared>> -> memref<10240x128xf32, #tpu.memory_space<vmem_shared>>
          tpu.wait_indirect_dma semaphore(%run_scoped3A : memref<!tpu.dma_semaphore, #tpu.memory_space<semaphore_mem>>) src(%arg9 : memref<128x128xf32, #tpu.memory_space<vmem>>) dst(%dma_wait3A_120 : memref<10240x128xf32, #tpu.memory_space<vmem_shared>>)
          tpu.yield
        }) : () -> ()
        %scan3A_108 = arith.constant 0 : i32
        scf.yield %scan3A_108 : i32
      }
      %scan3A_72 = arith.constant 8 : i32
      %while3A_73 = arith.constant 0 : i32
      scf.yield %while3A_73 : i32
    }
    %barrier3A_47 = arith.constant 0 : index
    tpu.barrier barrier_id(%barrier3A_47)
    %lt3A = arith.constant 15 : i32
    %lt3A_48 = arith.cmpi slt, %arg1, %lt3A : i32
    %convert_element_type3A = arith.extui %lt3A_48 : i1 to i32
    %cond3A = arith.constant 0 : i32
    %cond3A_49 = arith.cmpi ne, %convert_element_type3A, %cond3A : i32
    scf.if %cond3A_49 {
      %mul3A_55 = arith.constant 632 : i32
      %mul3A_56 = arith.muli %arg1, %mul3A_55 : i32
      %add3A_57 = arith.constant 0 : i32
      %add3A_58 = arith.addi %mul3A_56, %add3A_57 : i32
      "tpu.region"() ({
        %run_scoped3A = tpu.sem_alloc : memref<!tpu.dma_semaphore, #tpu.memory_space<semaphore_mem>>
        %dma_start3A = arith.constant 0 : i32
        %dma_start3A_75 = arith.constant 0 : i32
        %dma_start3A_76 = tpu.memref_slice %arg8[%dma_start3A, %dma_start3A_75] : memref<128x128xf32, #tpu.memory_space<vmem>> -> memref<128x128xf32, #tpu.memory_space<vmem>>
        %dma_start3A_77 = arith.constant 0 : i32
        %dma_start3A_78 = tpu.memref_slice %arg10[%add3A_58, %dma_start3A_77] : memref<10240x128xf32, #tpu.memory_space<vmem_shared>> -> memref<128x128xf32, #tpu.memory_space<vmem_shared>>
        %dma_start3A_79 = arith.constant 0 : i32
        %dma_start3A_80 = arith.constant 0 : i32
        %dma_start3A_81 = tpu.memref_slice %arg8[%dma_start3A_79, %dma_start3A_80] : memref<128x128xf32, #tpu.memory_space<vmem>> -> memref<128x128xf32, #tpu.memory_space<vmem>>
        %dma_start3A_82 = arith.constant 0 : i32
        %dma_start3A_83 = tpu.memref_slice %arg10[%add3A_58, %dma_start3A_82] : memref<10240x128xf32, #tpu.memory_space<vmem_shared>> -> memref<128x128xf32, #tpu.memory_space<vmem_shared>>
        tpu.enqueue_dma source(%dma_start3A_83 : memref<128x128xf32, #tpu.memory_space<vmem_shared>>) target(%dma_start3A_81 : memref<128x128xf32, #tpu.memory_space<vmem>>) target_semaphore(%run_scoped3A : memref<!tpu.dma_semaphore, #tpu.memory_space<semaphore_mem>>)
        %dma_wait3A = arith.constant 0 : i32
        %dma_wait3A_84 = arith.constant 0 : i32
        %dma_wait3A_85 = tpu.memref_slice %arg8[%dma_wait3A, %dma_wait3A_84] : memref<128x128xf32, #tpu.memory_space<vmem>> -> memref<128x128xf32, #tpu.memory_space<vmem>>
        %dma_wait3A_86 = arith.constant 0 : i32
        %dma_wait3A_87 = tpu.memref_slice %arg10[%add3A_58, %dma_wait3A_86] : memref<10240x128xf32, #tpu.memory_space<vmem_shared>> -> memref<128x128xf32, #tpu.memory_space<vmem_shared>>
        %dma_wait3A_88 = arith.constant 0 : i32
        %dma_wait3A_89 = arith.constant 0 : i32
        %dma_wait3A_90 = tpu.memref_slice %arg8[%dma_wait3A_88, %dma_wait3A_89] : memref<128x128xf32, #tpu.memory_space<vmem>> -> memref<128x128xf32, #tpu.memory_space<vmem>>
        %dma_wait3A_91 = arith.constant 0 : i32
        %dma_wait3A_92 = tpu.memref_slice %arg10[%add3A_58, %dma_wait3A_91] : memref<10240x128xf32, #tpu.memory_space<vmem_shared>> -> memref<128x128xf32, #tpu.memory_space<vmem_shared>>
        tpu.wait_dma2 semaphore(%run_scoped3A : memref<!tpu.dma_semaphore, #tpu.memory_space<semaphore_mem>>) src(%dma_wait3A_92 : memref<128x128xf32, #tpu.memory_space<vmem_shared>>) dst(%dma_wait3A_90 : memref<128x128xf32, #tpu.memory_space<vmem>>)
        tpu.yield
      }) : () -> ()
      "tpu.region"() ({
        %run_scoped3A = tpu.sem_alloc : memref<!tpu.dma_semaphore, #tpu.memory_space<semaphore_mem>>
        %dma_start3A = arith.constant 0 : i32
        %dma_start3A_75 = arith.constant 0 : i32
        %dma_start3A_76 = tpu.memref_slice %arg8[%dma_start3A, %dma_start3A_75] : memref<128x128xf32, #tpu.memory_space<vmem>> -> memref<128x128xf32, #tpu.memory_space<vmem>>
        %dma_start3A_77 = arith.constant 0 : i32
        %dma_start3A_78 = tpu.memref_slice %arg5[%arg0, %add3A_58, %dma_start3A_77] : memref<2x10000x128xf32, #tpu.memory_space<hbm>> -> memref<1x128x128xf32, #tpu.memory_space<hbm>>
        %dma_start3A_79 = tpu.memref_squeeze %dma_start3A_78 : memref<1x128x128xf32, #tpu.memory_space<hbm>> -> memref<128x128xf32, #tpu.memory_space<hbm>>
        %dma_start3A_80 = arith.constant 0 : i32
        %dma_start3A_81 = tpu.memref_slice %arg5[%arg0, %add3A_58, %dma_start3A_80] : memref<2x10000x128xf32, #tpu.memory_space<hbm>> -> memref<1x128x128xf32, #tpu.memory_space<hbm>>
        %dma_start3A_82 = tpu.memref_squeeze %dma_start3A_81 : memref<1x128x128xf32, #tpu.memory_space<hbm>> -> memref<128x128xf32, #tpu.memory_space<hbm>>
        %dma_start3A_83 = arith.constant 0 : i32
        %dma_start3A_84 = arith.constant 0 : i32
        %dma_start3A_85 = tpu.memref_slice %arg8[%dma_start3A_83, %dma_start3A_84] : memref<128x128xf32, #tpu.memory_space<vmem>> -> memref<128x128xf32, #tpu.memory_space<vmem>>
        tpu.enqueue_dma source(%dma_start3A_85 : memref<128x128xf32, #tpu.memory_space<vmem>>) target(%dma_start3A_82 : memref<128x128xf32, #tpu.memory_space<hbm>>) target_semaphore(%run_scoped3A : memref<!tpu.dma_semaphore, #tpu.memory_space<semaphore_mem>>)
        %dma_wait3A = arith.constant 0 : i32
        %dma_wait3A_86 = arith.constant 0 : i32
        %dma_wait3A_87 = tpu.memref_slice %arg8[%dma_wait3A, %dma_wait3A_86] : memref<128x128xf32, #tpu.memory_space<vmem>> -> memref<128x128xf32, #tpu.memory_space<vmem>>
        %dma_wait3A_88 = arith.constant 0 : i32
        %dma_wait3A_89 = tpu.memref_slice %arg5[%arg0, %add3A_58, %dma_wait3A_88] : memref<2x10000x128xf32, #tpu.memory_space<hbm>> -> memref<1x128x128xf32, #tpu.memory_space<hbm>>
        %dma_wait3A_90 = tpu.memref_squeeze %dma_wait3A_89 : memref<1x128x128xf32, #tpu.memory_space<hbm>> -> memref<128x128xf32, #tpu.memory_space<hbm>>
        %dma_wait3A_91 = arith.constant 0 : i32
        %dma_wait3A_92 = tpu.memref_slice %arg5[%arg0, %add3A_58, %dma_wait3A_91] : memref<2x10000x128xf32, #tpu.memory_space<hbm>> -> memref<1x128x128xf32, #tpu.memory_space<hbm>>
        %dma_wait3A_93 = tpu.memref_squeeze %dma_wait3A_92 : memref<1x128x128xf32, #tpu.memory_space<hbm>> -> memref<128x128xf32, #tpu.memory_space<hbm>>
        %dma_wait3A_94 = arith.constant 0 : i32
        %dma_wait3A_95 = arith.constant 0 : i32
        %dma_wait3A_96 = tpu.memref_slice %arg8[%dma_wait3A_94, %dma_wait3A_95] : memref<128x128xf32, #tpu.memory_space<vmem>> -> memref<128x128xf32, #tpu.memory_space<vmem>>
        tpu.wait_dma2 semaphore(%run_scoped3A : memref<!tpu.dma_semaphore, #tpu.memory_space<semaphore_mem>>) src(%dma_wait3A_96 : memref<128x128xf32, #tpu.memory_space<vmem>>) dst(%dma_wait3A_93 : memref<128x128xf32, #tpu.memory_space<hbm>>)
        tpu.yield
      }) : () -> ()
      %mul3A_59 = arith.constant 632 : i32
      %mul3A_60 = arith.muli %arg1, %mul3A_59 : i32
      %add3A_61 = arith.constant 128 : i32
      %add3A_62 = arith.addi %mul3A_60, %add3A_61 : i32
      "tpu.region"() ({
        %run_scoped3A = tpu.sem_alloc : memref<!tpu.dma_semaphore, #tpu.memory_space<semaphore_mem>>
        %dma_start3A = arith.constant 0 : i32
        %dma_start3A_75 = arith.constant 0 : i32
        %dma_start3A_76 = tpu.memref_slice %arg8[%dma_start3A, %dma_start3A_75] : memref<128x128xf32, #tpu.memory_space<vmem>> -> memref<128x128xf32, #tpu.memory_space<vmem>>
        %dma_start3A_77 = arith.constant 0 : i32
        %dma_start3A_78 = tpu.memref_slice %arg10[%add3A_62, %dma_start3A_77] : memref<10240x128xf32, #tpu.memory_space<vmem_shared>> -> memref<128x128xf32, #tpu.memory_space<vmem_shared>>
        %dma_start3A_79 = arith.constant 0 : i32
        %dma_start3A_80 = arith.constant 0 : i32
        %dma_start3A_81 = tpu.memref_slice %arg8[%dma_start3A_79, %dma_start3A_80] : memref<128x128xf32, #tpu.memory_space<vmem>> -> memref<128x128xf32, #tpu.memory_space<vmem>>
        %dma_start3A_82 = arith.constant 0 : i32
        %dma_start3A_83 = tpu.memref_slice %arg10[%add3A_62, %dma_start3A_82] : memref<10240x128xf32, #tpu.memory_space<vmem_shared>> -> memref<128x128xf32, #tpu.memory_space<vmem_shared>>
        tpu.enqueue_dma source(%dma_start3A_83 : memref<128x128xf32, #tpu.memory_space<vmem_shared>>) target(%dma_start3A_81 : memref<128x128xf32, #tpu.memory_space<vmem>>) target_semaphore(%run_scoped3A : memref<!tpu.dma_semaphore, #tpu.memory_space<semaphore_mem>>)
        %dma_wait3A = arith.constant 0 : i32
        %dma_wait3A_84 = arith.constant 0 : i32
        %dma_wait3A_85 = tpu.memref_slice %arg8[%dma_wait3A, %dma_wait3A_84] : memref<128x128xf32, #tpu.memory_space<vmem>> -> memref<128x128xf32, #tpu.memory_space<vmem>>
        %dma_wait3A_86 = arith.constant 0 : i32
        %dma_wait3A_87 = tpu.memref_slice %arg10[%add3A_62, %dma_wait3A_86] : memref<10240x128xf32, #tpu.memory_space<vmem_shared>> -> memref<128x128xf32, #tpu.memory_space<vmem_shared>>
        %dma_wait3A_88 = arith.constant 0 : i32
        %dma_wait3A_89 = arith.constant 0 : i32
        %dma_wait3A_90 = tpu.memref_slice %arg8[%dma_wait3A_88, %dma_wait3A_89] : memref<128x128xf32, #tpu.memory_space<vmem>> -> memref<128x128xf32, #tpu.memory_space<vmem>>
        %dma_wait3A_91 = arith.constant 0 : i32
        %dma_wait3A_92 = tpu.memref_slice %arg10[%add3A_62, %dma_wait3A_91] : memref<10240x128xf32, #tpu.memory_space<vmem_shared>> -> memref<128x128xf32, #tpu.memory_space<vmem_shared>>
        tpu.wait_dma2 semaphore(%run_scoped3A : memref<!tpu.dma_semaphore, #tpu.memory_space<semaphore_mem>>) src(%dma_wait3A_92 : memref<128x128xf32, #tpu.memory_space<vmem_shared>>) dst(%dma_wait3A_90 : memref<128x128xf32, #tpu.memory_space<vmem>>)
        tpu.yield
      }) : () -> ()
      "tpu.region"() ({
        %run_scoped3A = tpu.sem_alloc : memref<!tpu.dma_semaphore, #tpu.memory_space<semaphore_mem>>
        %dma_start3A = arith.constant 0 : i32
        %dma_start3A_75 = arith.constant 0 : i32
        %dma_start3A_76 = tpu.memref_slice %arg8[%dma_start3A, %dma_start3A_75] : memref<128x128xf32, #tpu.memory_space<vmem>> -> memref<128x128xf32, #tpu.memory_space<vmem>>
        %dma_start3A_77 = arith.constant 0 : i32
        %dma_start3A_78 = tpu.memref_slice %arg5[%arg0, %add3A_62, %dma_start3A_77] : memref<2x10000x128xf32, #tpu.memory_space<hbm>> -> memref<1x128x128xf32, #tpu.memory_space<hbm>>
        %dma_start3A_79 = tpu.memref_squeeze %dma_start3A_78 : memref<1x128x128xf32, #tpu.memory_space<hbm>> -> memref<128x128xf32, #tpu.memory_space<hbm>>
        %dma_start3A_80 = arith.constant 0 : i32
        %dma_start3A_81 = tpu.memref_slice %arg5[%arg0, %add3A_62, %dma_start3A_80] : memref<2x10000x128xf32, #tpu.memory_space<hbm>> -> memref<1x128x128xf32, #tpu.memory_space<hbm>>
        %dma_start3A_82 = tpu.memref_squeeze %dma_start3A_81 : memref<1x128x128xf32, #tpu.memory_space<hbm>> -> memref<128x128xf32, #tpu.memory_space<hbm>>
        %dma_start3A_83 = arith.constant 0 : i32
        %dma_start3A_84 = arith.constant 0 : i32
        %dma_start3A_85 = tpu.memref_slice %arg8[%dma_start3A_83, %dma_start3A_84] : memref<128x128xf32, #tpu.memory_space<vmem>> -> memref<128x128xf32, #tpu.memory_space<vmem>>
        tpu.enqueue_dma source(%dma_start3A_85 : memref<128x128xf32, #tpu.memory_space<vmem>>) target(%dma_start3A_82 : memref<128x128xf32, #tpu.memory_space<hbm>>) target_semaphore(%run_scoped3A : memref<!tpu.dma_semaphore, #tpu.memory_space<semaphore_mem>>)
        %dma_wait3A = arith.constant 0 : i32
        %dma_wait3A_86 = arith.constant 0 : i32
        %dma_wait3A_87 = tpu.memref_slice %arg8[%dma_wait3A, %dma_wait3A_86] : memref<128x128xf32, #tpu.memory_space<vmem>> -> memref<128x128xf32, #tpu.memory_space<vmem>>
        %dma_wait3A_88 = arith.constant 0 : i32
        %dma_wait3A_89 = tpu.memref_slice %arg5[%arg0, %add3A_62, %dma_wait3A_88] : memref<2x10000x128xf32, #tpu.memory_space<hbm>> -> memref<1x128x128xf32, #tpu.memory_space<hbm>>
        %dma_wait3A_90 = tpu.memref_squeeze %dma_wait3A_89 : memref<1x128x128xf32, #tpu.memory_space<hbm>> -> memref<128x128xf32, #tpu.memory_space<hbm>>
        %dma_wait3A_91 = arith.constant 0 : i32
        %dma_wait3A_92 = tpu.memref_slice %arg5[%arg0, %add3A_62, %dma_wait3A_91] : memref<2x10000x128xf32, #tpu.memory_space<hbm>> -> memref<1x128x128xf32, #tpu.memory_space<hbm>>
        %dma_wait3A_93 = tpu.memref_squeeze %dma_wait3A_92 : memref<1x128x128xf32, #tpu.memory_space<hbm>> -> memref<128x128xf32, #tpu.memory_space<hbm>>
        %dma_wait3A_94 = arith.constant 0 : i32
        %dma_wait3A_95 = arith.constant 0 : i32
        %dma_wait3A_96 = tpu.memref_slice %arg8[%dma_wait3A_94, %dma_wait3A_95] : memref<128x128xf32, #tpu.memory_space<vmem>> -> memref<128x128xf32, #tpu.memory_space<vmem>>
        tpu.wait_dma2 semaphore(%run_scoped3A : memref<!tpu.dma_semaphore, #tpu.memory_space<semaphore_mem>>) src(%dma_wait3A_96 : memref<128x128xf32, #tpu.memory_space<vmem>>) dst(%dma_wait3A_93 : memref<128x128xf32, #tpu.memory_space<hbm>>)
        tpu.yield
      }) : () -> ()
      %mul3A_63 = arith.constant 632 : i32
      %mul3A_64 = arith.muli %arg1, %mul3A_63 : i32
      %add3A_65 = arith.constant 256 : i32
      %add3A_66 = arith.addi %mul3A_64, %add3A_65 : i32
      "tpu.region"() ({
        %run_scoped3A = tpu.sem_alloc : memref<!tpu.dma_semaphore, #tpu.memory_space<semaphore_mem>>
        %dma_start3A = arith.constant 0 : i32
        %dma_start3A_75 = arith.constant 0 : i32
        %dma_start3A_76 = tpu.memref_slice %arg8[%dma_start3A, %dma_start3A_75] : memref<128x128xf32, #tpu.memory_space<vmem>> -> memref<128x128xf32, #tpu.memory_space<vmem>>
        %dma_start3A_77 = arith.constant 0 : i32
        %dma_start3A_78 = tpu.memref_slice %arg10[%add3A_66, %dma_start3A_77] : memref<10240x128xf32, #tpu.memory_space<vmem_shared>> -> memref<128x128xf32, #tpu.memory_space<vmem_shared>>
        %dma_start3A_79 = arith.constant 0 : i32
        %dma_start3A_80 = arith.constant 0 : i32
        %dma_start3A_81 = tpu.memref_slice %arg8[%dma_start3A_79, %dma_start3A_80] : memref<128x128xf32, #tpu.memory_space<vmem>> -> memref<128x128xf32, #tpu.memory_space<vmem>>
        %dma_start3A_82 = arith.constant 0 : i32
        %dma_start3A_83 = tpu.memref_slice %arg10[%add3A_66, %dma_start3A_82] : memref<10240x128xf32, #tpu.memory_space<vmem_shared>> -> memref<128x128xf32, #tpu.memory_space<vmem_shared>>
        tpu.enqueue_dma source(%dma_start3A_83 : memref<128x128xf32, #tpu.memory_space<vmem_shared>>) target(%dma_start3A_81 : memref<128x128xf32, #tpu.memory_space<vmem>>) target_semaphore(%run_scoped3A : memref<!tpu.dma_semaphore, #tpu.memory_space<semaphore_mem>>)
        %dma_wait3A = arith.constant 0 : i32
        %dma_wait3A_84 = arith.constant 0 : i32
        %dma_wait3A_85 = tpu.memref_slice %arg8[%dma_wait3A, %dma_wait3A_84] : memref<128x128xf32, #tpu.memory_space<vmem>> -> memref<128x128xf32, #tpu.memory_space<vmem>>
        %dma_wait3A_86 = arith.constant 0 : i32
        %dma_wait3A_87 = tpu.memref_slice %arg10[%add3A_66, %dma_wait3A_86] : memref<10240x128xf32, #tpu.memory_space<vmem_shared>> -> memref<128x128xf32, #tpu.memory_space<vmem_shared>>
        %dma_wait3A_88 = arith.constant 0 : i32
        %dma_wait3A_89 = arith.constant 0 : i32
        %dma_wait3A_90 = tpu.memref_slice %arg8[%dma_wait3A_88, %dma_wait3A_89] : memref<128x128xf32, #tpu.memory_space<vmem>> -> memref<128x128xf32, #tpu.memory_space<vmem>>
        %dma_wait3A_91 = arith.constant 0 : i32
        %dma_wait3A_92 = tpu.memref_slice %arg10[%add3A_66, %dma_wait3A_91] : memref<10240x128xf32, #tpu.memory_space<vmem_shared>> -> memref<128x128xf32, #tpu.memory_space<vmem_shared>>
        tpu.wait_dma2 semaphore(%run_scoped3A : memref<!tpu.dma_semaphore, #tpu.memory_space<semaphore_mem>>) src(%dma_wait3A_92 : memref<128x128xf32, #tpu.memory_space<vmem_shared>>) dst(%dma_wait3A_90 : memref<128x128xf32, #tpu.memory_space<vmem>>)
        tpu.yield
      }) : () -> ()
      "tpu.region"() ({
        %run_scoped3A = tpu.sem_alloc : memref<!tpu.dma_semaphore, #tpu.memory_space<semaphore_mem>>
        %dma_start3A = arith.constant 0 : i32
        %dma_start3A_75 = arith.constant 0 : i32
        %dma_start3A_76 = tpu.memref_slice %arg8[%dma_start3A, %dma_start3A_75] : memref<128x128xf32, #tpu.memory_space<vmem>> -> memref<128x128xf32, #tpu.memory_space<vmem>>
        %dma_start3A_77 = arith.constant 0 : i32
        %dma_start3A_78 = tpu.memref_slice %arg5[%arg0, %add3A_66, %dma_start3A_77] : memref<2x10000x128xf32, #tpu.memory_space<hbm>> -> memref<1x128x128xf32, #tpu.memory_space<hbm>>
        %dma_start3A_79 = tpu.memref_squeeze %dma_start3A_78 : memref<1x128x128xf32, #tpu.memory_space<hbm>> -> memref<128x128xf32, #tpu.memory_space<hbm>>
        %dma_start3A_80 = arith.constant 0 : i32
        %dma_start3A_81 = tpu.memref_slice %arg5[%arg0, %add3A_66, %dma_start3A_80] : memref<2x10000x128xf32, #tpu.memory_space<hbm>> -> memref<1x128x128xf32, #tpu.memory_space<hbm>>
        %dma_start3A_82 = tpu.memref_squeeze %dma_start3A_81 : memref<1x128x128xf32, #tpu.memory_space<hbm>> -> memref<128x128xf32, #tpu.memory_space<hbm>>
        %dma_start3A_83 = arith.constant 0 : i32
        %dma_start3A_84 = arith.constant 0 : i32
        %dma_start3A_85 = tpu.memref_slice %arg8[%dma_start3A_83, %dma_start3A_84] : memref<128x128xf32, #tpu.memory_space<vmem>> -> memref<128x128xf32, #tpu.memory_space<vmem>>
        tpu.enqueue_dma source(%dma_start3A_85 : memref<128x128xf32, #tpu.memory_space<vmem>>) target(%dma_start3A_82 : memref<128x128xf32, #tpu.memory_space<hbm>>) target_semaphore(%run_scoped3A : memref<!tpu.dma_semaphore, #tpu.memory_space<semaphore_mem>>)
        %dma_wait3A = arith.constant 0 : i32
        %dma_wait3A_86 = arith.constant 0 : i32
        %dma_wait3A_87 = tpu.memref_slice %arg8[%dma_wait3A, %dma_wait3A_86] : memref<128x128xf32, #tpu.memory_space<vmem>> -> memref<128x128xf32, #tpu.memory_space<vmem>>
        %dma_wait3A_88 = arith.constant 0 : i32
        %dma_wait3A_89 = tpu.memref_slice %arg5[%arg0, %add3A_66, %dma_wait3A_88] : memref<2x10000x128xf32, #tpu.memory_space<hbm>> -> memref<1x128x128xf32, #tpu.memory_space<hbm>>
        %dma_wait3A_90 = tpu.memref_squeeze %dma_wait3A_89 : memref<1x128x128xf32, #tpu.memory_space<hbm>> -> memref<128x128xf32, #tpu.memory_space<hbm>>
        %dma_wait3A_91 = arith.constant 0 : i32
        %dma_wait3A_92 = tpu.memref_slice %arg5[%arg0, %add3A_66, %dma_wait3A_91] : memref<2x10000x128xf32, #tpu.memory_space<hbm>> -> memref<1x128x128xf32, #tpu.memory_space<hbm>>
        %dma_wait3A_93 = tpu.memref_squeeze %dma_wait3A_92 : memref<1x128x128xf32, #tpu.memory_space<hbm>> -> memref<128x128xf32, #tpu.memory_space<hbm>>
        %dma_wait3A_94 = arith.constant 0 : i32
        %dma_wait3A_95 = arith.constant 0 : i32
        %dma_wait3A_96 = tpu.memref_slice %arg8[%dma_wait3A_94, %dma_wait3A_95] : memref<128x128xf32, #tpu.memory_space<vmem>> -> memref<128x128xf32, #tpu.memory_space<vmem>>
        tpu.wait_dma2 semaphore(%run_scoped3A : memref<!tpu.dma_semaphore, #tpu.memory_space<semaphore_mem>>) src(%dma_wait3A_96 : memref<128x128xf32, #tpu.memory_space<vmem>>) dst(%dma_wait3A_93 : memref<128x128xf32, #tpu.memory_space<hbm>>)
        tpu.yield
      }) : () -> ()
      %mul3A_67 = arith.constant 632 : i32
      %mul3A_68 = arith.muli %arg1, %mul3A_67 : i32
      %add3A_69 = arith.constant 384 : i32
      %add3A_70 = arith.addi %mul3A_68, %add3A_69 : i32
      "tpu.region"() ({
        %run_scoped3A = tpu.sem_alloc : memref<!tpu.dma_semaphore, #tpu.memory_space<semaphore_mem>>
        %dma_start3A = arith.constant 0 : i32
        %dma_start3A_75 = arith.constant 0 : i32
        %dma_start3A_76 = tpu.memref_slice %arg8[%dma_start3A, %dma_start3A_75] : memref<128x128xf32, #tpu.memory_space<vmem>> -> memref<128x128xf32, #tpu.memory_space<vmem>>
        %dma_start3A_77 = arith.constant 0 : i32
        %dma_start3A_78 = tpu.memref_slice %arg10[%add3A_70, %dma_start3A_77] : memref<10240x128xf32, #tpu.memory_space<vmem_shared>> -> memref<128x128xf32, #tpu.memory_space<vmem_shared>>
        %dma_start3A_79 = arith.constant 0 : i32
        %dma_start3A_80 = arith.constant 0 : i32
        %dma_start3A_81 = tpu.memref_slice %arg8[%dma_start3A_79, %dma_start3A_80] : memref<128x128xf32, #tpu.memory_space<vmem>> -> memref<128x128xf32, #tpu.memory_space<vmem>>
        %dma_start3A_82 = arith.constant 0 : i32
        %dma_start3A_83 = tpu.memref_slice %arg10[%add3A_70, %dma_start3A_82] : memref<10240x128xf32, #tpu.memory_space<vmem_shared>> -> memref<128x128xf32, #tpu.memory_space<vmem_shared>>
        tpu.enqueue_dma source(%dma_start3A_83 : memref<128x128xf32, #tpu.memory_space<vmem_shared>>) target(%dma_start3A_81 : memref<128x128xf32, #tpu.memory_space<vmem>>) target_semaphore(%run_scoped3A : memref<!tpu.dma_semaphore, #tpu.memory_space<semaphore_mem>>)
        %dma_wait3A = arith.constant 0 : i32
        %dma_wait3A_84 = arith.constant 0 : i32
        %dma_wait3A_85 = tpu.memref_slice %arg8[%dma_wait3A, %dma_wait3A_84] : memref<128x128xf32, #tpu.memory_space<vmem>> -> memref<128x128xf32, #tpu.memory_space<vmem>>
        %dma_wait3A_86 = arith.constant 0 : i32
        %dma_wait3A_87 = tpu.memref_slice %arg10[%add3A_70, %dma_wait3A_86] : memref<10240x128xf32, #tpu.memory_space<vmem_shared>> -> memref<128x128xf32, #tpu.memory_space<vmem_shared>>
        %dma_wait3A_88 = arith.constant 0 : i32
        %dma_wait3A_89 = arith.constant 0 : i32
        %dma_wait3A_90 = tpu.memref_slice %arg8[%dma_wait3A_88, %dma_wait3A_89] : memref<128x128xf32, #tpu.memory_space<vmem>> -> memref<128x128xf32, #tpu.memory_space<vmem>>
        %dma_wait3A_91 = arith.constant 0 : i32
        %dma_wait3A_92 = tpu.memref_slice %arg10[%add3A_70, %dma_wait3A_91] : memref<10240x128xf32, #tpu.memory_space<vmem_shared>> -> memref<128x128xf32, #tpu.memory_space<vmem_shared>>
        tpu.wait_dma2 semaphore(%run_scoped3A : memref<!tpu.dma_semaphore, #tpu.memory_space<semaphore_mem>>) src(%dma_wait3A_92 : memref<128x128xf32, #tpu.memory_space<vmem_shared>>) dst(%dma_wait3A_90 : memref<128x128xf32, #tpu.memory_space<vmem>>)
        tpu.yield
      }) : () -> ()
      "tpu.region"() ({
        %run_scoped3A = tpu.sem_alloc : memref<!tpu.dma_semaphore, #tpu.memory_space<semaphore_mem>>
        %dma_start3A = arith.constant 0 : i32
        %dma_start3A_75 = arith.constant 0 : i32
        %dma_start3A_76 = tpu.memref_slice %arg8[%dma_start3A, %dma_start3A_75] : memref<128x128xf32, #tpu.memory_space<vmem>> -> memref<128x128xf32, #tpu.memory_space<vmem>>
        %dma_start3A_77 = arith.constant 0 : i32
        %dma_start3A_78 = tpu.memref_slice %arg5[%arg0, %add3A_70, %dma_start3A_77] : memref<2x10000x128xf32, #tpu.memory_space<hbm>> -> memref<1x128x128xf32, #tpu.memory_space<hbm>>
        %dma_start3A_79 = tpu.memref_squeeze %dma_start3A_78 : memref<1x128x128xf32, #tpu.memory_space<hbm>> -> memref<128x128xf32, #tpu.memory_space<hbm>>
        %dma_start3A_80 = arith.constant 0 : i32
        %dma_start3A_81 = tpu.memref_slice %arg5[%arg0, %add3A_70, %dma_start3A_80] : memref<2x10000x128xf32, #tpu.memory_space<hbm>> -> memref<1x128x128xf32, #tpu.memory_space<hbm>>
        %dma_start3A_82 = tpu.memref_squeeze %dma_start3A_81 : memref<1x128x128xf32, #tpu.memory_space<hbm>> -> memref<128x128xf32, #tpu.memory_space<hbm>>
        %dma_start3A_83 = arith.constant 0 : i32
        %dma_start3A_84 = arith.constant 0 : i32
        %dma_start3A_85 = tpu.memref_slice %arg8[%dma_start3A_83, %dma_start3A_84] : memref<128x128xf32, #tpu.memory_space<vmem>> -> memref<128x128xf32, #tpu.memory_space<vmem>>
        tpu.enqueue_dma source(%dma_start3A_85 : memref<128x128xf32, #tpu.memory_space<vmem>>) target(%dma_start3A_82 : memref<128x128xf32, #tpu.memory_space<hbm>>) target_semaphore(%run_scoped3A : memref<!tpu.dma_semaphore, #tpu.memory_space<semaphore_mem>>)
        %dma_wait3A = arith.constant 0 : i32
        %dma_wait3A_86 = arith.constant 0 : i32
        %dma_wait3A_87 = tpu.memref_slice %arg8[%dma_wait3A, %dma_wait3A_86] : memref<128x128xf32, #tpu.memory_space<vmem>> -> memref<128x128xf32, #tpu.memory_space<vmem>>
        %dma_wait3A_88 = arith.constant 0 : i32
        %dma_wait3A_89 = tpu.memref_slice %arg5[%arg0, %add3A_70, %dma_wait3A_88] : memref<2x10000x128xf32, #tpu.memory_space<hbm>> -> memref<1x128x128xf32, #tpu.memory_space<hbm>>
        %dma_wait3A_90 = tpu.memref_squeeze %dma_wait3A_89 : memref<1x128x128xf32, #tpu.memory_space<hbm>> -> memref<128x128xf32, #tpu.memory_space<hbm>>
        %dma_wait3A_91 = arith.constant 0 : i32
        %dma_wait3A_92 = tpu.memref_slice %arg5[%arg0, %add3A_70, %dma_wait3A_91] : memref<2x10000x128xf32, #tpu.memory_space<hbm>> -> memref<1x128x128xf32, #tpu.memory_space<hbm>>
        %dma_wait3A_93 = tpu.memref_squeeze %dma_wait3A_92 : memref<1x128x128xf32, #tpu.memory_space<hbm>> -> memref<128x128xf32, #tpu.memory_space<hbm>>
        %dma_wait3A_94 = arith.constant 0 : i32
        %dma_wait3A_95 = arith.constant 0 : i32
        %dma_wait3A_96 = tpu.memref_slice %arg8[%dma_wait3A_94, %dma_wait3A_95] : memref<128x128xf32, #tpu.memory_space<vmem>> -> memref<128x128xf32, #tpu.memory_space<vmem>>
        tpu.wait_dma2 semaphore(%run_scoped3A : memref<!tpu.dma_semaphore, #tpu.memory_space<semaphore_mem>>) src(%dma_wait3A_96 : memref<128x128xf32, #tpu.memory_space<vmem>>) dst(%dma_wait3A_93 : memref<128x128xf32, #tpu.memory_space<hbm>>)
        tpu.yield
      }) : () -> ()
      %mul3A_71 = arith.constant 632 : i32
      %mul3A_72 = arith.muli %arg1, %mul3A_71 : i32
      %add3A_73 = arith.constant 512 : i32
      %add3A_74 = arith.addi %mul3A_72, %add3A_73 : i32
      "tpu.region"() ({
        %run_scoped3A = tpu.sem_alloc : memref<!tpu.dma_semaphore, #tpu.memory_space<semaphore_mem>>
        %dma_start3A = arith.constant 0 : i32
        %dma_start3A_75 = arith.constant 0 : i32
        %dma_start3A_76 = tpu.memref_slice %arg8[%dma_start3A, %dma_start3A_75] : memref<128x128xf32, #tpu.memory_space<vmem>> -> memref<120x128xf32, #tpu.memory_space<vmem>>
        %dma_start3A_77 = arith.constant 0 : i32
        %dma_start3A_78 = tpu.memref_slice %arg10[%add3A_74, %dma_start3A_77] : memref<10240x128xf32, #tpu.memory_space<vmem_shared>> -> memref<120x128xf32, #tpu.memory_space<vmem_shared>>
        %dma_start3A_79 = arith.constant 0 : i32
        %dma_start3A_80 = arith.constant 0 : i32
        %dma_start3A_81 = tpu.memref_slice %arg8[%dma_start3A_79, %dma_start3A_80] : memref<128x128xf32, #tpu.memory_space<vmem>> -> memref<120x128xf32, #tpu.memory_space<vmem>>
        %dma_start3A_82 = arith.constant 0 : i32
        %dma_start3A_83 = tpu.memref_slice %arg10[%add3A_74, %dma_start3A_82] : memref<10240x128xf32, #tpu.memory_space<vmem_shared>> -> memref<120x128xf32, #tpu.memory_space<vmem_shared>>
        tpu.enqueue_dma source(%dma_start3A_83 : memref<120x128xf32, #tpu.memory_space<vmem_shared>>) target(%dma_start3A_81 : memref<120x128xf32, #tpu.memory_space<vmem>>) target_semaphore(%run_scoped3A : memref<!tpu.dma_semaphore, #tpu.memory_space<semaphore_mem>>)
        %dma_wait3A = arith.constant 0 : i32
        %dma_wait3A_84 = arith.constant 0 : i32
        %dma_wait3A_85 = tpu.memref_slice %arg8[%dma_wait3A, %dma_wait3A_84] : memref<128x128xf32, #tpu.memory_space<vmem>> -> memref<120x128xf32, #tpu.memory_space<vmem>>
        %dma_wait3A_86 = arith.constant 0 : i32
        %dma_wait3A_87 = tpu.memref_slice %arg10[%add3A_74, %dma_wait3A_86] : memref<10240x128xf32, #tpu.memory_space<vmem_shared>> -> memref<120x128xf32, #tpu.memory_space<vmem_shared>>
        %dma_wait3A_88 = arith.constant 0 : i32
        %dma_wait3A_89 = arith.constant 0 : i32
        %dma_wait3A_90 = tpu.memref_slice %arg8[%dma_wait3A_88, %dma_wait3A_89] : memref<128x128xf32, #tpu.memory_space<vmem>> -> memref<120x128xf32, #tpu.memory_space<vmem>>
        %dma_wait3A_91 = arith.constant 0 : i32
        %dma_wait3A_92 = tpu.memref_slice %arg10[%add3A_74, %dma_wait3A_91] : memref<10240x128xf32, #tpu.memory_space<vmem_shared>> -> memref<120x128xf32, #tpu.memory_space<vmem_shared>>
        tpu.wait_dma2 semaphore(%run_scoped3A : memref<!tpu.dma_semaphore, #tpu.memory_space<semaphore_mem>>) src(%dma_wait3A_92 : memref<120x128xf32, #tpu.memory_space<vmem_shared>>) dst(%dma_wait3A_90 : memref<120x128xf32, #tpu.memory_space<vmem>>)
        tpu.yield
      }) : () -> ()
      "tpu.region"() ({
        %run_scoped3A = tpu.sem_alloc : memref<!tpu.dma_semaphore, #tpu.memory_space<semaphore_mem>>
        %dma_start3A = arith.constant 0 : i32
        %dma_start3A_75 = arith.constant 0 : i32
        %dma_start3A_76 = tpu.memref_slice %arg8[%dma_start3A, %dma_start3A_75] : memref<128x128xf32, #tpu.memory_space<vmem>> -> memref<120x128xf32, #tpu.memory_space<vmem>>
        %dma_start3A_77 = arith.constant 0 : i32
        %dma_start3A_78 = tpu.memref_slice %arg5[%arg0, %add3A_74, %dma_start3A_77] : memref<2x10000x128xf32, #tpu.memory_space<hbm>> -> memref<1x120x128xf32, #tpu.memory_space<hbm>>
        %dma_start3A_79 = tpu.memref_squeeze %dma_start3A_78 : memref<1x120x128xf32, #tpu.memory_space<hbm>> -> memref<120x128xf32, #tpu.memory_space<hbm>>
        %dma_start3A_80 = arith.constant 0 : i32
        %dma_start3A_81 = tpu.memref_slice %arg5[%arg0, %add3A_74, %dma_start3A_80] : memref<2x10000x128xf32, #tpu.memory_space<hbm>> -> memref<1x120x128xf32, #tpu.memory_space<hbm>>
        %dma_start3A_82 = tpu.memref_squeeze %dma_start3A_81 : memref<1x120x128xf32, #tpu.memory_space<hbm>> -> memref<120x128xf32, #tpu.memory_space<hbm>>
        %dma_start3A_83 = arith.constant 0 : i32
        %dma_start3A_84 = arith.constant 0 : i32
        %dma_start3A_85 = tpu.memref_slice %arg8[%dma_start3A_83, %dma_start3A_84] : memref<128x128xf32, #tpu.memory_space<vmem>> -> memref<120x128xf32, #tpu.memory_space<vmem>>
        tpu.enqueue_dma source(%dma_start3A_85 : memref<120x128xf32, #tpu.memory_space<vmem>>) target(%dma_start3A_82 : memref<120x128xf32, #tpu.memory_space<hbm>>) target_semaphore(%run_scoped3A : memref<!tpu.dma_semaphore, #tpu.memory_space<semaphore_mem>>)
        %dma_wait3A = arith.constant 0 : i32
        %dma_wait3A_86 = arith.constant 0 : i32
        %dma_wait3A_87 = tpu.memref_slice %arg8[%dma_wait3A, %dma_wait3A_86] : memref<128x128xf32, #tpu.memory_space<vmem>> -> memref<120x128xf32, #tpu.memory_space<vmem>>
        %dma_wait3A_88 = arith.constant 0 : i32
        %dma_wait3A_89 = tpu.memref_slice %arg5[%arg0, %add3A_74, %dma_wait3A_88] : memref<2x10000x128xf32, #tpu.memory_space<hbm>> -> memref<1x120x128xf32, #tpu.memory_space<hbm>>
        %dma_wait3A_90 = tpu.memref_squeeze %dma_wait3A_89 : memref<1x120x128xf32, #tpu.memory_space<hbm>> -> memref<120x128xf32, #tpu.memory_space<hbm>>
        %dma_wait3A_91 = arith.constant 0 : i32
        %dma_wait3A_92 = tpu.memref_slice %arg5[%arg0, %add3A_74, %dma_wait3A_91] : memref<2x10000x128xf32, #tpu.memory_space<hbm>> -> memref<1x120x128xf32, #tpu.memory_space<hbm>>
        %dma_wait3A_93 = tpu.memref_squeeze %dma_wait3A_92 : memref<1x120x128xf32, #tpu.memory_space<hbm>> -> memref<120x128xf32, #tpu.memory_space<hbm>>
        %dma_wait3A_94 = arith.constant 0 : i32
        %dma_wait3A_95 = arith.constant 0 : i32
        %dma_wait3A_96 = tpu.memref_slice %arg8[%dma_wait3A_94, %dma_wait3A_95] : memref<128x128xf32, #tpu.memory_space<vmem>> -> memref<120x128xf32, #tpu.memory_space<vmem>>
        tpu.wait_dma2 semaphore(%run_scoped3A : memref<!tpu.dma_semaphore, #tpu.memory_space<semaphore_mem>>) src(%dma_wait3A_96 : memref<120x128xf32, #tpu.memory_space<vmem>>) dst(%dma_wait3A_93 : memref<120x128xf32, #tpu.memory_space<hbm>>)
        tpu.yield
      }) : () -> ()
    } else {
    }
    %eq3A_50 = arith.constant 15 : i32
    %eq3A_51 = arith.cmpi eq, %arg1, %eq3A_50 : i32
    %convert_element_type3A_52 = arith.extui %eq3A_51 : i1 to i32
    %cond3A_53 = arith.constant 0 : i32
    %cond3A_54 = arith.cmpi ne, %convert_element_type3A_52, %cond3A_53 : i32
    scf.if %cond3A_54 {
      "tpu.region"() ({
        %run_scoped3A = tpu.sem_alloc : memref<!tpu.dma_semaphore, #tpu.memory_space<semaphore_mem>>
        %dma_start3A = arith.constant 0 : i32
        %dma_start3A_55 = arith.constant 0 : i32
        %dma_start3A_56 = tpu.memref_slice %arg8[%dma_start3A, %dma_start3A_55] : memref<128x128xf32, #tpu.memory_space<vmem>> -> memref<128x128xf32, #tpu.memory_space<vmem>>
        %dma_start3A_57 = arith.constant 9480 : i32
        %dma_start3A_58 = arith.constant 0 : i32
        %dma_start3A_59 = tpu.memref_slice %arg10[%dma_start3A_57, %dma_start3A_58] : memref<10240x128xf32, #tpu.memory_space<vmem_shared>> -> memref<128x128xf32, #tpu.memory_space<vmem_shared>>
        %dma_start3A_60 = arith.constant 0 : i32
        %dma_start3A_61 = arith.constant 0 : i32
        %dma_start3A_62 = tpu.memref_slice %arg8[%dma_start3A_60, %dma_start3A_61] : memref<128x128xf32, #tpu.memory_space<vmem>> -> memref<128x128xf32, #tpu.memory_space<vmem>>
        %dma_start3A_63 = arith.constant 9480 : i32
        %dma_start3A_64 = arith.constant 0 : i32
        %dma_start3A_65 = tpu.memref_slice %arg10[%dma_start3A_63, %dma_start3A_64] : memref<10240x128xf32, #tpu.memory_space<vmem_shared>> -> memref<128x128xf32, #tpu.memory_space<vmem_shared>>
        tpu.enqueue_dma source(%dma_start3A_65 : memref<128x128xf32, #tpu.memory_space<vmem_shared>>) target(%dma_start3A_62 : memref<128x128xf32, #tpu.memory_space<vmem>>) target_semaphore(%run_scoped3A : memref<!tpu.dma_semaphore, #tpu.memory_space<semaphore_mem>>)
        %dma_wait3A = arith.constant 0 : i32
        %dma_wait3A_66 = arith.constant 0 : i32
        %dma_wait3A_67 = tpu.memref_slice %arg8[%dma_wait3A, %dma_wait3A_66] : memref<128x128xf32, #tpu.memory_space<vmem>> -> memref<128x128xf32, #tpu.memory_space<vmem>>
        %dma_wait3A_68 = arith.constant 9480 : i32
        %dma_wait3A_69 = arith.constant 0 : i32
        %dma_wait3A_70 = tpu.memref_slice %arg10[%dma_wait3A_68, %dma_wait3A_69] : memref<10240x128xf32, #tpu.memory_space<vmem_shared>> -> memref<128x128xf32, #tpu.memory_space<vmem_shared>>
        %dma_wait3A_71 = arith.constant 0 : i32
        %dma_wait3A_72 = arith.constant 0 : i32
        %dma_wait3A_73 = tpu.memref_slice %arg8[%dma_wait3A_71, %dma_wait3A_72] : memref<128x128xf32, #tpu.memory_space<vmem>> -> memref<128x128xf32, #tpu.memory_space<vmem>>
        %dma_wait3A_74 = arith.constant 9480 : i32
        %dma_wait3A_75 = arith.constant 0 : i32
        %dma_wait3A_76 = tpu.memref_slice %arg10[%dma_wait3A_74, %dma_wait3A_75] : memref<10240x128xf32, #tpu.memory_space<vmem_shared>> -> memref<128x128xf32, #tpu.memory_space<vmem_shared>>
        tpu.wait_dma2 semaphore(%run_scoped3A : memref<!tpu.dma_semaphore, #tpu.memory_space<semaphore_mem>>) src(%dma_wait3A_76 : memref<128x128xf32, #tpu.memory_space<vmem_shared>>) dst(%dma_wait3A_73 : memref<128x128xf32, #tpu.memory_space<vmem>>)
        tpu.yield
      }) : () -> ()
      "tpu.region"() ({
        %run_scoped3A = tpu.sem_alloc : memref<!tpu.dma_semaphore, #tpu.memory_space<semaphore_mem>>
        %dma_start3A = arith.constant 0 : i32
        %dma_start3A_55 = arith.constant 0 : i32
        %dma_start3A_56 = tpu.memref_slice %arg8[%dma_start3A, %dma_start3A_55] : memref<128x128xf32, #tpu.memory_space<vmem>> -> memref<128x128xf32, #tpu.memory_space<vmem>>
        %dma_start3A_57 = arith.constant 9480 : i32
        %dma_start3A_58 = arith.constant 0 : i32
        %dma_start3A_59 = tpu.memref_slice %arg5[%arg0, %dma_start3A_57, %dma_start3A_58] : memref<2x10000x128xf32, #tpu.memory_space<hbm>> -> memref<1x128x128xf32, #tpu.memory_space<hbm>>
        %dma_start3A_60 = tpu.memref_squeeze %dma_start3A_59 : memref<1x128x128xf32, #tpu.memory_space<hbm>> -> memref<128x128xf32, #tpu.memory_space<hbm>>
        %dma_start3A_61 = arith.constant 9480 : i32
        %dma_start3A_62 = arith.constant 0 : i32
        %dma_start3A_63 = tpu.memref_slice %arg5[%arg0, %dma_start3A_61, %dma_start3A_62] : memref<2x10000x128xf32, #tpu.memory_space<hbm>> -> memref<1x128x128xf32, #tpu.memory_space<hbm>>
        %dma_start3A_64 = tpu.memref_squeeze %dma_start3A_63 : memref<1x128x128xf32, #tpu.memory_space<hbm>> -> memref<128x128xf32, #tpu.memory_space<hbm>>
        %dma_start3A_65 = arith.constant 0 : i32
        %dma_start3A_66 = arith.constant 0 : i32
        %dma_start3A_67 = tpu.memref_slice %arg8[%dma_start3A_65, %dma_start3A_66] : memref<128x128xf32, #tpu.memory_space<vmem>> -> memref<128x128xf32, #tpu.memory_space<vmem>>
        tpu.enqueue_dma source(%dma_start3A_67 : memref<128x128xf32, #tpu.memory_space<vmem>>) target(%dma_start3A_64 : memref<128x128xf32, #tpu.memory_space<hbm>>) target_semaphore(%run_scoped3A : memref<!tpu.dma_semaphore, #tpu.memory_space<semaphore_mem>>)
        %dma_wait3A = arith.constant 0 : i32
        %dma_wait3A_68 = arith.constant 0 : i32
        %dma_wait3A_69 = tpu.memref_slice %arg8[%dma_wait3A, %dma_wait3A_68] : memref<128x128xf32, #tpu.memory_space<vmem>> -> memref<128x128xf32, #tpu.memory_space<vmem>>
        %dma_wait3A_70 = arith.constant 9480 : i32
        %dma_wait3A_71 = arith.constant 0 : i32
        %dma_wait3A_72 = tpu.memref_slice %arg5[%arg0, %dma_wait3A_70, %dma_wait3A_71] : memref<2x10000x128xf32, #tpu.memory_space<hbm>> -> memref<1x128x128xf32, #tpu.memory_space<hbm>>
        %dma_wait3A_73 = tpu.memref_squeeze %dma_wait3A_72 : memref<1x128x128xf32, #tpu.memory_space<hbm>> -> memref<128x128xf32, #tpu.memory_space<hbm>>
        %dma_wait3A_74 = arith.constant 9480 : i32
        %dma_wait3A_75 = arith.constant 0 : i32
        %dma_wait3A_76 = tpu.memref_slice %arg5[%arg0, %dma_wait3A_74, %dma_wait3A_75] : memref<2x10000x128xf32, #tpu.memory_space<hbm>> -> memref<1x128x128xf32, #tpu.memory_space<hbm>>
        %dma_wait3A_77 = tpu.memref_squeeze %dma_wait3A_76 : memref<1x128x128xf32, #tpu.memory_space<hbm>> -> memref<128x128xf32, #tpu.memory_space<hbm>>
        %dma_wait3A_78 = arith.constant 0 : i32
        %dma_wait3A_79 = arith.constant 0 : i32
        %dma_wait3A_80 = tpu.memref_slice %arg8[%dma_wait3A_78, %dma_wait3A_79] : memref<128x128xf32, #tpu.memory_space<vmem>> -> memref<128x128xf32, #tpu.memory_space<vmem>>
        tpu.wait_dma2 semaphore(%run_scoped3A : memref<!tpu.dma_semaphore, #tpu.memory_space<semaphore_mem>>) src(%dma_wait3A_80 : memref<128x128xf32, #tpu.memory_space<vmem>>) dst(%dma_wait3A_77 : memref<128x128xf32, #tpu.memory_space<hbm>>)
        tpu.yield
      }) : () -> ()
      "tpu.region"() ({
        %run_scoped3A = tpu.sem_alloc : memref<!tpu.dma_semaphore, #tpu.memory_space<semaphore_mem>>
        %dma_start3A = arith.constant 0 : i32
        %dma_start3A_55 = arith.constant 0 : i32
        %dma_start3A_56 = tpu.memref_slice %arg8[%dma_start3A, %dma_start3A_55] : memref<128x128xf32, #tpu.memory_space<vmem>> -> memref<128x128xf32, #tpu.memory_space<vmem>>
        %dma_start3A_57 = arith.constant 9608 : i32
        %dma_start3A_58 = arith.constant 0 : i32
        %dma_start3A_59 = tpu.memref_slice %arg10[%dma_start3A_57, %dma_start3A_58] : memref<10240x128xf32, #tpu.memory_space<vmem_shared>> -> memref<128x128xf32, #tpu.memory_space<vmem_shared>>
        %dma_start3A_60 = arith.constant 0 : i32
        %dma_start3A_61 = arith.constant 0 : i32
        %dma_start3A_62 = tpu.memref_slice %arg8[%dma_start3A_60, %dma_start3A_61] : memref<128x128xf32, #tpu.memory_space<vmem>> -> memref<128x128xf32, #tpu.memory_space<vmem>>
        %dma_start3A_63 = arith.constant 9608 : i32
        %dma_start3A_64 = arith.constant 0 : i32
        %dma_start3A_65 = tpu.memref_slice %arg10[%dma_start3A_63, %dma_start3A_64] : memref<10240x128xf32, #tpu.memory_space<vmem_shared>> -> memref<128x128xf32, #tpu.memory_space<vmem_shared>>
        tpu.enqueue_dma source(%dma_start3A_65 : memref<128x128xf32, #tpu.memory_space<vmem_shared>>) target(%dma_start3A_62 : memref<128x128xf32, #tpu.memory_space<vmem>>) target_semaphore(%run_scoped3A : memref<!tpu.dma_semaphore, #tpu.memory_space<semaphore_mem>>)
        %dma_wait3A = arith.constant 0 : i32
        %dma_wait3A_66 = arith.constant 0 : i32
        %dma_wait3A_67 = tpu.memref_slice %arg8[%dma_wait3A, %dma_wait3A_66] : memref<128x128xf32, #tpu.memory_space<vmem>> -> memref<128x128xf32, #tpu.memory_space<vmem>>
        %dma_wait3A_68 = arith.constant 9608 : i32
        %dma_wait3A_69 = arith.constant 0 : i32
        %dma_wait3A_70 = tpu.memref_slice %arg10[%dma_wait3A_68, %dma_wait3A_69] : memref<10240x128xf32, #tpu.memory_space<vmem_shared>> -> memref<128x128xf32, #tpu.memory_space<vmem_shared>>
        %dma_wait3A_71 = arith.constant 0 : i32
        %dma_wait3A_72 = arith.constant 0 : i32
        %dma_wait3A_73 = tpu.memref_slice %arg8[%dma_wait3A_71, %dma_wait3A_72] : memref<128x128xf32, #tpu.memory_space<vmem>> -> memref<128x128xf32, #tpu.memory_space<vmem>>
        %dma_wait3A_74 = arith.constant 9608 : i32
        %dma_wait3A_75 = arith.constant 0 : i32
        %dma_wait3A_76 = tpu.memref_slice %arg10[%dma_wait3A_74, %dma_wait3A_75] : memref<10240x128xf32, #tpu.memory_space<vmem_shared>> -> memref<128x128xf32, #tpu.memory_space<vmem_shared>>
        tpu.wait_dma2 semaphore(%run_scoped3A : memref<!tpu.dma_semaphore, #tpu.memory_space<semaphore_mem>>) src(%dma_wait3A_76 : memref<128x128xf32, #tpu.memory_space<vmem_shared>>) dst(%dma_wait3A_73 : memref<128x128xf32, #tpu.memory_space<vmem>>)
        tpu.yield
      }) : () -> ()
      "tpu.region"() ({
        %run_scoped3A = tpu.sem_alloc : memref<!tpu.dma_semaphore, #tpu.memory_space<semaphore_mem>>
        %dma_start3A = arith.constant 0 : i32
        %dma_start3A_55 = arith.constant 0 : i32
        %dma_start3A_56 = tpu.memref_slice %arg8[%dma_start3A, %dma_start3A_55] : memref<128x128xf32, #tpu.memory_space<vmem>> -> memref<128x128xf32, #tpu.memory_space<vmem>>
        %dma_start3A_57 = arith.constant 9608 : i32
        %dma_start3A_58 = arith.constant 0 : i32
        %dma_start3A_59 = tpu.memref_slice %arg5[%arg0, %dma_start3A_57, %dma_start3A_58] : memref<2x10000x128xf32, #tpu.memory_space<hbm>> -> memref<1x128x128xf32, #tpu.memory_space<hbm>>
        %dma_start3A_60 = tpu.memref_squeeze %dma_start3A_59 : memref<1x128x128xf32, #tpu.memory_space<hbm>> -> memref<128x128xf32, #tpu.memory_space<hbm>>
        %dma_start3A_61 = arith.constant 9608 : i32
        %dma_start3A_62 = arith.constant 0 : i32
        %dma_start3A_63 = tpu.memref_slice %arg5[%arg0, %dma_start3A_61, %dma_start3A_62] : memref<2x10000x128xf32, #tpu.memory_space<hbm>> -> memref<1x128x128xf32, #tpu.memory_space<hbm>>
        %dma_start3A_64 = tpu.memref_squeeze %dma_start3A_63 : memref<1x128x128xf32, #tpu.memory_space<hbm>> -> memref<128x128xf32, #tpu.memory_space<hbm>>
        %dma_start3A_65 = arith.constant 0 : i32
        %dma_start3A_66 = arith.constant 0 : i32
        %dma_start3A_67 = tpu.memref_slice %arg8[%dma_start3A_65, %dma_start3A_66] : memref<128x128xf32, #tpu.memory_space<vmem>> -> memref<128x128xf32, #tpu.memory_space<vmem>>
        tpu.enqueue_dma source(%dma_start3A_67 : memref<128x128xf32, #tpu.memory_space<vmem>>) target(%dma_start3A_64 : memref<128x128xf32, #tpu.memory_space<hbm>>) target_semaphore(%run_scoped3A : memref<!tpu.dma_semaphore, #tpu.memory_space<semaphore_mem>>)
        %dma_wait3A = arith.constant 0 : i32
        %dma_wait3A_68 = arith.constant 0 : i32
        %dma_wait3A_69 = tpu.memref_slice %arg8[%dma_wait3A, %dma_wait3A_68] : memref<128x128xf32, #tpu.memory_space<vmem>> -> memref<128x128xf32, #tpu.memory_space<vmem>>
        %dma_wait3A_70 = arith.constant 9608 : i32
        %dma_wait3A_71 = arith.constant 0 : i32
        %dma_wait3A_72 = tpu.memref_slice %arg5[%arg0, %dma_wait3A_70, %dma_wait3A_71] : memref<2x10000x128xf32, #tpu.memory_space<hbm>> -> memref<1x128x128xf32, #tpu.memory_space<hbm>>
        %dma_wait3A_73 = tpu.memref_squeeze %dma_wait3A_72 : memref<1x128x128xf32, #tpu.memory_space<hbm>> -> memref<128x128xf32, #tpu.memory_space<hbm>>
        %dma_wait3A_74 = arith.constant 9608 : i32
        %dma_wait3A_75 = arith.constant 0 : i32
        %dma_wait3A_76 = tpu.memref_slice %arg5[%arg0, %dma_wait3A_74, %dma_wait3A_75] : memref<2x10000x128xf32, #tpu.memory_space<hbm>> -> memref<1x128x128xf32, #tpu.memory_space<hbm>>
        %dma_wait3A_77 = tpu.memref_squeeze %dma_wait3A_76 : memref<1x128x128xf32, #tpu.memory_space<hbm>> -> memref<128x128xf32, #tpu.memory_space<hbm>>
        %dma_wait3A_78 = arith.constant 0 : i32
        %dma_wait3A_79 = arith.constant 0 : i32
        %dma_wait3A_80 = tpu.memref_slice %arg8[%dma_wait3A_78, %dma_wait3A_79] : memref<128x128xf32, #tpu.memory_space<vmem>> -> memref<128x128xf32, #tpu.memory_space<vmem>>
        tpu.wait_dma2 semaphore(%run_scoped3A : memref<!tpu.dma_semaphore, #tpu.memory_space<semaphore_mem>>) src(%dma_wait3A_80 : memref<128x128xf32, #tpu.memory_space<vmem>>) dst(%dma_wait3A_77 : memref<128x128xf32, #tpu.memory_space<hbm>>)
        tpu.yield
      }) : () -> ()
      "tpu.region"() ({
        %run_scoped3A = tpu.sem_alloc : memref<!tpu.dma_semaphore, #tpu.memory_space<semaphore_mem>>
        %dma_start3A = arith.constant 0 : i32
        %dma_start3A_55 = arith.constant 0 : i32
        %dma_start3A_56 = tpu.memref_slice %arg8[%dma_start3A, %dma_start3A_55] : memref<128x128xf32, #tpu.memory_space<vmem>> -> memref<128x128xf32, #tpu.memory_space<vmem>>
        %dma_start3A_57 = arith.constant 9736 : i32
        %dma_start3A_58 = arith.constant 0 : i32
        %dma_start3A_59 = tpu.memref_slice %arg10[%dma_start3A_57, %dma_start3A_58] : memref<10240x128xf32, #tpu.memory_space<vmem_shared>> -> memref<128x128xf32, #tpu.memory_space<vmem_shared>>
        %dma_start3A_60 = arith.constant 0 : i32
        %dma_start3A_61 = arith.constant 0 : i32
        %dma_start3A_62 = tpu.memref_slice %arg8[%dma_start3A_60, %dma_start3A_61] : memref<128x128xf32, #tpu.memory_space<vmem>> -> memref<128x128xf32, #tpu.memory_space<vmem>>
        %dma_start3A_63 = arith.constant 9736 : i32
        %dma_start3A_64 = arith.constant 0 : i32
        %dma_start3A_65 = tpu.memref_slice %arg10[%dma_start3A_63, %dma_start3A_64] : memref<10240x128xf32, #tpu.memory_space<vmem_shared>> -> memref<128x128xf32, #tpu.memory_space<vmem_shared>>
        tpu.enqueue_dma source(%dma_start3A_65 : memref<128x128xf32, #tpu.memory_space<vmem_shared>>) target(%dma_start3A_62 : memref<128x128xf32, #tpu.memory_space<vmem>>) target_semaphore(%run_scoped3A : memref<!tpu.dma_semaphore, #tpu.memory_space<semaphore_mem>>)
        %dma_wait3A = arith.constant 0 : i32
        %dma_wait3A_66 = arith.constant 0 : i32
        %dma_wait3A_67 = tpu.memref_slice %arg8[%dma_wait3A, %dma_wait3A_66] : memref<128x128xf32, #tpu.memory_space<vmem>> -> memref<128x128xf32, #tpu.memory_space<vmem>>
        %dma_wait3A_68 = arith.constant 9736 : i32
        %dma_wait3A_69 = arith.constant 0 : i32
        %dma_wait3A_70 = tpu.memref_slice %arg10[%dma_wait3A_68, %dma_wait3A_69] : memref<10240x128xf32, #tpu.memory_space<vmem_shared>> -> memref<128x128xf32, #tpu.memory_space<vmem_shared>>
        %dma_wait3A_71 = arith.constant 0 : i32
        %dma_wait3A_72 = arith.constant 0 : i32
        %dma_wait3A_73 = tpu.memref_slice %arg8[%dma_wait3A_71, %dma_wait3A_72] : memref<128x128xf32, #tpu.memory_space<vmem>> -> memref<128x128xf32, #tpu.memory_space<vmem>>
        %dma_wait3A_74 = arith.constant 9736 : i32
        %dma_wait3A_75 = arith.constant 0 : i32
        %dma_wait3A_76 = tpu.memref_slice %arg10[%dma_wait3A_74, %dma_wait3A_75] : memref<10240x128xf32, #tpu.memory_space<vmem_shared>> -> memref<128x128xf32, #tpu.memory_space<vmem_shared>>
        tpu.wait_dma2 semaphore(%run_scoped3A : memref<!tpu.dma_semaphore, #tpu.memory_space<semaphore_mem>>) src(%dma_wait3A_76 : memref<128x128xf32, #tpu.memory_space<vmem_shared>>) dst(%dma_wait3A_73 : memref<128x128xf32, #tpu.memory_space<vmem>>)
        tpu.yield
      }) : () -> ()
      "tpu.region"() ({
        %run_scoped3A = tpu.sem_alloc : memref<!tpu.dma_semaphore, #tpu.memory_space<semaphore_mem>>
        %dma_start3A = arith.constant 0 : i32
        %dma_start3A_55 = arith.constant 0 : i32
        %dma_start3A_56 = tpu.memref_slice %arg8[%dma_start3A, %dma_start3A_55] : memref<128x128xf32, #tpu.memory_space<vmem>> -> memref<128x128xf32, #tpu.memory_space<vmem>>
        %dma_start3A_57 = arith.constant 9736 : i32
        %dma_start3A_58 = arith.constant 0 : i32
        %dma_start3A_59 = tpu.memref_slice %arg5[%arg0, %dma_start3A_57, %dma_start3A_58] : memref<2x10000x128xf32, #tpu.memory_space<hbm>> -> memref<1x128x128xf32, #tpu.memory_space<hbm>>
        %dma_start3A_60 = tpu.memref_squeeze %dma_start3A_59 : memref<1x128x128xf32, #tpu.memory_space<hbm>> -> memref<128x128xf32, #tpu.memory_space<hbm>>
        %dma_start3A_61 = arith.constant 9736 : i32
        %dma_start3A_62 = arith.constant 0 : i32
        %dma_start3A_63 = tpu.memref_slice %arg5[%arg0, %dma_start3A_61, %dma_start3A_62] : memref<2x10000x128xf32, #tpu.memory_space<hbm>> -> memref<1x128x128xf32, #tpu.memory_space<hbm>>
        %dma_start3A_64 = tpu.memref_squeeze %dma_start3A_63 : memref<1x128x128xf32, #tpu.memory_space<hbm>> -> memref<128x128xf32, #tpu.memory_space<hbm>>
        %dma_start3A_65 = arith.constant 0 : i32
        %dma_start3A_66 = arith.constant 0 : i32
        %dma_start3A_67 = tpu.memref_slice %arg8[%dma_start3A_65, %dma_start3A_66] : memref<128x128xf32, #tpu.memory_space<vmem>> -> memref<128x128xf32, #tpu.memory_space<vmem>>
        tpu.enqueue_dma source(%dma_start3A_67 : memref<128x128xf32, #tpu.memory_space<vmem>>) target(%dma_start3A_64 : memref<128x128xf32, #tpu.memory_space<hbm>>) target_semaphore(%run_scoped3A : memref<!tpu.dma_semaphore, #tpu.memory_space<semaphore_mem>>)
        %dma_wait3A = arith.constant 0 : i32
        %dma_wait3A_68 = arith.constant 0 : i32
        %dma_wait3A_69 = tpu.memref_slice %arg8[%dma_wait3A, %dma_wait3A_68] : memref<128x128xf32, #tpu.memory_space<vmem>> -> memref<128x128xf32, #tpu.memory_space<vmem>>
        %dma_wait3A_70 = arith.constant 9736 : i32
        %dma_wait3A_71 = arith.constant 0 : i32
        %dma_wait3A_72 = tpu.memref_slice %arg5[%arg0, %dma_wait3A_70, %dma_wait3A_71] : memref<2x10000x128xf32, #tpu.memory_space<hbm>> -> memref<1x128x128xf32, #tpu.memory_space<hbm>>
        %dma_wait3A_73 = tpu.memref_squeeze %dma_wait3A_72 : memref<1x128x128xf32, #tpu.memory_space<hbm>> -> memref<128x128xf32, #tpu.memory_space<hbm>>
        %dma_wait3A_74 = arith.constant 9736 : i32
        %dma_wait3A_75 = arith.constant 0 : i32
        %dma_wait3A_76 = tpu.memref_slice %arg5[%arg0, %dma_wait3A_74, %dma_wait3A_75] : memref<2x10000x128xf32, #tpu.memory_space<hbm>> -> memref<1x128x128xf32, #tpu.memory_space<hbm>>
        %dma_wait3A_77 = tpu.memref_squeeze %dma_wait3A_76 : memref<1x128x128xf32, #tpu.memory_space<hbm>> -> memref<128x128xf32, #tpu.memory_space<hbm>>
        %dma_wait3A_78 = arith.constant 0 : i32
        %dma_wait3A_79 = arith.constant 0 : i32
        %dma_wait3A_80 = tpu.memref_slice %arg8[%dma_wait3A_78, %dma_wait3A_79] : memref<128x128xf32, #tpu.memory_space<vmem>> -> memref<128x128xf32, #tpu.memory_space<vmem>>
        tpu.wait_dma2 semaphore(%run_scoped3A : memref<!tpu.dma_semaphore, #tpu.memory_space<semaphore_mem>>) src(%dma_wait3A_80 : memref<128x128xf32, #tpu.memory_space<vmem>>) dst(%dma_wait3A_77 : memref<128x128xf32, #tpu.memory_space<hbm>>)
        tpu.yield
      }) : () -> ()
      "tpu.region"() ({
        %run_scoped3A = tpu.sem_alloc : memref<!tpu.dma_semaphore, #tpu.memory_space<semaphore_mem>>
        %dma_start3A = arith.constant 0 : i32
        %dma_start3A_55 = arith.constant 0 : i32
        %dma_start3A_56 = tpu.memref_slice %arg8[%dma_start3A, %dma_start3A_55] : memref<128x128xf32, #tpu.memory_space<vmem>> -> memref<128x128xf32, #tpu.memory_space<vmem>>
        %dma_start3A_57 = arith.constant 9864 : i32
        %dma_start3A_58 = arith.constant 0 : i32
        %dma_start3A_59 = tpu.memref_slice %arg10[%dma_start3A_57, %dma_start3A_58] : memref<10240x128xf32, #tpu.memory_space<vmem_shared>> -> memref<128x128xf32, #tpu.memory_space<vmem_shared>>
        %dma_start3A_60 = arith.constant 0 : i32
        %dma_start3A_61 = arith.constant 0 : i32
        %dma_start3A_62 = tpu.memref_slice %arg8[%dma_start3A_60, %dma_start3A_61] : memref<128x128xf32, #tpu.memory_space<vmem>> -> memref<128x128xf32, #tpu.memory_space<vmem>>
        %dma_start3A_63 = arith.constant 9864 : i32
        %dma_start3A_64 = arith.constant 0 : i32
        %dma_start3A_65 = tpu.memref_slice %arg10[%dma_start3A_63, %dma_start3A_64] : memref<10240x128xf32, #tpu.memory_space<vmem_shared>> -> memref<128x128xf32, #tpu.memory_space<vmem_shared>>
        tpu.enqueue_dma source(%dma_start3A_65 : memref<128x128xf32, #tpu.memory_space<vmem_shared>>) target(%dma_start3A_62 : memref<128x128xf32, #tpu.memory_space<vmem>>) target_semaphore(%run_scoped3A : memref<!tpu.dma_semaphore, #tpu.memory_space<semaphore_mem>>)
        %dma_wait3A = arith.constant 0 : i32
        %dma_wait3A_66 = arith.constant 0 : i32
        %dma_wait3A_67 = tpu.memref_slice %arg8[%dma_wait3A, %dma_wait3A_66] : memref<128x128xf32, #tpu.memory_space<vmem>> -> memref<128x128xf32, #tpu.memory_space<vmem>>
        %dma_wait3A_68 = arith.constant 9864 : i32
        %dma_wait3A_69 = arith.constant 0 : i32
        %dma_wait3A_70 = tpu.memref_slice %arg10[%dma_wait3A_68, %dma_wait3A_69] : memref<10240x128xf32, #tpu.memory_space<vmem_shared>> -> memref<128x128xf32, #tpu.memory_space<vmem_shared>>
        %dma_wait3A_71 = arith.constant 0 : i32
        %dma_wait3A_72 = arith.constant 0 : i32
        %dma_wait3A_73 = tpu.memref_slice %arg8[%dma_wait3A_71, %dma_wait3A_72] : memref<128x128xf32, #tpu.memory_space<vmem>> -> memref<128x128xf32, #tpu.memory_space<vmem>>
        %dma_wait3A_74 = arith.constant 9864 : i32
        %dma_wait3A_75 = arith.constant 0 : i32
        %dma_wait3A_76 = tpu.memref_slice %arg10[%dma_wait3A_74, %dma_wait3A_75] : memref<10240x128xf32, #tpu.memory_space<vmem_shared>> -> memref<128x128xf32, #tpu.memory_space<vmem_shared>>
        tpu.wait_dma2 semaphore(%run_scoped3A : memref<!tpu.dma_semaphore, #tpu.memory_space<semaphore_mem>>) src(%dma_wait3A_76 : memref<128x128xf32, #tpu.memory_space<vmem_shared>>) dst(%dma_wait3A_73 : memref<128x128xf32, #tpu.memory_space<vmem>>)
        tpu.yield
      }) : () -> ()
      "tpu.region"() ({
        %run_scoped3A = tpu.sem_alloc : memref<!tpu.dma_semaphore, #tpu.memory_space<semaphore_mem>>
        %dma_start3A = arith.constant 0 : i32
        %dma_start3A_55 = arith.constant 0 : i32
        %dma_start3A_56 = tpu.memref_slice %arg8[%dma_start3A, %dma_start3A_55] : memref<128x128xf32, #tpu.memory_space<vmem>> -> memref<128x128xf32, #tpu.memory_space<vmem>>
        %dma_start3A_57 = arith.constant 9864 : i32
        %dma_start3A_58 = arith.constant 0 : i32
        %dma_start3A_59 = tpu.memref_slice %arg5[%arg0, %dma_start3A_57, %dma_start3A_58] : memref<2x10000x128xf32, #tpu.memory_space<hbm>> -> memref<1x128x128xf32, #tpu.memory_space<hbm>>
        %dma_start3A_60 = tpu.memref_squeeze %dma_start3A_59 : memref<1x128x128xf32, #tpu.memory_space<hbm>> -> memref<128x128xf32, #tpu.memory_space<hbm>>
        %dma_start3A_61 = arith.constant 9864 : i32
        %dma_start3A_62 = arith.constant 0 : i32
        %dma_start3A_63 = tpu.memref_slice %arg5[%arg0, %dma_start3A_61, %dma_start3A_62] : memref<2x10000x128xf32, #tpu.memory_space<hbm>> -> memref<1x128x128xf32, #tpu.memory_space<hbm>>
        %dma_start3A_64 = tpu.memref_squeeze %dma_start3A_63 : memref<1x128x128xf32, #tpu.memory_space<hbm>> -> memref<128x128xf32, #tpu.memory_space<hbm>>
        %dma_start3A_65 = arith.constant 0 : i32
        %dma_start3A_66 = arith.constant 0 : i32
        %dma_start3A_67 = tpu.memref_slice %arg8[%dma_start3A_65, %dma_start3A_66] : memref<128x128xf32, #tpu.memory_space<vmem>> -> memref<128x128xf32, #tpu.memory_space<vmem>>
        tpu.enqueue_dma source(%dma_start3A_67 : memref<128x128xf32, #tpu.memory_space<vmem>>) target(%dma_start3A_64 : memref<128x128xf32, #tpu.memory_space<hbm>>) target_semaphore(%run_scoped3A : memref<!tpu.dma_semaphore, #tpu.memory_space<semaphore_mem>>)
        %dma_wait3A = arith.constant 0 : i32
        %dma_wait3A_68 = arith.constant 0 : i32
        %dma_wait3A_69 = tpu.memref_slice %arg8[%dma_wait3A, %dma_wait3A_68] : memref<128x128xf32, #tpu.memory_space<vmem>> -> memref<128x128xf32, #tpu.memory_space<vmem>>
        %dma_wait3A_70 = arith.constant 9864 : i32
        %dma_wait3A_71 = arith.constant 0 : i32
        %dma_wait3A_72 = tpu.memref_slice %arg5[%arg0, %dma_wait3A_70, %dma_wait3A_71] : memref<2x10000x128xf32, #tpu.memory_space<hbm>> -> memref<1x128x128xf32, #tpu.memory_space<hbm>>
        %dma_wait3A_73 = tpu.memref_squeeze %dma_wait3A_72 : memref<1x128x128xf32, #tpu.memory_space<hbm>> -> memref<128x128xf32, #tpu.memory_space<hbm>>
        %dma_wait3A_74 = arith.constant 9864 : i32
        %dma_wait3A_75 = arith.constant 0 : i32
        %dma_wait3A_76 = tpu.memref_slice %arg5[%arg0, %dma_wait3A_74, %dma_wait3A_75] : memref<2x10000x128xf32, #tpu.memory_space<hbm>> -> memref<1x128x128xf32, #tpu.memory_space<hbm>>
        %dma_wait3A_77 = tpu.memref_squeeze %dma_wait3A_76 : memref<1x128x128xf32, #tpu.memory_space<hbm>> -> memref<128x128xf32, #tpu.memory_space<hbm>>
        %dma_wait3A_78 = arith.constant 0 : i32
        %dma_wait3A_79 = arith.constant 0 : i32
        %dma_wait3A_80 = tpu.memref_slice %arg8[%dma_wait3A_78, %dma_wait3A_79] : memref<128x128xf32, #tpu.memory_space<vmem>> -> memref<128x128xf32, #tpu.memory_space<vmem>>
        tpu.wait_dma2 semaphore(%run_scoped3A : memref<!tpu.dma_semaphore, #tpu.memory_space<semaphore_mem>>) src(%dma_wait3A_80 : memref<128x128xf32, #tpu.memory_space<vmem>>) dst(%dma_wait3A_77 : memref<128x128xf32, #tpu.memory_space<hbm>>)
        tpu.yield
      }) : () -> ()
      "tpu.region"() ({
        %run_scoped3A = tpu.sem_alloc : memref<!tpu.dma_semaphore, #tpu.memory_space<semaphore_mem>>
        %dma_start3A = arith.constant 0 : i32
        %dma_start3A_55 = arith.constant 0 : i32
        %dma_start3A_56 = tpu.memref_slice %arg8[%dma_start3A, %dma_start3A_55] : memref<128x128xf32, #tpu.memory_space<vmem>> -> memref<8x128xf32, #tpu.memory_space<vmem>>
        %dma_start3A_57 = arith.constant 9992 : i32
        %dma_start3A_58 = arith.constant 0 : i32
        %dma_start3A_59 = tpu.memref_slice %arg10[%dma_start3A_57, %dma_start3A_58] : memref<10240x128xf32, #tpu.memory_space<vmem_shared>> -> memref<8x128xf32, #tpu.memory_space<vmem_shared>>
        %dma_start3A_60 = arith.constant 0 : i32
        %dma_start3A_61 = arith.constant 0 : i32
        %dma_start3A_62 = tpu.memref_slice %arg8[%dma_start3A_60, %dma_start3A_61] : memref<128x128xf32, #tpu.memory_space<vmem>> -> memref<8x128xf32, #tpu.memory_space<vmem>>
        %dma_start3A_63 = arith.constant 9992 : i32
        %dma_start3A_64 = arith.constant 0 : i32
        %dma_start3A_65 = tpu.memref_slice %arg10[%dma_start3A_63, %dma_start3A_64] : memref<10240x128xf32, #tpu.memory_space<vmem_shared>> -> memref<8x128xf32, #tpu.memory_space<vmem_shared>>
        tpu.enqueue_dma source(%dma_start3A_65 : memref<8x128xf32, #tpu.memory_space<vmem_shared>>) target(%dma_start3A_62 : memref<8x128xf32, #tpu.memory_space<vmem>>) target_semaphore(%run_scoped3A : memref<!tpu.dma_semaphore, #tpu.memory_space<semaphore_mem>>)
        %dma_wait3A = arith.constant 0 : i32
        %dma_wait3A_66 = arith.constant 0 : i32
        %dma_wait3A_67 = tpu.memref_slice %arg8[%dma_wait3A, %dma_wait3A_66] : memref<128x128xf32, #tpu.memory_space<vmem>> -> memref<8x128xf32, #tpu.memory_space<vmem>>
        %dma_wait3A_68 = arith.constant 9992 : i32
        %dma_wait3A_69 = arith.constant 0 : i32
        %dma_wait3A_70 = tpu.memref_slice %arg10[%dma_wait3A_68, %dma_wait3A_69] : memref<10240x128xf32, #tpu.memory_space<vmem_shared>> -> memref<8x128xf32, #tpu.memory_space<vmem_shared>>
        %dma_wait3A_71 = arith.constant 0 : i32
        %dma_wait3A_72 = arith.constant 0 : i32
        %dma_wait3A_73 = tpu.memref_slice %arg8[%dma_wait3A_71, %dma_wait3A_72] : memref<128x128xf32, #tpu.memory_space<vmem>> -> memref<8x128xf32, #tpu.memory_space<vmem>>
        %dma_wait3A_74 = arith.constant 9992 : i32
        %dma_wait3A_75 = arith.constant 0 : i32
        %dma_wait3A_76 = tpu.memref_slice %arg10[%dma_wait3A_74, %dma_wait3A_75] : memref<10240x128xf32, #tpu.memory_space<vmem_shared>> -> memref<8x128xf32, #tpu.memory_space<vmem_shared>>
        tpu.wait_dma2 semaphore(%run_scoped3A : memref<!tpu.dma_semaphore, #tpu.memory_space<semaphore_mem>>) src(%dma_wait3A_76 : memref<8x128xf32, #tpu.memory_space<vmem_shared>>) dst(%dma_wait3A_73 : memref<8x128xf32, #tpu.memory_space<vmem>>)
        tpu.yield
      }) : () -> ()
      "tpu.region"() ({
        %run_scoped3A = tpu.sem_alloc : memref<!tpu.dma_semaphore, #tpu.memory_space<semaphore_mem>>
        %dma_start3A = arith.constant 0 : i32
        %dma_start3A_55 = arith.constant 0 : i32
        %dma_start3A_56 = tpu.memref_slice %arg8[%dma_start3A, %dma_start3A_55] : memref<128x128xf32, #tpu.memory_space<vmem>> -> memref<8x128xf32, #tpu.memory_space<vmem>>
        %dma_start3A_57 = arith.constant 9992 : i32
        %dma_start3A_58 = arith.constant 0 : i32
        %dma_start3A_59 = tpu.memref_slice %arg5[%arg0, %dma_start3A_57, %dma_start3A_58] : memref<2x10000x128xf32, #tpu.memory_space<hbm>> -> memref<1x8x128xf32, #tpu.memory_space<hbm>>
        %dma_start3A_60 = tpu.memref_squeeze %dma_start3A_59 : memref<1x8x128xf32, #tpu.memory_space<hbm>> -> memref<8x128xf32, #tpu.memory_space<hbm>>
        %dma_start3A_61 = arith.constant 9992 : i32
        %dma_start3A_62 = arith.constant 0 : i32
        %dma_start3A_63 = tpu.memref_slice %arg5[%arg0, %dma_start3A_61, %dma_start3A_62] : memref<2x10000x128xf32, #tpu.memory_space<hbm>> -> memref<1x8x128xf32, #tpu.memory_space<hbm>>
        %dma_start3A_64 = tpu.memref_squeeze %dma_start3A_63 : memref<1x8x128xf32, #tpu.memory_space<hbm>> -> memref<8x128xf32, #tpu.memory_space<hbm>>
        %dma_start3A_65 = arith.constant 0 : i32
        %dma_start3A_66 = arith.constant 0 : i32
        %dma_start3A_67 = tpu.memref_slice %arg8[%dma_start3A_65, %dma_start3A_66] : memref<128x128xf32, #tpu.memory_space<vmem>> -> memref<8x128xf32, #tpu.memory_space<vmem>>
        tpu.enqueue_dma source(%dma_start3A_67 : memref<8x128xf32, #tpu.memory_space<vmem>>) target(%dma_start3A_64 : memref<8x128xf32, #tpu.memory_space<hbm>>) target_semaphore(%run_scoped3A : memref<!tpu.dma_semaphore, #tpu.memory_space<semaphore_mem>>)
        %dma_wait3A = arith.constant 0 : i32
        %dma_wait3A_68 = arith.constant 0 : i32
        %dma_wait3A_69 = tpu.memref_slice %arg8[%dma_wait3A, %dma_wait3A_68] : memref<128x128xf32, #tpu.memory_space<vmem>> -> memref<8x128xf32, #tpu.memory_space<vmem>>
        %dma_wait3A_70 = arith.constant 9992 : i32
        %dma_wait3A_71 = arith.constant 0 : i32
        %dma_wait3A_72 = tpu.memref_slice %arg5[%arg0, %dma_wait3A_70, %dma_wait3A_71] : memref<2x10000x128xf32, #tpu.memory_space<hbm>> -> memref<1x8x128xf32, #tpu.memory_space<hbm>>
        %dma_wait3A_73 = tpu.memref_squeeze %dma_wait3A_72 : memref<1x8x128xf32, #tpu.memory_space<hbm>> -> memref<8x128xf32, #tpu.memory_space<hbm>>
        %dma_wait3A_74 = arith.constant 9992 : i32
        %dma_wait3A_75 = arith.constant 0 : i32
        %dma_wait3A_76 = tpu.memref_slice %arg5[%arg0, %dma_wait3A_74, %dma_wait3A_75] : memref<2x10000x128xf32, #tpu.memory_space<hbm>> -> memref<1x8x128xf32, #tpu.memory_space<hbm>>
        %dma_wait3A_77 = tpu.memref_squeeze %dma_wait3A_76 : memref<1x8x128xf32, #tpu.memory_space<hbm>> -> memref<8x128xf32, #tpu.memory_space<hbm>>
        %dma_wait3A_78 = arith.constant 0 : i32
        %dma_wait3A_79 = arith.constant 0 : i32
        %dma_wait3A_80 = tpu.memref_slice %arg8[%dma_wait3A_78, %dma_wait3A_79] : memref<128x128xf32, #tpu.memory_space<vmem>> -> memref<8x128xf32, #tpu.memory_space<vmem>>
        tpu.wait_dma2 semaphore(%run_scoped3A : memref<!tpu.dma_semaphore, #tpu.memory_space<semaphore_mem>>) src(%dma_wait3A_80 : memref<8x128xf32, #tpu.memory_space<vmem>>) dst(%dma_wait3A_77 : memref<8x128xf32, #tpu.memory_space<hbm>>)
        tpu.yield
      }) : () -> ()
    } else {
    }
    return
  }
}

#map = affine_map<(d0, d1) -> (0, 0)>
#map1 = affine_map<(d0, d1) -> (0, 0, 0)>
module attributes {stable_mosaic.version = 14 : i64} {
  func.func @agg(%arg0: i32, %arg1: i32, %arg2: memref<2560x128xi32, #tpu.memory_space<hbm>>, %arg3: memref<2560x128xi32, #tpu.memory_space<hbm>>, %arg4: memref<10000x128xf32, #tpu.memory_space<hbm>>, %arg5: memref<2x10000x128xf32, #tpu.memory_space<hbm>>, %arg6: memref<16x128xi32, #tpu.memory_space<vmem>>, %arg7: memref<16x128xi32, #tpu.memory_space<vmem>>, %arg8: memref<128x128xf32, #tpu.memory_space<vmem>>, %arg9: memref<128x128xf32, #tpu.memory_space<vmem>>, %arg10: memref<10240x128xf32, #tpu.memory_space<vmem_shared>>, %arg11: memref<!tpu.dma_semaphore, #tpu.memory_space<semaphore_mem>>, %arg12: memref<!tpu.dma_semaphore, #tpu.memory_space<semaphore_mem>>) attributes {dimension_semantics = [#tpu.dimension_semantics<core_parallel>, #tpu.dimension_semantics<subcore_parallel>], iteration_bounds = array<i64: 2, 16>, scalar_prefetch = 0 : i64, scratch_operands = 7 : i64, tpu.core_type = #tpu.core_type<sc_vector_subcore>, window_params = [{transform_indices = #map}, {transform_indices = #map}, {transform_indices = #map}, {transform_indices = #map1}]} {
    %scan3A = arith.constant 0 : i32
    %scan3A_0 = arith.constant 0 : i32
    %scan3A_1 = arith.constant 1024 : i32
    %scan3A_2 = arith.addi %scan3A_0, %scan3A_1 : i32
    %scan3A_3 = arith.constant 1 : i32
    %scan3A_4 = scf.for %scan3A_55 = %scan3A_0 to %scan3A_2 step %scan3A_3 iter_args(%scan3A_56 = %scan3A) -> (i32)  : i32 {
      %broadcast_in_dim3A = arith.constant 0.000000e+00 : f32
      %broadcast_in_dim3A_57 = vector.broadcast %broadcast_in_dim3A : f32 to vector<16xf32>
      %jit3A = arith.constant 8 : i32
      %div3A = arith.divsi %scan3A_55, %jit3A : i32
      %sign3A = arith.constant 0 : i32
      %sign3A_58 = arith.cmpi sgt, %scan3A_55, %sign3A : i32
      %sign3A_59 = arith.extui %sign3A_58 : i1 to i32
      %sign3A_60 = arith.constant 0 : i32
      %sign3A_61 = arith.cmpi slt, %scan3A_55, %sign3A_60 : i32
      %sign3A_62 = arith.extui %sign3A_61 : i1 to i32
      %sign3A_63 = arith.subi %sign3A_59, %sign3A_62 : i32
      %sign3A_64 = arith.constant 0 : i32
      %sign3A_65 = arith.cmpi sgt, %jit3A, %sign3A_64 : i32
      %sign3A_66 = arith.extui %sign3A_65 : i1 to i32
      %sign3A_67 = arith.constant 0 : i32
      %sign3A_68 = arith.cmpi slt, %jit3A, %sign3A_67 : i32
      %sign3A_69 = arith.extui %sign3A_68 : i1 to i32
      %sign3A_70 = arith.subi %sign3A_66, %sign3A_69 : i32
      %ne3A = arith.cmpi ne, %sign3A_63, %sign3A_70 : i32
      %rem3A = arith.remsi %scan3A_55, %jit3A : i32
      %ne3A_71 = arith.constant 0 : i32
      %ne3A_72 = arith.cmpi ne, %rem3A, %ne3A_71 : i32
      %and3A = arith.andi %ne3A, %ne3A_72 : i1
      %sub3A = arith.constant 1 : i32
      %sub3A_73 = arith.subi %div3A, %sub3A : i32
      %select_n3A_74 = arith.select %and3A, %sub3A_73, %div3A : i32
      %jit3A_75 = arith.constant 8 : i32
      %eq3A_76 = arith.constant 0 : i32
      %eq3A_77 = arith.cmpi eq, %jit3A_75, %eq3A_76 : i32
      %jit3A_78 = arith.constant 1 : i32
      %select_n3A_79 = arith.select %eq3A_77, %jit3A_78, %jit3A_75 : i32
      %rem3A_80 = arith.remsi %scan3A_55, %select_n3A_79 : i32
      %ne3A_81 = arith.constant 0 : i32
      %ne3A_82 = arith.cmpi ne, %rem3A_80, %ne3A_81 : i32
      %lt3A_83 = arith.constant 0 : i32
      %lt3A_84 = arith.cmpi slt, %rem3A_80, %lt3A_83 : i32
      %lt3A_85 = arith.constant 0 : i32
      %lt3A_86 = arith.cmpi slt, %select_n3A_79, %lt3A_85 : i32
      %ne3A_87 = arith.xori %lt3A_84, %lt3A_86 : i1
      %and3A_88 = arith.andi %ne3A_87, %ne3A_82 : i1
      %add3A_89 = arith.addi %rem3A_80, %select_n3A_79 : i32
      %select_n3A_90 = arith.select %and3A_88, %add3A_89, %rem3A_80 : i32
      %mul3A_91 = arith.constant 16 : i32
      %mul3A_92 = arith.muli %select_n3A_90, %mul3A_91 : i32
      %swap3A = arith.index_cast %select_n3A_74 : i32 to index
      %swap3A_93 = arith.index_cast %mul3A_92 : i32 to index
      %swap3A_94 = tpu.vector_load %arg8[%swap3A, %swap3A_93] {strides = array<i32>} : memref<128x128xf32, #tpu.memory_space<vmem>>, vector<1x16xf32>,
      %swap3A_95 = vector.shape_cast %swap3A_94 : vector<1x16xf32> to vector<16xf32>
      %swap3A_96 = vector.shape_cast %broadcast_in_dim3A_57 : vector<16xf32> to vector<1x16xf32>
      tpu.vector_store %arg8[%swap3A, %swap3A_93], %swap3A_96 {strides = array<i32>} : memref<128x128xf32, #tpu.memory_space<vmem>>, vector<1x16xf32>,
      %scan3A_97 = arith.constant 0 : i32
      scf.yield %scan3A_97 : i32
    }
    %scan3A_5 = arith.constant 1024 : i32
    %mul3A = arith.constant 640 : i32
    %mul3A_6 = arith.muli %arg1, %mul3A : i32
    %add3A = arith.constant 0 : i32
    %add3A_7 = arith.addi %mul3A_6, %add3A : i32
    "tpu.region"() ({
      %run_scoped3A = tpu.sem_alloc : memref<!tpu.dma_semaphore, #tpu.memory_space<semaphore_mem>>
      %dma_start3A = arith.constant 0 : i32
      %dma_start3A_55 = tpu.memref_slice %arg10[%add3A_7, %dma_start3A] : memref<10240x128xf32, #tpu.memory_space<vmem_shared>> -> memref<128x128xf32, #tpu.memory_space<vmem_shared>>
      %dma_start3A_56 = arith.constant 0 : i32
      %dma_start3A_57 = tpu.memref_slice %arg10[%add3A_7, %dma_start3A_56] : memref<10240x128xf32, #tpu.memory_space<vmem_shared>> -> memref<128x128xf32, #tpu.memory_space<vmem_shared>>
      tpu.enqueue_dma source(%arg8 : memref<128x128xf32, #tpu.memory_space<vmem>>) target(%dma_start3A_57 : memref<128x128xf32, #tpu.memory_space<vmem_shared>>) target_semaphore(%run_scoped3A : memref<!tpu.dma_semaphore, #tpu.memory_space<semaphore_mem>>)
      %dma_wait3A = arith.constant 0 : i32
      %dma_wait3A_58 = tpu.memref_slice %arg10[%add3A_7, %dma_wait3A] : memref<10240x128xf32, #tpu.memory_space<vmem_shared>> -> memref<128x128xf32, #tpu.memory_space<vmem_shared>>
      %dma_wait3A_59 = arith.constant 0 : i32
      %dma_wait3A_60 = tpu.memref_slice %arg10[%add3A_7, %dma_wait3A_59] : memref<10240x128xf32, #tpu.memory_space<vmem_shared>> -> memref<128x128xf32, #tpu.memory_space<vmem_shared>>
      tpu.wait_dma2 semaphore(%run_scoped3A : memref<!tpu.dma_semaphore, #tpu.memory_space<semaphore_mem>>) src(%arg8 : memref<128x128xf32, #tpu.memory_space<vmem>>) dst(%dma_wait3A_60 : memref<128x128xf32, #tpu.memory_space<vmem_shared>>)
      tpu.yield
    }) : () -> ()
    %mul3A_8 = arith.constant 640 : i32
    %mul3A_9 = arith.muli %arg1, %mul3A_8 : i32
    %add3A_10 = arith.constant 128 : i32
    %add3A_11 = arith.addi %mul3A_9, %add3A_10 : i32
    "tpu.region"() ({
      %run_scoped3A = tpu.sem_alloc : memref<!tpu.dma_semaphore, #tpu.memory_space<semaphore_mem>>
      %dma_start3A = arith.constant 0 : i32
      %dma_start3A_55 = tpu.memref_slice %arg10[%add3A_11, %dma_start3A] : memref<10240x128xf32, #tpu.memory_space<vmem_shared>> -> memref<128x128xf32, #tpu.memory_space<vmem_shared>>
      %dma_start3A_56 = arith.constant 0 : i32
      %dma_start3A_57 = tpu.memref_slice %arg10[%add3A_11, %dma_start3A_56] : memref<10240x128xf32, #tpu.memory_space<vmem_shared>> -> memref<128x128xf32, #tpu.memory_space<vmem_shared>>
      tpu.enqueue_dma source(%arg8 : memref<128x128xf32, #tpu.memory_space<vmem>>) target(%dma_start3A_57 : memref<128x128xf32, #tpu.memory_space<vmem_shared>>) target_semaphore(%run_scoped3A : memref<!tpu.dma_semaphore, #tpu.memory_space<semaphore_mem>>)
      %dma_wait3A = arith.constant 0 : i32
      %dma_wait3A_58 = tpu.memref_slice %arg10[%add3A_11, %dma_wait3A] : memref<10240x128xf32, #tpu.memory_space<vmem_shared>> -> memref<128x128xf32, #tpu.memory_space<vmem_shared>>
      %dma_wait3A_59 = arith.constant 0 : i32
      %dma_wait3A_60 = tpu.memref_slice %arg10[%add3A_11, %dma_wait3A_59] : memref<10240x128xf32, #tpu.memory_space<vmem_shared>> -> memref<128x128xf32, #tpu.memory_space<vmem_shared>>
      tpu.wait_dma2 semaphore(%run_scoped3A : memref<!tpu.dma_semaphore, #tpu.memory_space<semaphore_mem>>) src(%arg8 : memref<128x128xf32, #tpu.memory_space<vmem>>) dst(%dma_wait3A_60 : memref<128x128xf32, #tpu.memory_space<vmem_shared>>)
      tpu.yield
    }) : () -> ()
    %mul3A_12 = arith.constant 640 : i32
    %mul3A_13 = arith.muli %arg1, %mul3A_12 : i32
    %add3A_14 = arith.constant 256 : i32
    %add3A_15 = arith.addi %mul3A_13, %add3A_14 : i32
    "tpu.region"() ({
      %run_scoped3A = tpu.sem_alloc : memref<!tpu.dma_semaphore, #tpu.memory_space<semaphore_mem>>
      %dma_start3A = arith.constant 0 : i32
      %dma_start3A_55 = tpu.memref_slice %arg10[%add3A_15, %dma_start3A] : memref<10240x128xf32, #tpu.memory_space<vmem_shared>> -> memref<128x128xf32, #tpu.memory_space<vmem_shared>>
      %dma_start3A_56 = arith.constant 0 : i32
      %dma_start3A_57 = tpu.memref_slice %arg10[%add3A_15, %dma_start3A_56] : memref<10240x128xf32, #tpu.memory_space<vmem_shared>> -> memref<128x128xf32, #tpu.memory_space<vmem_shared>>
      tpu.enqueue_dma source(%arg8 : memref<128x128xf32, #tpu.memory_space<vmem>>) target(%dma_start3A_57 : memref<128x128xf32, #tpu.memory_space<vmem_shared>>) target_semaphore(%run_scoped3A : memref<!tpu.dma_semaphore, #tpu.memory_space<semaphore_mem>>)
      %dma_wait3A = arith.constant 0 : i32
      %dma_wait3A_58 = tpu.memref_slice %arg10[%add3A_15, %dma_wait3A] : memref<10240x128xf32, #tpu.memory_space<vmem_shared>> -> memref<128x128xf32, #tpu.memory_space<vmem_shared>>
      %dma_wait3A_59 = arith.constant 0 : i32
      %dma_wait3A_60 = tpu.memref_slice %arg10[%add3A_15, %dma_wait3A_59] : memref<10240x128xf32, #tpu.memory_space<vmem_shared>> -> memref<128x128xf32, #tpu.memory_space<vmem_shared>>
      tpu.wait_dma2 semaphore(%run_scoped3A : memref<!tpu.dma_semaphore, #tpu.memory_space<semaphore_mem>>) src(%arg8 : memref<128x128xf32, #tpu.memory_space<vmem>>) dst(%dma_wait3A_60 : memref<128x128xf32, #tpu.memory_space<vmem_shared>>)
      tpu.yield
    }) : () -> ()
    %mul3A_16 = arith.constant 640 : i32
    %mul3A_17 = arith.muli %arg1, %mul3A_16 : i32
    %add3A_18 = arith.constant 384 : i32
    %add3A_19 = arith.addi %mul3A_17, %add3A_18 : i32
    "tpu.region"() ({
      %run_scoped3A = tpu.sem_alloc : memref<!tpu.dma_semaphore, #tpu.memory_space<semaphore_mem>>
      %dma_start3A = arith.constant 0 : i32
      %dma_start3A_55 = tpu.memref_slice %arg10[%add3A_19, %dma_start3A] : memref<10240x128xf32, #tpu.memory_space<vmem_shared>> -> memref<128x128xf32, #tpu.memory_space<vmem_shared>>
      %dma_start3A_56 = arith.constant 0 : i32
      %dma_start3A_57 = tpu.memref_slice %arg10[%add3A_19, %dma_start3A_56] : memref<10240x128xf32, #tpu.memory_space<vmem_shared>> -> memref<128x128xf32, #tpu.memory_space<vmem_shared>>
      tpu.enqueue_dma source(%arg8 : memref<128x128xf32, #tpu.memory_space<vmem>>) target(%dma_start3A_57 : memref<128x128xf32, #tpu.memory_space<vmem_shared>>) target_semaphore(%run_scoped3A : memref<!tpu.dma_semaphore, #tpu.memory_space<semaphore_mem>>)
      %dma_wait3A = arith.constant 0 : i32
      %dma_wait3A_58 = tpu.memref_slice %arg10[%add3A_19, %dma_wait3A] : memref<10240x128xf32, #tpu.memory_space<vmem_shared>> -> memref<128x128xf32, #tpu.memory_space<vmem_shared>>
      %dma_wait3A_59 = arith.constant 0 : i32
      %dma_wait3A_60 = tpu.memref_slice %arg10[%add3A_19, %dma_wait3A_59] : memref<10240x128xf32, #tpu.memory_space<vmem_shared>> -> memref<128x128xf32, #tpu.memory_space<vmem_shared>>
      tpu.wait_dma2 semaphore(%run_scoped3A : memref<!tpu.dma_semaphore, #tpu.memory_space<semaphore_mem>>) src(%arg8 : memref<128x128xf32, #tpu.memory_space<vmem>>) dst(%dma_wait3A_60 : memref<128x128xf32, #tpu.memory_space<vmem_shared>>)
      tpu.yield
    }) : () -> ()
    %mul3A_20 = arith.constant 640 : i32
    %mul3A_21 = arith.muli %arg1, %mul3A_20 : i32
    %add3A_22 = arith.constant 512 : i32
    %add3A_23 = arith.addi %mul3A_21, %add3A_22 : i32
    "tpu.region"() ({
      %run_scoped3A = tpu.sem_alloc : memref<!tpu.dma_semaphore, #tpu.memory_space<semaphore_mem>>
      %dma_start3A = arith.constant 0 : i32
      %dma_start3A_55 = tpu.memref_slice %arg10[%add3A_23, %dma_start3A] : memref<10240x128xf32, #tpu.memory_space<vmem_shared>> -> memref<128x128xf32, #tpu.memory_space<vmem_shared>>
      %dma_start3A_56 = arith.constant 0 : i32
      %dma_start3A_57 = tpu.memref_slice %arg10[%add3A_23, %dma_start3A_56] : memref<10240x128xf32, #tpu.memory_space<vmem_shared>> -> memref<128x128xf32, #tpu.memory_space<vmem_shared>>
      tpu.enqueue_dma source(%arg8 : memref<128x128xf32, #tpu.memory_space<vmem>>) target(%dma_start3A_57 : memref<128x128xf32, #tpu.memory_space<vmem_shared>>) target_semaphore(%run_scoped3A : memref<!tpu.dma_semaphore, #tpu.memory_space<semaphore_mem>>)
      %dma_wait3A = arith.constant 0 : i32
      %dma_wait3A_58 = tpu.memref_slice %arg10[%add3A_23, %dma_wait3A] : memref<10240x128xf32, #tpu.memory_space<vmem_shared>> -> memref<128x128xf32, #tpu.memory_space<vmem_shared>>
      %dma_wait3A_59 = arith.constant 0 : i32
      %dma_wait3A_60 = tpu.memref_slice %arg10[%add3A_23, %dma_wait3A_59] : memref<10240x128xf32, #tpu.memory_space<vmem_shared>> -> memref<128x128xf32, #tpu.memory_space<vmem_shared>>
      tpu.wait_dma2 semaphore(%run_scoped3A : memref<!tpu.dma_semaphore, #tpu.memory_space<semaphore_mem>>) src(%arg8 : memref<128x128xf32, #tpu.memory_space<vmem>>) dst(%dma_wait3A_60 : memref<128x128xf32, #tpu.memory_space<vmem_shared>>)
      tpu.yield
    }) : () -> ()
    %barrier3A = arith.constant 0 : index
    tpu.barrier barrier_id(%barrier3A)
    %eq3A = arith.constant 0 : i32
    %eq3A_24 = arith.cmpi eq, %arg0, %eq3A : i32
    %select_n3A = arith.constant 3 : i32
    %select_n3A_25 = arith.constant 7 : i32
    %select_n3A_26 = arith.select %eq3A_24, %select_n3A_25, %select_n3A : i32
    %eq3A_27 = arith.constant 0 : i32
    %eq3A_28 = arith.cmpi eq, %arg0, %eq3A_27 : i32
    %mul3A_29 = arith.constant 112 : i32
    %mul3A_30 = arith.muli %arg1, %mul3A_29 : i32
    %mul3A_31 = arith.constant 48 : i32
    %mul3A_32 = arith.muli %arg1, %mul3A_31 : i32
    %add3A_33 = arith.constant 1792 : i32
    %add3A_34 = arith.addi %add3A_33, %mul3A_32 : i32
    %select_n3A_35 = arith.select %eq3A_28, %mul3A_30, %add3A_34 : i32
    %while3A = arith.constant 0 : i32
    %while3A_36 = arith.constant 0 : i32
    %while3A_37 = arith.subi %select_n3A_26, %while3A : i32
    %while3A_38 = arith.addi %while3A, %while3A_37 : i32
    %while3A_39 = arith.constant 1 : i32
    %while3A_40 = arith.divsi %while3A_37, %while3A_39 : i32
    %while3A_41 = arith.muli %while3A_40, %while3A_39 : i32
    %while3A_42 = arith.addi %while3A, %while3A_41 : i32
    %while3A_43 = arith.constant 1 : i32
    %while3A_44 = scf.for %while3A_55 = %while3A to %while3A_42 step %while3A_43 iter_args(%while3A_56 = %while3A_36) -> (i32)  : i32 {
      %mul3A_57 = arith.constant 16 : i32
      %mul3A_58 = arith.muli %while3A_55, %mul3A_57 : i32
      %add3A_59 = arith.addi %select_n3A_35, %mul3A_58 : i32
      "tpu.region"() ({
        %run_scoped3A = tpu.sem_alloc : memref<!tpu.dma_semaphore, #tpu.memory_space<semaphore_mem>>
        %dma_start3A_74 = arith.constant 0 : i32
        %dma_start3A_75 = tpu.memref_slice %arg2[%add3A_59, %dma_start3A_74] : memref<2560x128xi32, #tpu.memory_space<hbm>> -> memref<16x128xi32, #tpu.memory_space<hbm>>
        %dma_start3A_76 = arith.constant 0 : i32
        %dma_start3A_77 = tpu.memref_slice %arg2[%add3A_59, %dma_start3A_76] : memref<2560x128xi32, #tpu.memory_space<hbm>> -> memref<16x128xi32, #tpu.memory_space<hbm>>
        tpu.enqueue_dma source(%dma_start3A_77 : memref<16x128xi32, #tpu.memory_space<hbm>>) target(%arg6 : memref<16x128xi32, #tpu.memory_space<vmem>>) target_semaphore(%run_scoped3A : memref<!tpu.dma_semaphore, #tpu.memory_space<semaphore_mem>>)
        %dma_wait3A = arith.constant 0 : i32
        %dma_wait3A_78 = tpu.memref_slice %arg2[%add3A_59, %dma_wait3A] : memref<2560x128xi32, #tpu.memory_space<hbm>> -> memref<16x128xi32, #tpu.memory_space<hbm>>
        %dma_wait3A_79 = arith.constant 0 : i32
        %dma_wait3A_80 = tpu.memref_slice %arg2[%add3A_59, %dma_wait3A_79] : memref<2560x128xi32, #tpu.memory_space<hbm>> -> memref<16x128xi32, #tpu.memory_space<hbm>>
        tpu.wait_dma2 semaphore(%run_scoped3A : memref<!tpu.dma_semaphore, #tpu.memory_space<semaphore_mem>>) src(%dma_wait3A_80 : memref<16x128xi32, #tpu.memory_space<hbm>>) dst(%arg6 : memref<16x128xi32, #tpu.memory_space<vmem>>)
        tpu.yield
      }) : () -> ()
      "tpu.region"() ({
        %run_scoped3A = tpu.sem_alloc : memref<!tpu.dma_semaphore, #tpu.memory_space<semaphore_mem>>
        %dma_start3A_74 = arith.constant 0 : i32
        %dma_start3A_75 = tpu.memref_slice %arg3[%add3A_59, %dma_start3A_74] : memref<2560x128xi32, #tpu.memory_space<hbm>> -> memref<16x128xi32, #tpu.memory_space<hbm>>
        %dma_start3A_76 = arith.constant 0 : i32
        %dma_start3A_77 = tpu.memref_slice %arg3[%add3A_59, %dma_start3A_76] : memref<2560x128xi32, #tpu.memory_space<hbm>> -> memref<16x128xi32, #tpu.memory_space<hbm>>
        tpu.enqueue_dma source(%dma_start3A_77 : memref<16x128xi32, #tpu.memory_space<hbm>>) target(%arg7 : memref<16x128xi32, #tpu.memory_space<vmem>>) target_semaphore(%run_scoped3A : memref<!tpu.dma_semaphore, #tpu.memory_space<semaphore_mem>>)
        %dma_wait3A = arith.constant 0 : i32
        %dma_wait3A_78 = tpu.memref_slice %arg3[%add3A_59, %dma_wait3A] : memref<2560x128xi32, #tpu.memory_space<hbm>> -> memref<16x128xi32, #tpu.memory_space<hbm>>
        %dma_wait3A_79 = arith.constant 0 : i32
        %dma_wait3A_80 = tpu.memref_slice %arg3[%add3A_59, %dma_wait3A_79] : memref<2560x128xi32, #tpu.memory_space<hbm>> -> memref<16x128xi32, #tpu.memory_space<hbm>>
        tpu.wait_dma2 semaphore(%run_scoped3A : memref<!tpu.dma_semaphore, #tpu.memory_space<semaphore_mem>>) src(%dma_wait3A_80 : memref<16x128xi32, #tpu.memory_space<hbm>>) dst(%arg7 : memref<16x128xi32, #tpu.memory_space<vmem>>)
        tpu.yield
      }) : () -> ()
      %dma_start3A = arith.constant 0 : i32
      %dma_start3A_60 = arith.constant 0 : i32
      %dma_start3A_61 = tpu.memref_slice %arg6[%dma_start3A, %dma_start3A_60] : memref<16x128xi32, #tpu.memory_space<vmem>> -> memref<1x128xi32, #tpu.memory_space<vmem>>
      %dma_start3A_62 = tpu.memref_squeeze %dma_start3A_61 : memref<1x128xi32, #tpu.memory_space<vmem>> -> memref<128xi32, #tpu.memory_space<vmem>>
      %dma_start3A_63 = arith.constant 0 : i32
      %dma_start3A_64 = arith.constant 0 : i32
      %dma_start3A_65 = tpu.memref_slice %arg4[%dma_start3A_63, %dma_start3A_64] : memref<10000x128xf32, #tpu.memory_space<hbm>> -> memref<10000x128xf32, #tpu.memory_space<hbm>>
      tpu.enqueue_indirect_dma source(%dma_start3A_65 : memref<10000x128xf32, #tpu.memory_space<hbm>>) target(%arg8 : memref<128x128xf32, #tpu.memory_space<vmem>>) offsets(%dma_start3A_62 : memref<128xi32, #tpu.memory_space<vmem>>) semaphore(%arg11 : memref<!tpu.dma_semaphore, #tpu.memory_space<semaphore_mem>>)
      %scan3A_66 = arith.constant 0 : i32
      %scan3A_67 = arith.constant 0 : i32
      %scan3A_68 = arith.constant 8 : i32
      %scan3A_69 = arith.addi %scan3A_67, %scan3A_68 : i32
      %scan3A_70 = arith.constant 1 : i32
      %scan3A_71 = scf.for %scan3A_74 = %scan3A_67 to %scan3A_69 step %scan3A_70 iter_args(%scan3A_75 = %scan3A_66) -> (i32)  : i32 {
        %mul3A_76 = arith.constant 2 : i32
        %mul3A_77 = arith.muli %mul3A_76, %scan3A_74 : i32
        %add3A_78 = arith.constant 1 : i32
        %add3A_79 = arith.addi %mul3A_77, %add3A_78 : i32
        %dma_start3A_80 = arith.constant 0 : i32
        %dma_start3A_81 = tpu.memref_slice %arg6[%add3A_79, %dma_start3A_80] : memref<16x128xi32, #tpu.memory_space<vmem>> -> memref<1x128xi32, #tpu.memory_space<vmem>>
        %dma_start3A_82 = tpu.memref_squeeze %dma_start3A_81 : memref<1x128xi32, #tpu.memory_space<vmem>> -> memref<128xi32, #tpu.memory_space<vmem>>
        %dma_start3A_83 = arith.constant 0 : i32
        %dma_start3A_84 = arith.constant 0 : i32
        %dma_start3A_85 = tpu.memref_slice %arg4[%dma_start3A_83, %dma_start3A_84] : memref<10000x128xf32, #tpu.memory_space<hbm>> -> memref<10000x128xf32, #tpu.memory_space<hbm>>
        tpu.enqueue_indirect_dma source(%dma_start3A_85 : memref<10000x128xf32, #tpu.memory_space<hbm>>) target(%arg9 : memref<128x128xf32, #tpu.memory_space<vmem>>) offsets(%dma_start3A_82 : memref<128xi32, #tpu.memory_space<vmem>>) semaphore(%arg12 : memref<!tpu.dma_semaphore, #tpu.memory_space<semaphore_mem>>)
        %dma_wait3A = arith.constant 0 : i32
        %dma_wait3A_86 = tpu.memref_slice %arg6[%mul3A_77, %dma_wait3A] : memref<16x128xi32, #tpu.memory_space<vmem>> -> memref<1x128xi32, #tpu.memory_space<vmem>>
        %dma_wait3A_87 = tpu.memref_squeeze %dma_wait3A_86 : memref<1x128xi32, #tpu.memory_space<vmem>> -> memref<128xi32, #tpu.memory_space<vmem>>
        %dma_wait3A_88 = arith.constant 0 : i32
        %dma_wait3A_89 = arith.constant 0 : i32
        %dma_wait3A_90 = tpu.memref_slice %arg4[%dma_wait3A_88, %dma_wait3A_89] : memref<10000x128xf32, #tpu.memory_space<hbm>> -> memref<10000x128xf32, #tpu.memory_space<hbm>>
        tpu.wait_indirect_dma semaphore(%arg11 : memref<!tpu.dma_semaphore, #tpu.memory_space<semaphore_mem>>) src(%dma_wait3A_90 : memref<10000x128xf32, #tpu.memory_space<hbm>>) dst(%arg8 : memref<128x128xf32, #tpu.memory_space<vmem>>)
        "tpu.region"() ({
          %run_scoped3A = tpu.sem_alloc : memref<!tpu.dma_semaphore, #tpu.memory_space<semaphore_mem>>
          %dma_start3A_109 = arith.constant 0 : i32
          %dma_start3A_110 = tpu.memref_slice %arg7[%mul3A_77, %dma_start3A_109] : memref<16x128xi32, #tpu.memory_space<vmem>> -> memref<1x128xi32, #tpu.memory_space<vmem>>
          %dma_start3A_111 = tpu.memref_squeeze %dma_start3A_110 : memref<1x128xi32, #tpu.memory_space<vmem>> -> memref<128xi32, #tpu.memory_space<vmem>>
          %dma_start3A_112 = arith.constant 0 : i32
          %dma_start3A_113 = arith.constant 0 : i32
          %dma_start3A_114 = tpu.memref_slice %arg10[%dma_start3A_112, %dma_start3A_113] : memref<10240x128xf32, #tpu.memory_space<vmem_shared>> -> memref<10240x128xf32, #tpu.memory_space<vmem_shared>>
          tpu.enqueue_indirect_dma source(%arg8 : memref<128x128xf32, #tpu.memory_space<vmem>>) target(%dma_start3A_114 : memref<10240x128xf32, #tpu.memory_space<vmem_shared>>) offsets(%dma_start3A_111 : memref<128xi32, #tpu.memory_space<vmem>>) semaphore(%run_scoped3A : memref<!tpu.dma_semaphore, #tpu.memory_space<semaphore_mem>>) {add = true}
          %dma_wait3A_115 = arith.constant 0 : i32
          %dma_wait3A_116 = tpu.memref_slice %arg7[%mul3A_77, %dma_wait3A_115] : memref<16x128xi32, #tpu.memory_space<vmem>> -> memref<1x128xi32, #tpu.memory_space<vmem>>
          %dma_wait3A_117 = tpu.memref_squeeze %dma_wait3A_116 : memref<1x128xi32, #tpu.memory_space<vmem>> -> memref<128xi32, #tpu.memory_space<vmem>>
          %dma_wait3A_118 = arith.constant 0 : i32
          %dma_wait3A_119 = arith.constant 0 : i32
          %dma_wait3A_120 = tpu.memref_slice %arg10[%dma_wait3A_118, %dma_wait3A_119] : memref<10240x128xf32, #tpu.memory_space<vmem_shared>> -> memref<10240x128xf32, #tpu.memory_space<vmem_shared>>
          tpu.wait_indirect_dma semaphore(%run_scoped3A : memref<!tpu.dma_semaphore, #tpu.memory_space<semaphore_mem>>) src(%arg8 : memref<128x128xf32, #tpu.memory_space<vmem>>) dst(%dma_wait3A_120 : memref<10240x128xf32, #tpu.memory_space<vmem_shared>>)
          tpu.yield
        }) : () -> ()
        %add3A_91 = arith.constant 2 : i32
        %add3A_92 = arith.addi %mul3A_77, %add3A_91 : i32
        %lt3A_93 = arith.constant 16 : i32
        %lt3A_94 = arith.cmpi slt, %add3A_92, %lt3A_93 : i32
        %convert_element_type3A_95 = arith.extui %lt3A_94 : i1 to i32
        %cond3A_96 = arith.constant 0 : i32
        %cond3A_97 = arith.cmpi ne, %convert_element_type3A_95, %cond3A_96 : i32
        scf.if %cond3A_97 {
          %add3A_109 = arith.constant 2 : i32
          %add3A_110 = arith.addi %mul3A_77, %add3A_109 : i32
          %dma_start3A_111 = arith.constant 0 : i32
          %dma_start3A_112 = tpu.memref_slice %arg6[%add3A_110, %dma_start3A_111] : memref<16x128xi32, #tpu.memory_space<vmem>> -> memref<1x128xi32, #tpu.memory_space<vmem>>
          %dma_start3A_113 = tpu.memref_squeeze %dma_start3A_112 : memref<1x128xi32, #tpu.memory_space<vmem>> -> memref<128xi32, #tpu.memory_space<vmem>>
          %dma_start3A_114 = arith.constant 0 : i32
          %dma_start3A_115 = arith.constant 0 : i32
          %dma_start3A_116 = tpu.memref_slice %arg4[%dma_start3A_114, %dma_start3A_115] : memref<10000x128xf32, #tpu.memory_space<hbm>> -> memref<10000x128xf32, #tpu.memory_space<hbm>>
          tpu.enqueue_indirect_dma source(%dma_start3A_116 : memref<10000x128xf32, #tpu.memory_space<hbm>>) target(%arg8 : memref<128x128xf32, #tpu.memory_space<vmem>>) offsets(%dma_start3A_113 : memref<128xi32, #tpu.memory_space<vmem>>) semaphore(%arg11 : memref<!tpu.dma_semaphore, #tpu.memory_space<semaphore_mem>>)
        } else {
        }
        %add3A_98 = arith.constant 1 : i32
        %add3A_99 = arith.addi %mul3A_77, %add3A_98 : i32
        %dma_wait3A_100 = arith.constant 0 : i32
        %dma_wait3A_101 = tpu.memref_slice %arg6[%add3A_99, %dma_wait3A_100] : memref<16x128xi32, #tpu.memory_space<vmem>> -> memref<1x128xi32, #tpu.memory_space<vmem>>
        %dma_wait3A_102 = tpu.memref_squeeze %dma_wait3A_101 : memref<1x128xi32, #tpu.memory_space<vmem>> -> memref<128xi32, #tpu.memory_space<vmem>>
        %dma_wait3A_103 = arith.constant 0 : i32
        %dma_wait3A_104 = arith.constant 0 : i32
        %dma_wait3A_105 = tpu.memref_slice %arg4[%dma_wait3A_103, %dma_wait3A_104] : memref<10000x128xf32, #tpu.memory_space<hbm>> -> memref<10000x128xf32, #tpu.memory_space<hbm>>
        tpu.wait_indirect_dma semaphore(%arg12 : memref<!tpu.dma_semaphore, #tpu.memory_space<semaphore_mem>>) src(%dma_wait3A_105 : memref<10000x128xf32, #tpu.memory_space<hbm>>) dst(%arg9 : memref<128x128xf32, #tpu.memory_space<vmem>>)
        %add3A_106 = arith.constant 1 : i32
        %add3A_107 = arith.addi %mul3A_77, %add3A_106 : i32
        "tpu.region"() ({
          %run_scoped3A = tpu.sem_alloc : memref<!tpu.dma_semaphore, #tpu.memory_space<semaphore_mem>>
          %dma_start3A_109 = arith.constant 0 : i32
          %dma_start3A_110 = tpu.memref_slice %arg7[%add3A_107, %dma_start3A_109] : memref<16x128xi32, #tpu.memory_space<vmem>> -> memref<1x128xi32, #tpu.memory_space<vmem>>
          %dma_start3A_111 = tpu.memref_squeeze %dma_start3A_110 : memref<1x128xi32, #tpu.memory_space<vmem>> -> memref<128xi32, #tpu.memory_space<vmem>>
          %dma_start3A_112 = arith.constant 0 : i32
          %dma_start3A_113 = arith.constant 0 : i32
          %dma_start3A_114 = tpu.memref_slice %arg10[%dma_start3A_112, %dma_start3A_113] : memref<10240x128xf32, #tpu.memory_space<vmem_shared>> -> memref<10240x128xf32, #tpu.memory_space<vmem_shared>>
          tpu.enqueue_indirect_dma source(%arg9 : memref<128x128xf32, #tpu.memory_space<vmem>>) target(%dma_start3A_114 : memref<10240x128xf32, #tpu.memory_space<vmem_shared>>) offsets(%dma_start3A_111 : memref<128xi32, #tpu.memory_space<vmem>>) semaphore(%run_scoped3A : memref<!tpu.dma_semaphore, #tpu.memory_space<semaphore_mem>>) {add = true}
          %dma_wait3A_115 = arith.constant 0 : i32
          %dma_wait3A_116 = tpu.memref_slice %arg7[%add3A_107, %dma_wait3A_115] : memref<16x128xi32, #tpu.memory_space<vmem>> -> memref<1x128xi32, #tpu.memory_space<vmem>>
          %dma_wait3A_117 = tpu.memref_squeeze %dma_wait3A_116 : memref<1x128xi32, #tpu.memory_space<vmem>> -> memref<128xi32, #tpu.memory_space<vmem>>
          %dma_wait3A_118 = arith.constant 0 : i32
          %dma_wait3A_119 = arith.constant 0 : i32
          %dma_wait3A_120 = tpu.memref_slice %arg10[%dma_wait3A_118, %dma_wait3A_119] : memref<10240x128xf32, #tpu.memory_space<vmem_shared>> -> memref<10240x128xf32, #tpu.memory_space<vmem_shared>>
          tpu.wait_indirect_dma semaphore(%run_scoped3A : memref<!tpu.dma_semaphore, #tpu.memory_space<semaphore_mem>>) src(%arg9 : memref<128x128xf32, #tpu.memory_space<vmem>>) dst(%dma_wait3A_120 : memref<10240x128xf32, #tpu.memory_space<vmem_shared>>)
          tpu.yield
        }) : () -> ()
        %scan3A_108 = arith.constant 0 : i32
        scf.yield %scan3A_108 : i32
      }
      %scan3A_72 = arith.constant 8 : i32
      %while3A_73 = arith.constant 0 : i32
      scf.yield %while3A_73 : i32
    }
    %while3A_45 = arith.constant 1 : i32
    %while3A_46 = scf.for %while3A_55 = %while3A_42 to %while3A_38 step %while3A_45 iter_args(%while3A_56 = %while3A_44) -> (i32)  : i32 {
      %mul3A_57 = arith.constant 16 : i32
      %mul3A_58 = arith.muli %while3A_55, %mul3A_57 : i32
      %add3A_59 = arith.addi %select_n3A_35, %mul3A_58 : i32
      "tpu.region"() ({
        %run_scoped3A = tpu.sem_alloc : memref<!tpu.dma_semaphore, #tpu.memory_space<semaphore_mem>>
        %dma_start3A_74 = arith.constant 0 : i32
        %dma_start3A_75 = tpu.memref_slice %arg2[%add3A_59, %dma_start3A_74] : memref<2560x128xi32, #tpu.memory_space<hbm>> -> memref<16x128xi32, #tpu.memory_space<hbm>>
        %dma_start3A_76 = arith.constant 0 : i32
        %dma_start3A_77 = tpu.memref_slice %arg2[%add3A_59, %dma_start3A_76] : memref<2560x128xi32, #tpu.memory_space<hbm>> -> memref<16x128xi32, #tpu.memory_space<hbm>>
        tpu.enqueue_dma source(%dma_start3A_77 : memref<16x128xi32, #tpu.memory_space<hbm>>) target(%arg6 : memref<16x128xi32, #tpu.memory_space<vmem>>) target_semaphore(%run_scoped3A : memref<!tpu.dma_semaphore, #tpu.memory_space<semaphore_mem>>)
        %dma_wait3A = arith.constant 0 : i32
        %dma_wait3A_78 = tpu.memref_slice %arg2[%add3A_59, %dma_wait3A] : memref<2560x128xi32, #tpu.memory_space<hbm>> -> memref<16x128xi32, #tpu.memory_space<hbm>>
        %dma_wait3A_79 = arith.constant 0 : i32
        %dma_wait3A_80 = tpu.memref_slice %arg2[%add3A_59, %dma_wait3A_79] : memref<2560x128xi32, #tpu.memory_space<hbm>> -> memref<16x128xi32, #tpu.memory_space<hbm>>
        tpu.wait_dma2 semaphore(%run_scoped3A : memref<!tpu.dma_semaphore, #tpu.memory_space<semaphore_mem>>) src(%dma_wait3A_80 : memref<16x128xi32, #tpu.memory_space<hbm>>) dst(%arg6 : memref<16x128xi32, #tpu.memory_space<vmem>>)
        tpu.yield
      }) : () -> ()
      "tpu.region"() ({
        %run_scoped3A = tpu.sem_alloc : memref<!tpu.dma_semaphore, #tpu.memory_space<semaphore_mem>>
        %dma_start3A_74 = arith.constant 0 : i32
        %dma_start3A_75 = tpu.memref_slice %arg3[%add3A_59, %dma_start3A_74] : memref<2560x128xi32, #tpu.memory_space<hbm>> -> memref<16x128xi32, #tpu.memory_space<hbm>>
        %dma_start3A_76 = arith.constant 0 : i32
        %dma_start3A_77 = tpu.memref_slice %arg3[%add3A_59, %dma_start3A_76] : memref<2560x128xi32, #tpu.memory_space<hbm>> -> memref<16x128xi32, #tpu.memory_space<hbm>>
        tpu.enqueue_dma source(%dma_start3A_77 : memref<16x128xi32, #tpu.memory_space<hbm>>) target(%arg7 : memref<16x128xi32, #tpu.memory_space<vmem>>) target_semaphore(%run_scoped3A : memref<!tpu.dma_semaphore, #tpu.memory_space<semaphore_mem>>)
        %dma_wait3A = arith.constant 0 : i32
        %dma_wait3A_78 = tpu.memref_slice %arg3[%add3A_59, %dma_wait3A] : memref<2560x128xi32, #tpu.memory_space<hbm>> -> memref<16x128xi32, #tpu.memory_space<hbm>>
        %dma_wait3A_79 = arith.constant 0 : i32
        %dma_wait3A_80 = tpu.memref_slice %arg3[%add3A_59, %dma_wait3A_79] : memref<2560x128xi32, #tpu.memory_space<hbm>> -> memref<16x128xi32, #tpu.memory_space<hbm>>
        tpu.wait_dma2 semaphore(%run_scoped3A : memref<!tpu.dma_semaphore, #tpu.memory_space<semaphore_mem>>) src(%dma_wait3A_80 : memref<16x128xi32, #tpu.memory_space<hbm>>) dst(%arg7 : memref<16x128xi32, #tpu.memory_space<vmem>>)
        tpu.yield
      }) : () -> ()
      %dma_start3A = arith.constant 0 : i32
      %dma_start3A_60 = arith.constant 0 : i32
      %dma_start3A_61 = tpu.memref_slice %arg6[%dma_start3A, %dma_start3A_60] : memref<16x128xi32, #tpu.memory_space<vmem>> -> memref<1x128xi32, #tpu.memory_space<vmem>>
      %dma_start3A_62 = tpu.memref_squeeze %dma_start3A_61 : memref<1x128xi32, #tpu.memory_space<vmem>> -> memref<128xi32, #tpu.memory_space<vmem>>
      %dma_start3A_63 = arith.constant 0 : i32
      %dma_start3A_64 = arith.constant 0 : i32
      %dma_start3A_65 = tpu.memref_slice %arg4[%dma_start3A_63, %dma_start3A_64] : memref<10000x128xf32, #tpu.memory_space<hbm>> -> memref<10000x128xf32, #tpu.memory_space<hbm>>
      tpu.enqueue_indirect_dma source(%dma_start3A_65 : memref<10000x128xf32, #tpu.memory_space<hbm>>) target(%arg8 : memref<128x128xf32, #tpu.memory_space<vmem>>) offsets(%dma_start3A_62 : memref<128xi32, #tpu.memory_space<vmem>>) semaphore(%arg11 : memref<!tpu.dma_semaphore, #tpu.memory_space<semaphore_mem>>)
      %scan3A_66 = arith.constant 0 : i32
      %scan3A_67 = arith.constant 0 : i32
      %scan3A_68 = arith.constant 8 : i32
      %scan3A_69 = arith.addi %scan3A_67, %scan3A_68 : i32
      %scan3A_70 = arith.constant 1 : i32
      %scan3A_71 = scf.for %scan3A_74 = %scan3A_67 to %scan3A_69 step %scan3A_70 iter_args(%scan3A_75 = %scan3A_66) -> (i32)  : i32 {
        %mul3A_76 = arith.constant 2 : i32
        %mul3A_77 = arith.muli %mul3A_76, %scan3A_74 : i32
        %add3A_78 = arith.constant 1 : i32
        %add3A_79 = arith.addi %mul3A_77, %add3A_78 : i32
        %dma_start3A_80 = arith.constant 0 : i32
        %dma_start3A_81 = tpu.memref_slice %arg6[%add3A_79, %dma_start3A_80] : memref<16x128xi32, #tpu.memory_space<vmem>> -> memref<1x128xi32, #tpu.memory_space<vmem>>
        %dma_start3A_82 = tpu.memref_squeeze %dma_start3A_81 : memref<1x128xi32, #tpu.memory_space<vmem>> -> memref<128xi32, #tpu.memory_space<vmem>>
        %dma_start3A_83 = arith.constant 0 : i32
        %dma_start3A_84 = arith.constant 0 : i32
        %dma_start3A_85 = tpu.memref_slice %arg4[%dma_start3A_83, %dma_start3A_84] : memref<10000x128xf32, #tpu.memory_space<hbm>> -> memref<10000x128xf32, #tpu.memory_space<hbm>>
        tpu.enqueue_indirect_dma source(%dma_start3A_85 : memref<10000x128xf32, #tpu.memory_space<hbm>>) target(%arg9 : memref<128x128xf32, #tpu.memory_space<vmem>>) offsets(%dma_start3A_82 : memref<128xi32, #tpu.memory_space<vmem>>) semaphore(%arg12 : memref<!tpu.dma_semaphore, #tpu.memory_space<semaphore_mem>>)
        %dma_wait3A = arith.constant 0 : i32
        %dma_wait3A_86 = tpu.memref_slice %arg6[%mul3A_77, %dma_wait3A] : memref<16x128xi32, #tpu.memory_space<vmem>> -> memref<1x128xi32, #tpu.memory_space<vmem>>
        %dma_wait3A_87 = tpu.memref_squeeze %dma_wait3A_86 : memref<1x128xi32, #tpu.memory_space<vmem>> -> memref<128xi32, #tpu.memory_space<vmem>>
        %dma_wait3A_88 = arith.constant 0 : i32
        %dma_wait3A_89 = arith.constant 0 : i32
        %dma_wait3A_90 = tpu.memref_slice %arg4[%dma_wait3A_88, %dma_wait3A_89] : memref<10000x128xf32, #tpu.memory_space<hbm>> -> memref<10000x128xf32, #tpu.memory_space<hbm>>
        tpu.wait_indirect_dma semaphore(%arg11 : memref<!tpu.dma_semaphore, #tpu.memory_space<semaphore_mem>>) src(%dma_wait3A_90 : memref<10000x128xf32, #tpu.memory_space<hbm>>) dst(%arg8 : memref<128x128xf32, #tpu.memory_space<vmem>>)
        "tpu.region"() ({
          %run_scoped3A = tpu.sem_alloc : memref<!tpu.dma_semaphore, #tpu.memory_space<semaphore_mem>>
          %dma_start3A_109 = arith.constant 0 : i32
          %dma_start3A_110 = tpu.memref_slice %arg7[%mul3A_77, %dma_start3A_109] : memref<16x128xi32, #tpu.memory_space<vmem>> -> memref<1x128xi32, #tpu.memory_space<vmem>>
          %dma_start3A_111 = tpu.memref_squeeze %dma_start3A_110 : memref<1x128xi32, #tpu.memory_space<vmem>> -> memref<128xi32, #tpu.memory_space<vmem>>
          %dma_start3A_112 = arith.constant 0 : i32
          %dma_start3A_113 = arith.constant 0 : i32
          %dma_start3A_114 = tpu.memref_slice %arg10[%dma_start3A_112, %dma_start3A_113] : memref<10240x128xf32, #tpu.memory_space<vmem_shared>> -> memref<10240x128xf32, #tpu.memory_space<vmem_shared>>
          tpu.enqueue_indirect_dma source(%arg8 : memref<128x128xf32, #tpu.memory_space<vmem>>) target(%dma_start3A_114 : memref<10240x128xf32, #tpu.memory_space<vmem_shared>>) offsets(%dma_start3A_111 : memref<128xi32, #tpu.memory_space<vmem>>) semaphore(%run_scoped3A : memref<!tpu.dma_semaphore, #tpu.memory_space<semaphore_mem>>) {add = true}
          %dma_wait3A_115 = arith.constant 0 : i32
          %dma_wait3A_116 = tpu.memref_slice %arg7[%mul3A_77, %dma_wait3A_115] : memref<16x128xi32, #tpu.memory_space<vmem>> -> memref<1x128xi32, #tpu.memory_space<vmem>>
          %dma_wait3A_117 = tpu.memref_squeeze %dma_wait3A_116 : memref<1x128xi32, #tpu.memory_space<vmem>> -> memref<128xi32, #tpu.memory_space<vmem>>
          %dma_wait3A_118 = arith.constant 0 : i32
          %dma_wait3A_119 = arith.constant 0 : i32
          %dma_wait3A_120 = tpu.memref_slice %arg10[%dma_wait3A_118, %dma_wait3A_119] : memref<10240x128xf32, #tpu.memory_space<vmem_shared>> -> memref<10240x128xf32, #tpu.memory_space<vmem_shared>>
          tpu.wait_indirect_dma semaphore(%run_scoped3A : memref<!tpu.dma_semaphore, #tpu.memory_space<semaphore_mem>>) src(%arg8 : memref<128x128xf32, #tpu.memory_space<vmem>>) dst(%dma_wait3A_120 : memref<10240x128xf32, #tpu.memory_space<vmem_shared>>)
          tpu.yield
        }) : () -> ()
        %add3A_91 = arith.constant 2 : i32
        %add3A_92 = arith.addi %mul3A_77, %add3A_91 : i32
        %lt3A_93 = arith.constant 16 : i32
        %lt3A_94 = arith.cmpi slt, %add3A_92, %lt3A_93 : i32
        %convert_element_type3A_95 = arith.extui %lt3A_94 : i1 to i32
        %cond3A_96 = arith.constant 0 : i32
        %cond3A_97 = arith.cmpi ne, %convert_element_type3A_95, %cond3A_96 : i32
        scf.if %cond3A_97 {
          %add3A_109 = arith.constant 2 : i32
          %add3A_110 = arith.addi %mul3A_77, %add3A_109 : i32
          %dma_start3A_111 = arith.constant 0 : i32
          %dma_start3A_112 = tpu.memref_slice %arg6[%add3A_110, %dma_start3A_111] : memref<16x128xi32, #tpu.memory_space<vmem>> -> memref<1x128xi32, #tpu.memory_space<vmem>>
          %dma_start3A_113 = tpu.memref_squeeze %dma_start3A_112 : memref<1x128xi32, #tpu.memory_space<vmem>> -> memref<128xi32, #tpu.memory_space<vmem>>
          %dma_start3A_114 = arith.constant 0 : i32
          %dma_start3A_115 = arith.constant 0 : i32
          %dma_start3A_116 = tpu.memref_slice %arg4[%dma_start3A_114, %dma_start3A_115] : memref<10000x128xf32, #tpu.memory_space<hbm>> -> memref<10000x128xf32, #tpu.memory_space<hbm>>
          tpu.enqueue_indirect_dma source(%dma_start3A_116 : memref<10000x128xf32, #tpu.memory_space<hbm>>) target(%arg8 : memref<128x128xf32, #tpu.memory_space<vmem>>) offsets(%dma_start3A_113 : memref<128xi32, #tpu.memory_space<vmem>>) semaphore(%arg11 : memref<!tpu.dma_semaphore, #tpu.memory_space<semaphore_mem>>)
        } else {
        }
        %add3A_98 = arith.constant 1 : i32
        %add3A_99 = arith.addi %mul3A_77, %add3A_98 : i32
        %dma_wait3A_100 = arith.constant 0 : i32
        %dma_wait3A_101 = tpu.memref_slice %arg6[%add3A_99, %dma_wait3A_100] : memref<16x128xi32, #tpu.memory_space<vmem>> -> memref<1x128xi32, #tpu.memory_space<vmem>>
        %dma_wait3A_102 = tpu.memref_squeeze %dma_wait3A_101 : memref<1x128xi32, #tpu.memory_space<vmem>> -> memref<128xi32, #tpu.memory_space<vmem>>
        %dma_wait3A_103 = arith.constant 0 : i32
        %dma_wait3A_104 = arith.constant 0 : i32
        %dma_wait3A_105 = tpu.memref_slice %arg4[%dma_wait3A_103, %dma_wait3A_104] : memref<10000x128xf32, #tpu.memory_space<hbm>> -> memref<10000x128xf32, #tpu.memory_space<hbm>>
        tpu.wait_indirect_dma semaphore(%arg12 : memref<!tpu.dma_semaphore, #tpu.memory_space<semaphore_mem>>) src(%dma_wait3A_105 : memref<10000x128xf32, #tpu.memory_space<hbm>>) dst(%arg9 : memref<128x128xf32, #tpu.memory_space<vmem>>)
        %add3A_106 = arith.constant 1 : i32
        %add3A_107 = arith.addi %mul3A_77, %add3A_106 : i32
        "tpu.region"() ({
          %run_scoped3A = tpu.sem_alloc : memref<!tpu.dma_semaphore, #tpu.memory_space<semaphore_mem>>
          %dma_start3A_109 = arith.constant 0 : i32
          %dma_start3A_110 = tpu.memref_slice %arg7[%add3A_107, %dma_start3A_109] : memref<16x128xi32, #tpu.memory_space<vmem>> -> memref<1x128xi32, #tpu.memory_space<vmem>>
          %dma_start3A_111 = tpu.memref_squeeze %dma_start3A_110 : memref<1x128xi32, #tpu.memory_space<vmem>> -> memref<128xi32, #tpu.memory_space<vmem>>
          %dma_start3A_112 = arith.constant 0 : i32
          %dma_start3A_113 = arith.constant 0 : i32
          %dma_start3A_114 = tpu.memref_slice %arg10[%dma_start3A_112, %dma_start3A_113] : memref<10240x128xf32, #tpu.memory_space<vmem_shared>> -> memref<10240x128xf32, #tpu.memory_space<vmem_shared>>
          tpu.enqueue_indirect_dma source(%arg9 : memref<128x128xf32, #tpu.memory_space<vmem>>) target(%dma_start3A_114 : memref<10240x128xf32, #tpu.memory_space<vmem_shared>>) offsets(%dma_start3A_111 : memref<128xi32, #tpu.memory_space<vmem>>) semaphore(%run_scoped3A : memref<!tpu.dma_semaphore, #tpu.memory_space<semaphore_mem>>) {add = true}
          %dma_wait3A_115 = arith.constant 0 : i32
          %dma_wait3A_116 = tpu.memref_slice %arg7[%add3A_107, %dma_wait3A_115] : memref<16x128xi32, #tpu.memory_space<vmem>> -> memref<1x128xi32, #tpu.memory_space<vmem>>
          %dma_wait3A_117 = tpu.memref_squeeze %dma_wait3A_116 : memref<1x128xi32, #tpu.memory_space<vmem>> -> memref<128xi32, #tpu.memory_space<vmem>>
          %dma_wait3A_118 = arith.constant 0 : i32
          %dma_wait3A_119 = arith.constant 0 : i32
          %dma_wait3A_120 = tpu.memref_slice %arg10[%dma_wait3A_118, %dma_wait3A_119] : memref<10240x128xf32, #tpu.memory_space<vmem_shared>> -> memref<10240x128xf32, #tpu.memory_space<vmem_shared>>
          tpu.wait_indirect_dma semaphore(%run_scoped3A : memref<!tpu.dma_semaphore, #tpu.memory_space<semaphore_mem>>) src(%arg9 : memref<128x128xf32, #tpu.memory_space<vmem>>) dst(%dma_wait3A_120 : memref<10240x128xf32, #tpu.memory_space<vmem_shared>>)
          tpu.yield
        }) : () -> ()
        %scan3A_108 = arith.constant 0 : i32
        scf.yield %scan3A_108 : i32
      }
      %scan3A_72 = arith.constant 8 : i32
      %while3A_73 = arith.constant 0 : i32
      scf.yield %while3A_73 : i32
    }
    %barrier3A_47 = arith.constant 0 : index
    tpu.barrier barrier_id(%barrier3A_47)
    %lt3A = arith.constant 15 : i32
    %lt3A_48 = arith.cmpi slt, %arg1, %lt3A : i32
    %convert_element_type3A = arith.extui %lt3A_48 : i1 to i32
    %cond3A = arith.constant 0 : i32
    %cond3A_49 = arith.cmpi ne, %convert_element_type3A, %cond3A : i32
    scf.if %cond3A_49 {
      %mul3A_55 = arith.constant 632 : i32
      %mul3A_56 = arith.muli %arg1, %mul3A_55 : i32
      %add3A_57 = arith.constant 0 : i32
      %add3A_58 = arith.addi %mul3A_56, %add3A_57 : i32
      "tpu.region"() ({
        %run_scoped3A = tpu.sem_alloc : memref<!tpu.dma_semaphore, #tpu.memory_space<semaphore_mem>>
        %dma_start3A = arith.constant 0 : i32
        %dma_start3A_75 = arith.constant 0 : i32
        %dma_start3A_76 = tpu.memref_slice %arg8[%dma_start3A, %dma_start3A_75] : memref<128x128xf32, #tpu.memory_space<vmem>> -> memref<128x128xf32, #tpu.memory_space<vmem>>
        %dma_start3A_77 = arith.constant 0 : i32
        %dma_start3A_78 = tpu.memref_slice %arg10[%add3A_58, %dma_start3A_77] : memref<10240x128xf32, #tpu.memory_space<vmem_shared>> -> memref<128x128xf32, #tpu.memory_space<vmem_shared>>
        %dma_start3A_79 = arith.constant 0 : i32
        %dma_start3A_80 = arith.constant 0 : i32
        %dma_start3A_81 = tpu.memref_slice %arg8[%dma_start3A_79, %dma_start3A_80] : memref<128x128xf32, #tpu.memory_space<vmem>> -> memref<128x128xf32, #tpu.memory_space<vmem>>
        %dma_start3A_82 = arith.constant 0 : i32
        %dma_start3A_83 = tpu.memref_slice %arg10[%add3A_58, %dma_start3A_82] : memref<10240x128xf32, #tpu.memory_space<vmem_shared>> -> memref<128x128xf32, #tpu.memory_space<vmem_shared>>
        tpu.enqueue_dma source(%dma_start3A_83 : memref<128x128xf32, #tpu.memory_space<vmem_shared>>) target(%dma_start3A_81 : memref<128x128xf32, #tpu.memory_space<vmem>>) target_semaphore(%run_scoped3A : memref<!tpu.dma_semaphore, #tpu.memory_space<semaphore_mem>>)
        %dma_wait3A = arith.constant 0 : i32
        %dma_wait3A_84 = arith.constant 0 : i32
        %dma_wait3A_85 = tpu.memref_slice %arg8[%dma_wait3A, %dma_wait3A_84] : memref<128x128xf32, #tpu.memory_space<vmem>> -> memref<128x128xf32, #tpu.memory_space<vmem>>
        %dma_wait3A_86 = arith.constant 0 : i32
        %dma_wait3A_87 = tpu.memref_slice %arg10[%add3A_58, %dma_wait3A_86] : memref<10240x128xf32, #tpu.memory_space<vmem_shared>> -> memref<128x128xf32, #tpu.memory_space<vmem_shared>>
        %dma_wait3A_88 = arith.constant 0 : i32
        %dma_wait3A_89 = arith.constant 0 : i32
        %dma_wait3A_90 = tpu.memref_slice %arg8[%dma_wait3A_88, %dma_wait3A_89] : memref<128x128xf32, #tpu.memory_space<vmem>> -> memref<128x128xf32, #tpu.memory_space<vmem>>
        %dma_wait3A_91 = arith.constant 0 : i32
        %dma_wait3A_92 = tpu.memref_slice %arg10[%add3A_58, %dma_wait3A_91] : memref<10240x128xf32, #tpu.memory_space<vmem_shared>> -> memref<128x128xf32, #tpu.memory_space<vmem_shared>>
        tpu.wait_dma2 semaphore(%run_scoped3A : memref<!tpu.dma_semaphore, #tpu.memory_space<semaphore_mem>>) src(%dma_wait3A_92 : memref<128x128xf32, #tpu.memory_space<vmem_shared>>) dst(%dma_wait3A_90 : memref<128x128xf32, #tpu.memory_space<vmem>>)
        tpu.yield
      }) : () -> ()
      "tpu.region"() ({
        %run_scoped3A = tpu.sem_alloc : memref<!tpu.dma_semaphore, #tpu.memory_space<semaphore_mem>>
        %dma_start3A = arith.constant 0 : i32
        %dma_start3A_75 = arith.constant 0 : i32
        %dma_start3A_76 = tpu.memref_slice %arg8[%dma_start3A, %dma_start3A_75] : memref<128x128xf32, #tpu.memory_space<vmem>> -> memref<128x128xf32, #tpu.memory_space<vmem>>
        %dma_start3A_77 = arith.constant 0 : i32
        %dma_start3A_78 = tpu.memref_slice %arg5[%arg0, %add3A_58, %dma_start3A_77] : memref<2x10000x128xf32, #tpu.memory_space<hbm>> -> memref<1x128x128xf32, #tpu.memory_space<hbm>>
        %dma_start3A_79 = tpu.memref_squeeze %dma_start3A_78 : memref<1x128x128xf32, #tpu.memory_space<hbm>> -> memref<128x128xf32, #tpu.memory_space<hbm>>
        %dma_start3A_80 = arith.constant 0 : i32
        %dma_start3A_81 = tpu.memref_slice %arg5[%arg0, %add3A_58, %dma_start3A_80] : memref<2x10000x128xf32, #tpu.memory_space<hbm>> -> memref<1x128x128xf32, #tpu.memory_space<hbm>>
        %dma_start3A_82 = tpu.memref_squeeze %dma_start3A_81 : memref<1x128x128xf32, #tpu.memory_space<hbm>> -> memref<128x128xf32, #tpu.memory_space<hbm>>
        %dma_start3A_83 = arith.constant 0 : i32
        %dma_start3A_84 = arith.constant 0 : i32
        %dma_start3A_85 = tpu.memref_slice %arg8[%dma_start3A_83, %dma_start3A_84] : memref<128x128xf32, #tpu.memory_space<vmem>> -> memref<128x128xf32, #tpu.memory_space<vmem>>
        tpu.enqueue_dma source(%dma_start3A_85 : memref<128x128xf32, #tpu.memory_space<vmem>>) target(%dma_start3A_82 : memref<128x128xf32, #tpu.memory_space<hbm>>) target_semaphore(%run_scoped3A : memref<!tpu.dma_semaphore, #tpu.memory_space<semaphore_mem>>)
        %dma_wait3A = arith.constant 0 : i32
        %dma_wait3A_86 = arith.constant 0 : i32
        %dma_wait3A_87 = tpu.memref_slice %arg8[%dma_wait3A, %dma_wait3A_86] : memref<128x128xf32, #tpu.memory_space<vmem>> -> memref<128x128xf32, #tpu.memory_space<vmem>>
        %dma_wait3A_88 = arith.constant 0 : i32
        %dma_wait3A_89 = tpu.memref_slice %arg5[%arg0, %add3A_58, %dma_wait3A_88] : memref<2x10000x128xf32, #tpu.memory_space<hbm>> -> memref<1x128x128xf32, #tpu.memory_space<hbm>>
        %dma_wait3A_90 = tpu.memref_squeeze %dma_wait3A_89 : memref<1x128x128xf32, #tpu.memory_space<hbm>> -> memref<128x128xf32, #tpu.memory_space<hbm>>
        %dma_wait3A_91 = arith.constant 0 : i32
        %dma_wait3A_92 = tpu.memref_slice %arg5[%arg0, %add3A_58, %dma_wait3A_91] : memref<2x10000x128xf32, #tpu.memory_space<hbm>> -> memref<1x128x128xf32, #tpu.memory_space<hbm>>
        %dma_wait3A_93 = tpu.memref_squeeze %dma_wait3A_92 : memref<1x128x128xf32, #tpu.memory_space<hbm>> -> memref<128x128xf32, #tpu.memory_space<hbm>>
        %dma_wait3A_94 = arith.constant 0 : i32
        %dma_wait3A_95 = arith.constant 0 : i32
        %dma_wait3A_96 = tpu.memref_slice %arg8[%dma_wait3A_94, %dma_wait3A_95] : memref<128x128xf32, #tpu.memory_space<vmem>> -> memref<128x128xf32, #tpu.memory_space<vmem>>
        tpu.wait_dma2 semaphore(%run_scoped3A : memref<!tpu.dma_semaphore, #tpu.memory_space<semaphore_mem>>) src(%dma_wait3A_96 : memref<128x128xf32, #tpu.memory_space<vmem>>) dst(%dma_wait3A_93 : memref<128x128xf32, #tpu.memory_space<hbm>>)
        tpu.yield
      }) : () -> ()
      %mul3A_59 = arith.constant 632 : i32
      %mul3A_60 = arith.muli %arg1, %mul3A_59 : i32
      %add3A_61 = arith.constant 128 : i32
      %add3A_62 = arith.addi %mul3A_60, %add3A_61 : i32
      "tpu.region"() ({
        %run_scoped3A = tpu.sem_alloc : memref<!tpu.dma_semaphore, #tpu.memory_space<semaphore_mem>>
        %dma_start3A = arith.constant 0 : i32
        %dma_start3A_75 = arith.constant 0 : i32
        %dma_start3A_76 = tpu.memref_slice %arg8[%dma_start3A, %dma_start3A_75] : memref<128x128xf32, #tpu.memory_space<vmem>> -> memref<128x128xf32, #tpu.memory_space<vmem>>
        %dma_start3A_77 = arith.constant 0 : i32
        %dma_start3A_78 = tpu.memref_slice %arg10[%add3A_62, %dma_start3A_77] : memref<10240x128xf32, #tpu.memory_space<vmem_shared>> -> memref<128x128xf32, #tpu.memory_space<vmem_shared>>
        %dma_start3A_79 = arith.constant 0 : i32
        %dma_start3A_80 = arith.constant 0 : i32
        %dma_start3A_81 = tpu.memref_slice %arg8[%dma_start3A_79, %dma_start3A_80] : memref<128x128xf32, #tpu.memory_space<vmem>> -> memref<128x128xf32, #tpu.memory_space<vmem>>
        %dma_start3A_82 = arith.constant 0 : i32
        %dma_start3A_83 = tpu.memref_slice %arg10[%add3A_62, %dma_start3A_82] : memref<10240x128xf32, #tpu.memory_space<vmem_shared>> -> memref<128x128xf32, #tpu.memory_space<vmem_shared>>
        tpu.enqueue_dma source(%dma_start3A_83 : memref<128x128xf32, #tpu.memory_space<vmem_shared>>) target(%dma_start3A_81 : memref<128x128xf32, #tpu.memory_space<vmem>>) target_semaphore(%run_scoped3A : memref<!tpu.dma_semaphore, #tpu.memory_space<semaphore_mem>>)
        %dma_wait3A = arith.constant 0 : i32
        %dma_wait3A_84 = arith.constant 0 : i32
        %dma_wait3A_85 = tpu.memref_slice %arg8[%dma_wait3A, %dma_wait3A_84] : memref<128x128xf32, #tpu.memory_space<vmem>> -> memref<128x128xf32, #tpu.memory_space<vmem>>
        %dma_wait3A_86 = arith.constant 0 : i32
        %dma_wait3A_87 = tpu.memref_slice %arg10[%add3A_62, %dma_wait3A_86] : memref<10240x128xf32, #tpu.memory_space<vmem_shared>> -> memref<128x128xf32, #tpu.memory_space<vmem_shared>>
        %dma_wait3A_88 = arith.constant 0 : i32
        %dma_wait3A_89 = arith.constant 0 : i32
        %dma_wait3A_90 = tpu.memref_slice %arg8[%dma_wait3A_88, %dma_wait3A_89] : memref<128x128xf32, #tpu.memory_space<vmem>> -> memref<128x128xf32, #tpu.memory_space<vmem>>
        %dma_wait3A_91 = arith.constant 0 : i32
        %dma_wait3A_92 = tpu.memref_slice %arg10[%add3A_62, %dma_wait3A_91] : memref<10240x128xf32, #tpu.memory_space<vmem_shared>> -> memref<128x128xf32, #tpu.memory_space<vmem_shared>>
        tpu.wait_dma2 semaphore(%run_scoped3A : memref<!tpu.dma_semaphore, #tpu.memory_space<semaphore_mem>>) src(%dma_wait3A_92 : memref<128x128xf32, #tpu.memory_space<vmem_shared>>) dst(%dma_wait3A_90 : memref<128x128xf32, #tpu.memory_space<vmem>>)
        tpu.yield
      }) : () -> ()
      "tpu.region"() ({
        %run_scoped3A = tpu.sem_alloc : memref<!tpu.dma_semaphore, #tpu.memory_space<semaphore_mem>>
        %dma_start3A = arith.constant 0 : i32
        %dma_start3A_75 = arith.constant 0 : i32
        %dma_start3A_76 = tpu.memref_slice %arg8[%dma_start3A, %dma_start3A_75] : memref<128x128xf32, #tpu.memory_space<vmem>> -> memref<128x128xf32, #tpu.memory_space<vmem>>
        %dma_start3A_77 = arith.constant 0 : i32
        %dma_start3A_78 = tpu.memref_slice %arg5[%arg0, %add3A_62, %dma_start3A_77] : memref<2x10000x128xf32, #tpu.memory_space<hbm>> -> memref<1x128x128xf32, #tpu.memory_space<hbm>>
        %dma_start3A_79 = tpu.memref_squeeze %dma_start3A_78 : memref<1x128x128xf32, #tpu.memory_space<hbm>> -> memref<128x128xf32, #tpu.memory_space<hbm>>
        %dma_start3A_80 = arith.constant 0 : i32
        %dma_start3A_81 = tpu.memref_slice %arg5[%arg0, %add3A_62, %dma_start3A_80] : memref<2x10000x128xf32, #tpu.memory_space<hbm>> -> memref<1x128x128xf32, #tpu.memory_space<hbm>>
        %dma_start3A_82 = tpu.memref_squeeze %dma_start3A_81 : memref<1x128x128xf32, #tpu.memory_space<hbm>> -> memref<128x128xf32, #tpu.memory_space<hbm>>
        %dma_start3A_83 = arith.constant 0 : i32
        %dma_start3A_84 = arith.constant 0 : i32
        %dma_start3A_85 = tpu.memref_slice %arg8[%dma_start3A_83, %dma_start3A_84] : memref<128x128xf32, #tpu.memory_space<vmem>> -> memref<128x128xf32, #tpu.memory_space<vmem>>
        tpu.enqueue_dma source(%dma_start3A_85 : memref<128x128xf32, #tpu.memory_space<vmem>>) target(%dma_start3A_82 : memref<128x128xf32, #tpu.memory_space<hbm>>) target_semaphore(%run_scoped3A : memref<!tpu.dma_semaphore, #tpu.memory_space<semaphore_mem>>)
        %dma_wait3A = arith.constant 0 : i32
        %dma_wait3A_86 = arith.constant 0 : i32
        %dma_wait3A_87 = tpu.memref_slice %arg8[%dma_wait3A, %dma_wait3A_86] : memref<128x128xf32, #tpu.memory_space<vmem>> -> memref<128x128xf32, #tpu.memory_space<vmem>>
        %dma_wait3A_88 = arith.constant 0 : i32
        %dma_wait3A_89 = tpu.memref_slice %arg5[%arg0, %add3A_62, %dma_wait3A_88] : memref<2x10000x128xf32, #tpu.memory_space<hbm>> -> memref<1x128x128xf32, #tpu.memory_space<hbm>>
        %dma_wait3A_90 = tpu.memref_squeeze %dma_wait3A_89 : memref<1x128x128xf32, #tpu.memory_space<hbm>> -> memref<128x128xf32, #tpu.memory_space<hbm>>
        %dma_wait3A_91 = arith.constant 0 : i32
        %dma_wait3A_92 = tpu.memref_slice %arg5[%arg0, %add3A_62, %dma_wait3A_91] : memref<2x10000x128xf32, #tpu.memory_space<hbm>> -> memref<1x128x128xf32, #tpu.memory_space<hbm>>
        %dma_wait3A_93 = tpu.memref_squeeze %dma_wait3A_92 : memref<1x128x128xf32, #tpu.memory_space<hbm>> -> memref<128x128xf32, #tpu.memory_space<hbm>>
        %dma_wait3A_94 = arith.constant 0 : i32
        %dma_wait3A_95 = arith.constant 0 : i32
        %dma_wait3A_96 = tpu.memref_slice %arg8[%dma_wait3A_94, %dma_wait3A_95] : memref<128x128xf32, #tpu.memory_space<vmem>> -> memref<128x128xf32, #tpu.memory_space<vmem>>
        tpu.wait_dma2 semaphore(%run_scoped3A : memref<!tpu.dma_semaphore, #tpu.memory_space<semaphore_mem>>) src(%dma_wait3A_96 : memref<128x128xf32, #tpu.memory_space<vmem>>) dst(%dma_wait3A_93 : memref<128x128xf32, #tpu.memory_space<hbm>>)
        tpu.yield
      }) : () -> ()
      %mul3A_63 = arith.constant 632 : i32
      %mul3A_64 = arith.muli %arg1, %mul3A_63 : i32
      %add3A_65 = arith.constant 256 : i32
      %add3A_66 = arith.addi %mul3A_64, %add3A_65 : i32
      "tpu.region"() ({
        %run_scoped3A = tpu.sem_alloc : memref<!tpu.dma_semaphore, #tpu.memory_space<semaphore_mem>>
        %dma_start3A = arith.constant 0 : i32
        %dma_start3A_75 = arith.constant 0 : i32
        %dma_start3A_76 = tpu.memref_slice %arg8[%dma_start3A, %dma_start3A_75] : memref<128x128xf32, #tpu.memory_space<vmem>> -> memref<128x128xf32, #tpu.memory_space<vmem>>
        %dma_start3A_77 = arith.constant 0 : i32
        %dma_start3A_78 = tpu.memref_slice %arg10[%add3A_66, %dma_start3A_77] : memref<10240x128xf32, #tpu.memory_space<vmem_shared>> -> memref<128x128xf32, #tpu.memory_space<vmem_shared>>
        %dma_start3A_79 = arith.constant 0 : i32
        %dma_start3A_80 = arith.constant 0 : i32
        %dma_start3A_81 = tpu.memref_slice %arg8[%dma_start3A_79, %dma_start3A_80] : memref<128x128xf32, #tpu.memory_space<vmem>> -> memref<128x128xf32, #tpu.memory_space<vmem>>
        %dma_start3A_82 = arith.constant 0 : i32
        %dma_start3A_83 = tpu.memref_slice %arg10[%add3A_66, %dma_start3A_82] : memref<10240x128xf32, #tpu.memory_space<vmem_shared>> -> memref<128x128xf32, #tpu.memory_space<vmem_shared>>
        tpu.enqueue_dma source(%dma_start3A_83 : memref<128x128xf32, #tpu.memory_space<vmem_shared>>) target(%dma_start3A_81 : memref<128x128xf32, #tpu.memory_space<vmem>>) target_semaphore(%run_scoped3A : memref<!tpu.dma_semaphore, #tpu.memory_space<semaphore_mem>>)
        %dma_wait3A = arith.constant 0 : i32
        %dma_wait3A_84 = arith.constant 0 : i32
        %dma_wait3A_85 = tpu.memref_slice %arg8[%dma_wait3A, %dma_wait3A_84] : memref<128x128xf32, #tpu.memory_space<vmem>> -> memref<128x128xf32, #tpu.memory_space<vmem>>
        %dma_wait3A_86 = arith.constant 0 : i32
        %dma_wait3A_87 = tpu.memref_slice %arg10[%add3A_66, %dma_wait3A_86] : memref<10240x128xf32, #tpu.memory_space<vmem_shared>> -> memref<128x128xf32, #tpu.memory_space<vmem_shared>>
        %dma_wait3A_88 = arith.constant 0 : i32
        %dma_wait3A_89 = arith.constant 0 : i32
        %dma_wait3A_90 = tpu.memref_slice %arg8[%dma_wait3A_88, %dma_wait3A_89] : memref<128x128xf32, #tpu.memory_space<vmem>> -> memref<128x128xf32, #tpu.memory_space<vmem>>
        %dma_wait3A_91 = arith.constant 0 : i32
        %dma_wait3A_92 = tpu.memref_slice %arg10[%add3A_66, %dma_wait3A_91] : memref<10240x128xf32, #tpu.memory_space<vmem_shared>> -> memref<128x128xf32, #tpu.memory_space<vmem_shared>>
        tpu.wait_dma2 semaphore(%run_scoped3A : memref<!tpu.dma_semaphore, #tpu.memory_space<semaphore_mem>>) src(%dma_wait3A_92 : memref<128x128xf32, #tpu.memory_space<vmem_shared>>) dst(%dma_wait3A_90 : memref<128x128xf32, #tpu.memory_space<vmem>>)
        tpu.yield
      }) : () -> ()
      "tpu.region"() ({
        %run_scoped3A = tpu.sem_alloc : memref<!tpu.dma_semaphore, #tpu.memory_space<semaphore_mem>>
        %dma_start3A = arith.constant 0 : i32
        %dma_start3A_75 = arith.constant 0 : i32
        %dma_start3A_76 = tpu.memref_slice %arg8[%dma_start3A, %dma_start3A_75] : memref<128x128xf32, #tpu.memory_space<vmem>> -> memref<128x128xf32, #tpu.memory_space<vmem>>
        %dma_start3A_77 = arith.constant 0 : i32
        %dma_start3A_78 = tpu.memref_slice %arg5[%arg0, %add3A_66, %dma_start3A_77] : memref<2x10000x128xf32, #tpu.memory_space<hbm>> -> memref<1x128x128xf32, #tpu.memory_space<hbm>>
        %dma_start3A_79 = tpu.memref_squeeze %dma_start3A_78 : memref<1x128x128xf32, #tpu.memory_space<hbm>> -> memref<128x128xf32, #tpu.memory_space<hbm>>
        %dma_start3A_80 = arith.constant 0 : i32
        %dma_start3A_81 = tpu.memref_slice %arg5[%arg0, %add3A_66, %dma_start3A_80] : memref<2x10000x128xf32, #tpu.memory_space<hbm>> -> memref<1x128x128xf32, #tpu.memory_space<hbm>>
        %dma_start3A_82 = tpu.memref_squeeze %dma_start3A_81 : memref<1x128x128xf32, #tpu.memory_space<hbm>> -> memref<128x128xf32, #tpu.memory_space<hbm>>
        %dma_start3A_83 = arith.constant 0 : i32
        %dma_start3A_84 = arith.constant 0 : i32
        %dma_start3A_85 = tpu.memref_slice %arg8[%dma_start3A_83, %dma_start3A_84] : memref<128x128xf32, #tpu.memory_space<vmem>> -> memref<128x128xf32, #tpu.memory_space<vmem>>
        tpu.enqueue_dma source(%dma_start3A_85 : memref<128x128xf32, #tpu.memory_space<vmem>>) target(%dma_start3A_82 : memref<128x128xf32, #tpu.memory_space<hbm>>) target_semaphore(%run_scoped3A : memref<!tpu.dma_semaphore, #tpu.memory_space<semaphore_mem>>)
        %dma_wait3A = arith.constant 0 : i32
        %dma_wait3A_86 = arith.constant 0 : i32
        %dma_wait3A_87 = tpu.memref_slice %arg8[%dma_wait3A, %dma_wait3A_86] : memref<128x128xf32, #tpu.memory_space<vmem>> -> memref<128x128xf32, #tpu.memory_space<vmem>>
        %dma_wait3A_88 = arith.constant 0 : i32
        %dma_wait3A_89 = tpu.memref_slice %arg5[%arg0, %add3A_66, %dma_wait3A_88] : memref<2x10000x128xf32, #tpu.memory_space<hbm>> -> memref<1x128x128xf32, #tpu.memory_space<hbm>>
        %dma_wait3A_90 = tpu.memref_squeeze %dma_wait3A_89 : memref<1x128x128xf32, #tpu.memory_space<hbm>> -> memref<128x128xf32, #tpu.memory_space<hbm>>
        %dma_wait3A_91 = arith.constant 0 : i32
        %dma_wait3A_92 = tpu.memref_slice %arg5[%arg0, %add3A_66, %dma_wait3A_91] : memref<2x10000x128xf32, #tpu.memory_space<hbm>> -> memref<1x128x128xf32, #tpu.memory_space<hbm>>
        %dma_wait3A_93 = tpu.memref_squeeze %dma_wait3A_92 : memref<1x128x128xf32, #tpu.memory_space<hbm>> -> memref<128x128xf32, #tpu.memory_space<hbm>>
        %dma_wait3A_94 = arith.constant 0 : i32
        %dma_wait3A_95 = arith.constant 0 : i32
        %dma_wait3A_96 = tpu.memref_slice %arg8[%dma_wait3A_94, %dma_wait3A_95] : memref<128x128xf32, #tpu.memory_space<vmem>> -> memref<128x128xf32, #tpu.memory_space<vmem>>
        tpu.wait_dma2 semaphore(%run_scoped3A : memref<!tpu.dma_semaphore, #tpu.memory_space<semaphore_mem>>) src(%dma_wait3A_96 : memref<128x128xf32, #tpu.memory_space<vmem>>) dst(%dma_wait3A_93 : memref<128x128xf32, #tpu.memory_space<hbm>>)
        tpu.yield
      }) : () -> ()
      %mul3A_67 = arith.constant 632 : i32
      %mul3A_68 = arith.muli %arg1, %mul3A_67 : i32
      %add3A_69 = arith.constant 384 : i32
      %add3A_70 = arith.addi %mul3A_68, %add3A_69 : i32
      "tpu.region"() ({
        %run_scoped3A = tpu.sem_alloc : memref<!tpu.dma_semaphore, #tpu.memory_space<semaphore_mem>>
        %dma_start3A = arith.constant 0 : i32
        %dma_start3A_75 = arith.constant 0 : i32
        %dma_start3A_76 = tpu.memref_slice %arg8[%dma_start3A, %dma_start3A_75] : memref<128x128xf32, #tpu.memory_space<vmem>> -> memref<128x128xf32, #tpu.memory_space<vmem>>
        %dma_start3A_77 = arith.constant 0 : i32
        %dma_start3A_78 = tpu.memref_slice %arg10[%add3A_70, %dma_start3A_77] : memref<10240x128xf32, #tpu.memory_space<vmem_shared>> -> memref<128x128xf32, #tpu.memory_space<vmem_shared>>
        %dma_start3A_79 = arith.constant 0 : i32
        %dma_start3A_80 = arith.constant 0 : i32
        %dma_start3A_81 = tpu.memref_slice %arg8[%dma_start3A_79, %dma_start3A_80] : memref<128x128xf32, #tpu.memory_space<vmem>> -> memref<128x128xf32, #tpu.memory_space<vmem>>
        %dma_start3A_82 = arith.constant 0 : i32
        %dma_start3A_83 = tpu.memref_slice %arg10[%add3A_70, %dma_start3A_82] : memref<10240x128xf32, #tpu.memory_space<vmem_shared>> -> memref<128x128xf32, #tpu.memory_space<vmem_shared>>
        tpu.enqueue_dma source(%dma_start3A_83 : memref<128x128xf32, #tpu.memory_space<vmem_shared>>) target(%dma_start3A_81 : memref<128x128xf32, #tpu.memory_space<vmem>>) target_semaphore(%run_scoped3A : memref<!tpu.dma_semaphore, #tpu.memory_space<semaphore_mem>>)
        %dma_wait3A = arith.constant 0 : i32
        %dma_wait3A_84 = arith.constant 0 : i32
        %dma_wait3A_85 = tpu.memref_slice %arg8[%dma_wait3A, %dma_wait3A_84] : memref<128x128xf32, #tpu.memory_space<vmem>> -> memref<128x128xf32, #tpu.memory_space<vmem>>
        %dma_wait3A_86 = arith.constant 0 : i32
        %dma_wait3A_87 = tpu.memref_slice %arg10[%add3A_70, %dma_wait3A_86] : memref<10240x128xf32, #tpu.memory_space<vmem_shared>> -> memref<128x128xf32, #tpu.memory_space<vmem_shared>>
        %dma_wait3A_88 = arith.constant 0 : i32
        %dma_wait3A_89 = arith.constant 0 : i32
        %dma_wait3A_90 = tpu.memref_slice %arg8[%dma_wait3A_88, %dma_wait3A_89] : memref<128x128xf32, #tpu.memory_space<vmem>> -> memref<128x128xf32, #tpu.memory_space<vmem>>
        %dma_wait3A_91 = arith.constant 0 : i32
        %dma_wait3A_92 = tpu.memref_slice %arg10[%add3A_70, %dma_wait3A_91] : memref<10240x128xf32, #tpu.memory_space<vmem_shared>> -> memref<128x128xf32, #tpu.memory_space<vmem_shared>>
        tpu.wait_dma2 semaphore(%run_scoped3A : memref<!tpu.dma_semaphore, #tpu.memory_space<semaphore_mem>>) src(%dma_wait3A_92 : memref<128x128xf32, #tpu.memory_space<vmem_shared>>) dst(%dma_wait3A_90 : memref<128x128xf32, #tpu.memory_space<vmem>>)
        tpu.yield
      }) : () -> ()
      "tpu.region"() ({
        %run_scoped3A = tpu.sem_alloc : memref<!tpu.dma_semaphore, #tpu.memory_space<semaphore_mem>>
        %dma_start3A = arith.constant 0 : i32
        %dma_start3A_75 = arith.constant 0 : i32
        %dma_start3A_76 = tpu.memref_slice %arg8[%dma_start3A, %dma_start3A_75] : memref<128x128xf32, #tpu.memory_space<vmem>> -> memref<128x128xf32, #tpu.memory_space<vmem>>
        %dma_start3A_77 = arith.constant 0 : i32
        %dma_start3A_78 = tpu.memref_slice %arg5[%arg0, %add3A_70, %dma_start3A_77] : memref<2x10000x128xf32, #tpu.memory_space<hbm>> -> memref<1x128x128xf32, #tpu.memory_space<hbm>>
        %dma_start3A_79 = tpu.memref_squeeze %dma_start3A_78 : memref<1x128x128xf32, #tpu.memory_space<hbm>> -> memref<128x128xf32, #tpu.memory_space<hbm>>
        %dma_start3A_80 = arith.constant 0 : i32
        %dma_start3A_81 = tpu.memref_slice %arg5[%arg0, %add3A_70, %dma_start3A_80] : memref<2x10000x128xf32, #tpu.memory_space<hbm>> -> memref<1x128x128xf32, #tpu.memory_space<hbm>>
        %dma_start3A_82 = tpu.memref_squeeze %dma_start3A_81 : memref<1x128x128xf32, #tpu.memory_space<hbm>> -> memref<128x128xf32, #tpu.memory_space<hbm>>
        %dma_start3A_83 = arith.constant 0 : i32
        %dma_start3A_84 = arith.constant 0 : i32
        %dma_start3A_85 = tpu.memref_slice %arg8[%dma_start3A_83, %dma_start3A_84] : memref<128x128xf32, #tpu.memory_space<vmem>> -> memref<128x128xf32, #tpu.memory_space<vmem>>
        tpu.enqueue_dma source(%dma_start3A_85 : memref<128x128xf32, #tpu.memory_space<vmem>>) target(%dma_start3A_82 : memref<128x128xf32, #tpu.memory_space<hbm>>) target_semaphore(%run_scoped3A : memref<!tpu.dma_semaphore, #tpu.memory_space<semaphore_mem>>)
        %dma_wait3A = arith.constant 0 : i32
        %dma_wait3A_86 = arith.constant 0 : i32
        %dma_wait3A_87 = tpu.memref_slice %arg8[%dma_wait3A, %dma_wait3A_86] : memref<128x128xf32, #tpu.memory_space<vmem>> -> memref<128x128xf32, #tpu.memory_space<vmem>>
        %dma_wait3A_88 = arith.constant 0 : i32
        %dma_wait3A_89 = tpu.memref_slice %arg5[%arg0, %add3A_70, %dma_wait3A_88] : memref<2x10000x128xf32, #tpu.memory_space<hbm>> -> memref<1x128x128xf32, #tpu.memory_space<hbm>>
        %dma_wait3A_90 = tpu.memref_squeeze %dma_wait3A_89 : memref<1x128x128xf32, #tpu.memory_space<hbm>> -> memref<128x128xf32, #tpu.memory_space<hbm>>
        %dma_wait3A_91 = arith.constant 0 : i32
        %dma_wait3A_92 = tpu.memref_slice %arg5[%arg0, %add3A_70, %dma_wait3A_91] : memref<2x10000x128xf32, #tpu.memory_space<hbm>> -> memref<1x128x128xf32, #tpu.memory_space<hbm>>
        %dma_wait3A_93 = tpu.memref_squeeze %dma_wait3A_92 : memref<1x128x128xf32, #tpu.memory_space<hbm>> -> memref<128x128xf32, #tpu.memory_space<hbm>>
        %dma_wait3A_94 = arith.constant 0 : i32
        %dma_wait3A_95 = arith.constant 0 : i32
        %dma_wait3A_96 = tpu.memref_slice %arg8[%dma_wait3A_94, %dma_wait3A_95] : memref<128x128xf32, #tpu.memory_space<vmem>> -> memref<128x128xf32, #tpu.memory_space<vmem>>
        tpu.wait_dma2 semaphore(%run_scoped3A : memref<!tpu.dma_semaphore, #tpu.memory_space<semaphore_mem>>) src(%dma_wait3A_96 : memref<128x128xf32, #tpu.memory_space<vmem>>) dst(%dma_wait3A_93 : memref<128x128xf32, #tpu.memory_space<hbm>>)
        tpu.yield
      }) : () -> ()
      %mul3A_71 = arith.constant 632 : i32
      %mul3A_72 = arith.muli %arg1, %mul3A_71 : i32
      %add3A_73 = arith.constant 512 : i32
      %add3A_74 = arith.addi %mul3A_72, %add3A_73 : i32
      "tpu.region"() ({
        %run_scoped3A = tpu.sem_alloc : memref<!tpu.dma_semaphore, #tpu.memory_space<semaphore_mem>>
        %dma_start3A = arith.constant 0 : i32
        %dma_start3A_75 = arith.constant 0 : i32
        %dma_start3A_76 = tpu.memref_slice %arg8[%dma_start3A, %dma_start3A_75] : memref<128x128xf32, #tpu.memory_space<vmem>> -> memref<120x128xf32, #tpu.memory_space<vmem>>
        %dma_start3A_77 = arith.constant 0 : i32
        %dma_start3A_78 = tpu.memref_slice %arg10[%add3A_74, %dma_start3A_77] : memref<10240x128xf32, #tpu.memory_space<vmem_shared>> -> memref<120x128xf32, #tpu.memory_space<vmem_shared>>
        %dma_start3A_79 = arith.constant 0 : i32
        %dma_start3A_80 = arith.constant 0 : i32
        %dma_start3A_81 = tpu.memref_slice %arg8[%dma_start3A_79, %dma_start3A_80] : memref<128x128xf32, #tpu.memory_space<vmem>> -> memref<120x128xf32, #tpu.memory_space<vmem>>
        %dma_start3A_82 = arith.constant 0 : i32
        %dma_start3A_83 = tpu.memref_slice %arg10[%add3A_74, %dma_start3A_82] : memref<10240x128xf32, #tpu.memory_space<vmem_shared>> -> memref<120x128xf32, #tpu.memory_space<vmem_shared>>
        tpu.enqueue_dma source(%dma_start3A_83 : memref<120x128xf32, #tpu.memory_space<vmem_shared>>) target(%dma_start3A_81 : memref<120x128xf32, #tpu.memory_space<vmem>>) target_semaphore(%run_scoped3A : memref<!tpu.dma_semaphore, #tpu.memory_space<semaphore_mem>>)
        %dma_wait3A = arith.constant 0 : i32
        %dma_wait3A_84 = arith.constant 0 : i32
        %dma_wait3A_85 = tpu.memref_slice %arg8[%dma_wait3A, %dma_wait3A_84] : memref<128x128xf32, #tpu.memory_space<vmem>> -> memref<120x128xf32, #tpu.memory_space<vmem>>
        %dma_wait3A_86 = arith.constant 0 : i32
        %dma_wait3A_87 = tpu.memref_slice %arg10[%add3A_74, %dma_wait3A_86] : memref<10240x128xf32, #tpu.memory_space<vmem_shared>> -> memref<120x128xf32, #tpu.memory_space<vmem_shared>>
        %dma_wait3A_88 = arith.constant 0 : i32
        %dma_wait3A_89 = arith.constant 0 : i32
        %dma_wait3A_90 = tpu.memref_slice %arg8[%dma_wait3A_88, %dma_wait3A_89] : memref<128x128xf32, #tpu.memory_space<vmem>> -> memref<120x128xf32, #tpu.memory_space<vmem>>
        %dma_wait3A_91 = arith.constant 0 : i32
        %dma_wait3A_92 = tpu.memref_slice %arg10[%add3A_74, %dma_wait3A_91] : memref<10240x128xf32, #tpu.memory_space<vmem_shared>> -> memref<120x128xf32, #tpu.memory_space<vmem_shared>>
        tpu.wait_dma2 semaphore(%run_scoped3A : memref<!tpu.dma_semaphore, #tpu.memory_space<semaphore_mem>>) src(%dma_wait3A_92 : memref<120x128xf32, #tpu.memory_space<vmem_shared>>) dst(%dma_wait3A_90 : memref<120x128xf32, #tpu.memory_space<vmem>>)
        tpu.yield
      }) : () -> ()
      "tpu.region"() ({
        %run_scoped3A = tpu.sem_alloc : memref<!tpu.dma_semaphore, #tpu.memory_space<semaphore_mem>>
        %dma_start3A = arith.constant 0 : i32
        %dma_start3A_75 = arith.constant 0 : i32
        %dma_start3A_76 = tpu.memref_slice %arg8[%dma_start3A, %dma_start3A_75] : memref<128x128xf32, #tpu.memory_space<vmem>> -> memref<120x128xf32, #tpu.memory_space<vmem>>
        %dma_start3A_77 = arith.constant 0 : i32
        %dma_start3A_78 = tpu.memref_slice %arg5[%arg0, %add3A_74, %dma_start3A_77] : memref<2x10000x128xf32, #tpu.memory_space<hbm>> -> memref<1x120x128xf32, #tpu.memory_space<hbm>>
        %dma_start3A_79 = tpu.memref_squeeze %dma_start3A_78 : memref<1x120x128xf32, #tpu.memory_space<hbm>> -> memref<120x128xf32, #tpu.memory_space<hbm>>
        %dma_start3A_80 = arith.constant 0 : i32
        %dma_start3A_81 = tpu.memref_slice %arg5[%arg0, %add3A_74, %dma_start3A_80] : memref<2x10000x128xf32, #tpu.memory_space<hbm>> -> memref<1x120x128xf32, #tpu.memory_space<hbm>>
        %dma_start3A_82 = tpu.memref_squeeze %dma_start3A_81 : memref<1x120x128xf32, #tpu.memory_space<hbm>> -> memref<120x128xf32, #tpu.memory_space<hbm>>
        %dma_start3A_83 = arith.constant 0 : i32
        %dma_start3A_84 = arith.constant 0 : i32
        %dma_start3A_85 = tpu.memref_slice %arg8[%dma_start3A_83, %dma_start3A_84] : memref<128x128xf32, #tpu.memory_space<vmem>> -> memref<120x128xf32, #tpu.memory_space<vmem>>
        tpu.enqueue_dma source(%dma_start3A_85 : memref<120x128xf32, #tpu.memory_space<vmem>>) target(%dma_start3A_82 : memref<120x128xf32, #tpu.memory_space<hbm>>) target_semaphore(%run_scoped3A : memref<!tpu.dma_semaphore, #tpu.memory_space<semaphore_mem>>)
        %dma_wait3A = arith.constant 0 : i32
        %dma_wait3A_86 = arith.constant 0 : i32
        %dma_wait3A_87 = tpu.memref_slice %arg8[%dma_wait3A, %dma_wait3A_86] : memref<128x128xf32, #tpu.memory_space<vmem>> -> memref<120x128xf32, #tpu.memory_space<vmem>>
        %dma_wait3A_88 = arith.constant 0 : i32
        %dma_wait3A_89 = tpu.memref_slice %arg5[%arg0, %add3A_74, %dma_wait3A_88] : memref<2x10000x128xf32, #tpu.memory_space<hbm>> -> memref<1x120x128xf32, #tpu.memory_space<hbm>>
        %dma_wait3A_90 = tpu.memref_squeeze %dma_wait3A_89 : memref<1x120x128xf32, #tpu.memory_space<hbm>> -> memref<120x128xf32, #tpu.memory_space<hbm>>
        %dma_wait3A_91 = arith.constant 0 : i32
        %dma_wait3A_92 = tpu.memref_slice %arg5[%arg0, %add3A_74, %dma_wait3A_91] : memref<2x10000x128xf32, #tpu.memory_space<hbm>> -> memref<1x120x128xf32, #tpu.memory_space<hbm>>
        %dma_wait3A_93 = tpu.memref_squeeze %dma_wait3A_92 : memref<1x120x128xf32, #tpu.memory_space<hbm>> -> memref<120x128xf32, #tpu.memory_space<hbm>>
        %dma_wait3A_94 = arith.constant 0 : i32
        %dma_wait3A_95 = arith.constant 0 : i32
        %dma_wait3A_96 = tpu.memref_slice %arg8[%dma_wait3A_94, %dma_wait3A_95] : memref<128x128xf32, #tpu.memory_space<vmem>> -> memref<120x128xf32, #tpu.memory_space<vmem>>
        tpu.wait_dma2 semaphore(%run_scoped3A : memref<!tpu.dma_semaphore, #tpu.memory_space<semaphore_mem>>) src(%dma_wait3A_96 : memref<120x128xf32, #tpu.memory_space<vmem>>) dst(%dma_wait3A_93 : memref<120x128xf32, #tpu.memory_space<hbm>>)
        tpu.yield
      }) : () -> ()
    } else {
    }
    %eq3A_50 = arith.constant 15 : i32
    %eq3A_51 = arith.cmpi eq, %arg1, %eq3A_50 : i32
    %convert_element_type3A_52 = arith.extui %eq3A_51 : i1 to i32
    %cond3A_53 = arith.constant 0 : i32
    %cond3A_54 = arith.cmpi ne, %convert_element_type3A_52, %cond3A_53 : i32
    scf.if %cond3A_54 {
      "tpu.region"() ({
        %run_scoped3A = tpu.sem_alloc : memref<!tpu.dma_semaphore, #tpu.memory_space<semaphore_mem>>
        %dma_start3A = arith.constant 0 : i32
        %dma_start3A_55 = arith.constant 0 : i32
        %dma_start3A_56 = tpu.memref_slice %arg8[%dma_start3A, %dma_start3A_55] : memref<128x128xf32, #tpu.memory_space<vmem>> -> memref<128x128xf32, #tpu.memory_space<vmem>>
        %dma_start3A_57 = arith.constant 9480 : i32
        %dma_start3A_58 = arith.constant 0 : i32
        %dma_start3A_59 = tpu.memref_slice %arg10[%dma_start3A_57, %dma_start3A_58] : memref<10240x128xf32, #tpu.memory_space<vmem_shared>> -> memref<128x128xf32, #tpu.memory_space<vmem_shared>>
        %dma_start3A_60 = arith.constant 0 : i32
        %dma_start3A_61 = arith.constant 0 : i32
        %dma_start3A_62 = tpu.memref_slice %arg8[%dma_start3A_60, %dma_start3A_61] : memref<128x128xf32, #tpu.memory_space<vmem>> -> memref<128x128xf32, #tpu.memory_space<vmem>>
        %dma_start3A_63 = arith.constant 9480 : i32
        %dma_start3A_64 = arith.constant 0 : i32
        %dma_start3A_65 = tpu.memref_slice %arg10[%dma_start3A_63, %dma_start3A_64] : memref<10240x128xf32, #tpu.memory_space<vmem_shared>> -> memref<128x128xf32, #tpu.memory_space<vmem_shared>>
        tpu.enqueue_dma source(%dma_start3A_65 : memref<128x128xf32, #tpu.memory_space<vmem_shared>>) target(%dma_start3A_62 : memref<128x128xf32, #tpu.memory_space<vmem>>) target_semaphore(%run_scoped3A : memref<!tpu.dma_semaphore, #tpu.memory_space<semaphore_mem>>)
        %dma_wait3A = arith.constant 0 : i32
        %dma_wait3A_66 = arith.constant 0 : i32
        %dma_wait3A_67 = tpu.memref_slice %arg8[%dma_wait3A, %dma_wait3A_66] : memref<128x128xf32, #tpu.memory_space<vmem>> -> memref<128x128xf32, #tpu.memory_space<vmem>>
        %dma_wait3A_68 = arith.constant 9480 : i32
        %dma_wait3A_69 = arith.constant 0 : i32
        %dma_wait3A_70 = tpu.memref_slice %arg10[%dma_wait3A_68, %dma_wait3A_69] : memref<10240x128xf32, #tpu.memory_space<vmem_shared>> -> memref<128x128xf32, #tpu.memory_space<vmem_shared>>
        %dma_wait3A_71 = arith.constant 0 : i32
        %dma_wait3A_72 = arith.constant 0 : i32
        %dma_wait3A_73 = tpu.memref_slice %arg8[%dma_wait3A_71, %dma_wait3A_72] : memref<128x128xf32, #tpu.memory_space<vmem>> -> memref<128x128xf32, #tpu.memory_space<vmem>>
        %dma_wait3A_74 = arith.constant 9480 : i32
        %dma_wait3A_75 = arith.constant 0 : i32
        %dma_wait3A_76 = tpu.memref_slice %arg10[%dma_wait3A_74, %dma_wait3A_75] : memref<10240x128xf32, #tpu.memory_space<vmem_shared>> -> memref<128x128xf32, #tpu.memory_space<vmem_shared>>
        tpu.wait_dma2 semaphore(%run_scoped3A : memref<!tpu.dma_semaphore, #tpu.memory_space<semaphore_mem>>) src(%dma_wait3A_76 : memref<128x128xf32, #tpu.memory_space<vmem_shared>>) dst(%dma_wait3A_73 : memref<128x128xf32, #tpu.memory_space<vmem>>)
        tpu.yield
      }) : () -> ()
      "tpu.region"() ({
        %run_scoped3A = tpu.sem_alloc : memref<!tpu.dma_semaphore, #tpu.memory_space<semaphore_mem>>
        %dma_start3A = arith.constant 0 : i32
        %dma_start3A_55 = arith.constant 0 : i32
        %dma_start3A_56 = tpu.memref_slice %arg8[%dma_start3A, %dma_start3A_55] : memref<128x128xf32, #tpu.memory_space<vmem>> -> memref<128x128xf32, #tpu.memory_space<vmem>>
        %dma_start3A_57 = arith.constant 9480 : i32
        %dma_start3A_58 = arith.constant 0 : i32
        %dma_start3A_59 = tpu.memref_slice %arg5[%arg0, %dma_start3A_57, %dma_start3A_58] : memref<2x10000x128xf32, #tpu.memory_space<hbm>> -> memref<1x128x128xf32, #tpu.memory_space<hbm>>
        %dma_start3A_60 = tpu.memref_squeeze %dma_start3A_59 : memref<1x128x128xf32, #tpu.memory_space<hbm>> -> memref<128x128xf32, #tpu.memory_space<hbm>>
        %dma_start3A_61 = arith.constant 9480 : i32
        %dma_start3A_62 = arith.constant 0 : i32
        %dma_start3A_63 = tpu.memref_slice %arg5[%arg0, %dma_start3A_61, %dma_start3A_62] : memref<2x10000x128xf32, #tpu.memory_space<hbm>> -> memref<1x128x128xf32, #tpu.memory_space<hbm>>
        %dma_start3A_64 = tpu.memref_squeeze %dma_start3A_63 : memref<1x128x128xf32, #tpu.memory_space<hbm>> -> memref<128x128xf32, #tpu.memory_space<hbm>>
        %dma_start3A_65 = arith.constant 0 : i32
        %dma_start3A_66 = arith.constant 0 : i32
        %dma_start3A_67 = tpu.memref_slice %arg8[%dma_start3A_65, %dma_start3A_66] : memref<128x128xf32, #tpu.memory_space<vmem>> -> memref<128x128xf32, #tpu.memory_space<vmem>>
        tpu.enqueue_dma source(%dma_start3A_67 : memref<128x128xf32, #tpu.memory_space<vmem>>) target(%dma_start3A_64 : memref<128x128xf32, #tpu.memory_space<hbm>>) target_semaphore(%run_scoped3A : memref<!tpu.dma_semaphore, #tpu.memory_space<semaphore_mem>>)
        %dma_wait3A = arith.constant 0 : i32
        %dma_wait3A_68 = arith.constant 0 : i32
        %dma_wait3A_69 = tpu.memref_slice %arg8[%dma_wait3A, %dma_wait3A_68] : memref<128x128xf32, #tpu.memory_space<vmem>> -> memref<128x128xf32, #tpu.memory_space<vmem>>
        %dma_wait3A_70 = arith.constant 9480 : i32
        %dma_wait3A_71 = arith.constant 0 : i32
        %dma_wait3A_72 = tpu.memref_slice %arg5[%arg0, %dma_wait3A_70, %dma_wait3A_71] : memref<2x10000x128xf32, #tpu.memory_space<hbm>> -> memref<1x128x128xf32, #tpu.memory_space<hbm>>
        %dma_wait3A_73 = tpu.memref_squeeze %dma_wait3A_72 : memref<1x128x128xf32, #tpu.memory_space<hbm>> -> memref<128x128xf32, #tpu.memory_space<hbm>>
        %dma_wait3A_74 = arith.constant 9480 : i32
        %dma_wait3A_75 = arith.constant 0 : i32
        %dma_wait3A_76 = tpu.memref_slice %arg5[%arg0, %dma_wait3A_74, %dma_wait3A_75] : memref<2x10000x128xf32, #tpu.memory_space<hbm>> -> memref<1x128x128xf32, #tpu.memory_space<hbm>>
        %dma_wait3A_77 = tpu.memref_squeeze %dma_wait3A_76 : memref<1x128x128xf32, #tpu.memory_space<hbm>> -> memref<128x128xf32, #tpu.memory_space<hbm>>
        %dma_wait3A_78 = arith.constant 0 : i32
        %dma_wait3A_79 = arith.constant 0 : i32
        %dma_wait3A_80 = tpu.memref_slice %arg8[%dma_wait3A_78, %dma_wait3A_79] : memref<128x128xf32, #tpu.memory_space<vmem>> -> memref<128x128xf32, #tpu.memory_space<vmem>>
        tpu.wait_dma2 semaphore(%run_scoped3A : memref<!tpu.dma_semaphore, #tpu.memory_space<semaphore_mem>>) src(%dma_wait3A_80 : memref<128x128xf32, #tpu.memory_space<vmem>>) dst(%dma_wait3A_77 : memref<128x128xf32, #tpu.memory_space<hbm>>)
        tpu.yield
      }) : () -> ()
      "tpu.region"() ({
        %run_scoped3A = tpu.sem_alloc : memref<!tpu.dma_semaphore, #tpu.memory_space<semaphore_mem>>
        %dma_start3A = arith.constant 0 : i32
        %dma_start3A_55 = arith.constant 0 : i32
        %dma_start3A_56 = tpu.memref_slice %arg8[%dma_start3A, %dma_start3A_55] : memref<128x128xf32, #tpu.memory_space<vmem>> -> memref<128x128xf32, #tpu.memory_space<vmem>>
        %dma_start3A_57 = arith.constant 9608 : i32
        %dma_start3A_58 = arith.constant 0 : i32
        %dma_start3A_59 = tpu.memref_slice %arg10[%dma_start3A_57, %dma_start3A_58] : memref<10240x128xf32, #tpu.memory_space<vmem_shared>> -> memref<128x128xf32, #tpu.memory_space<vmem_shared>>
        %dma_start3A_60 = arith.constant 0 : i32
        %dma_start3A_61 = arith.constant 0 : i32
        %dma_start3A_62 = tpu.memref_slice %arg8[%dma_start3A_60, %dma_start3A_61] : memref<128x128xf32, #tpu.memory_space<vmem>> -> memref<128x128xf32, #tpu.memory_space<vmem>>
        %dma_start3A_63 = arith.constant 9608 : i32
        %dma_start3A_64 = arith.constant 0 : i32
        %dma_start3A_65 = tpu.memref_slice %arg10[%dma_start3A_63, %dma_start3A_64] : memref<10240x128xf32, #tpu.memory_space<vmem_shared>> -> memref<128x128xf32, #tpu.memory_space<vmem_shared>>
        tpu.enqueue_dma source(%dma_start3A_65 : memref<128x128xf32, #tpu.memory_space<vmem_shared>>) target(%dma_start3A_62 : memref<128x128xf32, #tpu.memory_space<vmem>>) target_semaphore(%run_scoped3A : memref<!tpu.dma_semaphore, #tpu.memory_space<semaphore_mem>>)
        %dma_wait3A = arith.constant 0 : i32
        %dma_wait3A_66 = arith.constant 0 : i32
        %dma_wait3A_67 = tpu.memref_slice %arg8[%dma_wait3A, %dma_wait3A_66] : memref<128x128xf32, #tpu.memory_space<vmem>> -> memref<128x128xf32, #tpu.memory_space<vmem>>
        %dma_wait3A_68 = arith.constant 9608 : i32
        %dma_wait3A_69 = arith.constant 0 : i32
        %dma_wait3A_70 = tpu.memref_slice %arg10[%dma_wait3A_68, %dma_wait3A_69] : memref<10240x128xf32, #tpu.memory_space<vmem_shared>> -> memref<128x128xf32, #tpu.memory_space<vmem_shared>>
        %dma_wait3A_71 = arith.constant 0 : i32
        %dma_wait3A_72 = arith.constant 0 : i32
        %dma_wait3A_73 = tpu.memref_slice %arg8[%dma_wait3A_71, %dma_wait3A_72] : memref<128x128xf32, #tpu.memory_space<vmem>> -> memref<128x128xf32, #tpu.memory_space<vmem>>
        %dma_wait3A_74 = arith.constant 9608 : i32
        %dma_wait3A_75 = arith.constant 0 : i32
        %dma_wait3A_76 = tpu.memref_slice %arg10[%dma_wait3A_74, %dma_wait3A_75] : memref<10240x128xf32, #tpu.memory_space<vmem_shared>> -> memref<128x128xf32, #tpu.memory_space<vmem_shared>>
        tpu.wait_dma2 semaphore(%run_scoped3A : memref<!tpu.dma_semaphore, #tpu.memory_space<semaphore_mem>>) src(%dma_wait3A_76 : memref<128x128xf32, #tpu.memory_space<vmem_shared>>) dst(%dma_wait3A_73 : memref<128x128xf32, #tpu.memory_space<vmem>>)
        tpu.yield
      }) : () -> ()
      "tpu.region"() ({
        %run_scoped3A = tpu.sem_alloc : memref<!tpu.dma_semaphore, #tpu.memory_space<semaphore_mem>>
        %dma_start3A = arith.constant 0 : i32
        %dma_start3A_55 = arith.constant 0 : i32
        %dma_start3A_56 = tpu.memref_slice %arg8[%dma_start3A, %dma_start3A_55] : memref<128x128xf32, #tpu.memory_space<vmem>> -> memref<128x128xf32, #tpu.memory_space<vmem>>
        %dma_start3A_57 = arith.constant 9608 : i32
        %dma_start3A_58 = arith.constant 0 : i32
        %dma_start3A_59 = tpu.memref_slice %arg5[%arg0, %dma_start3A_57, %dma_start3A_58] : memref<2x10000x128xf32, #tpu.memory_space<hbm>> -> memref<1x128x128xf32, #tpu.memory_space<hbm>>
        %dma_start3A_60 = tpu.memref_squeeze %dma_start3A_59 : memref<1x128x128xf32, #tpu.memory_space<hbm>> -> memref<128x128xf32, #tpu.memory_space<hbm>>
        %dma_start3A_61 = arith.constant 9608 : i32
        %dma_start3A_62 = arith.constant 0 : i32
        %dma_start3A_63 = tpu.memref_slice %arg5[%arg0, %dma_start3A_61, %dma_start3A_62] : memref<2x10000x128xf32, #tpu.memory_space<hbm>> -> memref<1x128x128xf32, #tpu.memory_space<hbm>>
        %dma_start3A_64 = tpu.memref_squeeze %dma_start3A_63 : memref<1x128x128xf32, #tpu.memory_space<hbm>> -> memref<128x128xf32, #tpu.memory_space<hbm>>
        %dma_start3A_65 = arith.constant 0 : i32
        %dma_start3A_66 = arith.constant 0 : i32
        %dma_start3A_67 = tpu.memref_slice %arg8[%dma_start3A_65, %dma_start3A_66] : memref<128x128xf32, #tpu.memory_space<vmem>> -> memref<128x128xf32, #tpu.memory_space<vmem>>
        tpu.enqueue_dma source(%dma_start3A_67 : memref<128x128xf32, #tpu.memory_space<vmem>>) target(%dma_start3A_64 : memref<128x128xf32, #tpu.memory_space<hbm>>) target_semaphore(%run_scoped3A : memref<!tpu.dma_semaphore, #tpu.memory_space<semaphore_mem>>)
        %dma_wait3A = arith.constant 0 : i32
        %dma_wait3A_68 = arith.constant 0 : i32
        %dma_wait3A_69 = tpu.memref_slice %arg8[%dma_wait3A, %dma_wait3A_68] : memref<128x128xf32, #tpu.memory_space<vmem>> -> memref<128x128xf32, #tpu.memory_space<vmem>>
        %dma_wait3A_70 = arith.constant 9608 : i32
        %dma_wait3A_71 = arith.constant 0 : i32
        %dma_wait3A_72 = tpu.memref_slice %arg5[%arg0, %dma_wait3A_70, %dma_wait3A_71] : memref<2x10000x128xf32, #tpu.memory_space<hbm>> -> memref<1x128x128xf32, #tpu.memory_space<hbm>>
        %dma_wait3A_73 = tpu.memref_squeeze %dma_wait3A_72 : memref<1x128x128xf32, #tpu.memory_space<hbm>> -> memref<128x128xf32, #tpu.memory_space<hbm>>
        %dma_wait3A_74 = arith.constant 9608 : i32
        %dma_wait3A_75 = arith.constant 0 : i32
        %dma_wait3A_76 = tpu.memref_slice %arg5[%arg0, %dma_wait3A_74, %dma_wait3A_75] : memref<2x10000x128xf32, #tpu.memory_space<hbm>> -> memref<1x128x128xf32, #tpu.memory_space<hbm>>
        %dma_wait3A_77 = tpu.memref_squeeze %dma_wait3A_76 : memref<1x128x128xf32, #tpu.memory_space<hbm>> -> memref<128x128xf32, #tpu.memory_space<hbm>>
        %dma_wait3A_78 = arith.constant 0 : i32
        %dma_wait3A_79 = arith.constant 0 : i32
        %dma_wait3A_80 = tpu.memref_slice %arg8[%dma_wait3A_78, %dma_wait3A_79] : memref<128x128xf32, #tpu.memory_space<vmem>> -> memref<128x128xf32, #tpu.memory_space<vmem>>
        tpu.wait_dma2 semaphore(%run_scoped3A : memref<!tpu.dma_semaphore, #tpu.memory_space<semaphore_mem>>) src(%dma_wait3A_80 : memref<128x128xf32, #tpu.memory_space<vmem>>) dst(%dma_wait3A_77 : memref<128x128xf32, #tpu.memory_space<hbm>>)
        tpu.yield
      }) : () -> ()
      "tpu.region"() ({
        %run_scoped3A = tpu.sem_alloc : memref<!tpu.dma_semaphore, #tpu.memory_space<semaphore_mem>>
        %dma_start3A = arith.constant 0 : i32
        %dma_start3A_55 = arith.constant 0 : i32
        %dma_start3A_56 = tpu.memref_slice %arg8[%dma_start3A, %dma_start3A_55] : memref<128x128xf32, #tpu.memory_space<vmem>> -> memref<128x128xf32, #tpu.memory_space<vmem>>
        %dma_start3A_57 = arith.constant 9736 : i32
        %dma_start3A_58 = arith.constant 0 : i32
        %dma_start3A_59 = tpu.memref_slice %arg10[%dma_start3A_57, %dma_start3A_58] : memref<10240x128xf32, #tpu.memory_space<vmem_shared>> -> memref<128x128xf32, #tpu.memory_space<vmem_shared>>
        %dma_start3A_60 = arith.constant 0 : i32
        %dma_start3A_61 = arith.constant 0 : i32
        %dma_start3A_62 = tpu.memref_slice %arg8[%dma_start3A_60, %dma_start3A_61] : memref<128x128xf32, #tpu.memory_space<vmem>> -> memref<128x128xf32, #tpu.memory_space<vmem>>
        %dma_start3A_63 = arith.constant 9736 : i32
        %dma_start3A_64 = arith.constant 0 : i32
        %dma_start3A_65 = tpu.memref_slice %arg10[%dma_start3A_63, %dma_start3A_64] : memref<10240x128xf32, #tpu.memory_space<vmem_shared>> -> memref<128x128xf32, #tpu.memory_space<vmem_shared>>
        tpu.enqueue_dma source(%dma_start3A_65 : memref<128x128xf32, #tpu.memory_space<vmem_shared>>) target(%dma_start3A_62 : memref<128x128xf32, #tpu.memory_space<vmem>>) target_semaphore(%run_scoped3A : memref<!tpu.dma_semaphore, #tpu.memory_space<semaphore_mem>>)
        %dma_wait3A = arith.constant 0 : i32
        %dma_wait3A_66 = arith.constant 0 : i32
        %dma_wait3A_67 = tpu.memref_slice %arg8[%dma_wait3A, %dma_wait3A_66] : memref<128x128xf32, #tpu.memory_space<vmem>> -> memref<128x128xf32, #tpu.memory_space<vmem>>
        %dma_wait3A_68 = arith.constant 9736 : i32
        %dma_wait3A_69 = arith.constant 0 : i32
        %dma_wait3A_70 = tpu.memref_slice %arg10[%dma_wait3A_68, %dma_wait3A_69] : memref<10240x128xf32, #tpu.memory_space<vmem_shared>> -> memref<128x128xf32, #tpu.memory_space<vmem_shared>>
        %dma_wait3A_71 = arith.constant 0 : i32
        %dma_wait3A_72 = arith.constant 0 : i32
        %dma_wait3A_73 = tpu.memref_slice %arg8[%dma_wait3A_71, %dma_wait3A_72] : memref<128x128xf32, #tpu.memory_space<vmem>> -> memref<128x128xf32, #tpu.memory_space<vmem>>
        %dma_wait3A_74 = arith.constant 9736 : i32
        %dma_wait3A_75 = arith.constant 0 : i32
        %dma_wait3A_76 = tpu.memref_slice %arg10[%dma_wait3A_74, %dma_wait3A_75] : memref<10240x128xf32, #tpu.memory_space<vmem_shared>> -> memref<128x128xf32, #tpu.memory_space<vmem_shared>>
        tpu.wait_dma2 semaphore(%run_scoped3A : memref<!tpu.dma_semaphore, #tpu.memory_space<semaphore_mem>>) src(%dma_wait3A_76 : memref<128x128xf32, #tpu.memory_space<vmem_shared>>) dst(%dma_wait3A_73 : memref<128x128xf32, #tpu.memory_space<vmem>>)
        tpu.yield
      }) : () -> ()
      "tpu.region"() ({
        %run_scoped3A = tpu.sem_alloc : memref<!tpu.dma_semaphore, #tpu.memory_space<semaphore_mem>>
        %dma_start3A = arith.constant 0 : i32
        %dma_start3A_55 = arith.constant 0 : i32
        %dma_start3A_56 = tpu.memref_slice %arg8[%dma_start3A, %dma_start3A_55] : memref<128x128xf32, #tpu.memory_space<vmem>> -> memref<128x128xf32, #tpu.memory_space<vmem>>
        %dma_start3A_57 = arith.constant 9736 : i32
        %dma_start3A_58 = arith.constant 0 : i32
        %dma_start3A_59 = tpu.memref_slice %arg5[%arg0, %dma_start3A_57, %dma_start3A_58] : memref<2x10000x128xf32, #tpu.memory_space<hbm>> -> memref<1x128x128xf32, #tpu.memory_space<hbm>>
        %dma_start3A_60 = tpu.memref_squeeze %dma_start3A_59 : memref<1x128x128xf32, #tpu.memory_space<hbm>> -> memref<128x128xf32, #tpu.memory_space<hbm>>
        %dma_start3A_61 = arith.constant 9736 : i32
        %dma_start3A_62 = arith.constant 0 : i32
        %dma_start3A_63 = tpu.memref_slice %arg5[%arg0, %dma_start3A_61, %dma_start3A_62] : memref<2x10000x128xf32, #tpu.memory_space<hbm>> -> memref<1x128x128xf32, #tpu.memory_space<hbm>>
        %dma_start3A_64 = tpu.memref_squeeze %dma_start3A_63 : memref<1x128x128xf32, #tpu.memory_space<hbm>> -> memref<128x128xf32, #tpu.memory_space<hbm>>
        %dma_start3A_65 = arith.constant 0 : i32
        %dma_start3A_66 = arith.constant 0 : i32
        %dma_start3A_67 = tpu.memref_slice %arg8[%dma_start3A_65, %dma_start3A_66] : memref<128x128xf32, #tpu.memory_space<vmem>> -> memref<128x128xf32, #tpu.memory_space<vmem>>
        tpu.enqueue_dma source(%dma_start3A_67 : memref<128x128xf32, #tpu.memory_space<vmem>>) target(%dma_start3A_64 : memref<128x128xf32, #tpu.memory_space<hbm>>) target_semaphore(%run_scoped3A : memref<!tpu.dma_semaphore, #tpu.memory_space<semaphore_mem>>)
        %dma_wait3A = arith.constant 0 : i32
        %dma_wait3A_68 = arith.constant 0 : i32
        %dma_wait3A_69 = tpu.memref_slice %arg8[%dma_wait3A, %dma_wait3A_68] : memref<128x128xf32, #tpu.memory_space<vmem>> -> memref<128x128xf32, #tpu.memory_space<vmem>>
        %dma_wait3A_70 = arith.constant 9736 : i32
        %dma_wait3A_71 = arith.constant 0 : i32
        %dma_wait3A_72 = tpu.memref_slice %arg5[%arg0, %dma_wait3A_70, %dma_wait3A_71] : memref<2x10000x128xf32, #tpu.memory_space<hbm>> -> memref<1x128x128xf32, #tpu.memory_space<hbm>>
        %dma_wait3A_73 = tpu.memref_squeeze %dma_wait3A_72 : memref<1x128x128xf32, #tpu.memory_space<hbm>> -> memref<128x128xf32, #tpu.memory_space<hbm>>
        %dma_wait3A_74 = arith.constant 9736 : i32
        %dma_wait3A_75 = arith.constant 0 : i32
        %dma_wait3A_76 = tpu.memref_slice %arg5[%arg0, %dma_wait3A_74, %dma_wait3A_75] : memref<2x10000x128xf32, #tpu.memory_space<hbm>> -> memref<1x128x128xf32, #tpu.memory_space<hbm>>
        %dma_wait3A_77 = tpu.memref_squeeze %dma_wait3A_76 : memref<1x128x128xf32, #tpu.memory_space<hbm>> -> memref<128x128xf32, #tpu.memory_space<hbm>>
        %dma_wait3A_78 = arith.constant 0 : i32
        %dma_wait3A_79 = arith.constant 0 : i32
        %dma_wait3A_80 = tpu.memref_slice %arg8[%dma_wait3A_78, %dma_wait3A_79] : memref<128x128xf32, #tpu.memory_space<vmem>> -> memref<128x128xf32, #tpu.memory_space<vmem>>
        tpu.wait_dma2 semaphore(%run_scoped3A : memref<!tpu.dma_semaphore, #tpu.memory_space<semaphore_mem>>) src(%dma_wait3A_80 : memref<128x128xf32, #tpu.memory_space<vmem>>) dst(%dma_wait3A_77 : memref<128x128xf32, #tpu.memory_space<hbm>>)
        tpu.yield
      }) : () -> ()
      "tpu.region"() ({
        %run_scoped3A = tpu.sem_alloc : memref<!tpu.dma_semaphore, #tpu.memory_space<semaphore_mem>>
        %dma_start3A = arith.constant 0 : i32
        %dma_start3A_55 = arith.constant 0 : i32
        %dma_start3A_56 = tpu.memref_slice %arg8[%dma_start3A, %dma_start3A_55] : memref<128x128xf32, #tpu.memory_space<vmem>> -> memref<128x128xf32, #tpu.memory_space<vmem>>
        %dma_start3A_57 = arith.constant 9864 : i32
        %dma_start3A_58 = arith.constant 0 : i32
        %dma_start3A_59 = tpu.memref_slice %arg10[%dma_start3A_57, %dma_start3A_58] : memref<10240x128xf32, #tpu.memory_space<vmem_shared>> -> memref<128x128xf32, #tpu.memory_space<vmem_shared>>
        %dma_start3A_60 = arith.constant 0 : i32
        %dma_start3A_61 = arith.constant 0 : i32
        %dma_start3A_62 = tpu.memref_slice %arg8[%dma_start3A_60, %dma_start3A_61] : memref<128x128xf32, #tpu.memory_space<vmem>> -> memref<128x128xf32, #tpu.memory_space<vmem>>
        %dma_start3A_63 = arith.constant 9864 : i32
        %dma_start3A_64 = arith.constant 0 : i32
        %dma_start3A_65 = tpu.memref_slice %arg10[%dma_start3A_63, %dma_start3A_64] : memref<10240x128xf32, #tpu.memory_space<vmem_shared>> -> memref<128x128xf32, #tpu.memory_space<vmem_shared>>
        tpu.enqueue_dma source(%dma_start3A_65 : memref<128x128xf32, #tpu.memory_space<vmem_shared>>) target(%dma_start3A_62 : memref<128x128xf32, #tpu.memory_space<vmem>>) target_semaphore(%run_scoped3A : memref<!tpu.dma_semaphore, #tpu.memory_space<semaphore_mem>>)
        %dma_wait3A = arith.constant 0 : i32
        %dma_wait3A_66 = arith.constant 0 : i32
        %dma_wait3A_67 = tpu.memref_slice %arg8[%dma_wait3A, %dma_wait3A_66] : memref<128x128xf32, #tpu.memory_space<vmem>> -> memref<128x128xf32, #tpu.memory_space<vmem>>
        %dma_wait3A_68 = arith.constant 9864 : i32
        %dma_wait3A_69 = arith.constant 0 : i32
        %dma_wait3A_70 = tpu.memref_slice %arg10[%dma_wait3A_68, %dma_wait3A_69] : memref<10240x128xf32, #tpu.memory_space<vmem_shared>> -> memref<128x128xf32, #tpu.memory_space<vmem_shared>>
        %dma_wait3A_71 = arith.constant 0 : i32
        %dma_wait3A_72 = arith.constant 0 : i32
        %dma_wait3A_73 = tpu.memref_slice %arg8[%dma_wait3A_71, %dma_wait3A_72] : memref<128x128xf32, #tpu.memory_space<vmem>> -> memref<128x128xf32, #tpu.memory_space<vmem>>
        %dma_wait3A_74 = arith.constant 9864 : i32
        %dma_wait3A_75 = arith.constant 0 : i32
        %dma_wait3A_76 = tpu.memref_slice %arg10[%dma_wait3A_74, %dma_wait3A_75] : memref<10240x128xf32, #tpu.memory_space<vmem_shared>> -> memref<128x128xf32, #tpu.memory_space<vmem_shared>>
        tpu.wait_dma2 semaphore(%run_scoped3A : memref<!tpu.dma_semaphore, #tpu.memory_space<semaphore_mem>>) src(%dma_wait3A_76 : memref<128x128xf32, #tpu.memory_space<vmem_shared>>) dst(%dma_wait3A_73 : memref<128x128xf32, #tpu.memory_space<vmem>>)
        tpu.yield
      }) : () -> ()
      "tpu.region"() ({
        %run_scoped3A = tpu.sem_alloc : memref<!tpu.dma_semaphore, #tpu.memory_space<semaphore_mem>>
        %dma_start3A = arith.constant 0 : i32
        %dma_start3A_55 = arith.constant 0 : i32
        %dma_start3A_56 = tpu.memref_slice %arg8[%dma_start3A, %dma_start3A_55] : memref<128x128xf32, #tpu.memory_space<vmem>> -> memref<128x128xf32, #tpu.memory_space<vmem>>
        %dma_start3A_57 = arith.constant 9864 : i32
        %dma_start3A_58 = arith.constant 0 : i32
        %dma_start3A_59 = tpu.memref_slice %arg5[%arg0, %dma_start3A_57, %dma_start3A_58] : memref<2x10000x128xf32, #tpu.memory_space<hbm>> -> memref<1x128x128xf32, #tpu.memory_space<hbm>>
        %dma_start3A_60 = tpu.memref_squeeze %dma_start3A_59 : memref<1x128x128xf32, #tpu.memory_space<hbm>> -> memref<128x128xf32, #tpu.memory_space<hbm>>
        %dma_start3A_61 = arith.constant 9864 : i32
        %dma_start3A_62 = arith.constant 0 : i32
        %dma_start3A_63 = tpu.memref_slice %arg5[%arg0, %dma_start3A_61, %dma_start3A_62] : memref<2x10000x128xf32, #tpu.memory_space<hbm>> -> memref<1x128x128xf32, #tpu.memory_space<hbm>>
        %dma_start3A_64 = tpu.memref_squeeze %dma_start3A_63 : memref<1x128x128xf32, #tpu.memory_space<hbm>> -> memref<128x128xf32, #tpu.memory_space<hbm>>
        %dma_start3A_65 = arith.constant 0 : i32
        %dma_start3A_66 = arith.constant 0 : i32
        %dma_start3A_67 = tpu.memref_slice %arg8[%dma_start3A_65, %dma_start3A_66] : memref<128x128xf32, #tpu.memory_space<vmem>> -> memref<128x128xf32, #tpu.memory_space<vmem>>
        tpu.enqueue_dma source(%dma_start3A_67 : memref<128x128xf32, #tpu.memory_space<vmem>>) target(%dma_start3A_64 : memref<128x128xf32, #tpu.memory_space<hbm>>) target_semaphore(%run_scoped3A : memref<!tpu.dma_semaphore, #tpu.memory_space<semaphore_mem>>)
        %dma_wait3A = arith.constant 0 : i32
        %dma_wait3A_68 = arith.constant 0 : i32
        %dma_wait3A_69 = tpu.memref_slice %arg8[%dma_wait3A, %dma_wait3A_68] : memref<128x128xf32, #tpu.memory_space<vmem>> -> memref<128x128xf32, #tpu.memory_space<vmem>>
        %dma_wait3A_70 = arith.constant 9864 : i32
        %dma_wait3A_71 = arith.constant 0 : i32
        %dma_wait3A_72 = tpu.memref_slice %arg5[%arg0, %dma_wait3A_70, %dma_wait3A_71] : memref<2x10000x128xf32, #tpu.memory_space<hbm>> -> memref<1x128x128xf32, #tpu.memory_space<hbm>>
        %dma_wait3A_73 = tpu.memref_squeeze %dma_wait3A_72 : memref<1x128x128xf32, #tpu.memory_space<hbm>> -> memref<128x128xf32, #tpu.memory_space<hbm>>
        %dma_wait3A_74 = arith.constant 9864 : i32
        %dma_wait3A_75 = arith.constant 0 : i32
        %dma_wait3A_76 = tpu.memref_slice %arg5[%arg0, %dma_wait3A_74, %dma_wait3A_75] : memref<2x10000x128xf32, #tpu.memory_space<hbm>> -> memref<1x128x128xf32, #tpu.memory_space<hbm>>
        %dma_wait3A_77 = tpu.memref_squeeze %dma_wait3A_76 : memref<1x128x128xf32, #tpu.memory_space<hbm>> -> memref<128x128xf32, #tpu.memory_space<hbm>>
        %dma_wait3A_78 = arith.constant 0 : i32
        %dma_wait3A_79 = arith.constant 0 : i32
        %dma_wait3A_80 = tpu.memref_slice %arg8[%dma_wait3A_78, %dma_wait3A_79] : memref<128x128xf32, #tpu.memory_space<vmem>> -> memref<128x128xf32, #tpu.memory_space<vmem>>
        tpu.wait_dma2 semaphore(%run_scoped3A : memref<!tpu.dma_semaphore, #tpu.memory_space<semaphore_mem>>) src(%dma_wait3A_80 : memref<128x128xf32, #tpu.memory_space<vmem>>) dst(%dma_wait3A_77 : memref<128x128xf32, #tpu.memory_space<hbm>>)
        tpu.yield
      }) : () -> ()
      "tpu.region"() ({
        %run_scoped3A = tpu.sem_alloc : memref<!tpu.dma_semaphore, #tpu.memory_space<semaphore_mem>>
        %dma_start3A = arith.constant 0 : i32
        %dma_start3A_55 = arith.constant 0 : i32
        %dma_start3A_56 = tpu.memref_slice %arg8[%dma_start3A, %dma_start3A_55] : memref<128x128xf32, #tpu.memory_space<vmem>> -> memref<8x128xf32, #tpu.memory_space<vmem>>
        %dma_start3A_57 = arith.constant 9992 : i32
        %dma_start3A_58 = arith.constant 0 : i32
        %dma_start3A_59 = tpu.memref_slice %arg10[%dma_start3A_57, %dma_start3A_58] : memref<10240x128xf32, #tpu.memory_space<vmem_shared>> -> memref<8x128xf32, #tpu.memory_space<vmem_shared>>
        %dma_start3A_60 = arith.constant 0 : i32
        %dma_start3A_61 = arith.constant 0 : i32
        %dma_start3A_62 = tpu.memref_slice %arg8[%dma_start3A_60, %dma_start3A_61] : memref<128x128xf32, #tpu.memory_space<vmem>> -> memref<8x128xf32, #tpu.memory_space<vmem>>
        %dma_start3A_63 = arith.constant 9992 : i32
        %dma_start3A_64 = arith.constant 0 : i32
        %dma_start3A_65 = tpu.memref_slice %arg10[%dma_start3A_63, %dma_start3A_64] : memref<10240x128xf32, #tpu.memory_space<vmem_shared>> -> memref<8x128xf32, #tpu.memory_space<vmem_shared>>
        tpu.enqueue_dma source(%dma_start3A_65 : memref<8x128xf32, #tpu.memory_space<vmem_shared>>) target(%dma_start3A_62 : memref<8x128xf32, #tpu.memory_space<vmem>>) target_semaphore(%run_scoped3A : memref<!tpu.dma_semaphore, #tpu.memory_space<semaphore_mem>>)
        %dma_wait3A = arith.constant 0 : i32
        %dma_wait3A_66 = arith.constant 0 : i32
        %dma_wait3A_67 = tpu.memref_slice %arg8[%dma_wait3A, %dma_wait3A_66] : memref<128x128xf32, #tpu.memory_space<vmem>> -> memref<8x128xf32, #tpu.memory_space<vmem>>
        %dma_wait3A_68 = arith.constant 9992 : i32
        %dma_wait3A_69 = arith.constant 0 : i32
        %dma_wait3A_70 = tpu.memref_slice %arg10[%dma_wait3A_68, %dma_wait3A_69] : memref<10240x128xf32, #tpu.memory_space<vmem_shared>> -> memref<8x128xf32, #tpu.memory_space<vmem_shared>>
        %dma_wait3A_71 = arith.constant 0 : i32
        %dma_wait3A_72 = arith.constant 0 : i32
        %dma_wait3A_73 = tpu.memref_slice %arg8[%dma_wait3A_71, %dma_wait3A_72] : memref<128x128xf32, #tpu.memory_space<vmem>> -> memref<8x128xf32, #tpu.memory_space<vmem>>
        %dma_wait3A_74 = arith.constant 9992 : i32
        %dma_wait3A_75 = arith.constant 0 : i32
        %dma_wait3A_76 = tpu.memref_slice %arg10[%dma_wait3A_74, %dma_wait3A_75] : memref<10240x128xf32, #tpu.memory_space<vmem_shared>> -> memref<8x128xf32, #tpu.memory_space<vmem_shared>>
        tpu.wait_dma2 semaphore(%run_scoped3A : memref<!tpu.dma_semaphore, #tpu.memory_space<semaphore_mem>>) src(%dma_wait3A_76 : memref<8x128xf32, #tpu.memory_space<vmem_shared>>) dst(%dma_wait3A_73 : memref<8x128xf32, #tpu.memory_space<vmem>>)
        tpu.yield
      }) : () -> ()
      "tpu.region"() ({
        %run_scoped3A = tpu.sem_alloc : memref<!tpu.dma_semaphore, #tpu.memory_space<semaphore_mem>>
        %dma_start3A = arith.constant 0 : i32
        %dma_start3A_55 = arith.constant 0 : i32
        %dma_start3A_56 = tpu.memref_slice %arg8[%dma_start3A, %dma_start3A_55] : memref<128x128xf32, #tpu.memory_space<vmem>> -> memref<8x128xf32, #tpu.memory_space<vmem>>
        %dma_start3A_57 = arith.constant 9992 : i32
        %dma_start3A_58 = arith.constant 0 : i32
        %dma_start3A_59 = tpu.memref_slice %arg5[%arg0, %dma_start3A_57, %dma_start3A_58] : memref<2x10000x128xf32, #tpu.memory_space<hbm>> -> memref<1x8x128xf32, #tpu.memory_space<hbm>>
        %dma_start3A_60 = tpu.memref_squeeze %dma_start3A_59 : memref<1x8x128xf32, #tpu.memory_space<hbm>> -> memref<8x128xf32, #tpu.memory_space<hbm>>
        %dma_start3A_61 = arith.constant 9992 : i32
        %dma_start3A_62 = arith.constant 0 : i32
        %dma_start3A_63 = tpu.memref_slice %arg5[%arg0, %dma_start3A_61, %dma_start3A_62] : memref<2x10000x128xf32, #tpu.memory_space<hbm>> -> memref<1x8x128xf32, #tpu.memory_space<hbm>>
        %dma_start3A_64 = tpu.memref_squeeze %dma_start3A_63 : memref<1x8x128xf32, #tpu.memory_space<hbm>> -> memref<8x128xf32, #tpu.memory_space<hbm>>
        %dma_start3A_65 = arith.constant 0 : i32
        %dma_start3A_66 = arith.constant 0 : i32
        %dma_start3A_67 = tpu.memref_slice %arg8[%dma_start3A_65, %dma_start3A_66] : memref<128x128xf32, #tpu.memory_space<vmem>> -> memref<8x128xf32, #tpu.memory_space<vmem>>
        tpu.enqueue_dma source(%dma_start3A_67 : memref<8x128xf32, #tpu.memory_space<vmem>>) target(%dma_start3A_64 : memref<8x128xf32, #tpu.memory_space<hbm>>) target_semaphore(%run_scoped3A : memref<!tpu.dma_semaphore, #tpu.memory_space<semaphore_mem>>)
        %dma_wait3A = arith.constant 0 : i32
        %dma_wait3A_68 = arith.constant 0 : i32
        %dma_wait3A_69 = tpu.memref_slice %arg8[%dma_wait3A, %dma_wait3A_68] : memref<128x128xf32, #tpu.memory_space<vmem>> -> memref<8x128xf32, #tpu.memory_space<vmem>>
        %dma_wait3A_70 = arith.constant 9992 : i32
        %dma_wait3A_71 = arith.constant 0 : i32
        %dma_wait3A_72 = tpu.memref_slice %arg5[%arg0, %dma_wait3A_70, %dma_wait3A_71] : memref<2x10000x128xf32, #tpu.memory_space<hbm>> -> memref<1x8x128xf32, #tpu.memory_space<hbm>>
        %dma_wait3A_73 = tpu.memref_squeeze %dma_wait3A_72 : memref<1x8x128xf32, #tpu.memory_space<hbm>> -> memref<8x128xf32, #tpu.memory_space<hbm>>
        %dma_wait3A_74 = arith.constant 9992 : i32
        %dma_wait3A_75 = arith.constant 0 : i32
        %dma_wait3A_76 = tpu.memref_slice %arg5[%arg0, %dma_wait3A_74, %dma_wait3A_75] : memref<2x10000x128xf32, #tpu.memory_space<hbm>> -> memref<1x8x128xf32, #tpu.memory_space<hbm>>
        %dma_wait3A_77 = tpu.memref_squeeze %dma_wait3A_76 : memref<1x8x128xf32, #tpu.memory_space<hbm>> -> memref<8x128xf32, #tpu.memory_space<hbm>>
        %dma_wait3A_78 = arith.constant 0 : i32
        %dma_wait3A_79 = arith.constant 0 : i32
        %dma_wait3A_80 = tpu.memref_slice %arg8[%dma_wait3A_78, %dma_wait3A_79] : memref<128x128xf32, #tpu.memory_space<vmem>> -> memref<8x128xf32, #tpu.memory_space<vmem>>
        tpu.wait_dma2 semaphore(%run_scoped3A : memref<!tpu.dma_semaphore, #tpu.memory_space<semaphore_mem>>) src(%dma_wait3A_80 : memref<8x128xf32, #tpu.memory_space<vmem>>) dst(%dma_wait3A_77 : memref<8x128xf32, #tpu.memory_space<hbm>>)
        tpu.yield
      }) : () -> ()
    } else {
    }
    return
  }
}

module attributes {stable_mosaic.version = 14 : i64} {
  func.func @_h1_body(%arg0: i32, %arg1: memref<1000x128xf32, #tpu.memory_space<vmem>>, %arg2: memref<128x128xf32, #tpu.memory_space<vmem>>, %arg3: memref<1000x1xf32, #tpu.memory_space<vmem>>, %arg4: memref<1000x1xf32, #tpu.memory_space<vmem>>, %arg5: memref<1000x128xf32, #tpu.memory_space<vmem>>, %arg6: memref<1000x1xf32, #tpu.memory_space<vmem>>) attributes {dimension_semantics = [#tpu.dimension_semantics<arbitrary>], iteration_bounds = array<i64: 10>, scalar_prefetch = 0 : i64, scratch_operands = 0 : i64, tpu.core_type = #tpu.core_type<tc>, window_params = [{transform_indices = @transform_0, window_bounds = array<i64: 1000, 128>}, {pipeline_mode = #tpu.pipeline_mode<synchronous>, transform_indices = @transform_1, window_bounds = array<i64: 128, 128>}, {transform_indices = @transform_2, window_bounds = array<i64: 1000, 1>}, {transform_indices = @transform_3, window_bounds = array<i64: 1000, 1>}, {transform_indices = @transform_4, window_bounds = array<i64: 1000, 128>}, {transform_indices = @transform_5, window_bounds = array<i64: 1000, 1>}]} {
    %get3A = arith.constant 0 : index
    %get3A_0 = arith.constant 0 : index
    %get3A_1 = vector.load %arg3[%get3A, %get3A_0] : memref<1000x1xf32, #tpu.memory_space<vmem>>, vector<1000x1xf32>
    %get3A_2 = arith.constant 0 : index
    %get3A_3 = arith.constant 0 : index
    %get3A_4 = vector.load %arg4[%get3A_2, %get3A_3] : memref<1000x1xf32, #tpu.memory_space<vmem>>, vector<1000x1xf32>
    %add3A = arith.addf %get3A_1, %get3A_4 : vector<1000x1xf32>
    %add3A_5 = arith.constant 1.000000e+00 : f32
    %add3A_6 = vector.broadcast %add3A_5 : f32 to vector<1000x1xf32>
    %add3A_7 = arith.addf %add3A, %add3A_6 : vector<1000x1xf32>
    %rsqrt3A = math.rsqrt %add3A_7 : vector<1000x1xf32>
    %swap3A = arith.constant 0 : index
    %swap3A_8 = arith.constant 0 : index
    %swap3A_9 = vector.load %arg6[%swap3A, %swap3A_8] : memref<1000x1xf32, #tpu.memory_space<vmem>>, vector<1000x1xf32>
    tpu.vector_store %arg6[%swap3A, %swap3A_8], %rsqrt3A {strides = array<i32>} : memref<1000x1xf32, #tpu.memory_space<vmem>>, vector<1000x1xf32>,
    %get3A_10 = arith.constant 0 : index
    %get3A_11 = arith.constant 0 : index
    %get3A_12 = vector.load %arg1[%get3A_10, %get3A_11] : memref<1000x128xf32, #tpu.memory_space<vmem>>, vector<1000x128xf32>
    %get3A_13 = arith.constant 0 : index
    %get3A_14 = arith.constant 0 : index
    %get3A_15 = vector.load %arg2[%get3A_13, %get3A_14] : memref<128x128xf32, #tpu.memory_space<vmem>>, vector<128x128xf32>
    %dot_general3A = arith.constant dense<0.000000e+00> : vector<1000x128xf32>
    %dot_general3A_16 = tpu.matmul %get3A_12, %get3A_15, %dot_general3A {dimension_numbers = #tpu.dot_dimension_numbers<[1], [0], [0], [1], [0, 0, 1, 1], [], []>, transpose_lhs_hint = false} : vector<1000x128xf32>, vector<128x128xf32>, vector<1000x128xf32> -> vector<1000x128xf32>
    %mul3A = vector.broadcast %rsqrt3A : vector<1000x1xf32> to vector<1000x128xf32>
    %mul3A_17 = arith.mulf %mul3A, %dot_general3A_16 : vector<1000x128xf32>
    %swap3A_18 = arith.constant 0 : index
    %swap3A_19 = arith.constant 0 : index
    %swap3A_20 = vector.load %arg5[%swap3A_18, %swap3A_19] : memref<1000x128xf32, #tpu.memory_space<vmem>>, vector<1000x128xf32>
    tpu.vector_store %arg5[%swap3A_18, %swap3A_19], %mul3A_17 {strides = array<i32>} : memref<1000x128xf32, #tpu.memory_space<vmem>>, vector<1000x128xf32>,
    return
  }
  func.func @transform_0(%arg0: i32) -> (i32, i32) {
    %c0_i32 = arith.constant 0 : i32
    %c0_i32_0 = arith.constant 0 : i32
    return %arg0, %c0_i32 : i32, i32
  }
  func.func @transform_1(%arg0: i32) -> (i32, i32) {
    %c0_i32 = arith.constant 0 : i32
    %c0_i32_0 = arith.constant 0 : i32
    %c0_i32_1 = arith.constant 0 : i32
    return %c0_i32, %c0_i32_0 : i32, i32
  }
  func.func @transform_2(%arg0: i32) -> (i32, i32) {
    %c0_i32 = arith.constant 0 : i32
    %c0_i32_0 = arith.constant 0 : i32
    return %arg0, %c0_i32 : i32, i32
  }
  func.func @transform_3(%arg0: i32) -> (i32, i32) {
    %c0_i32 = arith.constant 0 : i32
    %c0_i32_0 = arith.constant 0 : i32
    return %arg0, %c0_i32 : i32, i32
  }
  func.func @transform_4(%arg0: i32) -> (i32, i32) {
    %c0_i32 = arith.constant 0 : i32
    %c0_i32_0 = arith.constant 0 : i32
    return %arg0, %c0_i32 : i32, i32
  }
  func.func @transform_5(%arg0: i32) -> (i32, i32) {
    %c0_i32 = arith.constant 0 : i32
    %c0_i32_0 = arith.constant 0 : i32
    return %arg0, %c0_i32 : i32, i32
  }
}

module attributes {stable_mosaic.version = 14 : i64} {
  func.func @_fuse_body(%arg0: i32, %arg1: memref<2x1000x128xf32, #tpu.memory_space<vmem>>, %arg2: memref<1000x128xf32, #tpu.memory_space<vmem>>, %arg3: memref<1000x1xf32, #tpu.memory_space<vmem>>, %arg4: memref<1x128xf32, #tpu.memory_space<vmem>>, %arg5: memref<128x128xf32, #tpu.memory_space<vmem>>, %arg6: memref<1000x128xf32, #tpu.memory_space<vmem>>) attributes {dimension_semantics = [#tpu.dimension_semantics<arbitrary>], iteration_bounds = array<i64: 10>, scalar_prefetch = 0 : i64, scratch_operands = 0 : i64, tpu.core_type = #tpu.core_type<tc>, window_params = [{transform_indices = @transform_0, window_bounds = array<i64: 2, 1000, 128>}, {transform_indices = @transform_1, window_bounds = array<i64: 1000, 128>}, {transform_indices = @transform_2, window_bounds = array<i64: 1000, 1>}, {pipeline_mode = #tpu.pipeline_mode<synchronous>, transform_indices = @transform_3, window_bounds = array<i64: 1, 128>}, {pipeline_mode = #tpu.pipeline_mode<synchronous>, transform_indices = @transform_4, window_bounds = array<i64: 128, 128>}, {transform_indices = @transform_5, window_bounds = array<i64: 1000, 128>}]} {
    %get3A = arith.constant 0 : index
    %get3A_0 = arith.constant 0 : index
    %get3A_1 = vector.load %arg3[%get3A, %get3A_0] : memref<1000x1xf32, #tpu.memory_space<vmem>>, vector<1000x1xf32>
    %get3A_2 = arith.constant 0 : index
    %get3A_3 = arith.constant 0 : index
    %get3A_4 = arith.constant 0 : index
    %get3A_5 = vector.load %arg1[%get3A_2, %get3A_3, %get3A_4] : memref<2x1000x128xf32, #tpu.memory_space<vmem>>, vector<1x1000x128xf32>
    %get3A_6 = vector.shape_cast %get3A_5 : vector<1x1000x128xf32> to vector<1000x128xf32>
    %get3A_7 = arith.constant 1 : index
    %get3A_8 = arith.constant 0 : index
    %get3A_9 = arith.constant 0 : index
    %get3A_10 = vector.load %arg1[%get3A_7, %get3A_8, %get3A_9] : memref<2x1000x128xf32, #tpu.memory_space<vmem>>, vector<1x1000x128xf32>
    %get3A_11 = vector.shape_cast %get3A_10 : vector<1x1000x128xf32> to vector<1000x128xf32>
    %add3A = arith.addf %get3A_6, %get3A_11 : vector<1000x128xf32>
    %get3A_12 = arith.constant 0 : index
    %get3A_13 = arith.constant 0 : index
    %get3A_14 = vector.load %arg2[%get3A_12, %get3A_13] : memref<1000x128xf32, #tpu.memory_space<vmem>>, vector<1000x128xf32>
    %add3A_15 = arith.addf %add3A, %get3A_14 : vector<1000x128xf32>
    %mul3A = vector.broadcast %get3A_1 : vector<1000x1xf32> to vector<1000x128xf32>
    %mul3A_16 = arith.mulf %mul3A, %add3A_15 : vector<1000x128xf32>
    %get3A_17 = arith.constant 0 : index
    %get3A_18 = arith.constant 0 : index
    %get3A_19 = vector.load %arg4[%get3A_17, %get3A_18] : memref<1x128xf32, #tpu.memory_space<vmem>>, vector<1x128xf32>
    %add3A_20 = vector.broadcast %get3A_19 : vector<1x128xf32> to vector<1000x128xf32>
    %add3A_21 = arith.addf %mul3A_16, %add3A_20 : vector<1000x128xf32>
    %max3A = arith.constant 0.000000e+00 : f32
    %max3A_22 = vector.broadcast %max3A : f32 to vector<1000x128xf32>
    %max3A_23 = arith.maximumf %add3A_21, %max3A_22 : vector<1000x128xf32>
    %get3A_24 = arith.constant 0 : index
    %get3A_25 = arith.constant 0 : index
    %get3A_26 = vector.load %arg5[%get3A_24, %get3A_25] : memref<128x128xf32, #tpu.memory_space<vmem>>, vector<128x128xf32>
    %dot_general3A = arith.constant dense<0.000000e+00> : vector<1000x128xf32>
    %dot_general3A_27 = tpu.matmul %max3A_23, %get3A_26, %dot_general3A {dimension_numbers = #tpu.dot_dimension_numbers<[1], [0], [0], [1], [0, 0, 1, 1], [], []>, transpose_lhs_hint = false} : vector<1000x128xf32>, vector<128x128xf32>, vector<1000x128xf32> -> vector<1000x128xf32>
    %mul3A_28 = vector.broadcast %get3A_1 : vector<1000x1xf32> to vector<1000x128xf32>
    %mul3A_29 = arith.mulf %mul3A_28, %dot_general3A_27 : vector<1000x128xf32>
    %swap3A = arith.constant 0 : index
    %swap3A_30 = arith.constant 0 : index
    %swap3A_31 = vector.load %arg6[%swap3A, %swap3A_30] : memref<1000x128xf32, #tpu.memory_space<vmem>>, vector<1000x128xf32>
    tpu.vector_store %arg6[%swap3A, %swap3A_30], %mul3A_29 {strides = array<i32>} : memref<1000x128xf32, #tpu.memory_space<vmem>>, vector<1000x128xf32>,
    return
  }
  func.func @transform_0(%arg0: i32) -> (i32, i32, i32) {
    %c0_i32 = arith.constant 0 : i32
    %c0_i32_0 = arith.constant 0 : i32
    %c0_i32_1 = arith.constant 0 : i32
    return %c0_i32, %arg0, %c0_i32_0 : i32, i32, i32
  }
  func.func @transform_1(%arg0: i32) -> (i32, i32) {
    %c0_i32 = arith.constant 0 : i32
    %c0_i32_0 = arith.constant 0 : i32
    return %arg0, %c0_i32 : i32, i32
  }
  func.func @transform_2(%arg0: i32) -> (i32, i32) {
    %c0_i32 = arith.constant 0 : i32
    %c0_i32_0 = arith.constant 0 : i32
    return %arg0, %c0_i32 : i32, i32
  }
  func.func @transform_3(%arg0: i32) -> (i32, i32) {
    %c0_i32 = arith.constant 0 : i32
    %c0_i32_0 = arith.constant 0 : i32
    %c0_i32_1 = arith.constant 0 : i32
    return %c0_i32, %c0_i32_0 : i32, i32
  }
  func.func @transform_4(%arg0: i32) -> (i32, i32) {
    %c0_i32 = arith.constant 0 : i32
    %c0_i32_0 = arith.constant 0 : i32
    %c0_i32_1 = arith.constant 0 : i32
    return %c0_i32, %c0_i32_0 : i32, i32
  }
  func.func @transform_5(%arg0: i32) -> (i32, i32) {
    %c0_i32 = arith.constant 0 : i32
    %c0_i32_0 = arith.constant 0 : i32
    return %arg0, %c0_i32 : i32, i32
  }
}

module attributes {stable_mosaic.version = 14 : i64} {
  func.func @_final_body(%arg0: i32, %arg1: memref<2x1000x128xf32, #tpu.memory_space<vmem>>, %arg2: memref<1000x128xf32, #tpu.memory_space<vmem>>, %arg3: memref<1000x1xf32, #tpu.memory_space<vmem>>, %arg4: memref<1x64xf32, #tpu.memory_space<vmem>>, %arg5: memref<1000x64xf32, #tpu.memory_space<vmem>>) attributes {dimension_semantics = [#tpu.dimension_semantics<arbitrary>], iteration_bounds = array<i64: 10>, scalar_prefetch = 0 : i64, scratch_operands = 0 : i64, tpu.core_type = #tpu.core_type<tc>, window_params = [{transform_indices = @transform_0, window_bounds = array<i64: 2, 1000, 128>}, {transform_indices = @transform_1, window_bounds = array<i64: 1000, 128>}, {transform_indices = @transform_2, window_bounds = array<i64: 1000, 1>}, {pipeline_mode = #tpu.pipeline_mode<synchronous>, transform_indices = @transform_3, window_bounds = array<i64: 1, 64>}, {transform_indices = @transform_4, window_bounds = array<i64: 1000, 64>}]} {
    %get3A = arith.constant 0 : index
    %get3A_0 = arith.constant 0 : index
    %get3A_1 = vector.load %arg3[%get3A, %get3A_0] : memref<1000x1xf32, #tpu.memory_space<vmem>>, vector<1000x1xf32>
    %get3A_2 = arith.constant 0 : index
    %get3A_3 = arith.constant 0 : index
    %get3A_4 = arith.constant 0 : index
    %get3A_5 = vector.load %arg1[%get3A_2, %get3A_3, %get3A_4] : memref<2x1000x128xf32, #tpu.memory_space<vmem>>, vector<1x1000x128xf32>
    %get3A_6 = vector.shape_cast %get3A_5 : vector<1x1000x128xf32> to vector<1000x128xf32>
    %get3A_7 = arith.constant 1 : index
    %get3A_8 = arith.constant 0 : index
    %get3A_9 = arith.constant 0 : index
    %get3A_10 = vector.load %arg1[%get3A_7, %get3A_8, %get3A_9] : memref<2x1000x128xf32, #tpu.memory_space<vmem>>, vector<1x1000x128xf32>
    %get3A_11 = vector.shape_cast %get3A_10 : vector<1x1000x128xf32> to vector<1000x128xf32>
    %add3A = arith.addf %get3A_6, %get3A_11 : vector<1000x128xf32>
    %get3A_12 = arith.constant 0 : index
    %get3A_13 = arith.constant 0 : index
    %get3A_14 = vector.load %arg2[%get3A_12, %get3A_13] : memref<1000x128xf32, #tpu.memory_space<vmem>>, vector<1000x128xf32>
    %add3A_15 = arith.addf %add3A, %get3A_14 : vector<1000x128xf32>
    %slice3A = vector.extract_strided_slice %add3A_15 {offsets = [0, 0], sizes = [1000, 64], strides = [1, 1]} : vector<1000x128xf32> to vector<1000x64xf32>
    %mul3A = vector.broadcast %get3A_1 : vector<1000x1xf32> to vector<1000x64xf32>
    %mul3A_16 = arith.mulf %mul3A, %slice3A : vector<1000x64xf32>
    %get3A_17 = arith.constant 0 : index
    %get3A_18 = arith.constant 0 : index
    %get3A_19 = vector.load %arg4[%get3A_17, %get3A_18] : memref<1x64xf32, #tpu.memory_space<vmem>>, vector<1x64xf32>
    %add3A_20 = vector.broadcast %get3A_19 : vector<1x64xf32> to vector<1000x64xf32>
    %add3A_21 = arith.addf %mul3A_16, %add3A_20 : vector<1000x64xf32>
    %swap3A = arith.constant 0 : index
    %swap3A_22 = arith.constant 0 : index
    %swap3A_23 = vector.load %arg5[%swap3A, %swap3A_22] : memref<1000x64xf32, #tpu.memory_space<vmem>>, vector<1000x64xf32>
    tpu.vector_store %arg5[%swap3A, %swap3A_22], %add3A_21 {strides = array<i32>} : memref<1000x64xf32, #tpu.memory_space<vmem>>, vector<1000x64xf32>,
    return
  }
  func.func @transform_0(%arg0: i32) -> (i32, i32, i32) {
    %c0_i32 = arith.constant 0 : i32
    %c0_i32_0 = arith.constant 0 : i32
    %c0_i32_1 = arith.constant 0 : i32
    return %c0_i32, %arg0, %c0_i32_0 : i32, i32, i32
  }
  func.func @transform_1(%arg0: i32) -> (i32, i32) {
    %c0_i32 = arith.constant 0 : i32
    %c0_i32_0 = arith.constant 0 : i32
    return %arg0, %c0_i32 : i32, i32
  }
  func.func @transform_2(%arg0: i32) -> (i32, i32) {
    %c0_i32 = arith.constant 0 : i32
    %c0_i32_0 = arith.constant 0 : i32
    return %arg0, %c0_i32 : i32, i32
  }
  func.func @transform_3(%arg0: i32) -> (i32, i32) {
    %c0_i32 = arith.constant 0 : i32
    %c0_i32_0 = arith.constant 0 : i32
    %c0_i32_1 = arith.constant 0 : i32
    return %c0_i32, %c0_i32_0 : i32, i32
  }
  func.func @transform_4(%arg0: i32) -> (i32, i32) {
    %c0_i32 = arith.constant 0 : i32
    %c0_i32_0 = arith.constant 0 : i32
    return %arg0, %c0_i32 : i32, i32
  }
}

</mosaic_0001>

<sc_bundles>
// kernel: kernel.10.cloned.1.call-start
scs
__scs_entry_jumppad:
0x0: {  	(pc) =	sbr.rel $0x88, $3  }
0x1: {  	(tag) =	ssettag $0x0;
	lr =	simm.s32 $0x1  }
0x2: {  	[smem:$0x3F99] =	sst lr;
	_ =	strace $0xD0000000  }
0x3: {  	_ = 	snop  }
0x4: {  	_ = 	snop  }
0x5: {  	_ = 	snop  }
0x6: {  	_ = 	snop  }
0x7: {  	_ = 	snop  }
__scs_overlays_trampoline_lowered:
0x8: {  	[smem:$0x3FA8] =	sst s0  }
0x9: {  	[smem:$0x3FA9] =	sst s1  }
0xa: {  	[smem:$0x3FAA] =	sst s2  }
0xb: {  	[smem:$0x3FAB] =	sst s3  }
0xc: {  	[smem:$0x3FAC] =	sst s4  }
0xd: {  	[smem:$0x3FAD] =	sst s5  }
0xe: {  	[smem:$0x3FAE] =	sst s6  }
0xf: {  	[smem:$0x3FAF] =	sst s7  }
0x10: {  	[smem:$0x3FB0] =	sst s8  }
0x11: {  	[smem:$0x3FB1] =	sst s9;
	s0 =	simm.s32 @!p0 $0x0  }
0x12: {  	s1 =	sld [smem:$0x3F97];
	s0 =	simm.s32 @p0 $0x1  }
0x13: {  	[smem:$0x3FB2] =	sst s0;
	s0 =	simm.s32 @!p1 $0x0  }
0x14: {  	s2 =	sld [smem:$0x3F96];
	s0 =	simm.s32 @p1 $0x1  }
0x15: {  	[smem:$0x3FB3] =	sst s0;
	s0 =	simm.s32 @!p2 $0x0  }
0x16: {  	s3 =	sld [smem:$0x3FDB];
	s0 =	simm.s32 @p2 $0x1  }
0x17: {  	s4 =	simm.s32 $0x1BF5;
	[smem:$0x3FB5] =	sst s0  }
0x18: {  	s0 =	sld [smem:$0x3F98];
	_ =	swait.ge [sflag:s4], $0x0  }
0x19: {  	s7 =	sld [smem:$0x3F99]  }
0x1a: {  	s8 =	sadd.s32 $0xFFFFE003, lr  }
0x1b: {  	s9 =	sadd.s32 $0xFFFFFEF7, lr;
	s5 =	simm.s32 $0xFFFFFFFF;
	p2 =	slt.u32 s8, $0xFFFFF086  }
0x1c: {  	p1 =	slt.u32 s9, $0xF7A;
	s5 =	simm.s32 @!p2 $0x0  }
0x1d: {  	s5 =	simm.s32 @p1 $0x1;
	p0 =	seq.s32 s7, s2  }
0x1e: {  	s7 =	smul.u32 @!p0 $0xF7A, s2;
	p2 =	seq.s32 @!p0 s5, $0x0  }
0x1f: {  	s9 =	smul.u32 $0xF7A, s1;
	s8 =	simm.s32 @!p0 $0x1BF5;
	p2 =	por !p2, p0  }
0x20: {  	[sflag:s8] =	ssyncset.s32 @!p0 $0xFFFFF086;
	s6 =	sadd.s32 @!p0 s3, s7;
	s7 =	simm.s32 @!p0 $0x108  }
0x21: {  	s3 =	sadd.s32 s3, s9;
	s6 =	sadd.s32 @!p0 $0x88, s6;
	s7 =	simm.s32 @p2 $0x1082  }
0x22: {  	[simem:s7], [sflag:s8] =	dma.local @!p0 [hbm:s6], $0xF7A  }
0x23: {  	s9 =	sor.u32 $0xD0000000, s2;
	s6 =	simm.s32 $0x108;
	_ =	swait.ge @!p0 [sflag:s8], $0x0  }
0x24: {  	s3 =	sadd.s32 $0x88, s3;
	s6 =	simm.s32 @!p1 $0x1082;
	[sflag:s4] =	ssyncset.s32 $0xFFFFF086  }
0x25: {  	[simem:s6], [sflag:s4] =	dma.local [hbm:s3], $0xF7A  }
0x26: {  	[smem:$0x3F99] =	sst s1;
	(tag) =	ssettag s2;
	_ =	strace s9  }
0x27: {  	s1 =	sld [smem:$0x3FA9]  }
0x28: {  	s2 =	sld [smem:$0x3FAA]  }
0x29: {  	s4 =	sld [smem:$0x3FAC]  }
0x2a: {  	p0 =	seq.s32 s5, $0x0;
	s5 =	sld [smem:$0x3FAD]  }
0x2b: {  	s6 =	sld [smem:$0x3FAE]  }
0x2c: {  	s7 =	sld [smem:$0x3FAF]  }
0x2d: {  	s3 =	simm.s32 $0x108;
	s8 =	sld [smem:$0x3FB0]  }
0x2e: {  	s3 =	simm.s32 @!p0 $0x1082;
	s9 =	sld [smem:$0x3FB1]  }
0x2f: {  	lr =	sadd.s32 s0, s3;
	s0 =	sld [smem:$0x3FA8]  }
0x30: {  	s3 =	sld [smem:$0x3FAB]  }
0x31: {  	[smem:$0x3FB4] =	sst s10  }
0x32: {  	s10 =	sld [smem:$0x3FB2];
	_ =	sdelay $0x3  }
0x33: {  	p0 =	seq.s32 s10, $0x1;
	s10 =	sld [smem:$0x3FB4];
	_ =	sdelay $0x3  }
0x34: {  	[smem:$0x3FB4] =	sst s10  }
0x35: {  	s10 =	sld [smem:$0x3FB3];
	_ =	sdelay $0x3  }
0x36: {  	p1 =	seq.s32 s10, $0x1;
	s10 =	sld [smem:$0x3FB4];
	_ =	sdelay $0x3  }
0x37: {  	[smem:$0x3FB4] =	sst s10  }
0x38: {  	s10 =	sld [smem:$0x3FB5]  }
0x39: {  	_ = 	snop;
	(pc) =	sbr.ind lr, $3  }
0x3a: {  	_ = 	snop  }
0x3b: {  	_ = 	snop  }
0x3c: {  	p2 =	seq.s32 s10, $0x1;
	s10 =	sld [smem:$0x3FB4]  }
0x3d: {  	_ =	shalt  }
0x3e: {  	_ =	shalt  }
0x3f: {  	_ =	shalt  }
0x40: {  	_ =	shalt  }
0x41: {  	_ =	shalt  }
0x42: {  	_ =	shalt  }
0x43: {  	_ =	shalt  }
0x44: {  	_ =	shalt  }
0x45: {  	_ =	shalt  }
0x46: {  	_ =	shalt  }
0x47: {  	_ =	shalt  }
0x48: {  	_ =	shalt  }
0x49: {  	_ =	shalt  }
0x4a: {  	_ =	shalt  }
0x4b: {  	_ =	shalt  }
0x4c: {  	_ =	shalt  }
0x4d: {  	_ =	shalt  }
0x4e: {  	_ =	shalt  }
0x4f: {  	_ =	shalt  }
0x50: {  	_ =	shalt  }
0x51: {  	_ =	shalt  }
0x52: {  	_ =	shalt  }
0x53: {  	_ =	shalt  }
0x54: {  	_ =	shalt  }
0x55: {  	_ =	shalt  }
0x56: {  	_ =	shalt  }
0x57: {  	_ =	shalt  }
0x58: {  	_ =	shalt  }
0x59: {  	_ =	shalt  }
0x5a: {  	_ =	shalt  }
0x5b: {  	_ =	shalt  }
0x5c: {  	_ =	shalt  }
0x5d: {  	_ =	shalt  }
0x5e: {  	_ =	shalt  }
0x5f: {  	_ =	shalt  }
0x60: {  	_ =	shalt  }
0x61: {  	_ =	shalt  }
0x62: {  	_ =	shalt  }
0x63: {  	_ =	shalt  }
0x64: {  	_ =	shalt  }
0x65: {  	_ =	shalt  }
0x66: {  	_ =	shalt  }
0x67: {  	_ =	shalt  }
0x68: {  	_ =	shalt  }
0x69: {  	_ =	shalt  }
0x6a: {  	_ =	shalt  }
0x6b: {  	_ =	shalt  }
0x6c: {  	_ =	shalt  }
0x6d: {  	_ =	shalt  }
0x6e: {  	_ =	shalt  }
0x6f: {  	_ =	shalt  }
0x70: {  	_ =	shalt  }
0x71: {  	_ =	shalt  }
0x72: {  	_ =	shalt  }
0x73: {  	_ =	shalt  }
0x74: {  	_ =	shalt  }
0x75: {  	_ =	shalt  }
0x76: {  	_ =	shalt  }
0x77: {  	_ =	shalt  }
0x78: {  	_ =	shalt  }
0x79: {  	_ =	shalt  }
0x7a: {  	_ =	shalt  }
0x7b: {  	_ =	shalt  }
0x7c: {  	_ =	shalt  }
0x7d: {  	_ =	shalt  }
0x7e: {  	_ =	shalt  }
0x7f: {  	_ =	shalt  }
0x80: {  	_ =	shalt  }
0x81: {  	_ =	shalt  }
0x82: {  	_ =	shalt  }
0x83: {  	_ =	shalt  }
0x84: {  	_ =	shalt  }
0x85: {  	_ =	shalt  }
0x86: {  	_ =	shalt  }
0x87: {  	_ =	shalt  }
.Lfunc_end0:
.L_simem_size_0:
called_computation_lowered:
.L_overlay_start_0:
0x88: {  	s2 =	sld [smem:$0x3FD9]  }
0x89: {  	s3 =	sld [smem:$0x3FFE];
	_ =	sdelay $0x1  }
0x8a: {  	s1 =	srdreg.scid  }
0x8b: {  	s0 =	sand.u32 $0x1, s1  }
0x8c: {  	s17 =	sshll.u32 s0, $0xA;
	s2 =	sadd.s32 s3, s2  }
0x8d: {  	s2 =	sadd.s32 s2, s17  }
0x8e: {  	[smem:$0x3FC0] =	sst s2  }
0x8f: {  	_ = 	snop  }
0x90: {  	s2 =	sld [smem:$0x3FD0];
	(tm) =	ssettm $0x1  }
0x91: {  	s18 =	sld [smem:$0x3FFB];
	_ =	sdelay $0x3  }
0x92: {  	_ =	strace s18  }
0x93: {  	s3 =	sld [smem:$0x3FFC];
	_ =	sdelay $0x3  }
0x94: {  	_ =	strace s3  }
0x95: {  	s3 =	sld [smem:$0x3FFD];
	_ =	sdelay $0x3  }
0x96: {  	_ =	strace s3  }
0x97: {  	_ =	strace $0x8FFFFFFF  }
0x98: {  	s19 =	sld [smem:$0x3FDB];
	_ =	sdelay $0x1  }
0x99: {  	s4 =	simm.s32 $_scs_section_size  }
0x9a: {  	s5 =	simm.s32 $_size__tile_overlayer_lowered;
	s6 =	simm.s32 $_tile_overlayer_lowered  }
0x9b: {  	s22 =	simm.s32 $0x1BFF;
	s21 =	sshll.u32 s6, $0x1;
	s3 =	sadd.s32 s4, s19  }
0x9c: {  	s7 =	simm.s32 $0x0;
	s20 =	sshll.u32 s5, $0x1;
	s5 =	sadd.s32 s21, s3  }
0x9d: {  	[timem:s7], [sflag:s22] =	dma.local [hbm:s5], s20  }
0x9e: {  	_ =	swait.ge [sflag:s22], s20  }
0x9f: {  	s4 =	ssub.s32 $0x0, s20;
	[sflag:s22] =	ssyncset.done $0x0  }
0xa0: {  	[sflag:s22] =	ssyncadd.s32 s4;
	_ =	sdelay $0x1  }
0xa1: {  	s23 =	simm.s32 $0x1B8B  }
0xa2: {  	_ =	swait.ge [sflag:s23], $0x1  }
0xa3: {  	[sflag:s23] =	ssyncset.done $0x0  }
0xa4: {  	s25 =	simm.s32 $0x1B8E;
	s24 =	sld [smem:$0x3FFE];
	[sflag:s23] =	ssyncadd.s32 $0xFFFFFFFF  }
0xa5: {  	s26 =	simm.s32 $execute0_lowered;
	[smem:$0x3FD2] =	sst s25  }
0xa6: {  	s5 =	sshll.u32 s26, $0x1;
	_ =	strace $0x80000046;
	[dreg:$0x1] =	wrdreg $0xFFFFFFFF  }
0xa7: {  	s28 =	simm.s32 $_size_execute0_lowered;
	s3 =	sadd.s32 s3, s5;
	[dreg:$0x0] =	wrdreg $0x0  }
0xa8: {  	s5 =	sshll.u32 s28, $0x1;
	[dreg:$0x2] =	wrdreg s3  }
0xa9: {  	[dreg:$0x3] =	wrdreg s5  }
0xaa: {  	[dreg:$0x4] =	wrdreg $0xC0  }
0xab: {  	_ =	task [dreg:s7], $0x5FFFF  }
0xac: {  	[dreg:$0x1] =	wrdreg $0xFFFFFFFF  }
0xad: {  	[dreg:$0x0] =	wrdreg $0x60  }
0xae: {  	[dreg:$0x2] =	wrdreg s2  }
0xaf: {  	[dreg:$0x3] =	wrdreg s24  }
0xb0: {  	[dreg:$0x4] =	wrdreg $0x2F000  }
0xb1: {  	[dreg:$0x5] =	wrdreg $0x9  }
0xb2: {  	_ =	task.clear_ibuf [dreg:s7], $0x6FFFF;
	_ =	strace $0x90000046  }
0xb3: {  	s29 =	simm.s32 $0x9;
	_ =	strace $0x80000048  }
0xb4: {  	_ =	swait.ge [sflag:s29], $0x1  }
0xb5: {  	[sflag:s29] =	ssyncadd.s32 $0xFFFFFFFF  }
0xb6: {  	_ =	strace $0x90000048  }
0xb7: {  	_ =	sfence  }
0xb8: {  	s30 =	sld [smem:$0x0];
	_ =	sdelay $0x2  }
0xb9: {  	s31 =	sshll.u32 s1, $0xD;
	s1 =	sshrl.u32 s1, $0x2  }
0xba: {  	s3 =	sand.u32 $0x4000, s31;
	s1 =	sadd.s32 s1, s30  }
0xbb: {  	s0 =	sor.u32 s3, s0;
	s1 =	sshll.u32 s1, $0x11  }
0xbc: {  	s0 =	sor.u32 s1, s0  }
0xbd: {  	s0 =	sadd.s32 $0x8F2B, s0  }
0xbe: {  	[sflag:s0] =	ssyncadd.remote.s32 $0x1  }
0xbf: {  	_ =	sfence.sel $0xFFFF  }
0xc0: {  	[dreg:$0x0] =	wrdreg $0xFFFFFFFF;
	(pc) =	sbr.abs _section_cstart, $3  }
0xc1: {  	[dreg:$0x1] =	wrdreg $0xFFFFFFFF  }
0xc2: {  	_ =	task.clear_ibuf [dreg:s7], $0x2FFFF;
	_ =	strace $0x9FFFFFFF  }
0xc3: {  	(tm) =	ssettm $0x7FFFFFFF  }
tec
execute0_lowered:
.L_overlay_start_1:
0x0: {  	(tag) =	ssettag $0x1  }
0x1: {  	s5 =	rddreg [dreg:$0x0]  }
0x2: {  	s4 =	rddreg [dreg:$0x1]  }
0x3: {  	s2 =	rddreg [dreg:$0x2]  }
0x4: {  	s0 =	rddreg [dreg:$0x3]  }
0x5: {  	s6 =	srdreg.scid;
	s1 =	stileid.u32;
	s3 =	simm.s32 $0x0  }
0x6: {  	s12 =	simm.s32 $0x2800;
	s13 =	simm.s32 $0x0;
	s7 =	smul.u32 $0x3E8, s1  }
0x7: {  	s6 =	sand.u32 $0x1, s6;
	[smem:$0x7FF] =	sst s3;
	s10 =	smul.u32 $0xA00, s1  }
0x8: {  	p0 =	sgt.u32 s1, $0x9;
	s8 =	smul.u32 $0x2710, s6;
	s9 =	sshll.u32 s6, $0x4  }
0x9: {  	_ =	strace $0x80000047;
	s6 =	ssub.s32 $0x2, s6;
	s9 =	sor.u32 s1, s9  }
0xa: {  	s31 =	sshrl.u32 s6, $0x1;
	s10 =	sshrl.u32 s10, $0x2;
	s8 =	sadd.s32 s7, s8  }
0xb: {  	s9 =	smul.u32 $0x500, s9;
	s11 =	ssub.s32 s6, s31;
	s8 =	sshrl.u32 s8, $0x3  }
0xc: {  	s6 =	sadd.s32 s7, s2;
	s8 =	sadd.s32 s8, s4;
	s4 =	sadd.s32 s10, s2  }
0xd: {  	s5 =	sadd.s32 s5, s9;
	s9 =	simm.s32 $0x2880;
	s10 =	simm.s32 $0x1  }
0xe: {  	v0 =	vimm.f32 $0.0e+00;
	v1 =	vimm.f32 $1.000000000e+00;
	s7 =	sadd.s32 $0xD200, s8;
	s8 =	smax.u32 s11, $0x1;
	s11 =	simm.s32 $0x80  }
.LBB2_1:
0xf: {  	[tilespmem:$0x2880] =	vst v0  }
0x10: {  	[tilespmem:$0x2890] =	vst v0  }
0x11: {  	[tilespmem:$0x28A0] =	vst v0  }
0x12: {  	[tilespmem:$0x28B0] =	vst v0  }
0x13: {  	[tilespmem:$0x28C0] =	vst v0  }
0x14: {  	[tilespmem:$0x28D0] =	vst v0  }
0x15: {  	[tilespmem:$0x28E0] =	vst v0  }
0x16: {  	[tilespmem:$0x28F0] =	vst v0  }
0x17: {  	[tilespmem:$0x2900] =	vst v0  }
0x18: {  	[tilespmem:$0x2910] =	vst v0  }
0x19: {  	[tilespmem:$0x2920] =	vst v0  }
0x1a: {  	[tilespmem:$0x2930] =	vst v0  }
0x1b: {  	[tilespmem:$0x2940] =	vst v0  }
0x1c: {  	[tilespmem:$0x2950] =	vst v0  }
0x1d: {  	[tilespmem:$0x2960] =	vst v0  }
0x1e: {  	[tilespmem:$0x2970] =	vst v0  }
0x1f: {  	[tilespmem:$0x2980] =	vst v0  }
0x20: {  	[tilespmem:$0x2990] =	vst v0  }
0x21: {  	[tilespmem:$0x29A0] =	vst v0  }
0x22: {  	[tilespmem:$0x29B0] =	vst v0  }
0x23: {  	[tilespmem:$0x29C0] =	vst v0  }
0x24: {  	[tilespmem:$0x29D0] =	vst v0  }
0x25: {  	[tilespmem:$0x29E0] =	vst v0  }
0x26: {  	[tilespmem:$0x29F0] =	vst v0  }
0x27: {  	[tilespmem:$0x2A00] =	vst v0  }
0x28: {  	[tilespmem:$0x2A10] =	vst v0  }
0x29: {  	[tilespmem:$0x2A20] =	vst v0  }
0x2a: {  	[tilespmem:$0x2A30] =	vst v0  }
0x2b: {  	[tilespmem:$0x2A40] =	vst v0  }
0x2c: {  	[tilespmem:$0x2A50] =	vst v0  }
0x2d: {  	[tilespmem:$0x2A60] =	vst v0  }
0x2e: {  	[tilespmem:$0x2A70] =	vst v0  }
0x2f: {  	[tilespmem:$0x2A80] =	vst v0  }
0x30: {  	[tilespmem:$0x2A90] =	vst v0  }
0x31: {  	[tilespmem:$0x2AA0] =	vst v0  }
0x32: {  	[tilespmem:$0x2AB0] =	vst v0  }
0x33: {  	[tilespmem:$0x2AC0] =	vst v0  }
0x34: {  	[tilespmem:$0x2AD0] =	vst v0  }
0x35: {  	[tilespmem:$0x2AE0] =	vst v0  }
0x36: {  	[tilespmem:$0x2AF0] =	vst v0  }
0x37: {  	[tilespmem:$0x2800] =	vst v1  }
0x38: {  	[tilespmem:$0x2810] =	vst v1  }
0x39: {  	[tilespmem:$0x2820] =	vst v1  }
0x3a: {  	[tilespmem:$0x2830] =	vst v1  }
0x3b: {  	[tilespmem:$0x2840] =	vst v1  }
0x3c: {  	[tilespmem:$0x2850] =	vst v1  }
0x3d: {  	[tilespmem:$0x2860] =	vst v1  }
0x3e: {  	[tilespmem:$0x2870] =	vst v1  }
0x3f: {  	[spmem:s4] =	stream.linear.scatter [tilespmem:s9], [sflag:$0x1], $0x280, $0x38;
	[tilespmem:$0x3180] =	vst v63  }
0x40: {  	_ =	swait.ge [sflag:s10], $0x280  }
0x41: {  	[sflag:s10] =	ssyncset.done $0x0  }
0x42: {  	[sflag:s10] =	ssyncadd.s32 $0xFFFFFD80  }
0x43: {  	[bflag:$0x0] =	sbarrier.arrive $0xFFFF  }
0x44: {  	[tilespmem:s3], [sflag:$0x1] =	stream.linear.gather [hbm4b:s5+s3], $0x2800, $0x38;
	[tilespmem:$0x3180] =	vst v63  }
0x45: {  	_ =	swait.ge [sflag:s10], $0x2800  }
0x46: {  	[sflag:s10] =	ssyncset.done $0x0  }
0x47: {  	s14 =	simm.s32 $0x0;
	[sflag:s10] =	ssyncadd.s32 $0xFFFFD800  }
0x48: {  	[spmem:s2] =	stream.indirect.scatter.add.f32 [tilespmem:s12], [sflag:$0x1], $0x1, s14, s11, $0xb8;
	[tilespmem:$0x3180] =	vst v63  }
0x49: {  	_ =	swait.ge [sflag:s10], $0x80  }
0x4a: {  	s14 =	simm.s32 $0x200;
	[sflag:s10] =	ssyncset.done $0x0  }
.LBB2_2:
0x4b: {  	s15 =	sshra.s32 s14, $0x2;
	[sflag:s10] =	ssyncadd.s32 $0xFFFFFF80;
	p1 =	sne.s32 s14, $0x9E00  }
0x4c: {  	[spmem:s2] =	stream.indirect.scatter.add.f32 [tilespmem:s12], [sflag:$0x1], $0x1, s15, s11, $0xb8;
	[tilespmem:$0x3180] =	vst v63  }
.Ltmp0:
0x4d: {  	_ = 	snop;
	(pc) =	sbr.rel @p1 .LBB2_2-.Ltmp0, $4  }
0x4e: {  	_ = 	snop  }
0x4f: {  	s14 =	sadd.s32 $0x200, s14  }
0x50: {  	_ =	swait.ge [sflag:s10], $0x80  }
0x51: {  	[sflag:s10] =	ssyncset.done $0x0  }
0x52: {  	[sflag:s10] =	ssyncadd.s32 $0xFFFFFF80  }
0x53: {  	s14 =	simm.s32 @!p0 $0x2B00;
	s15 =	simm.s32 @!p0 $0x1;
	[bflag:$0x0] =	sbarrier.arrive $0xFFFF  }
0x54: {  	[tilespmem:s14], [sflag:$0x1] =	stream.linear.gather @!p0 [spmem:s6], $0x3E8, $0x38;
	[tilespmem:$0x3180] =	vst v63  }
0x55: {  	s13 =	sadd.s32 $0x1, s13;
	_ =	swait.ge @!p0 [sflag:s15], $0x3E8  }
0x56: {  	p1 =	sne.s32 s13, s8;
	[sflag:s15] =	ssyncset.done @!p0 $0x0  }
.Ltmp1:
0x57: {  	s16 =	simm.s32 @!p0 $0x0;
	[sflag:s15] =	ssyncadd.s32 @!p0 $0xFFFFFC18;
	(pc) =	sbr.rel @p1 .LBB2_1-.Ltmp1, $4  }
0x58: {  	[hbm4b:s7+s16] =	stream.linear.scatter @!p0 [tilespmem:s14], [sflag:$0x1], $0x3E8, $0x38;
	[tilespmem:$0x3180] =	vst v63  }
0x59: {  	_ =	swait.ge @!p0 [sflag:s15], $0x3E8  }
0x5a: {  	[sflag:s15] =	ssyncset.done @!p0 $0x0  }
0x5b: {  	[sflag:s15] =	ssyncadd.s32 @!p0 $0xFFFFFC18  }
0x5c: {  	_ =	sfence.sel $0x180000  }
0x5d: {  	[bflag:$0x0] =	sbarrier.arrive $0xFFFF  }
0x5e: {  	p0 =	sne.s32 s1, $0x0;
	_ =	strace $0x90000047  }
0x5f: {  	s0 =	sadd.s32 @!p0 $0x100000, s0;
	[bflag:$0x2] =	sbarrier.arrive $0xFFFF  }
0x60: {  	[sflag:s0] =	ssyncadd.tile.s32 @!p0 $0x1;
	_ =	shalt  }
.Lfunc_end2:
_tile_overlayer_lowered:
.L_overlay_start_2:
0x61: {  	(tag) =	ssettag $0x2  }
0x62: {  	s0 =	rddreg [dreg:$0x0];
	s2 =	stileid.u32  }
0x63: {  	s1 =	rddreg [dreg:$0x1];
	p0 =	sne.s32 s2, $0x0  }
0x64: {  	s3 =	rddreg [dreg:$0x2];
	[bflag:$0x3] =	sbarrier.arrive $0xFFFF;
	s2 =	simm.s32 @!p0 $0x1C01  }
0x65: {  	[timem:s3], [sflag:s2] =	dma.local @!p0 [hbm:s0], s1  }
0x66: {  	s0 =	simm.s32 @!p0 $0x1  }
0x67: {  	_ =	swait.ge @!p0 [sflag:s0], s1  }
0x68: {  	s1 =	ssub.s32 @!p0 $0x0, s1;
	[sflag:s0] =	ssyncset.done @!p0 $0x0  }
0x69: {  	[sflag:s0] =	ssyncadd.s32 @!p0 s1  }
0x6a: {  	[bflag:$0x3] =	sbarrier.arrive $0xFFFF  }
0x6b: {  	_ =	shalt  }

// kernel: kernel.13.cloned.1.call-start
scs
__scs_entry_jumppad:
0x0: {  	(pc) =	sbr.rel $0x88, $3  }
0x1: {  	(tag) =	ssettag $0x0;
	lr =	simm.s32 $0x1  }
0x2: {  	[smem:$0x3F99] =	sst lr;
	_ =	strace $0xD0000000  }
0x3: {  	_ = 	snop  }
0x4: {  	_ = 	snop  }
0x5: {  	_ = 	snop  }
0x6: {  	_ = 	snop  }
0x7: {  	_ = 	snop  }
__scs_overlays_trampoline_lowered:
0x8: {  	[smem:$0x3FA8] =	sst s0  }
0x9: {  	[smem:$0x3FA9] =	sst s1  }
0xa: {  	[smem:$0x3FAA] =	sst s2  }
0xb: {  	[smem:$0x3FAB] =	sst s3  }
0xc: {  	[smem:$0x3FAC] =	sst s4  }
0xd: {  	[smem:$0x3FAD] =	sst s5  }
0xe: {  	[smem:$0x3FAE] =	sst s6  }
0xf: {  	[smem:$0x3FAF] =	sst s7  }
0x10: {  	[smem:$0x3FB0] =	sst s8  }
0x11: {  	[smem:$0x3FB1] =	sst s9;
	s0 =	simm.s32 @!p0 $0x0  }
0x12: {  	s1 =	sld [smem:$0x3F97];
	s0 =	simm.s32 @p0 $0x1  }
0x13: {  	[smem:$0x3FB2] =	sst s0;
	s0 =	simm.s32 @!p1 $0x0  }
0x14: {  	s2 =	sld [smem:$0x3F96];
	s0 =	simm.s32 @p1 $0x1  }
0x15: {  	[smem:$0x3FB3] =	sst s0;
	s0 =	simm.s32 @!p2 $0x0  }
0x16: {  	s3 =	sld [smem:$0x3FDB];
	s0 =	simm.s32 @p2 $0x1  }
0x17: {  	s4 =	simm.s32 $0x1BF5;
	[smem:$0x3FB5] =	sst s0  }
0x18: {  	s0 =	sld [smem:$0x3F98];
	_ =	swait.ge [sflag:s4], $0x0  }
0x19: {  	s7 =	sld [smem:$0x3F99]  }
0x1a: {  	s8 =	sadd.s32 $0xFFFFE003, lr  }
0x1b: {  	s9 =	sadd.s32 $0xFFFFFEF7, lr;
	s5 =	simm.s32 $0xFFFFFFFF;
	p2 =	slt.u32 s8, $0xFFFFF086  }
0x1c: {  	p1 =	slt.u32 s9, $0xF7A;
	s5 =	simm.s32 @!p2 $0x0  }
0x1d: {  	s5 =	simm.s32 @p1 $0x1;
	p0 =	seq.s32 s7, s2  }
0x1e: {  	s7 =	smul.u32 @!p0 $0xF7A, s2;
	p2 =	seq.s32 @!p0 s5, $0x0  }
0x1f: {  	s9 =	smul.u32 $0xF7A, s1;
	s8 =	simm.s32 @!p0 $0x1BF5;
	p2 =	por !p2, p0  }
0x20: {  	[sflag:s8] =	ssyncset.s32 @!p0 $0xFFFFF086;
	s6 =	sadd.s32 @!p0 s3, s7;
	s7 =	simm.s32 @!p0 $0x108  }
0x21: {  	s3 =	sadd.s32 s3, s9;
	s6 =	sadd.s32 @!p0 $0x88, s6;
	s7 =	simm.s32 @p2 $0x1082  }
0x22: {  	[simem:s7], [sflag:s8] =	dma.local @!p0 [hbm:s6], $0xF7A  }
0x23: {  	s9 =	sor.u32 $0xD0000000, s2;
	s6 =	simm.s32 $0x108;
	_ =	swait.ge @!p0 [sflag:s8], $0x0  }
0x24: {  	s3 =	sadd.s32 $0x88, s3;
	s6 =	simm.s32 @!p1 $0x1082;
	[sflag:s4] =	ssyncset.s32 $0xFFFFF086  }
0x25: {  	[simem:s6], [sflag:s4] =	dma.local [hbm:s3], $0xF7A  }
0x26: {  	[smem:$0x3F99] =	sst s1;
	(tag) =	ssettag s2;
	_ =	strace s9  }
0x27: {  	s1 =	sld [smem:$0x3FA9]  }
0x28: {  	s2 =	sld [smem:$0x3FAA]  }
0x29: {  	s4 =	sld [smem:$0x3FAC]  }
0x2a: {  	p0 =	seq.s32 s5, $0x0;
	s5 =	sld [smem:$0x3FAD]  }
0x2b: {  	s6 =	sld [smem:$0x3FAE]  }
0x2c: {  	s7 =	sld [smem:$0x3FAF]  }
0x2d: {  	s3 =	simm.s32 $0x108;
	s8 =	sld [smem:$0x3FB0]  }
0x2e: {  	s3 =	simm.s32 @!p0 $0x1082;
	s9 =	sld [smem:$0x3FB1]  }
0x2f: {  	lr =	sadd.s32 s0, s3;
	s0 =	sld [smem:$0x3FA8]  }
0x30: {  	s3 =	sld [smem:$0x3FAB]  }
0x31: {  	[smem:$0x3FB4] =	sst s10  }
0x32: {  	s10 =	sld [smem:$0x3FB2];
	_ =	sdelay $0x3  }
0x33: {  	p0 =	seq.s32 s10, $0x1;
	s10 =	sld [smem:$0x3FB4];
	_ =	sdelay $0x3  }
0x34: {  	[smem:$0x3FB4] =	sst s10  }
0x35: {  	s10 =	sld [smem:$0x3FB3];
	_ =	sdelay $0x3  }
0x36: {  	p1 =	seq.s32 s10, $0x1;
	s10 =	sld [smem:$0x3FB4];
	_ =	sdelay $0x3  }
0x37: {  	[smem:$0x3FB4] =	sst s10  }
0x38: {  	s10 =	sld [smem:$0x3FB5]  }
0x39: {  	_ = 	snop;
	(pc) =	sbr.ind lr, $3  }
0x3a: {  	_ = 	snop  }
0x3b: {  	_ = 	snop  }
0x3c: {  	p2 =	seq.s32 s10, $0x1;
	s10 =	sld [smem:$0x3FB4]  }
0x3d: {  	_ =	shalt  }
0x3e: {  	_ =	shalt  }
0x3f: {  	_ =	shalt  }
0x40: {  	_ =	shalt  }
0x41: {  	_ =	shalt  }
0x42: {  	_ =	shalt  }
0x43: {  	_ =	shalt  }
0x44: {  	_ =	shalt  }
0x45: {  	_ =	shalt  }
0x46: {  	_ =	shalt  }
0x47: {  	_ =	shalt  }
0x48: {  	_ =	shalt  }
0x49: {  	_ =	shalt  }
0x4a: {  	_ =	shalt  }
0x4b: {  	_ =	shalt  }
0x4c: {  	_ =	shalt  }
0x4d: {  	_ =	shalt  }
0x4e: {  	_ =	shalt  }
0x4f: {  	_ =	shalt  }
0x50: {  	_ =	shalt  }
0x51: {  	_ =	shalt  }
0x52: {  	_ =	shalt  }
0x53: {  	_ =	shalt  }
0x54: {  	_ =	shalt  }
0x55: {  	_ =	shalt  }
0x56: {  	_ =	shalt  }
0x57: {  	_ =	shalt  }
0x58: {  	_ =	shalt  }
0x59: {  	_ =	shalt  }
0x5a: {  	_ =	shalt  }
0x5b: {  	_ =	shalt  }
0x5c: {  	_ =	shalt  }
0x5d: {  	_ =	shalt  }
0x5e: {  	_ =	shalt  }
0x5f: {  	_ =	shalt  }
0x60: {  	_ =	shalt  }
0x61: {  	_ =	shalt  }
0x62: {  	_ =	shalt  }
0x63: {  	_ =	shalt  }
0x64: {  	_ =	shalt  }
0x65: {  	_ =	shalt  }
0x66: {  	_ =	shalt  }
0x67: {  	_ =	shalt  }
0x68: {  	_ =	shalt  }
0x69: {  	_ =	shalt  }
0x6a: {  	_ =	shalt  }
0x6b: {  	_ =	shalt  }
0x6c: {  	_ =	shalt  }
0x6d: {  	_ =	shalt  }
0x6e: {  	_ =	shalt  }
0x6f: {  	_ =	shalt  }
0x70: {  	_ =	shalt  }
0x71: {  	_ =	shalt  }
0x72: {  	_ =	shalt  }
0x73: {  	_ =	shalt  }
0x74: {  	_ =	shalt  }
0x75: {  	_ =	shalt  }
0x76: {  	_ =	shalt  }
0x77: {  	_ =	shalt  }
0x78: {  	_ =	shalt  }
0x79: {  	_ =	shalt  }
0x7a: {  	_ =	shalt  }
0x7b: {  	_ =	shalt  }
0x7c: {  	_ =	shalt  }
0x7d: {  	_ =	shalt  }
0x7e: {  	_ =	shalt  }
0x7f: {  	_ =	shalt  }
0x80: {  	_ =	shalt  }
0x81: {  	_ =	shalt  }
0x82: {  	_ =	shalt  }
0x83: {  	_ =	shalt  }
0x84: {  	_ =	shalt  }
0x85: {  	_ =	shalt  }
0x86: {  	_ =	shalt  }
0x87: {  	_ =	shalt  }
.Lfunc_end0:
.L_simem_size_0:
called_computation.1_lowered:
.L_overlay_start_0:
0x88: {  	s2 =	sld [smem:$0x3FD9]  }
0x89: {  	s3 =	sld [smem:$0x3FFE];
	_ =	sdelay $0x1  }
0x8a: {  	s1 =	srdreg.scid  }
0x8b: {  	s0 =	sand.u32 $0x1, s1  }
0x8c: {  	s17 =	sshll.u32 s0, $0xA;
	s2 =	sadd.s32 s3, s2  }
0x8d: {  	s2 =	sadd.s32 s2, s17  }
0x8e: {  	[smem:$0x3FC0] =	sst s2  }
0x8f: {  	_ = 	snop  }
0x90: {  	s2 =	sld [smem:$0x3FD0];
	(tm) =	ssettm $0x1  }
0x91: {  	s18 =	sld [smem:$0x3FFB];
	_ =	sdelay $0x3  }
0x92: {  	_ =	strace s18  }
0x93: {  	s3 =	sld [smem:$0x3FFC];
	_ =	sdelay $0x3  }
0x94: {  	_ =	strace s3  }
0x95: {  	s3 =	sld [smem:$0x3FFD];
	_ =	sdelay $0x3  }
0x96: {  	_ =	strace s3  }
0x97: {  	_ =	strace $0x8FFFFFFF  }
0x98: {  	s19 =	sld [smem:$0x3FDB];
	_ =	sdelay $0x1  }
0x99: {  	s4 =	simm.s32 $_scs_section_size  }
0x9a: {  	s5 =	simm.s32 $_size__tile_overlayer_lowered;
	s6 =	simm.s32 $_tile_overlayer_lowered  }
0x9b: {  	s22 =	simm.s32 $0x1BFF;
	s21 =	sshll.u32 s6, $0x1;
	s3 =	sadd.s32 s4, s19  }
0x9c: {  	s7 =	simm.s32 $0x0;
	s20 =	sshll.u32 s5, $0x1;
	s5 =	sadd.s32 s21, s3  }
0x9d: {  	[timem:s7], [sflag:s22] =	dma.local [hbm:s5], s20  }
0x9e: {  	_ =	swait.ge [sflag:s22], s20  }
0x9f: {  	s4 =	ssub.s32 $0x0, s20;
	[sflag:s22] =	ssyncset.done $0x0  }
0xa0: {  	[sflag:s22] =	ssyncadd.s32 s4;
	_ =	sdelay $0x1  }
0xa1: {  	s23 =	simm.s32 $0x1B8B  }
0xa2: {  	_ =	swait.ge [sflag:s23], $0x1  }
0xa3: {  	[sflag:s23] =	ssyncset.done $0x0  }
0xa4: {  	s25 =	simm.s32 $0x1B8E;
	s24 =	sld [smem:$0x3FFE];
	[sflag:s23] =	ssyncadd.s32 $0xFFFFFFFF  }
0xa5: {  	s26 =	simm.s32 $execute0_lowered;
	[smem:$0x3FD2] =	sst s25  }
0xa6: {  	s5 =	sshll.u32 s26, $0x1;
	_ =	strace $0x80000049;
	[dreg:$0x1] =	wrdreg $0xFFFFFFFF  }
0xa7: {  	s28 =	simm.s32 $_size_execute0_lowered;
	s3 =	sadd.s32 s3, s5;
	[dreg:$0x0] =	wrdreg $0x0  }
0xa8: {  	s5 =	sshll.u32 s28, $0x1;
	[dreg:$0x2] =	wrdreg s3  }
0xa9: {  	[dreg:$0x3] =	wrdreg s5  }
0xaa: {  	[dreg:$0x4] =	wrdreg $0xC0  }
0xab: {  	_ =	task [dreg:s7], $0x5FFFF  }
0xac: {  	[dreg:$0x1] =	wrdreg $0xFFFFFFFF  }
0xad: {  	[dreg:$0x0] =	wrdreg $0x60  }
0xae: {  	[dreg:$0x2] =	wrdreg s24  }
0xaf: {  	[dreg:$0x3] =	wrdreg s2  }
0xb0: {  	[dreg:$0x4] =	wrdreg $0x90000  }
0xb1: {  	[dreg:$0x5] =	wrdreg $0x9  }
0xb2: {  	_ =	task.clear_ibuf [dreg:s7], $0x6FFFF;
	_ =	strace $0x90000049  }
0xb3: {  	s29 =	simm.s32 $0x9;
	_ =	strace $0x8000004B  }
0xb4: {  	_ =	swait.ge [sflag:s29], $0x1  }
0xb5: {  	[sflag:s29] =	ssyncadd.s32 $0xFFFFFFFF  }
0xb6: {  	_ =	strace $0x9000004B  }
0xb7: {  	_ =	sfence  }
0xb8: {  	s30 =	sld [smem:$0x0];
	_ =	sdelay $0x2  }
0xb9: {  	s31 =	sshll.u32 s1, $0xD;
	s1 =	sshrl.u32 s1, $0x2  }
0xba: {  	s3 =	sand.u32 $0x4000, s31;
	s1 =	sadd.s32 s1, s30  }
0xbb: {  	s0 =	sor.u32 s3, s0;
	s1 =	sshll.u32 s1, $0x11  }
0xbc: {  	s0 =	sor.u32 s1, s0  }
0xbd: {  	s0 =	sadd.s32 $0x8F2B, s0  }
0xbe: {  	[sflag:s0] =	ssyncadd.remote.s32 $0x1  }
0xbf: {  	_ =	sfence.sel $0xFFFF  }
0xc0: {  	[dreg:$0x0] =	wrdreg $0xFFFFFFFF;
	(pc) =	sbr.abs _section_cstart, $3  }
0xc1: {  	[dreg:$0x1] =	wrdreg $0xFFFFFFFF  }
0xc2: {  	_ =	task.clear_ibuf [dreg:s7], $0x2FFFF;
	_ =	strace $0x9FFFFFFF  }
0xc3: {  	(tm) =	ssettm $0x7FFFFFFF  }
tec
execute0_lowered:
.L_overlay_start_1:
0x0: {  	(tag) =	ssettag $0x1  }
0x1: {  	s6 =	rddreg [dreg:$0x0];
	s13 =	stileid.u32  }
0x2: {  	s1 =	srdreg.scid;
	s0 =	rddreg [dreg:$0x1]  }
0x3: {  	s2 =	rddreg [dreg:$0x2];
	s3 =	smul.u32 $0x30, s13  }
0x4: {  	s24 =	simm.s32 $0x100;
	s7 =	sand.u32 $0x1, s1;
	s1 =	smul.u32 $0x70, s13  }
0x5: {  	s26 =	simm.s32 $0x880;
	s28 =	simm.s32 $0x700;
	s8 =	smul.u32 $0x50000, s13  }
0x6: {  	s9 =	sadd.s32 $0x34400, s6;
	s10 =	smul.u32 $0x4F000, s13;
	p0 =	seq.s32 s7, $0x0  }
0x7: {  	s12 =	ssub.s32 $0x2, s7;
	s7 =	smul.u32 $0x138800, s7;
	s4 =	sadd.s32 $0x700, s3  }
0x8: {  	s3 =	simm.s32 $0x0;
	s8 =	sshrl.u32 s8, $0x2;
	s10 =	sshrl.u32 s10, $0x2  }
0x9: {  	s11 =	sshrl.u32 s12, $0x1;
	[smem:$0x7FF] =	sst s3;
	s10 =	sadd.s32 s10, s2  }
0xa: {  	s4 =	smov.u32 @p0 s1;
	_ =	strace $0x8000004A;
	[dreg:$0x15] =	wrdreg s10  }
0xb: {  	s14 =	sadd.s32 s8, s2;
	s8 =	smul.u32 $0x13C00, s13;
	[dreg:$0x4] =	wrdreg s24  }
0xc: {  	s5 =	sshll.u32 s4, $0x4;
	s4 =	sadd.s32 $0xD200, s6;
	[dreg:$0x5] =	wrdreg s26  }
0xd: {  	s15 =	sadd.s32 $0x4000, s14;
	[dreg:$0x12] =	wrdreg s14;
	s1 =	sadd.s32 s5, s6  }
0xe: {  	s6 =	ssub.s32 s12, s11;
	[dreg:$0x13] =	wrdreg s15;
	s15 =	simm.s32 $0x900  }
0xf: {  	s11 =	simm.s32 $0x7;
	s0 =	sadd.s32 s5, s0;
	[dreg:$0x7] =	wrdreg s15  }
0x10: {  	s12 =	sadd.s32 $0x8000, s8;
	s11 =	simm.s32 @!p0 $0x3;
	[smem:$0x7F0] =	sst s0  }
0x11: {  	s23 =	sadd.s32 $0xC000, s8;
	s21 =	sadd.s32 s12, s2;
	[dreg:$0x14] =	wrdreg s11  }
0x12: {  	s16 =	sadd.s32 s8, s7;
	s25 =	sadd.s32 s23, s2;
	[dreg:$0x19] =	wrdreg s21  }
0x13: {  	s20 =	sadd.s32 s7, s12;
	s12 =	simm.s32 $0x180;
	[dreg:$0x1b] =	wrdreg s25  }
0x14: {  	s17 =	sshrl.u32 s16, $0x3;
	s16 =	simm.s32 $0x200;
	[dreg:$0x6] =	wrdreg s12  }
0x15: {  	s18 =	sadd.s32 $0x4000, s8;
	s10 =	sadd.s32 s9, s17;
	[dreg:$0x8] =	wrdreg s16  }
0x16: {  	s29 =	simm.s32 $0xE80;
	s11 =	sadd.s32 s18, s2;
	[dreg:$0x16] =	wrdreg s10  }
0x17: {  	s30 =	simm.s32 $0x780;
	s17 =	simm.s32 $0x980;
	[dreg:$0x17] =	wrdreg s11  }
0x18: {  	s22 =	sshrl.u32 s20, $0x3;
	s20 =	simm.s32 $0xA00;
	[dreg:$0x9] =	wrdreg s17  }
0x19: {  	s8 =	sadd.s32 $0x10000, s8;
	s21 =	simm.s32 $0x300;
	[dreg:$0xb] =	wrdreg s20  }
0x1a: {  	s19 =	sadd.s32 s7, s18;
	s25 =	simm.s32 $0xB00;
	[dreg:$0xc] =	wrdreg s21  }
0x1b: {  	s10 =	sshrl.u32 s19, $0x3;
	s19 =	simm.s32 $0x280;
	[dreg:$0xf] =	wrdreg s25  }
0x1c: {  	s18 =	sadd.s32 s7, s8;
	s17 =	sadd.s32 $0x8000, s14;
	[dreg:$0xa] =	wrdreg s19  }
0x1d: {  	s11 =	sshrl.u32 s18, $0x3;
	s18 =	sadd.s32 $0xC000, s14;
	[smem:$0x7F4] =	sst s17  }
0x1e: {  	s31 =	simm.s32 $0xF00;
	s20 =	sadd.s32 s8, s2;
	[smem:$0x7F5] =	sst s18  }
0x1f: {  	p0 =	seq.s32 s13, $0xF;
	s21 =	sadd.s32 $0x128400, s2;
	[smem:$0x7F7] =	sst s20  }
0x20: {  	s13 =	simm.s32 $0x1;
	s25 =	sadd.s32 $0x134400, s2;
	[smem:$0x7F8] =	sst s21  }
0x21: {  	s0 =	simm.s32 $0x0;
	s10 =	sadd.s32 s9, s10;
	[smem:$0x7FC] =	sst s25  }
0x22: {  	s8 =	simm.s32 $0x1000;
	s11 =	sadd.s32 s9, s11;
	[dreg:$0x18] =	wrdreg s10  }
0x23: {  	s19 =	sadd.s32 $0x10000, s14;
	s14 =	simm.s32 $0x2;
	[dreg:$0x1d] =	wrdreg s11  }
0x24: {  	s17 =	simm.s32 $0x500;
	s10 =	sadd.s32 s9, s22;
	[smem:$0x7F6] =	sst s19  }
0x25: {  	s18 =	simm.s32 $0xC80;
	s22 =	simm.s32 $0xA80;
	[dreg:$0x1a] =	wrdreg s10  }
0x26: {  	s20 =	simm.s32 $0x580;
	s11 =	simm.s32 $0xB80;
	[dreg:$0xd] =	wrdreg s22  }
0x27: {  	s10 =	sadd.s32 s7, s23;
	s23 =	simm.s32 $0x380;
	[dreg:$0x11] =	wrdreg s11  }
0x28: {  	s7 =	sshrl.u32 s7, $0x3;
	s22 =	sadd.s32 $0x12C400, s2;
	[dreg:$0xe] =	wrdreg s23  }
0x29: {  	s10 =	sshrl.u32 s10, $0x3;
	[smem:$0x7F9] =	sst s22;
	s23 =	smax.u32 s6, $0x1  }
0x2a: {  	s7 =	sadd.s32 s9, s7;
	s10 =	sadd.s32 s9, s10;
	[smem:$0x7FA] =	sst s23  }
0x2b: {  	s21 =	simm.s32 $0xD00;
	s24 =	sadd.s32 $0x25080, s7;
	[dreg:$0x1c] =	wrdreg s10  }
0x2c: {  	s25 =	simm.s32 $0x680;
	s26 =	sadd.s32 $0x25880, s7;
	[dreg:$0x1e] =	wrdreg s24  }
0x2d: {  	s11 =	simm.s32 $0x80;
	s12 =	sadd.s32 $0x26080, s7;
	[dreg:$0x1f] =	wrdreg s26  }
0x2e: {  	s22 =	simm.s32 $0x600;
	s15 =	sadd.s32 $0x26880, s7;
	[smem:$0x7F1] =	sst s12  }
0x2f: {  	s16 =	sadd.s32 $0x27080, s7;
	s7 =	sadd.s32 $0x3200, s1;
	[smem:$0x7F2] =	sst s15  }
0x30: {  	s9 =	simm.s32 $0x3;
	s10 =	simm.s32 $0x400;
	[smem:$0x7F3] =	sst s16  }
0x31: {  	s1 =	simm.s32 $0xF80;
	s24 =	sadd.s32 $0x130400, s2;
	[dreg:$0x10] =	wrdreg s10  }
0x32: {  	s26 =	sadd.s32 $0x138400, s2;
	s12 =	simm.s32 $0x5000;
	[smem:$0x7FB] =	sst s24  }
0x33: {  	s15 =	simm.s32 $0x480;
	s16 =	simm.s32 $0xC00;
	[smem:$0x7FD] =	sst s26  }
0x34: {  	v0 =	vimm.f32 $0.0e+00;
	s10 =	simm.s32 $0x800;
	s24 =	simm.s32 $0xD80;
	s26 =	simm.s32 $0xE00  }
.LBB2_1:
0x35: {  	s6 =	sand.u32 $0xFE00, s3  }
0x36: {  	s19 =	sand.u32 $0x70, s3;
	s23 =	sshrl.u32 s6, $0x2  }
0x37: {  	s6 =	simm.s32 $0x40;
	s23 =	sor.u32 s19, s23;
	s19 =	simm.s32 $0x0  }
.LBB2_2:
0x38: {  	p1 =	sne.s32 s6, $0xFFC0  }
0x39: {  	[tilespmem:s23+$0x1000] =	vst v0;
	s19 =	sadd.s32 $0x10, s19;
	s23 =	smov.u32 s6;
	s6 =	sadd.s32 $0x40, s6  }
.Ltmp0:
0x3a: {  	(pc) =	sbr.rel @p1 .LBB2_2-.Ltmp0, $4  }
0x3b: {  	_ = 	snop  }
0x3c: {  	s23 =	sand.u32 $0xFE00, s23  }
0x3d: {  	s5 =	sand.u32 $0x70, s19;
	s23 =	sshrl.u32 s23, $0x2  }
0x3e: {  	s23 =	sor.u32 s5, s23  }
0x3f: {  	[tilespmem:s23+$0x1000] =	vst v0;
	s5 =	rddreg [dreg:$0x12]  }
0x40: {  	[spmem:s5] =	stream.linear.scatter [tilespmem:s8], [sflag:$0x3], $0x4000, $0x38;
	[tilespmem:$0x1D000] =	vst v63  }
0x41: {  	_ =	swait.ge [sflag:s9], $0x4000  }
0x42: {  	[sflag:s9] =	ssyncset.done $0x0  }
0x43: {  	s19 =	rddreg [dreg:$0x13];
	[sflag:s9] =	ssyncadd.s32 $0xFFFFC000  }
0x44: {  	[spmem:s19] =	stream.linear.scatter [tilespmem:s8], [sflag:$0x3], $0x4000, $0x38;
	[tilespmem:$0x1D000] =	vst v63  }
0x45: {  	_ =	swait.ge [sflag:s9], $0x4000  }
0x46: {  	s23 =	sld [smem:$0x7F4]  }
0x47: {  	[sflag:s9] =	ssyncset.done $0x0  }
0x48: {  	[sflag:s9] =	ssyncadd.s32 $0xFFFFC000  }
0x49: {  	[spmem:s23] =	stream.linear.scatter [tilespmem:s8], [sflag:$0x3], $0x4000, $0x38;
	[tilespmem:$0x1D000] =	vst v63  }
0x4a: {  	_ =	swait.ge [sflag:s9], $0x4000  }
0x4b: {  	s6 =	sld [smem:$0x7F5]  }
0x4c: {  	[sflag:s9] =	ssyncset.done $0x0  }
0x4d: {  	[sflag:s9] =	ssyncadd.s32 $0xFFFFC000  }
0x4e: {  	[spmem:s6] =	stream.linear.scatter [tilespmem:s8], [sflag:$0x3], $0x4000, $0x38;
	[tilespmem:$0x1D000] =	vst v63  }
0x4f: {  	_ =	swait.ge [sflag:s9], $0x4000  }
0x50: {  	s19 =	sld [smem:$0x7F6]  }
0x51: {  	[sflag:s9] =	ssyncset.done $0x0  }
0x52: {  	[sflag:s9] =	ssyncadd.s32 $0xFFFFC000  }
0x53: {  	[spmem:s19] =	stream.linear.scatter [tilespmem:s8], [sflag:$0x3], $0x4000, $0x38;
	[tilespmem:$0x1D000] =	vst v63  }
0x54: {  	_ =	swait.ge [sflag:s9], $0x4000  }
0x55: {  	[sflag:s9] =	ssyncset.done $0x0  }
0x56: {  	[sflag:s9] =	ssyncadd.s32 $0xFFFFC000  }
0x57: {  	[bflag:$0x0] =	sbarrier.arrive $0xFFFF  }
0x58: {  	[tilespmem:s3], [sflag:$0x3] =	stream.linear.gather [hbm4b:s7+s3], $0x800, $0x38;
	[tilespmem:$0x1D000] =	vst v63  }
0x59: {  	_ =	swait.ge [sflag:s9], $0x800  }
0x5a: {  	s19 =	sld [smem:$0x7F0]  }
0x5b: {  	[sflag:s9] =	ssyncset.done $0x0  }
0x5c: {  	[sflag:s9] =	ssyncadd.s32 $0xFFFFF800  }
0x5d: {  	[tilespmem:s10], [sflag:$0x3] =	stream.linear.gather [hbm4b:s19+s3], $0x800, $0x38;
	[tilespmem:$0x1D000] =	vst v63  }
0x5e: {  	_ =	swait.ge [sflag:s9], $0x800  }
0x5f: {  	[sflag:s9] =	ssyncset.done $0x0  }
0x60: {  	[sflag:s9] =	ssyncadd.s32 $0xFFFFF800  }
0x61: {  	[tilespmem:s8], [sflag:$0x1] =	stream.indirect.gather [hbm4b:s4+s11], $0x80, s3, s11, $0xb8;
	[tilespmem:$0x1D000] =	vst v63  }
0x62: {  	_ = 	snop  }
0x63: {  	[tilespmem:s12], [sflag:$0x2] =	stream.indirect.gather [hbm4b:s4+s11], $0x80, s11, s11, $0xb8;
	[tilespmem:$0x1D000] =	vst v63  }
0x64: {  	_ =	swait.ge [sflag:s13], $0x4000  }
0x65: {  	[sflag:s13] =	ssyncset.done $0x0  }
0x66: {  	[sflag:s13] =	ssyncadd.s32 $0xFFFFC000  }
0x67: {  	[spmem:s2] =	stream.indirect.scatter.add.f32 [tilespmem:s8], [sflag:$0x3], $0x80, s10, s11, $0xb8;
	[tilespmem:$0x1D000] =	vst v63  }
0x68: {  	_ =	swait.ge [sflag:s9], $0x4000  }
0x69: {  	[sflag:s9] =	ssyncset.done $0x0  }
0x6a: {  	s23 =	rddreg [dreg:$0x4];
	[sflag:s9] =	ssyncadd.s32 $0xFFFFC000  }
0x6b: {  	[tilespmem:s8], [sflag:$0x1] =	stream.indirect.gather [hbm4b:s4+s11], $0x80, s23, s11, $0xb8;
	[tilespmem:$0x1D000] =	vst v63  }
0x6c: {  	_ =	swait.ge [sflag:s14], $0x4000  }
0x6d: {  	[sflag:s14] =	ssyncset.done $0x0  }
0x6e: {  	s6 =	rddreg [dreg:$0x5];
	[sflag:s14] =	ssyncadd.s32 $0xFFFFC000  }
0x6f: {  	[spmem:s2] =	stream.indirect.scatter.add.f32 [tilespmem:s12], [sflag:$0x3], $0x80, s6, s11, $0xb8;
	[tilespmem:$0x1D000] =	vst v63  }
0x70: {  	_ =	swait.ge [sflag:s9], $0x4000  }
0x71: {  	[sflag:s9] =	ssyncset.done $0x0  }
0x72: {  	s23 =	rddreg [dreg:$0x6];
	[sflag:s9] =	ssyncadd.s32 $0xFFFFC000  }
0x73: {  	[tilespmem:s12], [sflag:$0x2] =	stream.indirect.gather [hbm4b:s4+s11], $0x80, s23, s11, $0xb8;
	[tilespmem:$0x1D000] =	vst v63  }
0x74: {  	_ =	swait.ge [sflag:s13], $0x4000  }
0x75: {  	[sflag:s13] =	ssyncset.done $0x0  }
0x76: {  	s6 =	rddreg [dreg:$0x7];
	[sflag:s13] =	ssyncadd.s32 $0xFFFFC000  }
0x77: {  	[spmem:s2] =	stream.indirect.scatter.add.f32 [tilespmem:s8], [sflag:$0x3], $0x80, s6, s11, $0xb8;
	[tilespmem:$0x1D000] =	vst v63  }
0x78: {  	_ =	swait.ge [sflag:s9], $0x4000  }
0x79: {  	[sflag:s9] =	ssyncset.done $0x0  }
0x7a: {  	s23 =	rddreg [dreg:$0x8];
	[sflag:s9] =	ssyncadd.s32 $0xFFFFC000  }
0x7b: {  	[tilespmem:s8], [sflag:$0x1] =	stream.indirect.gather [hbm4b:s4+s11], $0x80, s23, s11, $0xb8;
	[tilespmem:$0x1D000] =	vst v63  }
0x7c: {  	_ =	swait.ge [sflag:s14], $0x4000  }
0x7d: {  	[sflag:s14] =	ssyncset.done $0x0  }
0x7e: {  	s6 =	rddreg [dreg:$0x9];
	[sflag:s14] =	ssyncadd.s32 $0xFFFFC000  }
0x7f: {  	[spmem:s2] =	stream.indirect.scatter.add.f32 [tilespmem:s12], [sflag:$0x3], $0x80, s6, s11, $0xb8;
	[tilespmem:$0x1D000] =	vst v63  }
0x80: {  	_ =	swait.ge [sflag:s9], $0x4000  }
0x81: {  	[sflag:s9] =	ssyncset.done $0x0  }
0x82: {  	s23 =	rddreg [dreg:$0xa];
	[sflag:s9] =	ssyncadd.s32 $0xFFFFC000  }
0x83: {  	[tilespmem:s12], [sflag:$0x2] =	stream.indirect.gather [hbm4b:s4+s11], $0x80, s23, s11, $0xb8;
	[tilespmem:$0x1D000] =	vst v63  }
0x84: {  	_ =	swait.ge [sflag:s13], $0x4000  }
0x85: {  	[sflag:s13] =	ssyncset.done $0x0  }
0x86: {  	s6 =	rddreg [dreg:$0xb];
	[sflag:s13] =	ssyncadd.s32 $0xFFFFC000  }
0x87: {  	[spmem:s2] =	stream.indirect.scatter.add.f32 [tilespmem:s8], [sflag:$0x3], $0x80, s6, s11, $0xb8;
	[tilespmem:$0x1D000] =	vst v63  }
0x88: {  	_ =	swait.ge [sflag:s9], $0x4000  }
0x89: {  	[sflag:s9] =	ssyncset.done $0x0  }
0x8a: {  	s23 =	rddreg [dreg:$0xc];
	[sflag:s9] =	ssyncadd.s32 $0xFFFFC000  }
0x8b: {  	[tilespmem:s8], [sflag:$0x1] =	stream.indirect.gather [hbm4b:s4+s11], $0x80, s23, s11, $0xb8;
	[tilespmem:$0x1D000] =	vst v63  }
0x8c: {  	_ =	swait.ge [sflag:s14], $0x4000  }
0x8d: {  	[sflag:s14] =	ssyncset.done $0x0  }
0x8e: {  	s6 =	rddreg [dreg:$0xd];
	[sflag:s14] =	ssyncadd.s32 $0xFFFFC000  }
0x8f: {  	[spmem:s2] =	stream.indirect.scatter.add.f32 [tilespmem:s12], [sflag:$0x3], $0x80, s6, s11, $0xb8;
	[tilespmem:$0x1D000] =	vst v63  }
0x90: {  	_ =	swait.ge [sflag:s9], $0x4000  }
0x91: {  	[sflag:s9] =	ssyncset.done $0x0  }
0x92: {  	s23 =	rddreg [dreg:$0xe];
	[sflag:s9] =	ssyncadd.s32 $0xFFFFC000  }
0x93: {  	[tilespmem:s12], [sflag:$0x2] =	stream.indirect.gather [hbm4b:s4+s11], $0x80, s23, s11, $0xb8;
	[tilespmem:$0x1D000] =	vst v63  }
0x94: {  	_ =	swait.ge [sflag:s13], $0x4000  }
0x95: {  	[sflag:s13] =	ssyncset.done $0x0  }
0x96: {  	s6 =	rddreg [dreg:$0xf];
	[sflag:s13] =	ssyncadd.s32 $0xFFFFC000  }
0x97: {  	[spmem:s2] =	stream.indirect.scatter.add.f32 [tilespmem:s8], [sflag:$0x3], $0x80, s6, s11, $0xb8;
	[tilespmem:$0x1D000] =	vst v63  }
0x98: {  	_ =	swait.ge [sflag:s9], $0x4000  }
0x99: {  	[sflag:s9] =	ssyncset.done $0x0  }
0x9a: {  	s23 =	rddreg [dreg:$0x10];
	[sflag:s9] =	ssyncadd.s32 $0xFFFFC000  }
0x9b: {  	[tilespmem:s8], [sflag:$0x1] =	stream.indirect.gather [hbm4b:s4+s11], $0x80, s23, s11, $0xb8;
	[tilespmem:$0x1D000] =	vst v63  }
0x9c: {  	_ =	swait.ge [sflag:s14], $0x4000  }
0x9d: {  	[sflag:s14] =	ssyncset.done $0x0  }
0x9e: {  	s6 =	rddreg [dreg:$0x11];
	[sflag:s14] =	ssyncadd.s32 $0xFFFFC000  }
0x9f: {  	[spmem:s2] =	stream.indirect.scatter.add.f32 [tilespmem:s12], [sflag:$0x3], $0x80, s6, s11, $0xb8;
	[tilespmem:$0x1D000] =	vst v63  }
0xa0: {  	_ =	swait.ge [sflag:s9], $0x4000  }
0xa1: {  	[sflag:s9] =	ssyncset.done $0x0  }
0xa2: {  	[sflag:s9] =	ssyncadd.s32 $0xFFFFC000  }
0xa3: {  	[tilespmem:s12], [sflag:$0x2] =	stream.indirect.gather [hbm4b:s4+s11], $0x80, s15, s11, $0xb8;
	[tilespmem:$0x1D000] =	vst v63  }
0xa4: {  	_ =	swait.ge [sflag:s13], $0x4000  }
0xa5: {  	[sflag:s13] =	ssyncset.done $0x0  }
0xa6: {  	[sflag:s13] =	ssyncadd.s32 $0xFFFFC000  }
0xa7: {  	[spmem:s2] =	stream.indirect.scatter.add.f32 [tilespmem:s8], [sflag:$0x3], $0x80, s16, s11, $0xb8;
	[tilespmem:$0x1D000] =	vst v63  }
0xa8: {  	_ =	swait.ge [sflag:s9], $0x4000  }
0xa9: {  	[sflag:s9] =	ssyncset.done $0x0  }
0xaa: {  	[sflag:s9] =	ssyncadd.s32 $0xFFFFC000  }
0xab: {  	[tilespmem:s8], [sflag:$0x1] =	stream.indirect.gather [hbm4b:s4+s11], $0x80, s17, s11, $0xb8;
	[tilespmem:$0x1D000] =	vst v63  }
0xac: {  	_ =	swait.ge [sflag:s14], $0x4000  }
0xad: {  	[sflag:s14] =	ssyncset.done $0x0  }
0xae: {  	[sflag:s14] =	ssyncadd.s32 $0xFFFFC000  }
0xaf: {  	[spmem:s2] =	stream.indirect.scatter.add.f32 [tilespmem:s12], [sflag:$0x3], $0x80, s18, s11, $0xb8;
	[tilespmem:$0x1D000] =	vst v63  }
0xb0: {  	_ =	swait.ge [sflag:s9], $0x4000  }
0xb1: {  	[sflag:s9] =	ssyncset.done $0x0  }
0xb2: {  	[sflag:s9] =	ssyncadd.s32 $0xFFFFC000  }
0xb3: {  	[tilespmem:s12], [sflag:$0x2] =	stream.indirect.gather [hbm4b:s4+s11], $0x80, s20, s11, $0xb8;
	[tilespmem:$0x1D000] =	vst v63  }
0xb4: {  	_ =	swait.ge [sflag:s13], $0x4000  }
0xb5: {  	[sflag:s13] =	ssyncset.done $0x0  }
0xb6: {  	[sflag:s13] =	ssyncadd.s32 $0xFFFFC000  }
0xb7: {  	[spmem:s2] =	stream.indirect.scatter.add.f32 [tilespmem:s8], [sflag:$0x3], $0x80, s21, s11, $0xb8;
	[tilespmem:$0x1D000] =	vst v63  }
0xb8: {  	_ =	swait.ge [sflag:s9], $0x4000  }
0xb9: {  	[sflag:s9] =	ssyncset.done $0x0  }
0xba: {  	[sflag:s9] =	ssyncadd.s32 $0xFFFFC000  }
0xbb: {  	[tilespmem:s8], [sflag:$0x1] =	stream.indirect.gather [hbm4b:s4+s11], $0x80, s22, s11, $0xb8;
	[tilespmem:$0x1D000] =	vst v63  }
0xbc: {  	_ =	swait.ge [sflag:s14], $0x4000  }
0xbd: {  	[sflag:s14] =	ssyncset.done $0x0  }
0xbe: {  	[sflag:s14] =	ssyncadd.s32 $0xFFFFC000  }
0xbf: {  	[spmem:s2] =	stream.indirect.scatter.add.f32 [tilespmem:s12], [sflag:$0x3], $0x80, s24, s11, $0xb8;
	[tilespmem:$0x1D000] =	vst v63  }
0xc0: {  	_ =	swait.ge [sflag:s9], $0x4000  }
0xc1: {  	[sflag:s9] =	ssyncset.done $0x0  }
0xc2: {  	[sflag:s9] =	ssyncadd.s32 $0xFFFFC000  }
0xc3: {  	[tilespmem:s12], [sflag:$0x2] =	stream.indirect.gather [hbm4b:s4+s11], $0x80, s25, s11, $0xb8;
	[tilespmem:$0x1D000] =	vst v63  }
0xc4: {  	_ =	swait.ge [sflag:s13], $0x4000  }
0xc5: {  	[sflag:s13] =	ssyncset.done $0x0  }
0xc6: {  	[sflag:s13] =	ssyncadd.s32 $0xFFFFC000  }
0xc7: {  	[spmem:s2] =	stream.indirect.scatter.add.f32 [tilespmem:s8], [sflag:$0x3], $0x80, s26, s11, $0xb8;
	[tilespmem:$0x1D000] =	vst v63  }
0xc8: {  	_ =	swait.ge [sflag:s9], $0x4000  }
0xc9: {  	[sflag:s9] =	ssyncset.done $0x0  }
0xca: {  	[sflag:s9] =	ssyncadd.s32 $0xFFFFC000  }
0xcb: {  	[tilespmem:s8], [sflag:$0x1] =	stream.indirect.gather [hbm4b:s4+s11], $0x80, s28, s11, $0xb8;
	[tilespmem:$0x1D000] =	vst v63  }
0xcc: {  	_ =	swait.ge [sflag:s14], $0x4000  }
0xcd: {  	[sflag:s14] =	ssyncset.done $0x0  }
0xce: {  	[sflag:s14] =	ssyncadd.s32 $0xFFFFC000  }
0xcf: {  	[spmem:s2] =	stream.indirect.scatter.add.f32 [tilespmem:s12], [sflag:$0x3], $0x80, s29, s11, $0xb8;
	[tilespmem:$0x1D000] =	vst v63  }
0xd0: {  	_ =	swait.ge [sflag:s9], $0x4000  }
0xd1: {  	[sflag:s9] =	ssyncset.done $0x0  }
0xd2: {  	[sflag:s9] =	ssyncadd.s32 $0xFFFFC000  }
0xd3: {  	[tilespmem:s12], [sflag:$0x2] =	stream.indirect.gather [hbm4b:s4+s11], $0x80, s30, s11, $0xb8;
	[tilespmem:$0x1D000] =	vst v63  }
0xd4: {  	_ =	swait.ge [sflag:s13], $0x4000  }
0xd5: {  	[sflag:s13] =	ssyncset.done $0x0  }
0xd6: {  	[sflag:s13] =	ssyncadd.s32 $0xFFFFC000  }
0xd7: {  	[spmem:s2] =	stream.indirect.scatter.add.f32 [tilespmem:s8], [sflag:$0x3], $0x80, s31, s11, $0xb8;
	[tilespmem:$0x1D000] =	vst v63  }
0xd8: {  	_ =	swait.ge [sflag:s9], $0x4000  }
0xd9: {  	[sflag:s9] =	ssyncset.done $0x0  }
0xda: {  	[sflag:s9] =	ssyncadd.s32 $0xFFFFC000  }
0xdb: {  	_ =	swait.ge [sflag:s14], $0x4000  }
0xdc: {  	s23 =	rddreg [dreg:$0x14]  }
0xdd: {  	p1 =	sne.s32 s23, $0x1  }
.Ltmp1:
0xde: {  	[sflag:s14] =	ssyncset.done $0x0;
	(pc) =	sbr.rel @!p1 .LBB2_5-.Ltmp1, $4  }
0xdf: {  	[sflag:s14] =	ssyncadd.s32 $0xFFFFC000  }
0xe0: {  	[spmem:s2] =	stream.indirect.scatter.add.f32 [tilespmem:s12], [sflag:$0x3], $0x80, s1, s11, $0xb8;
	[tilespmem:$0x1D000] =	vst v63  }
0xe1: {  	_ =	swait.ge [sflag:s9], $0x4000  }
0xe2: {  	s6 =	sadd.s32 $0xFFFFFFFF, s23;
	s23 =	smov.u32 s7;
	[sflag:s9] =	ssyncset.done $0x0  }
.LBB2_4:
0xe3: {  	[sflag:s9] =	ssyncadd.s32 $0xFFFFC000;
	s23 =	sadd.s32 $0x100, s23  }
0xe4: {  	[tilespmem:s3], [sflag:$0x3] =	stream.linear.gather [hbm4b:s23+s3], $0x800, $0x38;
	[tilespmem:$0x1D000] =	vst v63  }
0xe5: {  	_ =	swait.ge [sflag:s9], $0x800  }
0xe6: {  	[sflag:s9] =	ssyncset.done $0x0  }
0xe7: {  	s19 =	sadd.s32 $0x100, s19;
	[sflag:s9] =	ssyncadd.s32 $0xFFFFF800  }
0xe8: {  	[tilespmem:s10], [sflag:$0x3] =	stream.linear.gather [hbm4b:s19+s3], $0x800, $0x38;
	[tilespmem:$0x1D000] =	vst v63  }
0xe9: {  	_ =	swait.ge [sflag:s9], $0x800  }
0xea: {  	[sflag:s9] =	ssyncset.done $0x0  }
0xeb: {  	[sflag:s9] =	ssyncadd.s32 $0xFFFFF800  }
0xec: {  	[tilespmem:s8], [sflag:$0x1] =	stream.indirect.gather [hbm4b:s4+s11], $0x80, s3, s11, $0xb8;
	[tilespmem:$0x1D000] =	vst v63  }
0xed: {  	_ = 	snop  }
0xee: {  	[tilespmem:s12], [sflag:$0x2] =	stream.indirect.gather [hbm4b:s4+s11], $0x80, s11, s11, $0xb8;
	[tilespmem:$0x1D000] =	vst v63  }
0xef: {  	_ =	swait.ge [sflag:s13], $0x4000  }
0xf0: {  	[sflag:s13] =	ssyncset.done $0x0  }
0xf1: {  	[sflag:s13] =	ssyncadd.s32 $0xFFFFC000  }
0xf2: {  	[spmem:s2] =	stream.indirect.scatter.add.f32 [tilespmem:s8], [sflag:$0x3], $0x80, s10, s11, $0xb8;
	[tilespmem:$0x1D000] =	vst v63  }
0xf3: {  	_ =	swait.ge [sflag:s9], $0x4000  }
0xf4: {  	[sflag:s9] =	ssyncset.done $0x0  }
0xf5: {  	s5 =	rddreg [dreg:$0x4];
	[sflag:s9] =	ssyncadd.s32 $0xFFFFC000  }
0xf6: {  	[tilespmem:s8], [sflag:$0x1] =	stream.indirect.gather [hbm4b:s4+s11], $0x80, s5, s11, $0xb8;
	[tilespmem:$0x1D000] =	vst v63  }
0xf7: {  	_ =	swait.ge [sflag:s14], $0x4000  }
0xf8: {  	[sflag:s14] =	ssyncset.done $0x0  }
0xf9: {  	s5 =	rddreg [dreg:$0x5];
	[sflag:s14] =	ssyncadd.s32 $0xFFFFC000  }
0xfa: {  	[spmem:s2] =	stream.indirect.scatter.add.f32 [tilespmem:s12], [sflag:$0x3], $0x80, s5, s11, $0xb8;
	[tilespmem:$0x1D000] =	vst v63  }
0xfb: {  	_ =	swait.ge [sflag:s9], $0x4000  }
0xfc: {  	[sflag:s9] =	ssyncset.done $0x0  }
0xfd: {  	s5 =	rddreg [dreg:$0x6];
	[sflag:s9] =	ssyncadd.s32 $0xFFFFC000  }
0xfe: {  	[tilespmem:s12], [sflag:$0x2] =	stream.indirect.gather [hbm4b:s4+s11], $0x80, s5, s11, $0xb8;
	[tilespmem:$0x1D000] =	vst v63  }
0xff: {  	_ =	swait.ge [sflag:s13], $0x4000  }
0x100: {  	[sflag:s13] =	ssyncset.done $0x0  }
0x101: {  	s5 =	rddreg [dreg:$0x7];
	[sflag:s13] =	ssyncadd.s32 $0xFFFFC000  }
0x102: {  	[spmem:s2] =	stream.indirect.scatter.add.f32 [tilespmem:s8], [sflag:$0x3], $0x80, s5, s11, $0xb8;
	[tilespmem:$0x1D000] =	vst v63  }
0x103: {  	_ =	swait.ge [sflag:s9], $0x4000  }
0x104: {  	[sflag:s9] =	ssyncset.done $0x0  }
0x105: {  	s5 =	rddreg [dreg:$0x8];
	[sflag:s9] =	ssyncadd.s32 $0xFFFFC000  }
0x106: {  	[tilespmem:s8], [sflag:$0x1] =	stream.indirect.gather [hbm4b:s4+s11], $0x80, s5, s11, $0xb8;
	[tilespmem:$0x1D000] =	vst v63  }
0x107: {  	_ =	swait.ge [sflag:s14], $0x4000  }
0x108: {  	[sflag:s14] =	ssyncset.done $0x0  }
0x109: {  	s5 =	rddreg [dreg:$0x9];
	[sflag:s14] =	ssyncadd.s32 $0xFFFFC000  }
0x10a: {  	[spmem:s2] =	stream.indirect.scatter.add.f32 [tilespmem:s12], [sflag:$0x3], $0x80, s5, s11, $0xb8;
	[tilespmem:$0x1D000] =	vst v63  }
0x10b: {  	_ =	swait.ge [sflag:s9], $0x4000  }
0x10c: {  	[sflag:s9] =	ssyncset.done $0x0  }
0x10d: {  	s5 =	rddreg [dreg:$0xa];
	[sflag:s9] =	ssyncadd.s32 $0xFFFFC000  }
0x10e: {  	[tilespmem:s12], [sflag:$0x2] =	stream.indirect.gather [hbm4b:s4+s11], $0x80, s5, s11, $0xb8;
	[tilespmem:$0x1D000] =	vst v63  }
0x10f: {  	_ =	swait.ge [sflag:s13], $0x4000  }
0x110: {  	[sflag:s13] =	ssyncset.done $0x0  }
0x111: {  	s5 =	rddreg [dreg:$0xb];
	[sflag:s13] =	ssyncadd.s32 $0xFFFFC000  }
0x112: {  	[spmem:s2] =	stream.indirect.scatter.add.f32 [tilespmem:s8], [sflag:$0x3], $0x80, s5, s11, $0xb8;
	[tilespmem:$0x1D000] =	vst v63  }
0x113: {  	_ =	swait.ge [sflag:s9], $0x4000  }
0x114: {  	[sflag:s9] =	ssyncset.done $0x0  }
0x115: {  	s5 =	rddreg [dreg:$0xc];
	[sflag:s9] =	ssyncadd.s32 $0xFFFFC000  }
0x116: {  	[tilespmem:s8], [sflag:$0x1] =	stream.indirect.gather [hbm4b:s4+s11], $0x80, s5, s11, $0xb8;
	[tilespmem:$0x1D000] =	vst v63  }
0x117: {  	_ =	swait.ge [sflag:s14], $0x4000  }
0x118: {  	[sflag:s14] =	ssyncset.done $0x0  }
0x119: {  	s5 =	rddreg [dreg:$0xd];
	[sflag:s14] =	ssyncadd.s32 $0xFFFFC000  }
0x11a: {  	[spmem:s2] =	stream.indirect.scatter.add.f32 [tilespmem:s12], [sflag:$0x3], $0x80, s5, s11, $0xb8;
	[tilespmem:$0x1D000] =	vst v63  }
0x11b: {  	_ =	swait.ge [sflag:s9], $0x4000  }
0x11c: {  	[sflag:s9] =	ssyncset.done $0x0  }
0x11d: {  	s5 =	rddreg [dreg:$0xe];
	[sflag:s9] =	ssyncadd.s32 $0xFFFFC000  }
0x11e: {  	[tilespmem:s12], [sflag:$0x2] =	stream.indirect.gather [hbm4b:s4+s11], $0x80, s5, s11, $0xb8;
	[tilespmem:$0x1D000] =	vst v63  }
0x11f: {  	_ =	swait.ge [sflag:s13], $0x4000  }
0x120: {  	[sflag:s13] =	ssyncset.done $0x0  }
0x121: {  	s5 =	rddreg [dreg:$0xf];
	[sflag:s13] =	ssyncadd.s32 $0xFFFFC000  }
0x122: {  	[spmem:s2] =	stream.indirect.scatter.add.f32 [tilespmem:s8], [sflag:$0x3], $0x80, s5, s11, $0xb8;
	[tilespmem:$0x1D000] =	vst v63  }
0x123: {  	_ =	swait.ge [sflag:s9], $0x4000  }
0x124: {  	[sflag:s9] =	ssyncset.done $0x0  }
0x125: {  	s5 =	rddreg [dreg:$0x10];
	[sflag:s9] =	ssyncadd.s32 $0xFFFFC000  }
0x126: {  	[tilespmem:s8], [sflag:$0x1] =	stream.indirect.gather [hbm4b:s4+s11], $0x80, s5, s11, $0xb8;
	[tilespmem:$0x1D000] =	vst v63  }
0x127: {  	_ =	swait.ge [sflag:s14], $0x4000  }
0x128: {  	[sflag:s14] =	ssyncset.done $0x0  }
0x129: {  	s5 =	rddreg [dreg:$0x11];
	[sflag:s14] =	ssyncadd.s32 $0xFFFFC000  }
0x12a: {  	[spmem:s2] =	stream.indirect.scatter.add.f32 [tilespmem:s12], [sflag:$0x3], $0x80, s5, s11, $0xb8;
	[tilespmem:$0x1D000] =	vst v63  }
0x12b: {  	_ =	swait.ge [sflag:s9], $0x4000  }
0x12c: {  	[sflag:s9] =	ssyncset.done $0x0  }
0x12d: {  	[sflag:s9] =	ssyncadd.s32 $0xFFFFC000  }
0x12e: {  	[tilespmem:s12], [sflag:$0x2] =	stream.indirect.gather [hbm4b:s4+s11], $0x80, s15, s11, $0xb8;
	[tilespmem:$0x1D000] =	vst v63  }
0x12f: {  	_ =	swait.ge [sflag:s13], $0x4000  }
0x130: {  	[sflag:s13] =	ssyncset.done $0x0  }
0x131: {  	[sflag:s13] =	ssyncadd.s32 $0xFFFFC000  }
0x132: {  	[spmem:s2] =	stream.indirect.scatter.add.f32 [tilespmem:s8], [sflag:$0x3], $0x80, s16, s11, $0xb8;
	[tilespmem:$0x1D000] =	vst v63  }
0x133: {  	_ =	swait.ge [sflag:s9], $0x4000  }
0x134: {  	[sflag:s9] =	ssyncset.done $0x0  }
0x135: {  	[sflag:s9] =	ssyncadd.s32 $0xFFFFC000  }
0x136: {  	[tilespmem:s8], [sflag:$0x1] =	stream.indirect.gather [hbm4b:s4+s11], $0x80, s17, s11, $0xb8;
	[tilespmem:$0x1D000] =	vst v63  }
0x137: {  	_ =	swait.ge [sflag:s14], $0x4000  }
0x138: {  	[sflag:s14] =	ssyncset.done $0x0  }
0x139: {  	[sflag:s14] =	ssyncadd.s32 $0xFFFFC000  }
0x13a: {  	[spmem:s2] =	stream.indirect.scatter.add.f32 [tilespmem:s12], [sflag:$0x3], $0x80, s18, s11, $0xb8;
	[tilespmem:$0x1D000] =	vst v63  }
0x13b: {  	_ =	swait.ge [sflag:s9], $0x4000  }
0x13c: {  	[sflag:s9] =	ssyncset.done $0x0  }
0x13d: {  	[sflag:s9] =	ssyncadd.s32 $0xFFFFC000  }
0x13e: {  	[tilespmem:s12], [sflag:$0x2] =	stream.indirect.gather [hbm4b:s4+s11], $0x80, s20, s11, $0xb8;
	[tilespmem:$0x1D000] =	vst v63  }
0x13f: {  	_ =	swait.ge [sflag:s13], $0x4000  }
0x140: {  	[sflag:s13] =	ssyncset.done $0x0  }
0x141: {  	[sflag:s13] =	ssyncadd.s32 $0xFFFFC000  }
0x142: {  	[spmem:s2] =	stream.indirect.scatter.add.f32 [tilespmem:s8], [sflag:$0x3], $0x80, s21, s11, $0xb8;
	[tilespmem:$0x1D000] =	vst v63  }
0x143: {  	_ =	swait.ge [sflag:s9], $0x4000  }
0x144: {  	[sflag:s9] =	ssyncset.done $0x0  }
0x145: {  	[sflag:s9] =	ssyncadd.s32 $0xFFFFC000  }
0x146: {  	[tilespmem:s8], [sflag:$0x1] =	stream.indirect.gather [hbm4b:s4+s11], $0x80, s22, s11, $0xb8;
	[tilespmem:$0x1D000] =	vst v63  }
0x147: {  	_ =	swait.ge [sflag:s14], $0x4000  }
0x148: {  	[sflag:s14] =	ssyncset.done $0x0  }
0x149: {  	[sflag:s14] =	ssyncadd.s32 $0xFFFFC000  }
0x14a: {  	[spmem:s2] =	stream.indirect.scatter.add.f32 [tilespmem:s12], [sflag:$0x3], $0x80, s24, s11, $0xb8;
	[tilespmem:$0x1D000] =	vst v63  }
0x14b: {  	_ =	swait.ge [sflag:s9], $0x4000  }
0x14c: {  	[sflag:s9] =	ssyncset.done $0x0  }
0x14d: {  	[sflag:s9] =	ssyncadd.s32 $0xFFFFC000  }
0x14e: {  	[tilespmem:s12], [sflag:$0x2] =	stream.indirect.gather [hbm4b:s4+s11], $0x80, s25, s11, $0xb8;
	[tilespmem:$0x1D000] =	vst v63  }
0x14f: {  	_ =	swait.ge [sflag:s13], $0x4000  }
0x150: {  	[sflag:s13] =	ssyncset.done $0x0  }
0x151: {  	[sflag:s13] =	ssyncadd.s32 $0xFFFFC000  }
0x152: {  	[spmem:s2] =	stream.indirect.scatter.add.f32 [tilespmem:s8], [sflag:$0x3], $0x80, s26, s11, $0xb8;
	[tilespmem:$0x1D000] =	vst v63  }
0x153: {  	_ =	swait.ge [sflag:s9], $0x4000  }
0x154: {  	[sflag:s9] =	ssyncset.done $0x0  }
0x155: {  	[sflag:s9] =	ssyncadd.s32 $0xFFFFC000  }
0x156: {  	[tilespmem:s8], [sflag:$0x1] =	stream.indirect.gather [hbm4b:s4+s11], $0x80, s28, s11, $0xb8;
	[tilespmem:$0x1D000] =	vst v63  }
0x157: {  	_ =	swait.ge [sflag:s14], $0x4000  }
0x158: {  	[sflag:s14] =	ssyncset.done $0x0  }
0x159: {  	[sflag:s14] =	ssyncadd.s32 $0xFFFFC000  }
0x15a: {  	[spmem:s2] =	stream.indirect.scatter.add.f32 [tilespmem:s12], [sflag:$0x3], $0x80, s29, s11, $0xb8;
	[tilespmem:$0x1D000] =	vst v63  }
0x15b: {  	_ =	swait.ge [sflag:s9], $0x4000  }
0x15c: {  	[sflag:s9] =	ssyncset.done $0x0  }
0x15d: {  	[sflag:s9] =	ssyncadd.s32 $0xFFFFC000  }
0x15e: {  	[tilespmem:s12], [sflag:$0x2] =	stream.indirect.gather [hbm4b:s4+s11], $0x80, s30, s11, $0xb8;
	[tilespmem:$0x1D000] =	vst v63  }
0x15f: {  	_ =	swait.ge [sflag:s13], $0x4000  }
0x160: {  	[sflag:s13] =	ssyncset.done $0x0  }
0x161: {  	[sflag:s13] =	ssyncadd.s32 $0xFFFFC000  }
0x162: {  	[spmem:s2] =	stream.indirect.scatter.add.f32 [tilespmem:s8], [sflag:$0x3], $0x80, s31, s11, $0xb8;
	[tilespmem:$0x1D000] =	vst v63  }
0x163: {  	_ =	swait.ge [sflag:s9], $0x4000  }
0x164: {  	[sflag:s9] =	ssyncset.done $0x0  }
0x165: {  	[sflag:s9] =	ssyncadd.s32 $0xFFFFC000  }
0x166: {  	p1 =	sne.s32 s6, $0x1;
	_ =	swait.ge [sflag:s14], $0x4000  }
.Ltmp2:
0x167: {  	[sflag:s14] =	ssyncset.done $0x0;
	(pc) =	sbr.rel @p1 .LBB2_4-.Ltmp2, $4  }
0x168: {  	[sflag:s14] =	ssyncadd.s32 $0xFFFFC000  }
0x169: {  	[spmem:s2] =	stream.indirect.scatter.add.f32 [tilespmem:s12], [sflag:$0x3], $0x80, s1, s11, $0xb8;
	[tilespmem:$0x1D000] =	vst v63  }
0x16a: {  	_ =	swait.ge [sflag:s9], $0x4000  }
0x16b: {  	s6 =	sadd.s32 $0xFFFFFFFF, s6;
	[sflag:s9] =	ssyncset.done $0x0  }
.LBB2_5:
0x16c: {  	[sflag:s9] =	ssyncadd.s32 $0xFFFFC000  }
0x16d: {  	[bflag:$0x0] =	sbarrier.arrive $0xFFFF  }
0x16e: {  	s6 =	sld [smem:$0x7F8];
	_ =	sdelay $0x1  }
0x16f: {  	s5 =	simm.s32 @p0 $0x1000  }
0x170: {  	[tilespmem:s5], [sflag:$0x3] =	stream.linear.gather @p0 [spmem:s6], $0x4000, $0x38;
	[tilespmem:$0x1D000] =	vst v63  }
0x171: {  	s6 =	simm.s32 @p0 $0x3  }
0x172: {  	_ =	swait.ge @p0 [sflag:s6], $0x4000  }
0x173: {  	[sflag:s6] =	ssyncset.done @p0 $0x0  }
0x174: {  	s19 =	simm.s32 @p0 $0x0;
	s23 =	rddreg [dreg:$0x1e];
	[sflag:s6] =	ssyncadd.s32 @p0 $0xFFFFC000  }
0x175: {  	[hbm4b:s23+s19] =	stream.linear.scatter @p0 [tilespmem:s5], [sflag:$0x3], $0x4000, $0x38;
	[tilespmem:$0x1D000] =	vst v63  }
0x176: {  	_ =	swait.ge @p0 [sflag:s6], $0x4000  }
0x177: {  	s23 =	sld [smem:$0x7F9]  }
0x178: {  	[sflag:s6] =	ssyncset.done @p0 $0x0  }
0x179: {  	[sflag:s6] =	ssyncadd.s32 @p0 $0xFFFFC000  }
0x17a: {  	[tilespmem:s5], [sflag:$0x3] =	stream.linear.gather @p0 [spmem:s23], $0x4000, $0x38;
	[tilespmem:$0x1D000] =	vst v63  }
0x17b: {  	_ =	swait.ge @p0 [sflag:s6], $0x4000  }
0x17c: {  	[sflag:s6] =	ssyncset.done @p0 $0x0  }
0x17d: {  	s23 =	rddreg [dreg:$0x1f];
	[sflag:s6] =	ssyncadd.s32 @p0 $0xFFFFC000  }
0x17e: {  	[hbm4b:s23+s19] =	stream.linear.scatter @p0 [tilespmem:s5], [sflag:$0x3], $0x4000, $0x38;
	[tilespmem:$0x1D000] =	vst v63  }
0x17f: {  	_ =	swait.ge @p0 [sflag:s6], $0x4000  }
0x180: {  	s23 =	sld [smem:$0x7FB]  }
0x181: {  	[sflag:s6] =	ssyncset.done @p0 $0x0  }
0x182: {  	[sflag:s6] =	ssyncadd.s32 @p0 $0xFFFFC000  }
0x183: {  	[tilespmem:s5], [sflag:$0x3] =	stream.linear.gather @p0 [spmem:s23], $0x4000, $0x38;
	[tilespmem:$0x1D000] =	vst v63  }
0x184: {  	_ =	swait.ge @p0 [sflag:s6], $0x4000  }
0x185: {  	s23 =	sld [smem:$0x7F1]  }
0x186: {  	[sflag:s6] =	ssyncset.done @p0 $0x0  }
0x187: {  	[sflag:s6] =	ssyncadd.s32 @p0 $0xFFFFC000  }
0x188: {  	[hbm4b:s23+s19] =	stream.linear.scatter @p0 [tilespmem:s5], [sflag:$0x3], $0x4000, $0x38;
	[tilespmem:$0x1D000] =	vst v63  }
0x189: {  	_ =	swait.ge @p0 [sflag:s6], $0x4000  }
0x18a: {  	s23 =	sld [smem:$0x7FC]  }
0x18b: {  	[sflag:s6] =	ssyncset.done @p0 $0x0  }
0x18c: {  	[sflag:s6] =	ssyncadd.s32 @p0 $0xFFFFC000  }
0x18d: {  	[tilespmem:s5], [sflag:$0x3] =	stream.linear.gather @p0 [spmem:s23], $0x4000, $0x38;
	[tilespmem:$0x1D000] =	vst v63  }
0x18e: {  	_ =	swait.ge @p0 [sflag:s6], $0x4000  }
0x18f: {  	s23 =	sld [smem:$0x7F2]  }
0x190: {  	[sflag:s6] =	ssyncset.done @p0 $0x0  }
0x191: {  	[sflag:s6] =	ssyncadd.s32 @p0 $0xFFFFC000  }
0x192: {  	[hbm4b:s23+s19] =	stream.linear.scatter @p0 [tilespmem:s5], [sflag:$0x3], $0x4000, $0x38;
	[tilespmem:$0x1D000] =	vst v63  }
0x193: {  	_ =	swait.ge @p0 [sflag:s6], $0x4000  }
0x194: {  	s23 =	sld [smem:$0x7FD]  }
0x195: {  	[sflag:s6] =	ssyncset.done @p0 $0x0  }
0x196: {  	[sflag:s6] =	ssyncadd.s32 @p0 $0xFFFFC000  }
0x197: {  	[tilespmem:s5], [sflag:$0x3] =	stream.linear.gather @p0 [spmem:s23], $0x400, $0x38;
	[tilespmem:$0x1D000] =	vst v63  }
0x198: {  	_ =	swait.ge @p0 [sflag:s6], $0x400  }
0x199: {  	s23 =	sld [smem:$0x7F3]  }
0x19a: {  	[sflag:s6] =	ssyncset.done @p0 $0x0  }
0x19b: {  	[sflag:s6] =	ssyncadd.s32 @p0 $0xFFFFFC00  }
0x19c: {  	[hbm4b:s23+s19] =	stream.linear.scatter @p0 [tilespmem:s5], [sflag:$0x3], $0x400, $0x38;
	[tilespmem:$0x1D000] =	vst v63  }
0x19d: {  	_ =	swait.ge @p0 [sflag:s6], $0x400  }
0x19e: {  	[sflag:s6] =	ssyncset.done @p0 $0x0  }
0x19f: {  	s5 =	simm.s32 @!p0 $0x1000;
	[sflag:s6] =	ssyncadd.s32 @p0 $0xFFFFFC00;
	s6 =	rddreg [dreg:$0x15]  }
0x1a0: {  	[tilespmem:s5], [sflag:$0x3] =	stream.linear.gather @!p0 [spmem:s6], $0x4000, $0x38;
	[tilespmem:$0x1D000] =	vst v63  }
0x1a1: {  	s6 =	simm.s32 @!p0 $0x3  }
0x1a2: {  	_ =	swait.ge @!p0 [sflag:s6], $0x4000  }
0x1a3: {  	[sflag:s6] =	ssyncset.done @!p0 $0x0  }
0x1a4: {  	s19 =	simm.s32 @!p0 $0x0;
	s23 =	rddreg [dreg:$0x16];
	[sflag:s6] =	ssyncadd.s32 @!p0 $0xFFFFC000  }
0x1a5: {  	[hbm4b:s23+s19] =	stream.linear.scatter @!p0 [tilespmem:s5], [sflag:$0x3], $0x4000, $0x38;
	[tilespmem:$0x1D000] =	vst v63  }
0x1a6: {  	_ =	swait.ge @!p0 [sflag:s6], $0x4000  }
0x1a7: {  	[sflag:s6] =	ssyncset.done @!p0 $0x0  }
0x1a8: {  	s23 =	rddreg [dreg:$0x17];
	[sflag:s6] =	ssyncadd.s32 @!p0 $0xFFFFC000  }
0x1a9: {  	[tilespmem:s5], [sflag:$0x3] =	stream.linear.gather @!p0 [spmem:s23], $0x4000, $0x38;
	[tilespmem:$0x1D000] =	vst v63  }
0x1aa: {  	_ =	swait.ge @!p0 [sflag:s6], $0x4000  }
0x1ab: {  	[sflag:s6] =	ssyncset.done @!p0 $0x0  }
0x1ac: {  	s23 =	rddreg [dreg:$0x18];
	[sflag:s6] =	ssyncadd.s32 @!p0 $0xFFFFC000  }
0x1ad: {  	[hbm4b:s23+s19] =	stream.linear.scatter @!p0 [tilespmem:s5], [sflag:$0x3], $0x4000, $0x38;
	[tilespmem:$0x1D000] =	vst v63  }
0x1ae: {  	_ =	swait.ge @!p0 [sflag:s6], $0x4000  }
0x1af: {  	[sflag:s6] =	ssyncset.done @!p0 $0x0  }
0x1b0: {  	s23 =	rddreg [dreg:$0x19];
	[sflag:s6] =	ssyncadd.s32 @!p0 $0xFFFFC000  }
0x1b1: {  	[tilespmem:s5], [sflag:$0x3] =	stream.linear.gather @!p0 [spmem:s23], $0x4000, $0x38;
	[tilespmem:$0x1D000] =	vst v63  }
0x1b2: {  	_ =	swait.ge @!p0 [sflag:s6], $0x4000  }
0x1b3: {  	[sflag:s6] =	ssyncset.done @!p0 $0x0  }
0x1b4: {  	s23 =	rddreg [dreg:$0x1a];
	[sflag:s6] =	ssyncadd.s32 @!p0 $0xFFFFC000  }
0x1b5: {  	[hbm4b:s23+s19] =	stream.linear.scatter @!p0 [tilespmem:s5], [sflag:$0x3], $0x4000, $0x38;
	[tilespmem:$0x1D000] =	vst v63  }
0x1b6: {  	_ =	swait.ge @!p0 [sflag:s6], $0x4000  }
0x1b7: {  	[sflag:s6] =	ssyncset.done @!p0 $0x0  }
0x1b8: {  	s23 =	rddreg [dreg:$0x1b];
	[sflag:s6] =	ssyncadd.s32 @!p0 $0xFFFFC000  }
0x1b9: {  	[tilespmem:s5], [sflag:$0x3] =	stream.linear.gather @!p0 [spmem:s23], $0x4000, $0x38;
	[tilespmem:$0x1D000] =	vst v63  }
0x1ba: {  	_ =	swait.ge @!p0 [sflag:s6], $0x4000  }
0x1bb: {  	[sflag:s6] =	ssyncset.done @!p0 $0x0  }
0x1bc: {  	s23 =	rddreg [dreg:$0x1c];
	[sflag:s6] =	ssyncadd.s32 @!p0 $0xFFFFC000  }
0x1bd: {  	[hbm4b:s23+s19] =	stream.linear.scatter @!p0 [tilespmem:s5], [sflag:$0x3], $0x4000, $0x38;
	[tilespmem:$0x1D000] =	vst v63  }
0x1be: {  	_ =	swait.ge @!p0 [sflag:s6], $0x4000  }
0x1bf: {  	s23 =	sld [smem:$0x7F7]  }
0x1c0: {  	[sflag:s6] =	ssyncset.done @!p0 $0x0  }
0x1c1: {  	[sflag:s6] =	ssyncadd.s32 @!p0 $0xFFFFC000  }
0x1c2: {  	[tilespmem:s5], [sflag:$0x3] =	stream.linear.gather @!p0 [spmem:s23], $0x3C00, $0x38;
	[tilespmem:$0x1D000] =	vst v63  }
0x1c3: {  	_ =	swait.ge @!p0 [sflag:s6], $0x3C00  }
0x1c4: {  	[sflag:s6] =	ssyncset.done @!p0 $0x0  }
0x1c5: {  	s23 =	rddreg [dreg:$0x1d];
	[sflag:s6] =	ssyncadd.s32 @!p0 $0xFFFFC400  }
0x1c6: {  	[hbm4b:s23+s19] =	stream.linear.scatter @!p0 [tilespmem:s5], [sflag:$0x3], $0x3C00, $0x38;
	[tilespmem:$0x1D000] =	vst v63  }
0x1c7: {  	_ =	swait.ge @!p0 [sflag:s6], $0x3C00  }
0x1c8: {  	s23 =	sld [smem:$0x7FA];
	_ =	sdelay $0x1  }
0x1c9: {  	s0 =	sadd.s32 $0x1, s0  }
0x1ca: {  	p1 =	sne.s32 s0, s23  }
.Ltmp3:
0x1cb: {  	_ = 	snop;
	(pc) =	sbr.rel @p1 .LBB2_1-.Ltmp3, $3  }
0x1cc: {  	_ =	sdelay $0x1  }
0x1cd: {  	[sflag:s6] =	ssyncset.done @!p0 $0x0  }
0x1ce: {  	[sflag:s6] =	ssyncadd.s32 @!p0 $0xFFFFC400  }
0x1cf: {  	_ =	sfence.sel $0x180000  }
0x1d0: {  	[bflag:$0x0] =	sbarrier.arrive $0xFFFF  }
0x1d1: {  	_ =	strace $0x9000004A  }
0x1d2: {  	s0 =	stileid.u32;
	[bflag:$0x2] =	sbarrier.arrive $0xFFFF  }
0x1d3: {  	p0 =	sne.s32 s0, $0x0;
	s0 =	rddreg [dreg:$0x3]  }
0x1d4: {  	s0 =	sadd.s32 @!p0 $0x100000, s0  }
0x1d5: {  	[sflag:s0] =	ssyncadd.tile.s32 @!p0 $0x1;
	_ =	shalt  }
.Lfunc_end2:
_tile_overlayer_lowered:
.L_overlay_start_2:
0x1d6: {  	(tag) =	ssettag $0x2  }
0x1d7: {  	s0 =	rddreg [dreg:$0x0];
	s2 =	stileid.u32  }
0x1d8: {  	s1 =	rddreg [dreg:$0x1];
	p0 =	sne.s32 s2, $0x0  }
0x1d9: {  	s3 =	rddreg [dreg:$0x2];
	[bflag:$0x3] =	sbarrier.arrive $0xFFFF;
	s2 =	simm.s32 @!p0 $0x1C03  }
0x1da: {  	[timem:s3], [sflag:s2] =	dma.local @!p0 [hbm:s0], s1  }
0x1db: {  	s0 =	simm.s32 @!p0 $0x3  }
0x1dc: {  	_ =	swait.ge @!p0 [sflag:s0], s1  }
0x1dd: {  	s1 =	ssub.s32 @!p0 $0x0, s1;
	[sflag:s0] =	ssyncset.done @!p0 $0x0  }
0x1de: {  	[sflag:s0] =	ssyncadd.s32 @!p0 s1  }
0x1df: {  	[bflag:$0x3] =	sbarrier.arrive $0xFFFF  }
0x1e0: {  	_ =	shalt  }

// kernel: kernel.16.cloned.1.call-start
scs
__scs_entry_jumppad:
0x0: {  	(pc) =	sbr.rel $0x88, $3  }
0x1: {  	(tag) =	ssettag $0x0;
	lr =	simm.s32 $0x1  }
0x2: {  	[smem:$0x3F99] =	sst lr;
	_ =	strace $0xD0000000  }
0x3: {  	_ = 	snop  }
0x4: {  	_ = 	snop  }
0x5: {  	_ = 	snop  }
0x6: {  	_ = 	snop  }
0x7: {  	_ = 	snop  }
__scs_overlays_trampoline_lowered:
0x8: {  	[smem:$0x3FA8] =	sst s0  }
0x9: {  	[smem:$0x3FA9] =	sst s1  }
0xa: {  	[smem:$0x3FAA] =	sst s2  }
0xb: {  	[smem:$0x3FAB] =	sst s3  }
0xc: {  	[smem:$0x3FAC] =	sst s4  }
0xd: {  	[smem:$0x3FAD] =	sst s5  }
0xe: {  	[smem:$0x3FAE] =	sst s6  }
0xf: {  	[smem:$0x3FAF] =	sst s7  }
0x10: {  	[smem:$0x3FB0] =	sst s8  }
0x11: {  	[smem:$0x3FB1] =	sst s9;
	s0 =	simm.s32 @!p0 $0x0  }
0x12: {  	s1 =	sld [smem:$0x3F97];
	s0 =	simm.s32 @p0 $0x1  }
0x13: {  	[smem:$0x3FB2] =	sst s0;
	s0 =	simm.s32 @!p1 $0x0  }
0x14: {  	s2 =	sld [smem:$0x3F96];
	s0 =	simm.s32 @p1 $0x1  }
0x15: {  	[smem:$0x3FB3] =	sst s0;
	s0 =	simm.s32 @!p2 $0x0  }
0x16: {  	s3 =	sld [smem:$0x3FDB];
	s0 =	simm.s32 @p2 $0x1  }
0x17: {  	s4 =	simm.s32 $0x1BF5;
	[smem:$0x3FB5] =	sst s0  }
0x18: {  	s0 =	sld [smem:$0x3F98];
	_ =	swait.ge [sflag:s4], $0x0  }
0x19: {  	s7 =	sld [smem:$0x3F99]  }
0x1a: {  	s8 =	sadd.s32 $0xFFFFE003, lr  }
0x1b: {  	s9 =	sadd.s32 $0xFFFFFEF7, lr;
	s5 =	simm.s32 $0xFFFFFFFF;
	p2 =	slt.u32 s8, $0xFFFFF086  }
0x1c: {  	p1 =	slt.u32 s9, $0xF7A;
	s5 =	simm.s32 @!p2 $0x0  }
0x1d: {  	s5 =	simm.s32 @p1 $0x1;
	p0 =	seq.s32 s7, s2  }
0x1e: {  	s7 =	smul.u32 @!p0 $0xF7A, s2;
	p2 =	seq.s32 @!p0 s5, $0x0  }
0x1f: {  	s9 =	smul.u32 $0xF7A, s1;
	s8 =	simm.s32 @!p0 $0x1BF5;
	p2 =	por !p2, p0  }
0x20: {  	[sflag:s8] =	ssyncset.s32 @!p0 $0xFFFFF086;
	s6 =	sadd.s32 @!p0 s3, s7;
	s7 =	simm.s32 @!p0 $0x108  }
0x21: {  	s3 =	sadd.s32 s3, s9;
	s6 =	sadd.s32 @!p0 $0x88, s6;
	s7 =	simm.s32 @p2 $0x1082  }
0x22: {  	[simem:s7], [sflag:s8] =	dma.local @!p0 [hbm:s6], $0xF7A  }
0x23: {  	s9 =	sor.u32 $0xD0000000, s2;
	s6 =	simm.s32 $0x108;
	_ =	swait.ge @!p0 [sflag:s8], $0x0  }
0x24: {  	s3 =	sadd.s32 $0x88, s3;
	s6 =	simm.s32 @!p1 $0x1082;
	[sflag:s4] =	ssyncset.s32 $0xFFFFF086  }
0x25: {  	[simem:s6], [sflag:s4] =	dma.local [hbm:s3], $0xF7A  }
0x26: {  	[smem:$0x3F99] =	sst s1;
	(tag) =	ssettag s2;
	_ =	strace s9  }
0x27: {  	s1 =	sld [smem:$0x3FA9]  }
0x28: {  	s2 =	sld [smem:$0x3FAA]  }
0x29: {  	s4 =	sld [smem:$0x3FAC]  }
0x2a: {  	p0 =	seq.s32 s5, $0x0;
	s5 =	sld [smem:$0x3FAD]  }
0x2b: {  	s6 =	sld [smem:$0x3FAE]  }
0x2c: {  	s7 =	sld [smem:$0x3FAF]  }
0x2d: {  	s3 =	simm.s32 $0x108;
	s8 =	sld [smem:$0x3FB0]  }
0x2e: {  	s3 =	simm.s32 @!p0 $0x1082;
	s9 =	sld [smem:$0x3FB1]  }
0x2f: {  	lr =	sadd.s32 s0, s3;
	s0 =	sld [smem:$0x3FA8]  }
0x30: {  	s3 =	sld [smem:$0x3FAB]  }
0x31: {  	[smem:$0x3FB4] =	sst s10  }
0x32: {  	s10 =	sld [smem:$0x3FB2];
	_ =	sdelay $0x3  }
0x33: {  	p0 =	seq.s32 s10, $0x1;
	s10 =	sld [smem:$0x3FB4];
	_ =	sdelay $0x3  }
0x34: {  	[smem:$0x3FB4] =	sst s10  }
0x35: {  	s10 =	sld [smem:$0x3FB3];
	_ =	sdelay $0x3  }
0x36: {  	p1 =	seq.s32 s10, $0x1;
	s10 =	sld [smem:$0x3FB4];
	_ =	sdelay $0x3  }
0x37: {  	[smem:$0x3FB4] =	sst s10  }
0x38: {  	s10 =	sld [smem:$0x3FB5]  }
0x39: {  	_ = 	snop;
	(pc) =	sbr.ind lr, $3  }
0x3a: {  	_ = 	snop  }
0x3b: {  	_ = 	snop  }
0x3c: {  	p2 =	seq.s32 s10, $0x1;
	s10 =	sld [smem:$0x3FB4]  }
0x3d: {  	_ =	shalt  }
0x3e: {  	_ =	shalt  }
0x3f: {  	_ =	shalt  }
0x40: {  	_ =	shalt  }
0x41: {  	_ =	shalt  }
0x42: {  	_ =	shalt  }
0x43: {  	_ =	shalt  }
0x44: {  	_ =	shalt  }
0x45: {  	_ =	shalt  }
0x46: {  	_ =	shalt  }
0x47: {  	_ =	shalt  }
0x48: {  	_ =	shalt  }
0x49: {  	_ =	shalt  }
0x4a: {  	_ =	shalt  }
0x4b: {  	_ =	shalt  }
0x4c: {  	_ =	shalt  }
0x4d: {  	_ =	shalt  }
0x4e: {  	_ =	shalt  }
0x4f: {  	_ =	shalt  }
0x50: {  	_ =	shalt  }
0x51: {  	_ =	shalt  }
0x52: {  	_ =	shalt  }
0x53: {  	_ =	shalt  }
0x54: {  	_ =	shalt  }
0x55: {  	_ =	shalt  }
0x56: {  	_ =	shalt  }
0x57: {  	_ =	shalt  }
0x58: {  	_ =	shalt  }
0x59: {  	_ =	shalt  }
0x5a: {  	_ =	shalt  }
0x5b: {  	_ =	shalt  }
0x5c: {  	_ =	shalt  }
0x5d: {  	_ =	shalt  }
0x5e: {  	_ =	shalt  }
0x5f: {  	_ =	shalt  }
0x60: {  	_ =	shalt  }
0x61: {  	_ =	shalt  }
0x62: {  	_ =	shalt  }
0x63: {  	_ =	shalt  }
0x64: {  	_ =	shalt  }
0x65: {  	_ =	shalt  }
0x66: {  	_ =	shalt  }
0x67: {  	_ =	shalt  }
0x68: {  	_ =	shalt  }
0x69: {  	_ =	shalt  }
0x6a: {  	_ =	shalt  }
0x6b: {  	_ =	shalt  }
0x6c: {  	_ =	shalt  }
0x6d: {  	_ =	shalt  }
0x6e: {  	_ =	shalt  }
0x6f: {  	_ =	shalt  }
0x70: {  	_ =	shalt  }
0x71: {  	_ =	shalt  }
0x72: {  	_ =	shalt  }
0x73: {  	_ =	shalt  }
0x74: {  	_ =	shalt  }
0x75: {  	_ =	shalt  }
0x76: {  	_ =	shalt  }
0x77: {  	_ =	shalt  }
0x78: {  	_ =	shalt  }
0x79: {  	_ =	shalt  }
0x7a: {  	_ =	shalt  }
0x7b: {  	_ =	shalt  }
0x7c: {  	_ =	shalt  }
0x7d: {  	_ =	shalt  }
0x7e: {  	_ =	shalt  }
0x7f: {  	_ =	shalt  }
0x80: {  	_ =	shalt  }
0x81: {  	_ =	shalt  }
0x82: {  	_ =	shalt  }
0x83: {  	_ =	shalt  }
0x84: {  	_ =	shalt  }
0x85: {  	_ =	shalt  }
0x86: {  	_ =	shalt  }
0x87: {  	_ =	shalt  }
.Lfunc_end0:
.L_simem_size_0:
called_computation.2_lowered:
.L_overlay_start_0:
0x88: {  	s2 =	sld [smem:$0x3FD9]  }
0x89: {  	s3 =	sld [smem:$0x3FFE];
	_ =	sdelay $0x1  }
0x8a: {  	s1 =	srdreg.scid  }
0x8b: {  	s0 =	sand.u32 $0x1, s1  }
0x8c: {  	s17 =	sshll.u32 s0, $0xA;
	s2 =	sadd.s32 s3, s2  }
0x8d: {  	s2 =	sadd.s32 s2, s17  }
0x8e: {  	[smem:$0x3FC0] =	sst s2  }
0x8f: {  	_ = 	snop  }
0x90: {  	s2 =	sld [smem:$0x3FD0];
	(tm) =	ssettm $0x1  }
0x91: {  	s18 =	sld [smem:$0x3FFB];
	_ =	sdelay $0x3  }
0x92: {  	_ =	strace s18  }
0x93: {  	s3 =	sld [smem:$0x3FFC];
	_ =	sdelay $0x3  }
0x94: {  	_ =	strace s3  }
0x95: {  	s3 =	sld [smem:$0x3FFD];
	_ =	sdelay $0x3  }
0x96: {  	_ =	strace s3  }
0x97: {  	_ =	strace $0x8FFFFFFF  }
0x98: {  	s19 =	sld [smem:$0x3FDB];
	_ =	sdelay $0x1  }
0x99: {  	s4 =	simm.s32 $_scs_section_size  }
0x9a: {  	s5 =	simm.s32 $_size__tile_overlayer_lowered;
	s6 =	simm.s32 $_tile_overlayer_lowered  }
0x9b: {  	s22 =	simm.s32 $0x1BFF;
	s21 =	sshll.u32 s6, $0x1;
	s3 =	sadd.s32 s4, s19  }
0x9c: {  	s7 =	simm.s32 $0x0;
	s20 =	sshll.u32 s5, $0x1;
	s5 =	sadd.s32 s21, s3  }
0x9d: {  	[timem:s7], [sflag:s22] =	dma.local [hbm:s5], s20  }
0x9e: {  	_ =	swait.ge [sflag:s22], s20  }
0x9f: {  	s4 =	ssub.s32 $0x0, s20;
	[sflag:s22] =	ssyncset.done $0x0  }
0xa0: {  	[sflag:s22] =	ssyncadd.s32 s4;
	_ =	sdelay $0x1  }
0xa1: {  	s23 =	simm.s32 $0x1B8B  }
0xa2: {  	_ =	swait.ge [sflag:s23], $0x1  }
0xa3: {  	[sflag:s23] =	ssyncset.done $0x0  }
0xa4: {  	s25 =	simm.s32 $0x1B8E;
	s24 =	sld [smem:$0x3FFE];
	[sflag:s23] =	ssyncadd.s32 $0xFFFFFFFF  }
0xa5: {  	s26 =	simm.s32 $execute0_lowered;
	[smem:$0x3FD2] =	sst s25  }
0xa6: {  	s5 =	sshll.u32 s26, $0x1;
	_ =	strace $0x8000004C;
	[dreg:$0x1] =	wrdreg $0xFFFFFFFF  }
0xa7: {  	s28 =	simm.s32 $_size_execute0_lowered;
	s3 =	sadd.s32 s3, s5;
	[dreg:$0x0] =	wrdreg $0x0  }
0xa8: {  	s5 =	sshll.u32 s28, $0x1;
	[dreg:$0x2] =	wrdreg s3  }
0xa9: {  	[dreg:$0x3] =	wrdreg s5  }
0xaa: {  	[dreg:$0x4] =	wrdreg $0xC0  }
0xab: {  	_ =	task [dreg:s7], $0x5FFFF  }
0xac: {  	[dreg:$0x1] =	wrdreg $0xFFFFFFFF  }
0xad: {  	[dreg:$0x0] =	wrdreg $0x60  }
0xae: {  	[dreg:$0x2] =	wrdreg s24  }
0xaf: {  	[dreg:$0x3] =	wrdreg s2  }
0xb0: {  	[dreg:$0x4] =	wrdreg $0x90000  }
0xb1: {  	[dreg:$0x5] =	wrdreg $0x9  }
0xb2: {  	_ =	task.clear_ibuf [dreg:s7], $0x6FFFF;
	_ =	strace $0x9000004C  }
0xb3: {  	s29 =	simm.s32 $0x9;
	_ =	strace $0x8000004E  }
0xb4: {  	_ =	swait.ge [sflag:s29], $0x1  }
0xb5: {  	[sflag:s29] =	ssyncadd.s32 $0xFFFFFFFF  }
0xb6: {  	_ =	strace $0x9000004E  }
0xb7: {  	_ =	sfence  }
0xb8: {  	s30 =	sld [smem:$0x0];
	_ =	sdelay $0x2  }
0xb9: {  	s31 =	sshll.u32 s1, $0xD;
	s1 =	sshrl.u32 s1, $0x2  }
0xba: {  	s3 =	sand.u32 $0x4000, s31;
	s1 =	sadd.s32 s1, s30  }
0xbb: {  	s0 =	sor.u32 s3, s0;
	s1 =	sshll.u32 s1, $0x11  }
0xbc: {  	s0 =	sor.u32 s1, s0  }
0xbd: {  	s0 =	sadd.s32 $0x8F2B, s0  }
0xbe: {  	[sflag:s0] =	ssyncadd.remote.s32 $0x1  }
0xbf: {  	_ =	sfence.sel $0xFFFF  }
0xc0: {  	[dreg:$0x0] =	wrdreg $0xFFFFFFFF;
	(pc) =	sbr.abs _section_cstart, $3  }
0xc1: {  	[dreg:$0x1] =	wrdreg $0xFFFFFFFF  }
0xc2: {  	_ =	task.clear_ibuf [dreg:s7], $0x2FFFF;
	_ =	strace $0x9FFFFFFF  }
0xc3: {  	(tm) =	ssettm $0x7FFFFFFF  }
tec
execute0_lowered:
.L_overlay_start_1:
0x0: {  	(tag) =	ssettag $0x1  }
0x1: {  	s6 =	rddreg [dreg:$0x0];
	s13 =	stileid.u32  }
0x2: {  	s1 =	srdreg.scid;
	s0 =	rddreg [dreg:$0x1]  }
0x3: {  	s2 =	rddreg [dreg:$0x2];
	s3 =	smul.u32 $0x30, s13  }
0x4: {  	s24 =	simm.s32 $0x100;
	s7 =	sand.u32 $0x1, s1;
	s1 =	smul.u32 $0x70, s13  }
0x5: {  	s26 =	simm.s32 $0x880;
	s28 =	simm.s32 $0x700;
	s8 =	smul.u32 $0x50000, s13  }
0x6: {  	s9 =	sadd.s32 $0x34400, s6;
	s10 =	smul.u32 $0x4F000, s13;
	p0 =	seq.s32 s7, $0x0  }
0x7: {  	s12 =	ssub.s32 $0x2, s7;
	s7 =	smul.u32 $0x138800, s7;
	s4 =	sadd.s32 $0x700, s3  }
0x8: {  	s3 =	simm.s32 $0x0;
	s8 =	sshrl.u32 s8, $0x2;
	s10 =	sshrl.u32 s10, $0x2  }
0x9: {  	s11 =	sshrl.u32 s12, $0x1;
	[smem:$0x7FF] =	sst s3;
	s10 =	sadd.s32 s10, s2  }
0xa: {  	s4 =	smov.u32 @p0 s1;
	_ =	strace $0x8000004D;
	[dreg:$0x15] =	wrdreg s10  }
0xb: {  	s14 =	sadd.s32 s8, s2;
	s8 =	smul.u32 $0x13C00, s13;
	[dreg:$0x4] =	wrdreg s24  }
0xc: {  	s5 =	sshll.u32 s4, $0x4;
	s4 =	sadd.s32 $0xD200, s6;
	[dreg:$0x5] =	wrdreg s26  }
0xd: {  	s15 =	sadd.s32 $0x4000, s14;
	[dreg:$0x12] =	wrdreg s14;
	s1 =	sadd.s32 s5, s6  }
0xe: {  	s6 =	ssub.s32 s12, s11;
	[dreg:$0x13] =	wrdreg s15;
	s15 =	simm.s32 $0x900  }
0xf: {  	s11 =	simm.s32 $0x7;
	s0 =	sadd.s32 s5, s0;
	[dreg:$0x7] =	wrdreg s15  }
0x10: {  	s12 =	sadd.s32 $0x8000, s8;
	s11 =	simm.s32 @!p0 $0x3;
	[smem:$0x7F0] =	sst s0  }
0x11: {  	s23 =	sadd.s32 $0xC000, s8;
	s21 =	sadd.s32 s12, s2;
	[dreg:$0x14] =	wrdreg s11  }
0x12: {  	s16 =	sadd.s32 s8, s7;
	s25 =	sadd.s32 s23, s2;
	[dreg:$0x19] =	wrdreg s21  }
0x13: {  	s20 =	sadd.s32 s7, s12;
	s12 =	simm.s32 $0x180;
	[dreg:$0x1b] =	wrdreg s25  }
0x14: {  	s17 =	sshrl.u32 s16, $0x3;
	s16 =	simm.s32 $0x200;
	[dreg:$0x6] =	wrdreg s12  }
0x15: {  	s18 =	sadd.s32 $0x4000, s8;
	s10 =	sadd.s32 s9, s17;
	[dreg:$0x8] =	wrdreg s16  }
0x16: {  	s29 =	simm.s32 $0xE80;
	s11 =	sadd.s32 s18, s2;
	[dreg:$0x16] =	wrdreg s10  }
0x17: {  	s30 =	simm.s32 $0x780;
	s17 =	simm.s32 $0x980;
	[dreg:$0x17] =	wrdreg s11  }
0x18: {  	s22 =	sshrl.u32 s20, $0x3;
	s20 =	simm.s32 $0xA00;
	[dreg:$0x9] =	wrdreg s17  }
0x19: {  	s8 =	sadd.s32 $0x10000, s8;
	s21 =	simm.s32 $0x300;
	[dreg:$0xb] =	wrdreg s20  }
0x1a: {  	s19 =	sadd.s32 s7, s18;
	s25 =	simm.s32 $0xB00;
	[dreg:$0xc] =	wrdreg s21  }
0x1b: {  	s10 =	sshrl.u32 s19, $0x3;
	s19 =	simm.s32 $0x280;
	[dreg:$0xf] =	wrdreg s25  }
0x1c: {  	s18 =	sadd.s32 s7, s8;
	s17 =	sadd.s32 $0x8000, s14;
	[dreg:$0xa] =	wrdreg s19  }
0x1d: {  	s11 =	sshrl.u32 s18, $0x3;
	s18 =	sadd.s32 $0xC000, s14;
	[smem:$0x7F4] =	sst s17  }
0x1e: {  	s31 =	simm.s32 $0xF00;
	s20 =	sadd.s32 s8, s2;
	[smem:$0x7F5] =	sst s18  }
0x1f: {  	p0 =	seq.s32 s13, $0xF;
	s21 =	sadd.s32 $0x128400, s2;
	[smem:$0x7F7] =	sst s20  }
0x20: {  	s13 =	simm.s32 $0x1;
	s25 =	sadd.s32 $0x134400, s2;
	[smem:$0x7F8] =	sst s21  }
0x21: {  	s0 =	simm.s32 $0x0;
	s10 =	sadd.s32 s9, s10;
	[smem:$0x7FC] =	sst s25  }
0x22: {  	s8 =	simm.s32 $0x1000;
	s11 =	sadd.s32 s9, s11;
	[dreg:$0x18] =	wrdreg s10  }
0x23: {  	s19 =	sadd.s32 $0x10000, s14;
	s14 =	simm.s32 $0x2;
	[dreg:$0x1d] =	wrdreg s11  }
0x24: {  	s17 =	simm.s32 $0x500;
	s10 =	sadd.s32 s9, s22;
	[smem:$0x7F6] =	sst s19  }
0x25: {  	s18 =	simm.s32 $0xC80;
	s22 =	simm.s32 $0xA80;
	[dreg:$0x1a] =	wrdreg s10  }
0x26: {  	s20 =	simm.s32 $0x580;
	s11 =	simm.s32 $0xB80;
	[dreg:$0xd] =	wrdreg s22  }
0x27: {  	s10 =	sadd.s32 s7, s23;
	s23 =	simm.s32 $0x380;
	[dreg:$0x11] =	wrdreg s11  }
0x28: {  	s7 =	sshrl.u32 s7, $0x3;
	s22 =	sadd.s32 $0x12C400, s2;
	[dreg:$0xe] =	wrdreg s23  }
0x29: {  	s10 =	sshrl.u32 s10, $0x3;
	[smem:$0x7F9] =	sst s22;
	s23 =	smax.u32 s6, $0x1  }
0x2a: {  	s7 =	sadd.s32 s9, s7;
	s10 =	sadd.s32 s9, s10;
	[smem:$0x7FA] =	sst s23  }
0x2b: {  	s21 =	simm.s32 $0xD00;
	s24 =	sadd.s32 $0x25080, s7;
	[dreg:$0x1c] =	wrdreg s10  }
0x2c: {  	s25 =	simm.s32 $0x680;
	s26 =	sadd.s32 $0x25880, s7;
	[dreg:$0x1e] =	wrdreg s24  }
0x2d: {  	s11 =	simm.s32 $0x80;
	s12 =	sadd.s32 $0x26080, s7;
	[dreg:$0x1f] =	wrdreg s26  }
0x2e: {  	s22 =	simm.s32 $0x600;
	s15 =	sadd.s32 $0x26880, s7;
	[smem:$0x7F1] =	sst s12  }
0x2f: {  	s16 =	sadd.s32 $0x27080, s7;
	s7 =	sadd.s32 $0x3200, s1;
	[smem:$0x7F2] =	sst s15  }
0x30: {  	s9 =	simm.s32 $0x3;
	s10 =	simm.s32 $0x400;
	[smem:$0x7F3] =	sst s16  }
0x31: {  	s1 =	simm.s32 $0xF80;
	s24 =	sadd.s32 $0x130400, s2;
	[dreg:$0x10] =	wrdreg s10  }
0x32: {  	s26 =	sadd.s32 $0x138400, s2;
	s12 =	simm.s32 $0x5000;
	[smem:$0x7FB] =	sst s24  }
0x33: {  	s15 =	simm.s32 $0x480;
	s16 =	simm.s32 $0xC00;
	[smem:$0x7FD] =	sst s26  }
0x34: {  	v0 =	vimm.f32 $0.0e+00;
	s10 =	simm.s32 $0x800;
	s24 =	simm.s32 $0xD80;
	s26 =	simm.s32 $0xE00  }
.LBB2_1:
0x35: {  	s6 =	sand.u32 $0xFE00, s3  }
0x36: {  	s19 =	sand.u32 $0x70, s3;
	s23 =	sshrl.u32 s6, $0x2  }
0x37: {  	s6 =	simm.s32 $0x40;
	s23 =	sor.u32 s19, s23;
	s19 =	simm.s32 $0x0  }
.LBB2_2:
0x38: {  	p1 =	sne.s32 s6, $0xFFC0  }
0x39: {  	[tilespmem:s23+$0x1000] =	vst v0;
	s19 =	sadd.s32 $0x10, s19;
	s23 =	smov.u32 s6;
	s6 =	sadd.s32 $0x40, s6  }
.Ltmp0:
0x3a: {  	(pc) =	sbr.rel @p1 .LBB2_2-.Ltmp0, $4  }
0x3b: {  	_ = 	snop  }
0x3c: {  	s23 =	sand.u32 $0xFE00, s23  }
0x3d: {  	s5 =	sand.u32 $0x70, s19;
	s23 =	sshrl.u32 s23, $0x2  }
0x3e: {  	s23 =	sor.u32 s5, s23  }
0x3f: {  	[tilespmem:s23+$0x1000] =	vst v0;
	s5 =	rddreg [dreg:$0x12]  }
0x40: {  	[spmem:s5] =	stream.linear.scatter [tilespmem:s8], [sflag:$0x3], $0x4000, $0x38;
	[tilespmem:$0x1D000] =	vst v63  }
0x41: {  	_ =	swait.ge [sflag:s9], $0x4000  }
0x42: {  	[sflag:s9] =	ssyncset.done $0x0  }
0x43: {  	s19 =	rddreg [dreg:$0x13];
	[sflag:s9] =	ssyncadd.s32 $0xFFFFC000  }
0x44: {  	[spmem:s19] =	stream.linear.scatter [tilespmem:s8], [sflag:$0x3], $0x4000, $0x38;
	[tilespmem:$0x1D000] =	vst v63  }
0x45: {  	_ =	swait.ge [sflag:s9], $0x4000  }
0x46: {  	s23 =	sld [smem:$0x7F4]  }
0x47: {  	[sflag:s9] =	ssyncset.done $0x0  }
0x48: {  	[sflag:s9] =	ssyncadd.s32 $0xFFFFC000  }
0x49: {  	[spmem:s23] =	stream.linear.scatter [tilespmem:s8], [sflag:$0x3], $0x4000, $0x38;
	[tilespmem:$0x1D000] =	vst v63  }
0x4a: {  	_ =	swait.ge [sflag:s9], $0x4000  }
0x4b: {  	s6 =	sld [smem:$0x7F5]  }
0x4c: {  	[sflag:s9] =	ssyncset.done $0x0  }
0x4d: {  	[sflag:s9] =	ssyncadd.s32 $0xFFFFC000  }
0x4e: {  	[spmem:s6] =	stream.linear.scatter [tilespmem:s8], [sflag:$0x3], $0x4000, $0x38;
	[tilespmem:$0x1D000] =	vst v63  }
0x4f: {  	_ =	swait.ge [sflag:s9], $0x4000  }
0x50: {  	s19 =	sld [smem:$0x7F6]  }
0x51: {  	[sflag:s9] =	ssyncset.done $0x0  }
0x52: {  	[sflag:s9] =	ssyncadd.s32 $0xFFFFC000  }
0x53: {  	[spmem:s19] =	stream.linear.scatter [tilespmem:s8], [sflag:$0x3], $0x4000, $0x38;
	[tilespmem:$0x1D000] =	vst v63  }
0x54: {  	_ =	swait.ge [sflag:s9], $0x4000  }
0x55: {  	[sflag:s9] =	ssyncset.done $0x0  }
0x56: {  	[sflag:s9] =	ssyncadd.s32 $0xFFFFC000  }
0x57: {  	[bflag:$0x0] =	sbarrier.arrive $0xFFFF  }
0x58: {  	[tilespmem:s3], [sflag:$0x3] =	stream.linear.gather [hbm4b:s7+s3], $0x800, $0x38;
	[tilespmem:$0x1D000] =	vst v63  }
0x59: {  	_ =	swait.ge [sflag:s9], $0x800  }
0x5a: {  	s19 =	sld [smem:$0x7F0]  }
0x5b: {  	[sflag:s9] =	ssyncset.done $0x0  }
0x5c: {  	[sflag:s9] =	ssyncadd.s32 $0xFFFFF800  }
0x5d: {  	[tilespmem:s10], [sflag:$0x3] =	stream.linear.gather [hbm4b:s19+s3], $0x800, $0x38;
	[tilespmem:$0x1D000] =	vst v63  }
0x5e: {  	_ =	swait.ge [sflag:s9], $0x800  }
0x5f: {  	[sflag:s9] =	ssyncset.done $0x0  }
0x60: {  	[sflag:s9] =	ssyncadd.s32 $0xFFFFF800  }
0x61: {  	[tilespmem:s8], [sflag:$0x1] =	stream.indirect.gather [hbm4b:s4+s11], $0x80, s3, s11, $0xb8;
	[tilespmem:$0x1D000] =	vst v63  }
0x62: {  	_ = 	snop  }
0x63: {  	[tilespmem:s12], [sflag:$0x2] =	stream.indirect.gather [hbm4b:s4+s11], $0x80, s11, s11, $0xb8;
	[tilespmem:$0x1D000] =	vst v63  }
0x64: {  	_ =	swait.ge [sflag:s13], $0x4000  }
0x65: {  	[sflag:s13] =	ssyncset.done $0x0  }
0x66: {  	[sflag:s13] =	ssyncadd.s32 $0xFFFFC000  }
0x67: {  	[spmem:s2] =	stream.indirect.scatter.add.f32 [tilespmem:s8], [sflag:$0x3], $0x80, s10, s11, $0xb8;
	[tilespmem:$0x1D000] =	vst v63  }
0x68: {  	_ =	swait.ge [sflag:s9], $0x4000  }
0x69: {  	[sflag:s9] =	ssyncset.done $0x0  }
0x6a: {  	s23 =	rddreg [dreg:$0x4];
	[sflag:s9] =	ssyncadd.s32 $0xFFFFC000  }
0x6b: {  	[tilespmem:s8], [sflag:$0x1] =	stream.indirect.gather [hbm4b:s4+s11], $0x80, s23, s11, $0xb8;
	[tilespmem:$0x1D000] =	vst v63  }
0x6c: {  	_ =	swait.ge [sflag:s14], $0x4000  }
0x6d: {  	[sflag:s14] =	ssyncset.done $0x0  }
0x6e: {  	s6 =	rddreg [dreg:$0x5];
	[sflag:s14] =	ssyncadd.s32 $0xFFFFC000  }
0x6f: {  	[spmem:s2] =	stream.indirect.scatter.add.f32 [tilespmem:s12], [sflag:$0x3], $0x80, s6, s11, $0xb8;
	[tilespmem:$0x1D000] =	vst v63  }
0x70: {  	_ =	swait.ge [sflag:s9], $0x4000  }
0x71: {  	[sflag:s9] =	ssyncset.done $0x0  }
0x72: {  	s23 =	rddreg [dreg:$0x6];
	[sflag:s9] =	ssyncadd.s32 $0xFFFFC000  }
0x73: {  	[tilespmem:s12], [sflag:$0x2] =	stream.indirect.gather [hbm4b:s4+s11], $0x80, s23, s11, $0xb8;
	[tilespmem:$0x1D000] =	vst v63  }
0x74: {  	_ =	swait.ge [sflag:s13], $0x4000  }
0x75: {  	[sflag:s13] =	ssyncset.done $0x0  }
0x76: {  	s6 =	rddreg [dreg:$0x7];
	[sflag:s13] =	ssyncadd.s32 $0xFFFFC000  }
0x77: {  	[spmem:s2] =	stream.indirect.scatter.add.f32 [tilespmem:s8], [sflag:$0x3], $0x80, s6, s11, $0xb8;
	[tilespmem:$0x1D000] =	vst v63  }
0x78: {  	_ =	swait.ge [sflag:s9], $0x4000  }
0x79: {  	[sflag:s9] =	ssyncset.done $0x0  }
0x7a: {  	s23 =	rddreg [dreg:$0x8];
	[sflag:s9] =	ssyncadd.s32 $0xFFFFC000  }
0x7b: {  	[tilespmem:s8], [sflag:$0x1] =	stream.indirect.gather [hbm4b:s4+s11], $0x80, s23, s11, $0xb8;
	[tilespmem:$0x1D000] =	vst v63  }
0x7c: {  	_ =	swait.ge [sflag:s14], $0x4000  }
0x7d: {  	[sflag:s14] =	ssyncset.done $0x0  }
0x7e: {  	s6 =	rddreg [dreg:$0x9];
	[sflag:s14] =	ssyncadd.s32 $0xFFFFC000  }
0x7f: {  	[spmem:s2] =	stream.indirect.scatter.add.f32 [tilespmem:s12], [sflag:$0x3], $0x80, s6, s11, $0xb8;
	[tilespmem:$0x1D000] =	vst v63  }
0x80: {  	_ =	swait.ge [sflag:s9], $0x4000  }
0x81: {  	[sflag:s9] =	ssyncset.done $0x0  }
0x82: {  	s23 =	rddreg [dreg:$0xa];
	[sflag:s9] =	ssyncadd.s32 $0xFFFFC000  }
0x83: {  	[tilespmem:s12], [sflag:$0x2] =	stream.indirect.gather [hbm4b:s4+s11], $0x80, s23, s11, $0xb8;
	[tilespmem:$0x1D000] =	vst v63  }
0x84: {  	_ =	swait.ge [sflag:s13], $0x4000  }
0x85: {  	[sflag:s13] =	ssyncset.done $0x0  }
0x86: {  	s6 =	rddreg [dreg:$0xb];
	[sflag:s13] =	ssyncadd.s32 $0xFFFFC000  }
0x87: {  	[spmem:s2] =	stream.indirect.scatter.add.f32 [tilespmem:s8], [sflag:$0x3], $0x80, s6, s11, $0xb8;
	[tilespmem:$0x1D000] =	vst v63  }
0x88: {  	_ =	swait.ge [sflag:s9], $0x4000  }
0x89: {  	[sflag:s9] =	ssyncset.done $0x0  }
0x8a: {  	s23 =	rddreg [dreg:$0xc];
	[sflag:s9] =	ssyncadd.s32 $0xFFFFC000  }
0x8b: {  	[tilespmem:s8], [sflag:$0x1] =	stream.indirect.gather [hbm4b:s4+s11], $0x80, s23, s11, $0xb8;
	[tilespmem:$0x1D000] =	vst v63  }
0x8c: {  	_ =	swait.ge [sflag:s14], $0x4000  }
0x8d: {  	[sflag:s14] =	ssyncset.done $0x0  }
0x8e: {  	s6 =	rddreg [dreg:$0xd];
	[sflag:s14] =	ssyncadd.s32 $0xFFFFC000  }
0x8f: {  	[spmem:s2] =	stream.indirect.scatter.add.f32 [tilespmem:s12], [sflag:$0x3], $0x80, s6, s11, $0xb8;
	[tilespmem:$0x1D000] =	vst v63  }
0x90: {  	_ =	swait.ge [sflag:s9], $0x4000  }
0x91: {  	[sflag:s9] =	ssyncset.done $0x0  }
0x92: {  	s23 =	rddreg [dreg:$0xe];
	[sflag:s9] =	ssyncadd.s32 $0xFFFFC000  }
0x93: {  	[tilespmem:s12], [sflag:$0x2] =	stream.indirect.gather [hbm4b:s4+s11], $0x80, s23, s11, $0xb8;
	[tilespmem:$0x1D000] =	vst v63  }
0x94: {  	_ =	swait.ge [sflag:s13], $0x4000  }
0x95: {  	[sflag:s13] =	ssyncset.done $0x0  }
0x96: {  	s6 =	rddreg [dreg:$0xf];
	[sflag:s13] =	ssyncadd.s32 $0xFFFFC000  }
0x97: {  	[spmem:s2] =	stream.indirect.scatter.add.f32 [tilespmem:s8], [sflag:$0x3], $0x80, s6, s11, $0xb8;
	[tilespmem:$0x1D000] =	vst v63  }
0x98: {  	_ =	swait.ge [sflag:s9], $0x4000  }
0x99: {  	[sflag:s9] =	ssyncset.done $0x0  }
0x9a: {  	s23 =	rddreg [dreg:$0x10];
	[sflag:s9] =	ssyncadd.s32 $0xFFFFC000  }
0x9b: {  	[tilespmem:s8], [sflag:$0x1] =	stream.indirect.gather [hbm4b:s4+s11], $0x80, s23, s11, $0xb8;
	[tilespmem:$0x1D000] =	vst v63  }
0x9c: {  	_ =	swait.ge [sflag:s14], $0x4000  }
0x9d: {  	[sflag:s14] =	ssyncset.done $0x0  }
0x9e: {  	s6 =	rddreg [dreg:$0x11];
	[sflag:s14] =	ssyncadd.s32 $0xFFFFC000  }
0x9f: {  	[spmem:s2] =	stream.indirect.scatter.add.f32 [tilespmem:s12], [sflag:$0x3], $0x80, s6, s11, $0xb8;
	[tilespmem:$0x1D000] =	vst v63  }
0xa0: {  	_ =	swait.ge [sflag:s9], $0x4000  }
0xa1: {  	[sflag:s9] =	ssyncset.done $0x0  }
0xa2: {  	[sflag:s9] =	ssyncadd.s32 $0xFFFFC000  }
0xa3: {  	[tilespmem:s12], [sflag:$0x2] =	stream.indirect.gather [hbm4b:s4+s11], $0x80, s15, s11, $0xb8;
	[tilespmem:$0x1D000] =	vst v63  }
0xa4: {  	_ =	swait.ge [sflag:s13], $0x4000  }
0xa5: {  	[sflag:s13] =	ssyncset.done $0x0  }
0xa6: {  	[sflag:s13] =	ssyncadd.s32 $0xFFFFC000  }
0xa7: {  	[spmem:s2] =	stream.indirect.scatter.add.f32 [tilespmem:s8], [sflag:$0x3], $0x80, s16, s11, $0xb8;
	[tilespmem:$0x1D000] =	vst v63  }
0xa8: {  	_ =	swait.ge [sflag:s9], $0x4000  }
0xa9: {  	[sflag:s9] =	ssyncset.done $0x0  }
0xaa: {  	[sflag:s9] =	ssyncadd.s32 $0xFFFFC000  }
0xab: {  	[tilespmem:s8], [sflag:$0x1] =	stream.indirect.gather [hbm4b:s4+s11], $0x80, s17, s11, $0xb8;
	[tilespmem:$0x1D000] =	vst v63  }
0xac: {  	_ =	swait.ge [sflag:s14], $0x4000  }
0xad: {  	[sflag:s14] =	ssyncset.done $0x0  }
0xae: {  	[sflag:s14] =	ssyncadd.s32 $0xFFFFC000  }
0xaf: {  	[spmem:s2] =	stream.indirect.scatter.add.f32 [tilespmem:s12], [sflag:$0x3], $0x80, s18, s11, $0xb8;
	[tilespmem:$0x1D000] =	vst v63  }
0xb0: {  	_ =	swait.ge [sflag:s9], $0x4000  }
0xb1: {  	[sflag:s9] =	ssyncset.done $0x0  }
0xb2: {  	[sflag:s9] =	ssyncadd.s32 $0xFFFFC000  }
0xb3: {  	[tilespmem:s12], [sflag:$0x2] =	stream.indirect.gather [hbm4b:s4+s11], $0x80, s20, s11, $0xb8;
	[tilespmem:$0x1D000] =	vst v63  }
0xb4: {  	_ =	swait.ge [sflag:s13], $0x4000  }
0xb5: {  	[sflag:s13] =	ssyncset.done $0x0  }
0xb6: {  	[sflag:s13] =	ssyncadd.s32 $0xFFFFC000  }
0xb7: {  	[spmem:s2] =	stream.indirect.scatter.add.f32 [tilespmem:s8], [sflag:$0x3], $0x80, s21, s11, $0xb8;
	[tilespmem:$0x1D000] =	vst v63  }
0xb8: {  	_ =	swait.ge [sflag:s9], $0x4000  }
0xb9: {  	[sflag:s9] =	ssyncset.done $0x0  }
0xba: {  	[sflag:s9] =	ssyncadd.s32 $0xFFFFC000  }
0xbb: {  	[tilespmem:s8], [sflag:$0x1] =	stream.indirect.gather [hbm4b:s4+s11], $0x80, s22, s11, $0xb8;
	[tilespmem:$0x1D000] =	vst v63  }
0xbc: {  	_ =	swait.ge [sflag:s14], $0x4000  }
0xbd: {  	[sflag:s14] =	ssyncset.done $0x0  }
0xbe: {  	[sflag:s14] =	ssyncadd.s32 $0xFFFFC000  }
0xbf: {  	[spmem:s2] =	stream.indirect.scatter.add.f32 [tilespmem:s12], [sflag:$0x3], $0x80, s24, s11, $0xb8;
	[tilespmem:$0x1D000] =	vst v63  }
0xc0: {  	_ =	swait.ge [sflag:s9], $0x4000  }
0xc1: {  	[sflag:s9] =	ssyncset.done $0x0  }
0xc2: {  	[sflag:s9] =	ssyncadd.s32 $0xFFFFC000  }
0xc3: {  	[tilespmem:s12], [sflag:$0x2] =	stream.indirect.gather [hbm4b:s4+s11], $0x80, s25, s11, $0xb8;
	[tilespmem:$0x1D000] =	vst v63  }
0xc4: {  	_ =	swait.ge [sflag:s13], $0x4000  }
0xc5: {  	[sflag:s13] =	ssyncset.done $0x0  }
0xc6: {  	[sflag:s13] =	ssyncadd.s32 $0xFFFFC000  }
0xc7: {  	[spmem:s2] =	stream.indirect.scatter.add.f32 [tilespmem:s8], [sflag:$0x3], $0x80, s26, s11, $0xb8;
	[tilespmem:$0x1D000] =	vst v63  }
0xc8: {  	_ =	swait.ge [sflag:s9], $0x4000  }
0xc9: {  	[sflag:s9] =	ssyncset.done $0x0  }
0xca: {  	[sflag:s9] =	ssyncadd.s32 $0xFFFFC000  }
0xcb: {  	[tilespmem:s8], [sflag:$0x1] =	stream.indirect.gather [hbm4b:s4+s11], $0x80, s28, s11, $0xb8;
	[tilespmem:$0x1D000] =	vst v63  }
0xcc: {  	_ =	swait.ge [sflag:s14], $0x4000  }
0xcd: {  	[sflag:s14] =	ssyncset.done $0x0  }
0xce: {  	[sflag:s14] =	ssyncadd.s32 $0xFFFFC000  }
0xcf: {  	[spmem:s2] =	stream.indirect.scatter.add.f32 [tilespmem:s12], [sflag:$0x3], $0x80, s29, s11, $0xb8;
	[tilespmem:$0x1D000] =	vst v63  }
0xd0: {  	_ =	swait.ge [sflag:s9], $0x4000  }
0xd1: {  	[sflag:s9] =	ssyncset.done $0x0  }
0xd2: {  	[sflag:s9] =	ssyncadd.s32 $0xFFFFC000  }
0xd3: {  	[tilespmem:s12], [sflag:$0x2] =	stream.indirect.gather [hbm4b:s4+s11], $0x80, s30, s11, $0xb8;
	[tilespmem:$0x1D000] =	vst v63  }
0xd4: {  	_ =	swait.ge [sflag:s13], $0x4000  }
0xd5: {  	[sflag:s13] =	ssyncset.done $0x0  }
0xd6: {  	[sflag:s13] =	ssyncadd.s32 $0xFFFFC000  }
0xd7: {  	[spmem:s2] =	stream.indirect.scatter.add.f32 [tilespmem:s8], [sflag:$0x3], $0x80, s31, s11, $0xb8;
	[tilespmem:$0x1D000] =	vst v63  }
0xd8: {  	_ =	swait.ge [sflag:s9], $0x4000  }
0xd9: {  	[sflag:s9] =	ssyncset.done $0x0  }
0xda: {  	[sflag:s9] =	ssyncadd.s32 $0xFFFFC000  }
0xdb: {  	_ =	swait.ge [sflag:s14], $0x4000  }
0xdc: {  	s23 =	rddreg [dreg:$0x14]  }
0xdd: {  	p1 =	sne.s32 s23, $0x1  }
.Ltmp1:
0xde: {  	[sflag:s14] =	ssyncset.done $0x0;
	(pc) =	sbr.rel @!p1 .LBB2_5-.Ltmp1, $4  }
0xdf: {  	[sflag:s14] =	ssyncadd.s32 $0xFFFFC000  }
0xe0: {  	[spmem:s2] =	stream.indirect.scatter.add.f32 [tilespmem:s12], [sflag:$0x3], $0x80, s1, s11, $0xb8;
	[tilespmem:$0x1D000] =	vst v63  }
0xe1: {  	_ =	swait.ge [sflag:s9], $0x4000  }
0xe2: {  	s6 =	sadd.s32 $0xFFFFFFFF, s23;
	s23 =	smov.u32 s7;
	[sflag:s9] =	ssyncset.done $0x0  }
.LBB2_4:
0xe3: {  	[sflag:s9] =	ssyncadd.s32 $0xFFFFC000;
	s23 =	sadd.s32 $0x100, s23  }
0xe4: {  	[tilespmem:s3], [sflag:$0x3] =	stream.linear.gather [hbm4b:s23+s3], $0x800, $0x38;
	[tilespmem:$0x1D000] =	vst v63  }
0xe5: {  	_ =	swait.ge [sflag:s9], $0x800  }
0xe6: {  	[sflag:s9] =	ssyncset.done $0x0  }
0xe7: {  	s19 =	sadd.s32 $0x100, s19;
	[sflag:s9] =	ssyncadd.s32 $0xFFFFF800  }
0xe8: {  	[tilespmem:s10], [sflag:$0x3] =	stream.linear.gather [hbm4b:s19+s3], $0x800, $0x38;
	[tilespmem:$0x1D000] =	vst v63  }
0xe9: {  	_ =	swait.ge [sflag:s9], $0x800  }
0xea: {  	[sflag:s9] =	ssyncset.done $0x0  }
0xeb: {  	[sflag:s9] =	ssyncadd.s32 $0xFFFFF800  }
0xec: {  	[tilespmem:s8], [sflag:$0x1] =	stream.indirect.gather [hbm4b:s4+s11], $0x80, s3, s11, $0xb8;
	[tilespmem:$0x1D000] =	vst v63  }
0xed: {  	_ = 	snop  }
0xee: {  	[tilespmem:s12], [sflag:$0x2] =	stream.indirect.gather [hbm4b:s4+s11], $0x80, s11, s11, $0xb8;
	[tilespmem:$0x1D000] =	vst v63  }
0xef: {  	_ =	swait.ge [sflag:s13], $0x4000  }
0xf0: {  	[sflag:s13] =	ssyncset.done $0x0  }
0xf1: {  	[sflag:s13] =	ssyncadd.s32 $0xFFFFC000  }
0xf2: {  	[spmem:s2] =	stream.indirect.scatter.add.f32 [tilespmem:s8], [sflag:$0x3], $0x80, s10, s11, $0xb8;
	[tilespmem:$0x1D000] =	vst v63  }
0xf3: {  	_ =	swait.ge [sflag:s9], $0x4000  }
0xf4: {  	[sflag:s9] =	ssyncset.done $0x0  }
0xf5: {  	s5 =	rddreg [dreg:$0x4];
	[sflag:s9] =	ssyncadd.s32 $0xFFFFC000  }
0xf6: {  	[tilespmem:s8], [sflag:$0x1] =	stream.indirect.gather [hbm4b:s4+s11], $0x80, s5, s11, $0xb8;
	[tilespmem:$0x1D000] =	vst v63  }
0xf7: {  	_ =	swait.ge [sflag:s14], $0x4000  }
0xf8: {  	[sflag:s14] =	ssyncset.done $0x0  }
0xf9: {  	s5 =	rddreg [dreg:$0x5];
	[sflag:s14] =	ssyncadd.s32 $0xFFFFC000  }
0xfa: {  	[spmem:s2] =	stream.indirect.scatter.add.f32 [tilespmem:s12], [sflag:$0x3], $0x80, s5, s11, $0xb8;
	[tilespmem:$0x1D000] =	vst v63  }
0xfb: {  	_ =	swait.ge [sflag:s9], $0x4000  }
0xfc: {  	[sflag:s9] =	ssyncset.done $0x0  }
0xfd: {  	s5 =	rddreg [dreg:$0x6];
	[sflag:s9] =	ssyncadd.s32 $0xFFFFC000  }
0xfe: {  	[tilespmem:s12], [sflag:$0x2] =	stream.indirect.gather [hbm4b:s4+s11], $0x80, s5, s11, $0xb8;
	[tilespmem:$0x1D000] =	vst v63  }
0xff: {  	_ =	swait.ge [sflag:s13], $0x4000  }
0x100: {  	[sflag:s13] =	ssyncset.done $0x0  }
0x101: {  	s5 =	rddreg [dreg:$0x7];
	[sflag:s13] =	ssyncadd.s32 $0xFFFFC000  }
0x102: {  	[spmem:s2] =	stream.indirect.scatter.add.f32 [tilespmem:s8], [sflag:$0x3], $0x80, s5, s11, $0xb8;
	[tilespmem:$0x1D000] =	vst v63  }
0x103: {  	_ =	swait.ge [sflag:s9], $0x4000  }
0x104: {  	[sflag:s9] =	ssyncset.done $0x0  }
0x105: {  	s5 =	rddreg [dreg:$0x8];
	[sflag:s9] =	ssyncadd.s32 $0xFFFFC000  }
0x106: {  	[tilespmem:s8], [sflag:$0x1] =	stream.indirect.gather [hbm4b:s4+s11], $0x80, s5, s11, $0xb8;
	[tilespmem:$0x1D000] =	vst v63  }
0x107: {  	_ =	swait.ge [sflag:s14], $0x4000  }
0x108: {  	[sflag:s14] =	ssyncset.done $0x0  }
0x109: {  	s5 =	rddreg [dreg:$0x9];
	[sflag:s14] =	ssyncadd.s32 $0xFFFFC000  }
0x10a: {  	[spmem:s2] =	stream.indirect.scatter.add.f32 [tilespmem:s12], [sflag:$0x3], $0x80, s5, s11, $0xb8;
	[tilespmem:$0x1D000] =	vst v63  }
0x10b: {  	_ =	swait.ge [sflag:s9], $0x4000  }
0x10c: {  	[sflag:s9] =	ssyncset.done $0x0  }
0x10d: {  	s5 =	rddreg [dreg:$0xa];
	[sflag:s9] =	ssyncadd.s32 $0xFFFFC000  }
0x10e: {  	[tilespmem:s12], [sflag:$0x2] =	stream.indirect.gather [hbm4b:s4+s11], $0x80, s5, s11, $0xb8;
	[tilespmem:$0x1D000] =	vst v63  }
0x10f: {  	_ =	swait.ge [sflag:s13], $0x4000  }
0x110: {  	[sflag:s13] =	ssyncset.done $0x0  }
0x111: {  	s5 =	rddreg [dreg:$0xb];
	[sflag:s13] =	ssyncadd.s32 $0xFFFFC000  }
0x112: {  	[spmem:s2] =	stream.indirect.scatter.add.f32 [tilespmem:s8], [sflag:$0x3], $0x80, s5, s11, $0xb8;
	[tilespmem:$0x1D000] =	vst v63  }
0x113: {  	_ =	swait.ge [sflag:s9], $0x4000  }
0x114: {  	[sflag:s9] =	ssyncset.done $0x0  }
0x115: {  	s5 =	rddreg [dreg:$0xc];
	[sflag:s9] =	ssyncadd.s32 $0xFFFFC000  }
0x116: {  	[tilespmem:s8], [sflag:$0x1] =	stream.indirect.gather [hbm4b:s4+s11], $0x80, s5, s11, $0xb8;
	[tilespmem:$0x1D000] =	vst v63  }
0x117: {  	_ =	swait.ge [sflag:s14], $0x4000  }
0x118: {  	[sflag:s14] =	ssyncset.done $0x0  }
0x119: {  	s5 =	rddreg [dreg:$0xd];
	[sflag:s14] =	ssyncadd.s32 $0xFFFFC000  }
0x11a: {  	[spmem:s2] =	stream.indirect.scatter.add.f32 [tilespmem:s12], [sflag:$0x3], $0x80, s5, s11, $0xb8;
	[tilespmem:$0x1D000] =	vst v63  }
0x11b: {  	_ =	swait.ge [sflag:s9], $0x4000  }
0x11c: {  	[sflag:s9] =	ssyncset.done $0x0  }
0x11d: {  	s5 =	rddreg [dreg:$0xe];
	[sflag:s9] =	ssyncadd.s32 $0xFFFFC000  }
0x11e: {  	[tilespmem:s12], [sflag:$0x2] =	stream.indirect.gather [hbm4b:s4+s11], $0x80, s5, s11, $0xb8;
	[tilespmem:$0x1D000] =	vst v63  }
0x11f: {  	_ =	swait.ge [sflag:s13], $0x4000  }
0x120: {  	[sflag:s13] =	ssyncset.done $0x0  }
0x121: {  	s5 =	rddreg [dreg:$0xf];
	[sflag:s13] =	ssyncadd.s32 $0xFFFFC000  }
0x122: {  	[spmem:s2] =	stream.indirect.scatter.add.f32 [tilespmem:s8], [sflag:$0x3], $0x80, s5, s11, $0xb8;
	[tilespmem:$0x1D000] =	vst v63  }
0x123: {  	_ =	swait.ge [sflag:s9], $0x4000  }
0x124: {  	[sflag:s9] =	ssyncset.done $0x0  }
0x125: {  	s5 =	rddreg [dreg:$0x10];
	[sflag:s9] =	ssyncadd.s32 $0xFFFFC000  }
0x126: {  	[tilespmem:s8], [sflag:$0x1] =	stream.indirect.gather [hbm4b:s4+s11], $0x80, s5, s11, $0xb8;
	[tilespmem:$0x1D000] =	vst v63  }
0x127: {  	_ =	swait.ge [sflag:s14], $0x4000  }
0x128: {  	[sflag:s14] =	ssyncset.done $0x0  }
0x129: {  	s5 =	rddreg [dreg:$0x11];
	[sflag:s14] =	ssyncadd.s32 $0xFFFFC000  }
0x12a: {  	[spmem:s2] =	stream.indirect.scatter.add.f32 [tilespmem:s12], [sflag:$0x3], $0x80, s5, s11, $0xb8;
	[tilespmem:$0x1D000] =	vst v63  }
0x12b: {  	_ =	swait.ge [sflag:s9], $0x4000  }
0x12c: {  	[sflag:s9] =	ssyncset.done $0x0  }
0x12d: {  	[sflag:s9] =	ssyncadd.s32 $0xFFFFC000  }
0x12e: {  	[tilespmem:s12], [sflag:$0x2] =	stream.indirect.gather [hbm4b:s4+s11], $0x80, s15, s11, $0xb8;
	[tilespmem:$0x1D000] =	vst v63  }
0x12f: {  	_ =	swait.ge [sflag:s13], $0x4000  }
0x130: {  	[sflag:s13] =	ssyncset.done $0x0  }
0x131: {  	[sflag:s13] =	ssyncadd.s32 $0xFFFFC000  }
0x132: {  	[spmem:s2] =	stream.indirect.scatter.add.f32 [tilespmem:s8], [sflag:$0x3], $0x80, s16, s11, $0xb8;
	[tilespmem:$0x1D000] =	vst v63  }
0x133: {  	_ =	swait.ge [sflag:s9], $0x4000  }
0x134: {  	[sflag:s9] =	ssyncset.done $0x0  }
0x135: {  	[sflag:s9] =	ssyncadd.s32 $0xFFFFC000  }
0x136: {  	[tilespmem:s8], [sflag:$0x1] =	stream.indirect.gather [hbm4b:s4+s11], $0x80, s17, s11, $0xb8;
	[tilespmem:$0x1D000] =	vst v63  }
0x137: {  	_ =	swait.ge [sflag:s14], $0x4000  }
0x138: {  	[sflag:s14] =	ssyncset.done $0x0  }
0x139: {  	[sflag:s14] =	ssyncadd.s32 $0xFFFFC000  }
0x13a: {  	[spmem:s2] =	stream.indirect.scatter.add.f32 [tilespmem:s12], [sflag:$0x3], $0x80, s18, s11, $0xb8;
	[tilespmem:$0x1D000] =	vst v63  }
0x13b: {  	_ =	swait.ge [sflag:s9], $0x4000  }
0x13c: {  	[sflag:s9] =	ssyncset.done $0x0  }
0x13d: {  	[sflag:s9] =	ssyncadd.s32 $0xFFFFC000  }
0x13e: {  	[tilespmem:s12], [sflag:$0x2] =	stream.indirect.gather [hbm4b:s4+s11], $0x80, s20, s11, $0xb8;
	[tilespmem:$0x1D000] =	vst v63  }
0x13f: {  	_ =	swait.ge [sflag:s13], $0x4000  }
0x140: {  	[sflag:s13] =	ssyncset.done $0x0  }
0x141: {  	[sflag:s13] =	ssyncadd.s32 $0xFFFFC000  }
0x142: {  	[spmem:s2] =	stream.indirect.scatter.add.f32 [tilespmem:s8], [sflag:$0x3], $0x80, s21, s11, $0xb8;
	[tilespmem:$0x1D000] =	vst v63  }
0x143: {  	_ =	swait.ge [sflag:s9], $0x4000  }
0x144: {  	[sflag:s9] =	ssyncset.done $0x0  }
0x145: {  	[sflag:s9] =	ssyncadd.s32 $0xFFFFC000  }
0x146: {  	[tilespmem:s8], [sflag:$0x1] =	stream.indirect.gather [hbm4b:s4+s11], $0x80, s22, s11, $0xb8;
	[tilespmem:$0x1D000] =	vst v63  }
0x147: {  	_ =	swait.ge [sflag:s14], $0x4000  }
0x148: {  	[sflag:s14] =	ssyncset.done $0x0  }
0x149: {  	[sflag:s14] =	ssyncadd.s32 $0xFFFFC000  }
0x14a: {  	[spmem:s2] =	stream.indirect.scatter.add.f32 [tilespmem:s12], [sflag:$0x3], $0x80, s24, s11, $0xb8;
	[tilespmem:$0x1D000] =	vst v63  }
0x14b: {  	_ =	swait.ge [sflag:s9], $0x4000  }
0x14c: {  	[sflag:s9] =	ssyncset.done $0x0  }
0x14d: {  	[sflag:s9] =	ssyncadd.s32 $0xFFFFC000  }
0x14e: {  	[tilespmem:s12], [sflag:$0x2] =	stream.indirect.gather [hbm4b:s4+s11], $0x80, s25, s11, $0xb8;
	[tilespmem:$0x1D000] =	vst v63  }
0x14f: {  	_ =	swait.ge [sflag:s13], $0x4000  }
0x150: {  	[sflag:s13] =	ssyncset.done $0x0  }
0x151: {  	[sflag:s13] =	ssyncadd.s32 $0xFFFFC000  }
0x152: {  	[spmem:s2] =	stream.indirect.scatter.add.f32 [tilespmem:s8], [sflag:$0x3], $0x80, s26, s11, $0xb8;
	[tilespmem:$0x1D000] =	vst v63  }
0x153: {  	_ =	swait.ge [sflag:s9], $0x4000  }
0x154: {  	[sflag:s9] =	ssyncset.done $0x0  }
0x155: {  	[sflag:s9] =	ssyncadd.s32 $0xFFFFC000  }
0x156: {  	[tilespmem:s8], [sflag:$0x1] =	stream.indirect.gather [hbm4b:s4+s11], $0x80, s28, s11, $0xb8;
	[tilespmem:$0x1D000] =	vst v63  }
0x157: {  	_ =	swait.ge [sflag:s14], $0x4000  }
0x158: {  	[sflag:s14] =	ssyncset.done $0x0  }
0x159: {  	[sflag:s14] =	ssyncadd.s32 $0xFFFFC000  }
0x15a: {  	[spmem:s2] =	stream.indirect.scatter.add.f32 [tilespmem:s12], [sflag:$0x3], $0x80, s29, s11, $0xb8;
	[tilespmem:$0x1D000] =	vst v63  }
0x15b: {  	_ =	swait.ge [sflag:s9], $0x4000  }
0x15c: {  	[sflag:s9] =	ssyncset.done $0x0  }
0x15d: {  	[sflag:s9] =	ssyncadd.s32 $0xFFFFC000  }
0x15e: {  	[tilespmem:s12], [sflag:$0x2] =	stream.indirect.gather [hbm4b:s4+s11], $0x80, s30, s11, $0xb8;
	[tilespmem:$0x1D000] =	vst v63  }
0x15f: {  	_ =	swait.ge [sflag:s13], $0x4000  }
0x160: {  	[sflag:s13] =	ssyncset.done $0x0  }
0x161: {  	[sflag:s13] =	ssyncadd.s32 $0xFFFFC000  }
0x162: {  	[spmem:s2] =	stream.indirect.scatter.add.f32 [tilespmem:s8], [sflag:$0x3], $0x80, s31, s11, $0xb8;
	[tilespmem:$0x1D000] =	vst v63  }
0x163: {  	_ =	swait.ge [sflag:s9], $0x4000  }
0x164: {  	[sflag:s9] =	ssyncset.done $0x0  }
0x165: {  	[sflag:s9] =	ssyncadd.s32 $0xFFFFC000  }
0x166: {  	p1 =	sne.s32 s6, $0x1;
	_ =	swait.ge [sflag:s14], $0x4000  }
.Ltmp2:
0x167: {  	[sflag:s14] =	ssyncset.done $0x0;
	(pc) =	sbr.rel @p1 .LBB2_4-.Ltmp2, $4  }
0x168: {  	[sflag:s14] =	ssyncadd.s32 $0xFFFFC000  }
0x169: {  	[spmem:s2] =	stream.indirect.scatter.add.f32 [tilespmem:s12], [sflag:$0x3], $0x80, s1, s11, $0xb8;
	[tilespmem:$0x1D000] =	vst v63  }
0x16a: {  	_ =	swait.ge [sflag:s9], $0x4000  }
0x16b: {  	s6 =	sadd.s32 $0xFFFFFFFF, s6;
	[sflag:s9] =	ssyncset.done $0x0  }
.LBB2_5:
0x16c: {  	[sflag:s9] =	ssyncadd.s32 $0xFFFFC000  }
0x16d: {  	[bflag:$0x0] =	sbarrier.arrive $0xFFFF  }
0x16e: {  	s6 =	sld [smem:$0x7F8];
	_ =	sdelay $0x1  }
0x16f: {  	s5 =	simm.s32 @p0 $0x1000  }
0x170: {  	[tilespmem:s5], [sflag:$0x3] =	stream.linear.gather @p0 [spmem:s6], $0x4000, $0x38;
	[tilespmem:$0x1D000] =	vst v63  }
0x171: {  	s6 =	simm.s32 @p0 $0x3  }
0x172: {  	_ =	swait.ge @p0 [sflag:s6], $0x4000  }
0x173: {  	[sflag:s6] =	ssyncset.done @p0 $0x0  }
0x174: {  	s19 =	simm.s32 @p0 $0x0;
	s23 =	rddreg [dreg:$0x1e];
	[sflag:s6] =	ssyncadd.s32 @p0 $0xFFFFC000  }
0x175: {  	[hbm4b:s23+s19] =	stream.linear.scatter @p0 [tilespmem:s5], [sflag:$0x3], $0x4000, $0x38;
	[tilespmem:$0x1D000] =	vst v63  }
0x176: {  	_ =	swait.ge @p0 [sflag:s6], $0x4000  }
0x177: {  	s23 =	sld [smem:$0x7F9]  }
0x178: {  	[sflag:s6] =	ssyncset.done @p0 $0x0  }
0x179: {  	[sflag:s6] =	ssyncadd.s32 @p0 $0xFFFFC000  }
0x17a: {  	[tilespmem:s5], [sflag:$0x3] =	stream.linear.gather @p0 [spmem:s23], $0x4000, $0x38;
	[tilespmem:$0x1D000] =	vst v63  }
0x17b: {  	_ =	swait.ge @p0 [sflag:s6], $0x4000  }
0x17c: {  	[sflag:s6] =	ssyncset.done @p0 $0x0  }
0x17d: {  	s23 =	rddreg [dreg:$0x1f];
	[sflag:s6] =	ssyncadd.s32 @p0 $0xFFFFC000  }
0x17e: {  	[hbm4b:s23+s19] =	stream.linear.scatter @p0 [tilespmem:s5], [sflag:$0x3], $0x4000, $0x38;
	[tilespmem:$0x1D000] =	vst v63  }
0x17f: {  	_ =	swait.ge @p0 [sflag:s6], $0x4000  }
0x180: {  	s23 =	sld [smem:$0x7FB]  }
0x181: {  	[sflag:s6] =	ssyncset.done @p0 $0x0  }
0x182: {  	[sflag:s6] =	ssyncadd.s32 @p0 $0xFFFFC000  }
0x183: {  	[tilespmem:s5], [sflag:$0x3] =	stream.linear.gather @p0 [spmem:s23], $0x4000, $0x38;
	[tilespmem:$0x1D000] =	vst v63  }
0x184: {  	_ =	swait.ge @p0 [sflag:s6], $0x4000  }
0x185: {  	s23 =	sld [smem:$0x7F1]  }
0x186: {  	[sflag:s6] =	ssyncset.done @p0 $0x0  }
0x187: {  	[sflag:s6] =	ssyncadd.s32 @p0 $0xFFFFC000  }
0x188: {  	[hbm4b:s23+s19] =	stream.linear.scatter @p0 [tilespmem:s5], [sflag:$0x3], $0x4000, $0x38;
	[tilespmem:$0x1D000] =	vst v63  }
0x189: {  	_ =	swait.ge @p0 [sflag:s6], $0x4000  }
0x18a: {  	s23 =	sld [smem:$0x7FC]  }
0x18b: {  	[sflag:s6] =	ssyncset.done @p0 $0x0  }
0x18c: {  	[sflag:s6] =	ssyncadd.s32 @p0 $0xFFFFC000  }
0x18d: {  	[tilespmem:s5], [sflag:$0x3] =	stream.linear.gather @p0 [spmem:s23], $0x4000, $0x38;
	[tilespmem:$0x1D000] =	vst v63  }
0x18e: {  	_ =	swait.ge @p0 [sflag:s6], $0x4000  }
0x18f: {  	s23 =	sld [smem:$0x7F2]  }
0x190: {  	[sflag:s6] =	ssyncset.done @p0 $0x0  }
0x191: {  	[sflag:s6] =	ssyncadd.s32 @p0 $0xFFFFC000  }
0x192: {  	[hbm4b:s23+s19] =	stream.linear.scatter @p0 [tilespmem:s5], [sflag:$0x3], $0x4000, $0x38;
	[tilespmem:$0x1D000] =	vst v63  }
0x193: {  	_ =	swait.ge @p0 [sflag:s6], $0x4000  }
0x194: {  	s23 =	sld [smem:$0x7FD]  }
0x195: {  	[sflag:s6] =	ssyncset.done @p0 $0x0  }
0x196: {  	[sflag:s6] =	ssyncadd.s32 @p0 $0xFFFFC000  }
0x197: {  	[tilespmem:s5], [sflag:$0x3] =	stream.linear.gather @p0 [spmem:s23], $0x400, $0x38;
	[tilespmem:$0x1D000] =	vst v63  }
0x198: {  	_ =	swait.ge @p0 [sflag:s6], $0x400  }
0x199: {  	s23 =	sld [smem:$0x7F3]  }
0x19a: {  	[sflag:s6] =	ssyncset.done @p0 $0x0  }
0x19b: {  	[sflag:s6] =	ssyncadd.s32 @p0 $0xFFFFFC00  }
0x19c: {  	[hbm4b:s23+s19] =	stream.linear.scatter @p0 [tilespmem:s5], [sflag:$0x3], $0x400, $0x38;
	[tilespmem:$0x1D000] =	vst v63  }
0x19d: {  	_ =	swait.ge @p0 [sflag:s6], $0x400  }
0x19e: {  	[sflag:s6] =	ssyncset.done @p0 $0x0  }
0x19f: {  	s5 =	simm.s32 @!p0 $0x1000;
	[sflag:s6] =	ssyncadd.s32 @p0 $0xFFFFFC00;
	s6 =	rddreg [dreg:$0x15]  }
0x1a0: {  	[tilespmem:s5], [sflag:$0x3] =	stream.linear.gather @!p0 [spmem:s6], $0x4000, $0x38;
	[tilespmem:$0x1D000] =	vst v63  }
0x1a1: {  	s6 =	simm.s32 @!p0 $0x3  }
0x1a2: {  	_ =	swait.ge @!p0 [sflag:s6], $0x4000  }
0x1a3: {  	[sflag:s6] =	ssyncset.done @!p0 $0x0  }
0x1a4: {  	s19 =	simm.s32 @!p0 $0x0;
	s23 =	rddreg [dreg:$0x16];
	[sflag:s6] =	ssyncadd.s32 @!p0 $0xFFFFC000  }
0x1a5: {  	[hbm4b:s23+s19] =	stream.linear.scatter @!p0 [tilespmem:s5], [sflag:$0x3], $0x4000, $0x38;
	[tilespmem:$0x1D000] =	vst v63  }
0x1a6: {  	_ =	swait.ge @!p0 [sflag:s6], $0x4000  }
0x1a7: {  	[sflag:s6] =	ssyncset.done @!p0 $0x0  }
0x1a8: {  	s23 =	rddreg [dreg:$0x17];
	[sflag:s6] =	ssyncadd.s32 @!p0 $0xFFFFC000  }
0x1a9: {  	[tilespmem:s5], [sflag:$0x3] =	stream.linear.gather @!p0 [spmem:s23], $0x4000, $0x38;
	[tilespmem:$0x1D000] =	vst v63  }
0x1aa: {  	_ =	swait.ge @!p0 [sflag:s6], $0x4000  }
0x1ab: {  	[sflag:s6] =	ssyncset.done @!p0 $0x0  }
0x1ac: {  	s23 =	rddreg [dreg:$0x18];
	[sflag:s6] =	ssyncadd.s32 @!p0 $0xFFFFC000  }
0x1ad: {  	[hbm4b:s23+s19] =	stream.linear.scatter @!p0 [tilespmem:s5], [sflag:$0x3], $0x4000, $0x38;
	[tilespmem:$0x1D000] =	vst v63  }
0x1ae: {  	_ =	swait.ge @!p0 [sflag:s6], $0x4000  }
0x1af: {  	[sflag:s6] =	ssyncset.done @!p0 $0x0  }
0x1b0: {  	s23 =	rddreg [dreg:$0x19];
	[sflag:s6] =	ssyncadd.s32 @!p0 $0xFFFFC000  }
0x1b1: {  	[tilespmem:s5], [sflag:$0x3] =	stream.linear.gather @!p0 [spmem:s23], $0x4000, $0x38;
	[tilespmem:$0x1D000] =	vst v63  }
0x1b2: {  	_ =	swait.ge @!p0 [sflag:s6], $0x4000  }
0x1b3: {  	[sflag:s6] =	ssyncset.done @!p0 $0x0  }
0x1b4: {  	s23 =	rddreg [dreg:$0x1a];
	[sflag:s6] =	ssyncadd.s32 @!p0 $0xFFFFC000  }
0x1b5: {  	[hbm4b:s23+s19] =	stream.linear.scatter @!p0 [tilespmem:s5], [sflag:$0x3], $0x4000, $0x38;
	[tilespmem:$0x1D000] =	vst v63  }
0x1b6: {  	_ =	swait.ge @!p0 [sflag:s6], $0x4000  }
0x1b7: {  	[sflag:s6] =	ssyncset.done @!p0 $0x0  }
0x1b8: {  	s23 =	rddreg [dreg:$0x1b];
	[sflag:s6] =	ssyncadd.s32 @!p0 $0xFFFFC000  }
0x1b9: {  	[tilespmem:s5], [sflag:$0x3] =	stream.linear.gather @!p0 [spmem:s23], $0x4000, $0x38;
	[tilespmem:$0x1D000] =	vst v63  }
0x1ba: {  	_ =	swait.ge @!p0 [sflag:s6], $0x4000  }
0x1bb: {  	[sflag:s6] =	ssyncset.done @!p0 $0x0  }
0x1bc: {  	s23 =	rddreg [dreg:$0x1c];
	[sflag:s6] =	ssyncadd.s32 @!p0 $0xFFFFC000  }
0x1bd: {  	[hbm4b:s23+s19] =	stream.linear.scatter @!p0 [tilespmem:s5], [sflag:$0x3], $0x4000, $0x38;
	[tilespmem:$0x1D000] =	vst v63  }
0x1be: {  	_ =	swait.ge @!p0 [sflag:s6], $0x4000  }
0x1bf: {  	s23 =	sld [smem:$0x7F7]  }
0x1c0: {  	[sflag:s6] =	ssyncset.done @!p0 $0x0  }
0x1c1: {  	[sflag:s6] =	ssyncadd.s32 @!p0 $0xFFFFC000  }
0x1c2: {  	[tilespmem:s5], [sflag:$0x3] =	stream.linear.gather @!p0 [spmem:s23], $0x3C00, $0x38;
	[tilespmem:$0x1D000] =	vst v63  }
0x1c3: {  	_ =	swait.ge @!p0 [sflag:s6], $0x3C00  }
0x1c4: {  	[sflag:s6] =	ssyncset.done @!p0 $0x0  }
0x1c5: {  	s23 =	rddreg [dreg:$0x1d];
	[sflag:s6] =	ssyncadd.s32 @!p0 $0xFFFFC400  }
0x1c6: {  	[hbm4b:s23+s19] =	stream.linear.scatter @!p0 [tilespmem:s5], [sflag:$0x3], $0x3C00, $0x38;
	[tilespmem:$0x1D000] =	vst v63  }
0x1c7: {  	_ =	swait.ge @!p0 [sflag:s6], $0x3C00  }
0x1c8: {  	s23 =	sld [smem:$0x7FA];
	_ =	sdelay $0x1  }
0x1c9: {  	s0 =	sadd.s32 $0x1, s0  }
0x1ca: {  	p1 =	sne.s32 s0, s23  }
.Ltmp3:
0x1cb: {  	_ = 	snop;
	(pc) =	sbr.rel @p1 .LBB2_1-.Ltmp3, $3  }
0x1cc: {  	_ =	sdelay $0x1  }
0x1cd: {  	[sflag:s6] =	ssyncset.done @!p0 $0x0  }
0x1ce: {  	[sflag:s6] =	ssyncadd.s32 @!p0 $0xFFFFC400  }
0x1cf: {  	_ =	sfence.sel $0x180000  }
0x1d0: {  	[bflag:$0x0] =	sbarrier.arrive $0xFFFF  }
0x1d1: {  	_ =	strace $0x9000004D  }
0x1d2: {  	s0 =	stileid.u32;
	[bflag:$0x2] =	sbarrier.arrive $0xFFFF  }
0x1d3: {  	p0 =	sne.s32 s0, $0x0;
	s0 =	rddreg [dreg:$0x3]  }
0x1d4: {  	s0 =	sadd.s32 @!p0 $0x100000, s0  }
0x1d5: {  	[sflag:s0] =	ssyncadd.tile.s32 @!p0 $0x1;
	_ =	shalt  }
.Lfunc_end2:
_tile_overlayer_lowered:
.L_overlay_start_2:
0x1d6: {  	(tag) =	ssettag $0x2  }
0x1d7: {  	s0 =	rddreg [dreg:$0x0];
	s2 =	stileid.u32  }
0x1d8: {  	s1 =	rddreg [dreg:$0x1];
	p0 =	sne.s32 s2, $0x0  }
0x1d9: {  	s3 =	rddreg [dreg:$0x2];
	[bflag:$0x3] =	sbarrier.arrive $0xFFFF;
	s2 =	simm.s32 @!p0 $0x1C03  }
0x1da: {  	[timem:s3], [sflag:s2] =	dma.local @!p0 [hbm:s0], s1  }
0x1db: {  	s0 =	simm.s32 @!p0 $0x3  }
0x1dc: {  	_ =	swait.ge @!p0 [sflag:s0], s1  }
0x1dd: {  	s1 =	ssub.s32 @!p0 $0x0, s1;
	[sflag:s0] =	ssyncset.done @!p0 $0x0  }
0x1de: {  	[sflag:s0] =	ssyncadd.s32 @!p0 s1  }
0x1df: {  	[bflag:$0x3] =	sbarrier.arrive $0xFFFF  }
0x1e0: {  	_ =	shalt  }

// kernel: kernel.19.cloned.1.call-start
scs
__scs_entry_jumppad:
0x0: {  	(pc) =	sbr.rel $0x88, $3  }
0x1: {  	(tag) =	ssettag $0x0;
	lr =	simm.s32 $0x1  }
0x2: {  	[smem:$0x3F99] =	sst lr;
	_ =	strace $0xD0000000  }
0x3: {  	_ = 	snop  }
0x4: {  	_ = 	snop  }
0x5: {  	_ = 	snop  }
0x6: {  	_ = 	snop  }
0x7: {  	_ = 	snop  }
__scs_overlays_trampoline_lowered:
0x8: {  	[smem:$0x3FA8] =	sst s0  }
0x9: {  	[smem:$0x3FA9] =	sst s1  }
0xa: {  	[smem:$0x3FAA] =	sst s2  }
0xb: {  	[smem:$0x3FAB] =	sst s3  }
0xc: {  	[smem:$0x3FAC] =	sst s4  }
0xd: {  	[smem:$0x3FAD] =	sst s5  }
0xe: {  	[smem:$0x3FAE] =	sst s6  }
0xf: {  	[smem:$0x3FAF] =	sst s7  }
0x10: {  	[smem:$0x3FB0] =	sst s8  }
0x11: {  	[smem:$0x3FB1] =	sst s9;
	s0 =	simm.s32 @!p0 $0x0  }
0x12: {  	s1 =	sld [smem:$0x3F97];
	s0 =	simm.s32 @p0 $0x1  }
0x13: {  	[smem:$0x3FB2] =	sst s0;
	s0 =	simm.s32 @!p1 $0x0  }
0x14: {  	s2 =	sld [smem:$0x3F96];
	s0 =	simm.s32 @p1 $0x1  }
0x15: {  	[smem:$0x3FB3] =	sst s0;
	s0 =	simm.s32 @!p2 $0x0  }
0x16: {  	s3 =	sld [smem:$0x3FDB];
	s0 =	simm.s32 @p2 $0x1  }
0x17: {  	s4 =	simm.s32 $0x1BF5;
	[smem:$0x3FB5] =	sst s0  }
0x18: {  	s0 =	sld [smem:$0x3F98];
	_ =	swait.ge [sflag:s4], $0x0  }
0x19: {  	s7 =	sld [smem:$0x3F99]  }
0x1a: {  	s8 =	sadd.s32 $0xFFFFE003, lr  }
0x1b: {  	s9 =	sadd.s32 $0xFFFFFEF7, lr;
	s5 =	simm.s32 $0xFFFFFFFF;
	p2 =	slt.u32 s8, $0xFFFFF086  }
0x1c: {  	p1 =	slt.u32 s9, $0xF7A;
	s5 =	simm.s32 @!p2 $0x0  }
0x1d: {  	s5 =	simm.s32 @p1 $0x1;
	p0 =	seq.s32 s7, s2  }
0x1e: {  	s7 =	smul.u32 @!p0 $0xF7A, s2;
	p2 =	seq.s32 @!p0 s5, $0x0  }
0x1f: {  	s9 =	smul.u32 $0xF7A, s1;
	s8 =	simm.s32 @!p0 $0x1BF5;
	p2 =	por !p2, p0  }
0x20: {  	[sflag:s8] =	ssyncset.s32 @!p0 $0xFFFFF086;
	s6 =	sadd.s32 @!p0 s3, s7;
	s7 =	simm.s32 @!p0 $0x108  }
0x21: {  	s3 =	sadd.s32 s3, s9;
	s6 =	sadd.s32 @!p0 $0x88, s6;
	s7 =	simm.s32 @p2 $0x1082  }
0x22: {  	[simem:s7], [sflag:s8] =	dma.local @!p0 [hbm:s6], $0xF7A  }
0x23: {  	s9 =	sor.u32 $0xD0000000, s2;
	s6 =	simm.s32 $0x108;
	_ =	swait.ge @!p0 [sflag:s8], $0x0  }
0x24: {  	s3 =	sadd.s32 $0x88, s3;
	s6 =	simm.s32 @!p1 $0x1082;
	[sflag:s4] =	ssyncset.s32 $0xFFFFF086  }
0x25: {  	[simem:s6], [sflag:s4] =	dma.local [hbm:s3], $0xF7A  }
0x26: {  	[smem:$0x3F99] =	sst s1;
	(tag) =	ssettag s2;
	_ =	strace s9  }
0x27: {  	s1 =	sld [smem:$0x3FA9]  }
0x28: {  	s2 =	sld [smem:$0x3FAA]  }
0x29: {  	s4 =	sld [smem:$0x3FAC]  }
0x2a: {  	p0 =	seq.s32 s5, $0x0;
	s5 =	sld [smem:$0x3FAD]  }
0x2b: {  	s6 =	sld [smem:$0x3FAE]  }
0x2c: {  	s7 =	sld [smem:$0x3FAF]  }
0x2d: {  	s3 =	simm.s32 $0x108;
	s8 =	sld [smem:$0x3FB0]  }
0x2e: {  	s3 =	simm.s32 @!p0 $0x1082;
	s9 =	sld [smem:$0x3FB1]  }
0x2f: {  	lr =	sadd.s32 s0, s3;
	s0 =	sld [smem:$0x3FA8]  }
0x30: {  	s3 =	sld [smem:$0x3FAB]  }
0x31: {  	[smem:$0x3FB4] =	sst s10  }
0x32: {  	s10 =	sld [smem:$0x3FB2];
	_ =	sdelay $0x3  }
0x33: {  	p0 =	seq.s32 s10, $0x1;
	s10 =	sld [smem:$0x3FB4];
	_ =	sdelay $0x3  }
0x34: {  	[smem:$0x3FB4] =	sst s10  }
0x35: {  	s10 =	sld [smem:$0x3FB3];
	_ =	sdelay $0x3  }
0x36: {  	p1 =	seq.s32 s10, $0x1;
	s10 =	sld [smem:$0x3FB4];
	_ =	sdelay $0x3  }
0x37: {  	[smem:$0x3FB4] =	sst s10  }
0x38: {  	s10 =	sld [smem:$0x3FB5]  }
0x39: {  	_ = 	snop;
	(pc) =	sbr.ind lr, $3  }
0x3a: {  	_ = 	snop  }
0x3b: {  	_ = 	snop  }
0x3c: {  	p2 =	seq.s32 s10, $0x1;
	s10 =	sld [smem:$0x3FB4]  }
0x3d: {  	_ =	shalt  }
0x3e: {  	_ =	shalt  }
0x3f: {  	_ =	shalt  }
0x40: {  	_ =	shalt  }
0x41: {  	_ =	shalt  }
0x42: {  	_ =	shalt  }
0x43: {  	_ =	shalt  }
0x44: {  	_ =	shalt  }
0x45: {  	_ =	shalt  }
0x46: {  	_ =	shalt  }
0x47: {  	_ =	shalt  }
0x48: {  	_ =	shalt  }
0x49: {  	_ =	shalt  }
0x4a: {  	_ =	shalt  }
0x4b: {  	_ =	shalt  }
0x4c: {  	_ =	shalt  }
0x4d: {  	_ =	shalt  }
0x4e: {  	_ =	shalt  }
0x4f: {  	_ =	shalt  }
0x50: {  	_ =	shalt  }
0x51: {  	_ =	shalt  }
0x52: {  	_ =	shalt  }
0x53: {  	_ =	shalt  }
0x54: {  	_ =	shalt  }
0x55: {  	_ =	shalt  }
0x56: {  	_ =	shalt  }
0x57: {  	_ =	shalt  }
0x58: {  	_ =	shalt  }
0x59: {  	_ =	shalt  }
0x5a: {  	_ =	shalt  }
0x5b: {  	_ =	shalt  }
0x5c: {  	_ =	shalt  }
0x5d: {  	_ =	shalt  }
0x5e: {  	_ =	shalt  }
0x5f: {  	_ =	shalt  }
0x60: {  	_ =	shalt  }
0x61: {  	_ =	shalt  }
0x62: {  	_ =	shalt  }
0x63: {  	_ =	shalt  }
0x64: {  	_ =	shalt  }
0x65: {  	_ =	shalt  }
0x66: {  	_ =	shalt  }
0x67: {  	_ =	shalt  }
0x68: {  	_ =	shalt  }
0x69: {  	_ =	shalt  }
0x6a: {  	_ =	shalt  }
0x6b: {  	_ =	shalt  }
0x6c: {  	_ =	shalt  }
0x6d: {  	_ =	shalt  }
0x6e: {  	_ =	shalt  }
0x6f: {  	_ =	shalt  }
0x70: {  	_ =	shalt  }
0x71: {  	_ =	shalt  }
0x72: {  	_ =	shalt  }
0x73: {  	_ =	shalt  }
0x74: {  	_ =	shalt  }
0x75: {  	_ =	shalt  }
0x76: {  	_ =	shalt  }
0x77: {  	_ =	shalt  }
0x78: {  	_ =	shalt  }
0x79: {  	_ =	shalt  }
0x7a: {  	_ =	shalt  }
0x7b: {  	_ =	shalt  }
0x7c: {  	_ =	shalt  }
0x7d: {  	_ =	shalt  }
0x7e: {  	_ =	shalt  }
0x7f: {  	_ =	shalt  }
0x80: {  	_ =	shalt  }
0x81: {  	_ =	shalt  }
0x82: {  	_ =	shalt  }
0x83: {  	_ =	shalt  }
0x84: {  	_ =	shalt  }
0x85: {  	_ =	shalt  }
0x86: {  	_ =	shalt  }
0x87: {  	_ =	shalt  }
.Lfunc_end0:
.L_simem_size_0:
called_computation.3_lowered:
.L_overlay_start_0:
0x88: {  	s2 =	sld [smem:$0x3FD9]  }
0x89: {  	s3 =	sld [smem:$0x3FFE];
	_ =	sdelay $0x1  }
0x8a: {  	s1 =	srdreg.scid  }
0x8b: {  	s0 =	sand.u32 $0x1, s1  }
0x8c: {  	s17 =	sshll.u32 s0, $0xA;
	s2 =	sadd.s32 s3, s2  }
0x8d: {  	s2 =	sadd.s32 s2, s17  }
0x8e: {  	[smem:$0x3FC0] =	sst s2  }
0x8f: {  	_ = 	snop  }
0x90: {  	s2 =	sld [smem:$0x3FD0];
	(tm) =	ssettm $0x1  }
0x91: {  	s18 =	sld [smem:$0x3FFB];
	_ =	sdelay $0x3  }
0x92: {  	_ =	strace s18  }
0x93: {  	s3 =	sld [smem:$0x3FFC];
	_ =	sdelay $0x3  }
0x94: {  	_ =	strace s3  }
0x95: {  	s3 =	sld [smem:$0x3FFD];
	_ =	sdelay $0x3  }
0x96: {  	_ =	strace s3  }
0x97: {  	_ =	strace $0x8FFFFFFF  }
0x98: {  	s19 =	sld [smem:$0x3FDB];
	_ =	sdelay $0x1  }
0x99: {  	s4 =	simm.s32 $_scs_section_size  }
0x9a: {  	s5 =	simm.s32 $_size__tile_overlayer_lowered;
	s6 =	simm.s32 $_tile_overlayer_lowered  }
0x9b: {  	s22 =	simm.s32 $0x1BFF;
	s21 =	sshll.u32 s6, $0x1;
	s3 =	sadd.s32 s4, s19  }
0x9c: {  	s7 =	simm.s32 $0x0;
	s20 =	sshll.u32 s5, $0x1;
	s5 =	sadd.s32 s21, s3  }
0x9d: {  	[timem:s7], [sflag:s22] =	dma.local [hbm:s5], s20  }
0x9e: {  	_ =	swait.ge [sflag:s22], s20  }
0x9f: {  	s4 =	ssub.s32 $0x0, s20;
	[sflag:s22] =	ssyncset.done $0x0  }
0xa0: {  	[sflag:s22] =	ssyncadd.s32 s4;
	_ =	sdelay $0x1  }
0xa1: {  	s23 =	simm.s32 $0x1B8B  }
0xa2: {  	_ =	swait.ge [sflag:s23], $0x1  }
0xa3: {  	[sflag:s23] =	ssyncset.done $0x0  }
0xa4: {  	s25 =	simm.s32 $0x1B8E;
	s24 =	sld [smem:$0x3FFE];
	[sflag:s23] =	ssyncadd.s32 $0xFFFFFFFF  }
0xa5: {  	s26 =	simm.s32 $execute0_lowered;
	[smem:$0x3FD2] =	sst s25  }
0xa6: {  	s5 =	sshll.u32 s26, $0x1;
	_ =	strace $0x8000004F;
	[dreg:$0x1] =	wrdreg $0xFFFFFFFF  }
0xa7: {  	s28 =	simm.s32 $_size_execute0_lowered;
	s3 =	sadd.s32 s3, s5;
	[dreg:$0x0] =	wrdreg $0x0  }
0xa8: {  	s5 =	sshll.u32 s28, $0x1;
	[dreg:$0x2] =	wrdreg s3  }
0xa9: {  	[dreg:$0x3] =	wrdreg s5  }
0xaa: {  	[dreg:$0x4] =	wrdreg $0xC0  }
0xab: {  	_ =	task [dreg:s7], $0x5FFFF  }
0xac: {  	[dreg:$0x1] =	wrdreg $0xFFFFFFFF  }
0xad: {  	[dreg:$0x0] =	wrdreg $0x60  }
0xae: {  	[dreg:$0x2] =	wrdreg s24  }
0xaf: {  	[dreg:$0x3] =	wrdreg s2  }
0xb0: {  	[dreg:$0x4] =	wrdreg $0x90000  }
0xb1: {  	[dreg:$0x5] =	wrdreg $0x9  }
0xb2: {  	_ =	task.clear_ibuf [dreg:s7], $0x6FFFF;
	_ =	strace $0x9000004F  }
0xb3: {  	s29 =	simm.s32 $0x9;
	_ =	strace $0x80000051  }
0xb4: {  	_ =	swait.ge [sflag:s29], $0x1  }
0xb5: {  	[sflag:s29] =	ssyncadd.s32 $0xFFFFFFFF  }
0xb6: {  	_ =	strace $0x90000051  }
0xb7: {  	_ =	sfence  }
0xb8: {  	s30 =	sld [smem:$0x0];
	_ =	sdelay $0x2  }
0xb9: {  	s31 =	sshll.u32 s1, $0xD;
	s1 =	sshrl.u32 s1, $0x2  }
0xba: {  	s3 =	sand.u32 $0x4000, s31;
	s1 =	sadd.s32 s1, s30  }
0xbb: {  	s0 =	sor.u32 s3, s0;
	s1 =	sshll.u32 s1, $0x11  }
0xbc: {  	s0 =	sor.u32 s1, s0  }
0xbd: {  	s0 =	sadd.s32 $0x8F2B, s0  }
0xbe: {  	[sflag:s0] =	ssyncadd.remote.s32 $0x1  }
0xbf: {  	_ =	sfence.sel $0xFFFF  }
0xc0: {  	[dreg:$0x0] =	wrdreg $0xFFFFFFFF;
	(pc) =	sbr.abs _section_cstart, $3  }
0xc1: {  	[dreg:$0x1] =	wrdreg $0xFFFFFFFF  }
0xc2: {  	_ =	task.clear_ibuf [dreg:s7], $0x2FFFF;
	_ =	strace $0x9FFFFFFF  }
0xc3: {  	(tm) =	ssettm $0x7FFFFFFF  }
tec
execute0_lowered:
.L_overlay_start_1:
0x0: {  	(tag) =	ssettag $0x1  }
0x1: {  	s6 =	rddreg [dreg:$0x0];
	s13 =	stileid.u32  }
0x2: {  	s1 =	srdreg.scid;
	s0 =	rddreg [dreg:$0x1]  }
0x3: {  	s2 =	rddreg [dreg:$0x2];
	s3 =	smul.u32 $0x30, s13  }
0x4: {  	s24 =	simm.s32 $0x100;
	s7 =	sand.u32 $0x1, s1;
	s1 =	smul.u32 $0x70, s13  }
0x5: {  	s26 =	simm.s32 $0x880;
	s28 =	simm.s32 $0x700;
	s8 =	smul.u32 $0x50000, s13  }
0x6: {  	s9 =	sadd.s32 $0x34400, s6;
	s10 =	smul.u32 $0x4F000, s13;
	p0 =	seq.s32 s7, $0x0  }
0x7: {  	s12 =	ssub.s32 $0x2, s7;
	s7 =	smul.u32 $0x138800, s7;
	s4 =	sadd.s32 $0x700, s3  }
0x8: {  	s3 =	simm.s32 $0x0;
	s8 =	sshrl.u32 s8, $0x2;
	s10 =	sshrl.u32 s10, $0x2  }
0x9: {  	s11 =	sshrl.u32 s12, $0x1;
	[smem:$0x7FF] =	sst s3;
	s10 =	sadd.s32 s10, s2  }
0xa: {  	s4 =	smov.u32 @p0 s1;
	_ =	strace $0x80000050;
	[dreg:$0x15] =	wrdreg s10  }
0xb: {  	s14 =	sadd.s32 s8, s2;
	s8 =	smul.u32 $0x13C00, s13;
	[dreg:$0x4] =	wrdreg s24  }
0xc: {  	s5 =	sshll.u32 s4, $0x4;
	s4 =	sadd.s32 $0xD200, s6;
	[dreg:$0x5] =	wrdreg s26  }
0xd: {  	s15 =	sadd.s32 $0x4000, s14;
	[dreg:$0x12] =	wrdreg s14;
	s1 =	sadd.s32 s5, s6  }
0xe: {  	s6 =	ssub.s32 s12, s11;
	[dreg:$0x13] =	wrdreg s15;
	s15 =	simm.s32 $0x900  }
0xf: {  	s11 =	simm.s32 $0x7;
	s0 =	sadd.s32 s5, s0;
	[dreg:$0x7] =	wrdreg s15  }
0x10: {  	s12 =	sadd.s32 $0x8000, s8;
	s11 =	simm.s32 @!p0 $0x3;
	[smem:$0x7F0] =	sst s0  }
0x11: {  	s23 =	sadd.s32 $0xC000, s8;
	s21 =	sadd.s32 s12, s2;
	[dreg:$0x14] =	wrdreg s11  }
0x12: {  	s16 =	sadd.s32 s8, s7;
	s25 =	sadd.s32 s23, s2;
	[dreg:$0x19] =	wrdreg s21  }
0x13: {  	s20 =	sadd.s32 s7, s12;
	s12 =	simm.s32 $0x180;
	[dreg:$0x1b] =	wrdreg s25  }
0x14: {  	s17 =	sshrl.u32 s16, $0x3;
	s16 =	simm.s32 $0x200;
	[dreg:$0x6] =	wrdreg s12  }
0x15: {  	s18 =	sadd.s32 $0x4000, s8;
	s10 =	sadd.s32 s9, s17;
	[dreg:$0x8] =	wrdreg s16  }
0x16: {  	s29 =	simm.s32 $0xE80;
	s11 =	sadd.s32 s18, s2;
	[dreg:$0x16] =	wrdreg s10  }
0x17: {  	s30 =	simm.s32 $0x780;
	s17 =	simm.s32 $0x980;
	[dreg:$0x17] =	wrdreg s11  }
0x18: {  	s22 =	sshrl.u32 s20, $0x3;
	s20 =	simm.s32 $0xA00;
	[dreg:$0x9] =	wrdreg s17  }
0x19: {  	s8 =	sadd.s32 $0x10000, s8;
	s21 =	simm.s32 $0x300;
	[dreg:$0xb] =	wrdreg s20  }
0x1a: {  	s19 =	sadd.s32 s7, s18;
	s25 =	simm.s32 $0xB00;
	[dreg:$0xc] =	wrdreg s21  }
0x1b: {  	s10 =	sshrl.u32 s19, $0x3;
	s19 =	simm.s32 $0x280;
	[dreg:$0xf] =	wrdreg s25  }
0x1c: {  	s18 =	sadd.s32 s7, s8;
	s17 =	sadd.s32 $0x8000, s14;
	[dreg:$0xa] =	wrdreg s19  }
0x1d: {  	s11 =	sshrl.u32 s18, $0x3;
	s18 =	sadd.s32 $0xC000, s14;
	[smem:$0x7F4] =	sst s17  }
0x1e: {  	s31 =	simm.s32 $0xF00;
	s20 =	sadd.s32 s8, s2;
	[smem:$0x7F5] =	sst s18  }
0x1f: {  	p0 =	seq.s32 s13, $0xF;
	s21 =	sadd.s32 $0x128400, s2;
	[smem:$0x7F7] =	sst s20  }
0x20: {  	s13 =	simm.s32 $0x1;
	s25 =	sadd.s32 $0x134400, s2;
	[smem:$0x7F8] =	sst s21  }
0x21: {  	s0 =	simm.s32 $0x0;
	s10 =	sadd.s32 s9, s10;
	[smem:$0x7FC] =	sst s25  }
0x22: {  	s8 =	simm.s32 $0x1000;
	s11 =	sadd.s32 s9, s11;
	[dreg:$0x18] =	wrdreg s10  }
0x23: {  	s19 =	sadd.s32 $0x10000, s14;
	s14 =	simm.s32 $0x2;
	[dreg:$0x1d] =	wrdreg s11  }
0x24: {  	s17 =	simm.s32 $0x500;
	s10 =	sadd.s32 s9, s22;
	[smem:$0x7F6] =	sst s19  }
0x25: {  	s18 =	simm.s32 $0xC80;
	s22 =	simm.s32 $0xA80;
	[dreg:$0x1a] =	wrdreg s10  }
0x26: {  	s20 =	simm.s32 $0x580;
	s11 =	simm.s32 $0xB80;
	[dreg:$0xd] =	wrdreg s22  }
0x27: {  	s10 =	sadd.s32 s7, s23;
	s23 =	simm.s32 $0x380;
	[dreg:$0x11] =	wrdreg s11  }
0x28: {  	s7 =	sshrl.u32 s7, $0x3;
	s22 =	sadd.s32 $0x12C400, s2;
	[dreg:$0xe] =	wrdreg s23  }
0x29: {  	s10 =	sshrl.u32 s10, $0x3;
	[smem:$0x7F9] =	sst s22;
	s23 =	smax.u32 s6, $0x1  }
0x2a: {  	s7 =	sadd.s32 s9, s7;
	s10 =	sadd.s32 s9, s10;
	[smem:$0x7FA] =	sst s23  }
0x2b: {  	s21 =	simm.s32 $0xD00;
	s24 =	sadd.s32 $0x25080, s7;
	[dreg:$0x1c] =	wrdreg s10  }
0x2c: {  	s25 =	simm.s32 $0x680;
	s26 =	sadd.s32 $0x25880, s7;
	[dreg:$0x1e] =	wrdreg s24  }
0x2d: {  	s11 =	simm.s32 $0x80;
	s12 =	sadd.s32 $0x26080, s7;
	[dreg:$0x1f] =	wrdreg s26  }
0x2e: {  	s22 =	simm.s32 $0x600;
	s15 =	sadd.s32 $0x26880, s7;
	[smem:$0x7F1] =	sst s12  }
0x2f: {  	s16 =	sadd.s32 $0x27080, s7;
	s7 =	sadd.s32 $0x3200, s1;
	[smem:$0x7F2] =	sst s15  }
0x30: {  	s9 =	simm.s32 $0x3;
	s10 =	simm.s32 $0x400;
	[smem:$0x7F3] =	sst s16  }
0x31: {  	s1 =	simm.s32 $0xF80;
	s24 =	sadd.s32 $0x130400, s2;
	[dreg:$0x10] =	wrdreg s10  }
0x32: {  	s26 =	sadd.s32 $0x138400, s2;
	s12 =	simm.s32 $0x5000;
	[smem:$0x7FB] =	sst s24  }
0x33: {  	s15 =	simm.s32 $0x480;
	s16 =	simm.s32 $0xC00;
	[smem:$0x7FD] =	sst s26  }
0x34: {  	v0 =	vimm.f32 $0.0e+00;
	s10 =	simm.s32 $0x800;
	s24 =	simm.s32 $0xD80;
	s26 =	simm.s32 $0xE00  }
.LBB2_1:
0x35: {  	s6 =	sand.u32 $0xFE00, s3  }
0x36: {  	s19 =	sand.u32 $0x70, s3;
	s23 =	sshrl.u32 s6, $0x2  }
0x37: {  	s6 =	simm.s32 $0x40;
	s23 =	sor.u32 s19, s23;
	s19 =	simm.s32 $0x0  }
.LBB2_2:
0x38: {  	p1 =	sne.s32 s6, $0xFFC0  }
0x39: {  	[tilespmem:s23+$0x1000] =	vst v0;
	s19 =	sadd.s32 $0x10, s19;
	s23 =	smov.u32 s6;
	s6 =	sadd.s32 $0x40, s6  }
.Ltmp0:
0x3a: {  	(pc) =	sbr.rel @p1 .LBB2_2-.Ltmp0, $4  }
0x3b: {  	_ = 	snop  }
0x3c: {  	s23 =	sand.u32 $0xFE00, s23  }
0x3d: {  	s5 =	sand.u32 $0x70, s19;
	s23 =	sshrl.u32 s23, $0x2  }
0x3e: {  	s23 =	sor.u32 s5, s23  }
0x3f: {  	[tilespmem:s23+$0x1000] =	vst v0;
	s5 =	rddreg [dreg:$0x12]  }
0x40: {  	[spmem:s5] =	stream.linear.scatter [tilespmem:s8], [sflag:$0x3], $0x4000, $0x38;
	[tilespmem:$0x1D000] =	vst v63  }
0x41: {  	_ =	swait.ge [sflag:s9], $0x4000  }
0x42: {  	[sflag:s9] =	ssyncset.done $0x0  }
0x43: {  	s19 =	rddreg [dreg:$0x13];
	[sflag:s9] =	ssyncadd.s32 $0xFFFFC000  }
0x44: {  	[spmem:s19] =	stream.linear.scatter [tilespmem:s8], [sflag:$0x3], $0x4000, $0x38;
	[tilespmem:$0x1D000] =	vst v63  }
0x45: {  	_ =	swait.ge [sflag:s9], $0x4000  }
0x46: {  	s23 =	sld [smem:$0x7F4]  }
0x47: {  	[sflag:s9] =	ssyncset.done $0x0  }
0x48: {  	[sflag:s9] =	ssyncadd.s32 $0xFFFFC000  }
0x49: {  	[spmem:s23] =	stream.linear.scatter [tilespmem:s8], [sflag:$0x3], $0x4000, $0x38;
	[tilespmem:$0x1D000] =	vst v63  }
0x4a: {  	_ =	swait.ge [sflag:s9], $0x4000  }
0x4b: {  	s6 =	sld [smem:$0x7F5]  }
0x4c: {  	[sflag:s9] =	ssyncset.done $0x0  }
0x4d: {  	[sflag:s9] =	ssyncadd.s32 $0xFFFFC000  }
0x4e: {  	[spmem:s6] =	stream.linear.scatter [tilespmem:s8], [sflag:$0x3], $0x4000, $0x38;
	[tilespmem:$0x1D000] =	vst v63  }
0x4f: {  	_ =	swait.ge [sflag:s9], $0x4000  }
0x50: {  	s19 =	sld [smem:$0x7F6]  }
0x51: {  	[sflag:s9] =	ssyncset.done $0x0  }
0x52: {  	[sflag:s9] =	ssyncadd.s32 $0xFFFFC000  }
0x53: {  	[spmem:s19] =	stream.linear.scatter [tilespmem:s8], [sflag:$0x3], $0x4000, $0x38;
	[tilespmem:$0x1D000] =	vst v63  }
0x54: {  	_ =	swait.ge [sflag:s9], $0x4000  }
0x55: {  	[sflag:s9] =	ssyncset.done $0x0  }
0x56: {  	[sflag:s9] =	ssyncadd.s32 $0xFFFFC000  }
0x57: {  	[bflag:$0x0] =	sbarrier.arrive $0xFFFF  }
0x58: {  	[tilespmem:s3], [sflag:$0x3] =	stream.linear.gather [hbm4b:s7+s3], $0x800, $0x38;
	[tilespmem:$0x1D000] =	vst v63  }
0x59: {  	_ =	swait.ge [sflag:s9], $0x800  }
0x5a: {  	s19 =	sld [smem:$0x7F0]  }
0x5b: {  	[sflag:s9] =	ssyncset.done $0x0  }
0x5c: {  	[sflag:s9] =	ssyncadd.s32 $0xFFFFF800  }
0x5d: {  	[tilespmem:s10], [sflag:$0x3] =	stream.linear.gather [hbm4b:s19+s3], $0x800, $0x38;
	[tilespmem:$0x1D000] =	vst v63  }
0x5e: {  	_ =	swait.ge [sflag:s9], $0x800  }
0x5f: {  	[sflag:s9] =	ssyncset.done $0x0  }
0x60: {  	[sflag:s9] =	ssyncadd.s32 $0xFFFFF800  }
0x61: {  	[tilespmem:s8], [sflag:$0x1] =	stream.indirect.gather [hbm4b:s4+s11], $0x80, s3, s11, $0xb8;
	[tilespmem:$0x1D000] =	vst v63  }
0x62: {  	_ = 	snop  }
0x63: {  	[tilespmem:s12], [sflag:$0x2] =	stream.indirect.gather [hbm4b:s4+s11], $0x80, s11, s11, $0xb8;
	[tilespmem:$0x1D000] =	vst v63  }
0x64: {  	_ =	swait.ge [sflag:s13], $0x4000  }
0x65: {  	[sflag:s13] =	ssyncset.done $0x0  }
0x66: {  	[sflag:s13] =	ssyncadd.s32 $0xFFFFC000  }
0x67: {  	[spmem:s2] =	stream.indirect.scatter.add.f32 [tilespmem:s8], [sflag:$0x3], $0x80, s10, s11, $0xb8;
	[tilespmem:$0x1D000] =	vst v63  }
0x68: {  	_ =	swait.ge [sflag:s9], $0x4000  }
0x69: {  	[sflag:s9] =	ssyncset.done $0x0  }
0x6a: {  	s23 =	rddreg [dreg:$0x4];
	[sflag:s9] =	ssyncadd.s32 $0xFFFFC000  }
0x6b: {  	[tilespmem:s8], [sflag:$0x1] =	stream.indirect.gather [hbm4b:s4+s11], $0x80, s23, s11, $0xb8;
	[tilespmem:$0x1D000] =	vst v63  }
0x6c: {  	_ =	swait.ge [sflag:s14], $0x4000  }
0x6d: {  	[sflag:s14] =	ssyncset.done $0x0  }
0x6e: {  	s6 =	rddreg [dreg:$0x5];
	[sflag:s14] =	ssyncadd.s32 $0xFFFFC000  }
0x6f: {  	[spmem:s2] =	stream.indirect.scatter.add.f32 [tilespmem:s12], [sflag:$0x3], $0x80, s6, s11, $0xb8;
	[tilespmem:$0x1D000] =	vst v63  }
0x70: {  	_ =	swait.ge [sflag:s9], $0x4000  }
0x71: {  	[sflag:s9] =	ssyncset.done $0x0  }
0x72: {  	s23 =	rddreg [dreg:$0x6];
	[sflag:s9] =	ssyncadd.s32 $0xFFFFC000  }
0x73: {  	[tilespmem:s12], [sflag:$0x2] =	stream.indirect.gather [hbm4b:s4+s11], $0x80, s23, s11, $0xb8;
	[tilespmem:$0x1D000] =	vst v63  }
0x74: {  	_ =	swait.ge [sflag:s13], $0x4000  }
0x75: {  	[sflag:s13] =	ssyncset.done $0x0  }
0x76: {  	s6 =	rddreg [dreg:$0x7];
	[sflag:s13] =	ssyncadd.s32 $0xFFFFC000  }
0x77: {  	[spmem:s2] =	stream.indirect.scatter.add.f32 [tilespmem:s8], [sflag:$0x3], $0x80, s6, s11, $0xb8;
	[tilespmem:$0x1D000] =	vst v63  }
0x78: {  	_ =	swait.ge [sflag:s9], $0x4000  }
0x79: {  	[sflag:s9] =	ssyncset.done $0x0  }
0x7a: {  	s23 =	rddreg [dreg:$0x8];
	[sflag:s9] =	ssyncadd.s32 $0xFFFFC000  }
0x7b: {  	[tilespmem:s8], [sflag:$0x1] =	stream.indirect.gather [hbm4b:s4+s11], $0x80, s23, s11, $0xb8;
	[tilespmem:$0x1D000] =	vst v63  }
0x7c: {  	_ =	swait.ge [sflag:s14], $0x4000  }
0x7d: {  	[sflag:s14] =	ssyncset.done $0x0  }
0x7e: {  	s6 =	rddreg [dreg:$0x9];
	[sflag:s14] =	ssyncadd.s32 $0xFFFFC000  }
0x7f: {  	[spmem:s2] =	stream.indirect.scatter.add.f32 [tilespmem:s12], [sflag:$0x3], $0x80, s6, s11, $0xb8;
	[tilespmem:$0x1D000] =	vst v63  }
0x80: {  	_ =	swait.ge [sflag:s9], $0x4000  }
0x81: {  	[sflag:s9] =	ssyncset.done $0x0  }
0x82: {  	s23 =	rddreg [dreg:$0xa];
	[sflag:s9] =	ssyncadd.s32 $0xFFFFC000  }
0x83: {  	[tilespmem:s12], [sflag:$0x2] =	stream.indirect.gather [hbm4b:s4+s11], $0x80, s23, s11, $0xb8;
	[tilespmem:$0x1D000] =	vst v63  }
0x84: {  	_ =	swait.ge [sflag:s13], $0x4000  }
0x85: {  	[sflag:s13] =	ssyncset.done $0x0  }
0x86: {  	s6 =	rddreg [dreg:$0xb];
	[sflag:s13] =	ssyncadd.s32 $0xFFFFC000  }
0x87: {  	[spmem:s2] =	stream.indirect.scatter.add.f32 [tilespmem:s8], [sflag:$0x3], $0x80, s6, s11, $0xb8;
	[tilespmem:$0x1D000] =	vst v63  }
0x88: {  	_ =	swait.ge [sflag:s9], $0x4000  }
0x89: {  	[sflag:s9] =	ssyncset.done $0x0  }
0x8a: {  	s23 =	rddreg [dreg:$0xc];
	[sflag:s9] =	ssyncadd.s32 $0xFFFFC000  }
0x8b: {  	[tilespmem:s8], [sflag:$0x1] =	stream.indirect.gather [hbm4b:s4+s11], $0x80, s23, s11, $0xb8;
	[tilespmem:$0x1D000] =	vst v63  }
0x8c: {  	_ =	swait.ge [sflag:s14], $0x4000  }
0x8d: {  	[sflag:s14] =	ssyncset.done $0x0  }
0x8e: {  	s6 =	rddreg [dreg:$0xd];
	[sflag:s14] =	ssyncadd.s32 $0xFFFFC000  }
0x8f: {  	[spmem:s2] =	stream.indirect.scatter.add.f32 [tilespmem:s12], [sflag:$0x3], $0x80, s6, s11, $0xb8;
	[tilespmem:$0x1D000] =	vst v63  }
0x90: {  	_ =	swait.ge [sflag:s9], $0x4000  }
0x91: {  	[sflag:s9] =	ssyncset.done $0x0  }
0x92: {  	s23 =	rddreg [dreg:$0xe];
	[sflag:s9] =	ssyncadd.s32 $0xFFFFC000  }
0x93: {  	[tilespmem:s12], [sflag:$0x2] =	stream.indirect.gather [hbm4b:s4+s11], $0x80, s23, s11, $0xb8;
	[tilespmem:$0x1D000] =	vst v63  }
0x94: {  	_ =	swait.ge [sflag:s13], $0x4000  }
0x95: {  	[sflag:s13] =	ssyncset.done $0x0  }
0x96: {  	s6 =	rddreg [dreg:$0xf];
	[sflag:s13] =	ssyncadd.s32 $0xFFFFC000  }
0x97: {  	[spmem:s2] =	stream.indirect.scatter.add.f32 [tilespmem:s8], [sflag:$0x3], $0x80, s6, s11, $0xb8;
	[tilespmem:$0x1D000] =	vst v63  }
0x98: {  	_ =	swait.ge [sflag:s9], $0x4000  }
0x99: {  	[sflag:s9] =	ssyncset.done $0x0  }
0x9a: {  	s23 =	rddreg [dreg:$0x10];
	[sflag:s9] =	ssyncadd.s32 $0xFFFFC000  }
0x9b: {  	[tilespmem:s8], [sflag:$0x1] =	stream.indirect.gather [hbm4b:s4+s11], $0x80, s23, s11, $0xb8;
	[tilespmem:$0x1D000] =	vst v63  }
0x9c: {  	_ =	swait.ge [sflag:s14], $0x4000  }
0x9d: {  	[sflag:s14] =	ssyncset.done $0x0  }
0x9e: {  	s6 =	rddreg [dreg:$0x11];
	[sflag:s14] =	ssyncadd.s32 $0xFFFFC000  }
0x9f: {  	[spmem:s2] =	stream.indirect.scatter.add.f32 [tilespmem:s12], [sflag:$0x3], $0x80, s6, s11, $0xb8;
	[tilespmem:$0x1D000] =	vst v63  }
0xa0: {  	_ =	swait.ge [sflag:s9], $0x4000  }
0xa1: {  	[sflag:s9] =	ssyncset.done $0x0  }
0xa2: {  	[sflag:s9] =	ssyncadd.s32 $0xFFFFC000  }
0xa3: {  	[tilespmem:s12], [sflag:$0x2] =	stream.indirect.gather [hbm4b:s4+s11], $0x80, s15, s11, $0xb8;
	[tilespmem:$0x1D000] =	vst v63  }
0xa4: {  	_ =	swait.ge [sflag:s13], $0x4000  }
0xa5: {  	[sflag:s13] =	ssyncset.done $0x0  }
0xa6: {  	[sflag:s13] =	ssyncadd.s32 $0xFFFFC000  }
0xa7: {  	[spmem:s2] =	stream.indirect.scatter.add.f32 [tilespmem:s8], [sflag:$0x3], $0x80, s16, s11, $0xb8;
	[tilespmem:$0x1D000] =	vst v63  }
0xa8: {  	_ =	swait.ge [sflag:s9], $0x4000  }
0xa9: {  	[sflag:s9] =	ssyncset.done $0x0  }
0xaa: {  	[sflag:s9] =	ssyncadd.s32 $0xFFFFC000  }
0xab: {  	[tilespmem:s8], [sflag:$0x1] =	stream.indirect.gather [hbm4b:s4+s11], $0x80, s17, s11, $0xb8;
	[tilespmem:$0x1D000] =	vst v63  }
0xac: {  	_ =	swait.ge [sflag:s14], $0x4000  }
0xad: {  	[sflag:s14] =	ssyncset.done $0x0  }
0xae: {  	[sflag:s14] =	ssyncadd.s32 $0xFFFFC000  }
0xaf: {  	[spmem:s2] =	stream.indirect.scatter.add.f32 [tilespmem:s12], [sflag:$0x3], $0x80, s18, s11, $0xb8;
	[tilespmem:$0x1D000] =	vst v63  }
0xb0: {  	_ =	swait.ge [sflag:s9], $0x4000  }
0xb1: {  	[sflag:s9] =	ssyncset.done $0x0  }
0xb2: {  	[sflag:s9] =	ssyncadd.s32 $0xFFFFC000  }
0xb3: {  	[tilespmem:s12], [sflag:$0x2] =	stream.indirect.gather [hbm4b:s4+s11], $0x80, s20, s11, $0xb8;
	[tilespmem:$0x1D000] =	vst v63  }
0xb4: {  	_ =	swait.ge [sflag:s13], $0x4000  }
0xb5: {  	[sflag:s13] =	ssyncset.done $0x0  }
0xb6: {  	[sflag:s13] =	ssyncadd.s32 $0xFFFFC000  }
0xb7: {  	[spmem:s2] =	stream.indirect.scatter.add.f32 [tilespmem:s8], [sflag:$0x3], $0x80, s21, s11, $0xb8;
	[tilespmem:$0x1D000] =	vst v63  }
0xb8: {  	_ =	swait.ge [sflag:s9], $0x4000  }
0xb9: {  	[sflag:s9] =	ssyncset.done $0x0  }
0xba: {  	[sflag:s9] =	ssyncadd.s32 $0xFFFFC000  }
0xbb: {  	[tilespmem:s8], [sflag:$0x1] =	stream.indirect.gather [hbm4b:s4+s11], $0x80, s22, s11, $0xb8;
	[tilespmem:$0x1D000] =	vst v63  }
0xbc: {  	_ =	swait.ge [sflag:s14], $0x4000  }
0xbd: {  	[sflag:s14] =	ssyncset.done $0x0  }
0xbe: {  	[sflag:s14] =	ssyncadd.s32 $0xFFFFC000  }
0xbf: {  	[spmem:s2] =	stream.indirect.scatter.add.f32 [tilespmem:s12], [sflag:$0x3], $0x80, s24, s11, $0xb8;
	[tilespmem:$0x1D000] =	vst v63  }
0xc0: {  	_ =	swait.ge [sflag:s9], $0x4000  }
0xc1: {  	[sflag:s9] =	ssyncset.done $0x0  }
0xc2: {  	[sflag:s9] =	ssyncadd.s32 $0xFFFFC000  }
0xc3: {  	[tilespmem:s12], [sflag:$0x2] =	stream.indirect.gather [hbm4b:s4+s11], $0x80, s25, s11, $0xb8;
	[tilespmem:$0x1D000] =	vst v63  }
0xc4: {  	_ =	swait.ge [sflag:s13], $0x4000  }
0xc5: {  	[sflag:s13] =	ssyncset.done $0x0  }
0xc6: {  	[sflag:s13] =	ssyncadd.s32 $0xFFFFC000  }
0xc7: {  	[spmem:s2] =	stream.indirect.scatter.add.f32 [tilespmem:s8], [sflag:$0x3], $0x80, s26, s11, $0xb8;
	[tilespmem:$0x1D000] =	vst v63  }
0xc8: {  	_ =	swait.ge [sflag:s9], $0x4000  }
0xc9: {  	[sflag:s9] =	ssyncset.done $0x0  }
0xca: {  	[sflag:s9] =	ssyncadd.s32 $0xFFFFC000  }
0xcb: {  	[tilespmem:s8], [sflag:$0x1] =	stream.indirect.gather [hbm4b:s4+s11], $0x80, s28, s11, $0xb8;
	[tilespmem:$0x1D000] =	vst v63  }
0xcc: {  	_ =	swait.ge [sflag:s14], $0x4000  }
0xcd: {  	[sflag:s14] =	ssyncset.done $0x0  }
0xce: {  	[sflag:s14] =	ssyncadd.s32 $0xFFFFC000  }
0xcf: {  	[spmem:s2] =	stream.indirect.scatter.add.f32 [tilespmem:s12], [sflag:$0x3], $0x80, s29, s11, $0xb8;
	[tilespmem:$0x1D000] =	vst v63  }
0xd0: {  	_ =	swait.ge [sflag:s9], $0x4000  }
0xd1: {  	[sflag:s9] =	ssyncset.done $0x0  }
0xd2: {  	[sflag:s9] =	ssyncadd.s32 $0xFFFFC000  }
0xd3: {  	[tilespmem:s12], [sflag:$0x2] =	stream.indirect.gather [hbm4b:s4+s11], $0x80, s30, s11, $0xb8;
	[tilespmem:$0x1D000] =	vst v63  }
0xd4: {  	_ =	swait.ge [sflag:s13], $0x4000  }
0xd5: {  	[sflag:s13] =	ssyncset.done $0x0  }
0xd6: {  	[sflag:s13] =	ssyncadd.s32 $0xFFFFC000  }
0xd7: {  	[spmem:s2] =	stream.indirect.scatter.add.f32 [tilespmem:s8], [sflag:$0x3], $0x80, s31, s11, $0xb8;
	[tilespmem:$0x1D000] =	vst v63  }
0xd8: {  	_ =	swait.ge [sflag:s9], $0x4000  }
0xd9: {  	[sflag:s9] =	ssyncset.done $0x0  }
0xda: {  	[sflag:s9] =	ssyncadd.s32 $0xFFFFC000  }
0xdb: {  	_ =	swait.ge [sflag:s14], $0x4000  }
0xdc: {  	s23 =	rddreg [dreg:$0x14]  }
0xdd: {  	p1 =	sne.s32 s23, $0x1  }
.Ltmp1:
0xde: {  	[sflag:s14] =	ssyncset.done $0x0;
	(pc) =	sbr.rel @!p1 .LBB2_5-.Ltmp1, $4  }
0xdf: {  	[sflag:s14] =	ssyncadd.s32 $0xFFFFC000  }
0xe0: {  	[spmem:s2] =	stream.indirect.scatter.add.f32 [tilespmem:s12], [sflag:$0x3], $0x80, s1, s11, $0xb8;
	[tilespmem:$0x1D000] =	vst v63  }
0xe1: {  	_ =	swait.ge [sflag:s9], $0x4000  }
0xe2: {  	s6 =	sadd.s32 $0xFFFFFFFF, s23;
	s23 =	smov.u32 s7;
	[sflag:s9] =	ssyncset.done $0x0  }
.LBB2_4:
0xe3: {  	[sflag:s9] =	ssyncadd.s32 $0xFFFFC000;
	s23 =	sadd.s32 $0x100, s23  }
0xe4: {  	[tilespmem:s3], [sflag:$0x3] =	stream.linear.gather [hbm4b:s23+s3], $0x800, $0x38;
	[tilespmem:$0x1D000] =	vst v63  }
0xe5: {  	_ =	swait.ge [sflag:s9], $0x800  }
0xe6: {  	[sflag:s9] =	ssyncset.done $0x0  }
0xe7: {  	s19 =	sadd.s32 $0x100, s19;
	[sflag:s9] =	ssyncadd.s32 $0xFFFFF800  }
0xe8: {  	[tilespmem:s10], [sflag:$0x3] =	stream.linear.gather [hbm4b:s19+s3], $0x800, $0x38;
	[tilespmem:$0x1D000] =	vst v63  }
0xe9: {  	_ =	swait.ge [sflag:s9], $0x800  }
0xea: {  	[sflag:s9] =	ssyncset.done $0x0  }
0xeb: {  	[sflag:s9] =	ssyncadd.s32 $0xFFFFF800  }
0xec: {  	[tilespmem:s8], [sflag:$0x1] =	stream.indirect.gather [hbm4b:s4+s11], $0x80, s3, s11, $0xb8;
	[tilespmem:$0x1D000] =	vst v63  }
0xed: {  	_ = 	snop  }
0xee: {  	[tilespmem:s12], [sflag:$0x2] =	stream.indirect.gather [hbm4b:s4+s11], $0x80, s11, s11, $0xb8;
	[tilespmem:$0x1D000] =	vst v63  }
0xef: {  	_ =	swait.ge [sflag:s13], $0x4000  }
0xf0: {  	[sflag:s13] =	ssyncset.done $0x0  }
0xf1: {  	[sflag:s13] =	ssyncadd.s32 $0xFFFFC000  }
0xf2: {  	[spmem:s2] =	stream.indirect.scatter.add.f32 [tilespmem:s8], [sflag:$0x3], $0x80, s10, s11, $0xb8;
	[tilespmem:$0x1D000] =	vst v63  }
0xf3: {  	_ =	swait.ge [sflag:s9], $0x4000  }
0xf4: {  	[sflag:s9] =	ssyncset.done $0x0  }
0xf5: {  	s5 =	rddreg [dreg:$0x4];
	[sflag:s9] =	ssyncadd.s32 $0xFFFFC000  }
0xf6: {  	[tilespmem:s8], [sflag:$0x1] =	stream.indirect.gather [hbm4b:s4+s11], $0x80, s5, s11, $0xb8;
	[tilespmem:$0x1D000] =	vst v63  }
0xf7: {  	_ =	swait.ge [sflag:s14], $0x4000  }
0xf8: {  	[sflag:s14] =	ssyncset.done $0x0  }
0xf9: {  	s5 =	rddreg [dreg:$0x5];
	[sflag:s14] =	ssyncadd.s32 $0xFFFFC000  }
0xfa: {  	[spmem:s2] =	stream.indirect.scatter.add.f32 [tilespmem:s12], [sflag:$0x3], $0x80, s5, s11, $0xb8;
	[tilespmem:$0x1D000] =	vst v63  }
0xfb: {  	_ =	swait.ge [sflag:s9], $0x4000  }
0xfc: {  	[sflag:s9] =	ssyncset.done $0x0  }
0xfd: {  	s5 =	rddreg [dreg:$0x6];
	[sflag:s9] =	ssyncadd.s32 $0xFFFFC000  }
0xfe: {  	[tilespmem:s12], [sflag:$0x2] =	stream.indirect.gather [hbm4b:s4+s11], $0x80, s5, s11, $0xb8;
	[tilespmem:$0x1D000] =	vst v63  }
0xff: {  	_ =	swait.ge [sflag:s13], $0x4000  }
0x100: {  	[sflag:s13] =	ssyncset.done $0x0  }
0x101: {  	s5 =	rddreg [dreg:$0x7];
	[sflag:s13] =	ssyncadd.s32 $0xFFFFC000  }
0x102: {  	[spmem:s2] =	stream.indirect.scatter.add.f32 [tilespmem:s8], [sflag:$0x3], $0x80, s5, s11, $0xb8;
	[tilespmem:$0x1D000] =	vst v63  }
0x103: {  	_ =	swait.ge [sflag:s9], $0x4000  }
0x104: {  	[sflag:s9] =	ssyncset.done $0x0  }
0x105: {  	s5 =	rddreg [dreg:$0x8];
	[sflag:s9] =	ssyncadd.s32 $0xFFFFC000  }
0x106: {  	[tilespmem:s8], [sflag:$0x1] =	stream.indirect.gather [hbm4b:s4+s11], $0x80, s5, s11, $0xb8;
	[tilespmem:$0x1D000] =	vst v63  }
0x107: {  	_ =	swait.ge [sflag:s14], $0x4000  }
0x108: {  	[sflag:s14] =	ssyncset.done $0x0  }
0x109: {  	s5 =	rddreg [dreg:$0x9];
	[sflag:s14] =	ssyncadd.s32 $0xFFFFC000  }
0x10a: {  	[spmem:s2] =	stream.indirect.scatter.add.f32 [tilespmem:s12], [sflag:$0x3], $0x80, s5, s11, $0xb8;
	[tilespmem:$0x1D000] =	vst v63  }
0x10b: {  	_ =	swait.ge [sflag:s9], $0x4000  }
0x10c: {  	[sflag:s9] =	ssyncset.done $0x0  }
0x10d: {  	s5 =	rddreg [dreg:$0xa];
	[sflag:s9] =	ssyncadd.s32 $0xFFFFC000  }
0x10e: {  	[tilespmem:s12], [sflag:$0x2] =	stream.indirect.gather [hbm4b:s4+s11], $0x80, s5, s11, $0xb8;
	[tilespmem:$0x1D000] =	vst v63  }
0x10f: {  	_ =	swait.ge [sflag:s13], $0x4000  }
0x110: {  	[sflag:s13] =	ssyncset.done $0x0  }
0x111: {  	s5 =	rddreg [dreg:$0xb];
	[sflag:s13] =	ssyncadd.s32 $0xFFFFC000  }
0x112: {  	[spmem:s2] =	stream.indirect.scatter.add.f32 [tilespmem:s8], [sflag:$0x3], $0x80, s5, s11, $0xb8;
	[tilespmem:$0x1D000] =	vst v63  }
0x113: {  	_ =	swait.ge [sflag:s9], $0x4000  }
0x114: {  	[sflag:s9] =	ssyncset.done $0x0  }
0x115: {  	s5 =	rddreg [dreg:$0xc];
	[sflag:s9] =	ssyncadd.s32 $0xFFFFC000  }
0x116: {  	[tilespmem:s8], [sflag:$0x1] =	stream.indirect.gather [hbm4b:s4+s11], $0x80, s5, s11, $0xb8;
	[tilespmem:$0x1D000] =	vst v63  }
0x117: {  	_ =	swait.ge [sflag:s14], $0x4000  }
0x118: {  	[sflag:s14] =	ssyncset.done $0x0  }
0x119: {  	s5 =	rddreg [dreg:$0xd];
	[sflag:s14] =	ssyncadd.s32 $0xFFFFC000  }
0x11a: {  	[spmem:s2] =	stream.indirect.scatter.add.f32 [tilespmem:s12], [sflag:$0x3], $0x80, s5, s11, $0xb8;
	[tilespmem:$0x1D000] =	vst v63  }
0x11b: {  	_ =	swait.ge [sflag:s9], $0x4000  }
0x11c: {  	[sflag:s9] =	ssyncset.done $0x0  }
0x11d: {  	s5 =	rddreg [dreg:$0xe];
	[sflag:s9] =	ssyncadd.s32 $0xFFFFC000  }
0x11e: {  	[tilespmem:s12], [sflag:$0x2] =	stream.indirect.gather [hbm4b:s4+s11], $0x80, s5, s11, $0xb8;
	[tilespmem:$0x1D000] =	vst v63  }
0x11f: {  	_ =	swait.ge [sflag:s13], $0x4000  }
0x120: {  	[sflag:s13] =	ssyncset.done $0x0  }
0x121: {  	s5 =	rddreg [dreg:$0xf];
	[sflag:s13] =	ssyncadd.s32 $0xFFFFC000  }
0x122: {  	[spmem:s2] =	stream.indirect.scatter.add.f32 [tilespmem:s8], [sflag:$0x3], $0x80, s5, s11, $0xb8;
	[tilespmem:$0x1D000] =	vst v63  }
0x123: {  	_ =	swait.ge [sflag:s9], $0x4000  }
0x124: {  	[sflag:s9] =	ssyncset.done $0x0  }
0x125: {  	s5 =	rddreg [dreg:$0x10];
	[sflag:s9] =	ssyncadd.s32 $0xFFFFC000  }
0x126: {  	[tilespmem:s8], [sflag:$0x1] =	stream.indirect.gather [hbm4b:s4+s11], $0x80, s5, s11, $0xb8;
	[tilespmem:$0x1D000] =	vst v63  }
0x127: {  	_ =	swait.ge [sflag:s14], $0x4000  }
0x128: {  	[sflag:s14] =	ssyncset.done $0x0  }
0x129: {  	s5 =	rddreg [dreg:$0x11];
	[sflag:s14] =	ssyncadd.s32 $0xFFFFC000  }
0x12a: {  	[spmem:s2] =	stream.indirect.scatter.add.f32 [tilespmem:s12], [sflag:$0x3], $0x80, s5, s11, $0xb8;
	[tilespmem:$0x1D000] =	vst v63  }
0x12b: {  	_ =	swait.ge [sflag:s9], $0x4000  }
0x12c: {  	[sflag:s9] =	ssyncset.done $0x0  }
0x12d: {  	[sflag:s9] =	ssyncadd.s32 $0xFFFFC000  }
0x12e: {  	[tilespmem:s12], [sflag:$0x2] =	stream.indirect.gather [hbm4b:s4+s11], $0x80, s15, s11, $0xb8;
	[tilespmem:$0x1D000] =	vst v63  }
0x12f: {  	_ =	swait.ge [sflag:s13], $0x4000  }
0x130: {  	[sflag:s13] =	ssyncset.done $0x0  }
0x131: {  	[sflag:s13] =	ssyncadd.s32 $0xFFFFC000  }
0x132: {  	[spmem:s2] =	stream.indirect.scatter.add.f32 [tilespmem:s8], [sflag:$0x3], $0x80, s16, s11, $0xb8;
	[tilespmem:$0x1D000] =	vst v63  }
0x133: {  	_ =	swait.ge [sflag:s9], $0x4000  }
0x134: {  	[sflag:s9] =	ssyncset.done $0x0  }
0x135: {  	[sflag:s9] =	ssyncadd.s32 $0xFFFFC000  }
0x136: {  	[tilespmem:s8], [sflag:$0x1] =	stream.indirect.gather [hbm4b:s4+s11], $0x80, s17, s11, $0xb8;
	[tilespmem:$0x1D000] =	vst v63  }
0x137: {  	_ =	swait.ge [sflag:s14], $0x4000  }
0x138: {  	[sflag:s14] =	ssyncset.done $0x0  }
0x139: {  	[sflag:s14] =	ssyncadd.s32 $0xFFFFC000  }
0x13a: {  	[spmem:s2] =	stream.indirect.scatter.add.f32 [tilespmem:s12], [sflag:$0x3], $0x80, s18, s11, $0xb8;
	[tilespmem:$0x1D000] =	vst v63  }
0x13b: {  	_ =	swait.ge [sflag:s9], $0x4000  }
0x13c: {  	[sflag:s9] =	ssyncset.done $0x0  }
0x13d: {  	[sflag:s9] =	ssyncadd.s32 $0xFFFFC000  }
0x13e: {  	[tilespmem:s12], [sflag:$0x2] =	stream.indirect.gather [hbm4b:s4+s11], $0x80, s20, s11, $0xb8;
	[tilespmem:$0x1D000] =	vst v63  }
0x13f: {  	_ =	swait.ge [sflag:s13], $0x4000  }
0x140: {  	[sflag:s13] =	ssyncset.done $0x0  }
0x141: {  	[sflag:s13] =	ssyncadd.s32 $0xFFFFC000  }
0x142: {  	[spmem:s2] =	stream.indirect.scatter.add.f32 [tilespmem:s8], [sflag:$0x3], $0x80, s21, s11, $0xb8;
	[tilespmem:$0x1D000] =	vst v63  }
0x143: {  	_ =	swait.ge [sflag:s9], $0x4000  }
0x144: {  	[sflag:s9] =	ssyncset.done $0x0  }
0x145: {  	[sflag:s9] =	ssyncadd.s32 $0xFFFFC000  }
0x146: {  	[tilespmem:s8], [sflag:$0x1] =	stream.indirect.gather [hbm4b:s4+s11], $0x80, s22, s11, $0xb8;
	[tilespmem:$0x1D000] =	vst v63  }
0x147: {  	_ =	swait.ge [sflag:s14], $0x4000  }
0x148: {  	[sflag:s14] =	ssyncset.done $0x0  }
0x149: {  	[sflag:s14] =	ssyncadd.s32 $0xFFFFC000  }
0x14a: {  	[spmem:s2] =	stream.indirect.scatter.add.f32 [tilespmem:s12], [sflag:$0x3], $0x80, s24, s11, $0xb8;
	[tilespmem:$0x1D000] =	vst v63  }
0x14b: {  	_ =	swait.ge [sflag:s9], $0x4000  }
0x14c: {  	[sflag:s9] =	ssyncset.done $0x0  }
0x14d: {  	[sflag:s9] =	ssyncadd.s32 $0xFFFFC000  }
0x14e: {  	[tilespmem:s12], [sflag:$0x2] =	stream.indirect.gather [hbm4b:s4+s11], $0x80, s25, s11, $0xb8;
	[tilespmem:$0x1D000] =	vst v63  }
0x14f: {  	_ =	swait.ge [sflag:s13], $0x4000  }
0x150: {  	[sflag:s13] =	ssyncset.done $0x0  }
0x151: {  	[sflag:s13] =	ssyncadd.s32 $0xFFFFC000  }
0x152: {  	[spmem:s2] =	stream.indirect.scatter.add.f32 [tilespmem:s8], [sflag:$0x3], $0x80, s26, s11, $0xb8;
	[tilespmem:$0x1D000] =	vst v63  }
0x153: {  	_ =	swait.ge [sflag:s9], $0x4000  }
0x154: {  	[sflag:s9] =	ssyncset.done $0x0  }
0x155: {  	[sflag:s9] =	ssyncadd.s32 $0xFFFFC000  }
0x156: {  	[tilespmem:s8], [sflag:$0x1] =	stream.indirect.gather [hbm4b:s4+s11], $0x80, s28, s11, $0xb8;
	[tilespmem:$0x1D000] =	vst v63  }
0x157: {  	_ =	swait.ge [sflag:s14], $0x4000  }
0x158: {  	[sflag:s14] =	ssyncset.done $0x0  }
0x159: {  	[sflag:s14] =	ssyncadd.s32 $0xFFFFC000  }
0x15a: {  	[spmem:s2] =	stream.indirect.scatter.add.f32 [tilespmem:s12], [sflag:$0x3], $0x80, s29, s11, $0xb8;
	[tilespmem:$0x1D000] =	vst v63  }
0x15b: {  	_ =	swait.ge [sflag:s9], $0x4000  }
0x15c: {  	[sflag:s9] =	ssyncset.done $0x0  }
0x15d: {  	[sflag:s9] =	ssyncadd.s32 $0xFFFFC000  }
0x15e: {  	[tilespmem:s12], [sflag:$0x2] =	stream.indirect.gather [hbm4b:s4+s11], $0x80, s30, s11, $0xb8;
	[tilespmem:$0x1D000] =	vst v63  }
0x15f: {  	_ =	swait.ge [sflag:s13], $0x4000  }
0x160: {  	[sflag:s13] =	ssyncset.done $0x0  }
0x161: {  	[sflag:s13] =	ssyncadd.s32 $0xFFFFC000  }
0x162: {  	[spmem:s2] =	stream.indirect.scatter.add.f32 [tilespmem:s8], [sflag:$0x3], $0x80, s31, s11, $0xb8;
	[tilespmem:$0x1D000] =	vst v63  }
0x163: {  	_ =	swait.ge [sflag:s9], $0x4000  }
0x164: {  	[sflag:s9] =	ssyncset.done $0x0  }
0x165: {  	[sflag:s9] =	ssyncadd.s32 $0xFFFFC000  }
0x166: {  	p1 =	sne.s32 s6, $0x1;
	_ =	swait.ge [sflag:s14], $0x4000  }
.Ltmp2:
0x167: {  	[sflag:s14] =	ssyncset.done $0x0;
	(pc) =	sbr.rel @p1 .LBB2_4-.Ltmp2, $4  }
0x168: {  	[sflag:s14] =	ssyncadd.s32 $0xFFFFC000  }
0x169: {  	[spmem:s2] =	stream.indirect.scatter.add.f32 [tilespmem:s12], [sflag:$0x3], $0x80, s1, s11, $0xb8;
	[tilespmem:$0x1D000] =	vst v63  }
0x16a: {  	_ =	swait.ge [sflag:s9], $0x4000  }
0x16b: {  	s6 =	sadd.s32 $0xFFFFFFFF, s6;
	[sflag:s9] =	ssyncset.done $0x0  }
.LBB2_5:
0x16c: {  	[sflag:s9] =	ssyncadd.s32 $0xFFFFC000  }
0x16d: {  	[bflag:$0x0] =	sbarrier.arrive $0xFFFF  }
0x16e: {  	s6 =	sld [smem:$0x7F8];
	_ =	sdelay $0x1  }
0x16f: {  	s5 =	simm.s32 @p0 $0x1000  }
0x170: {  	[tilespmem:s5], [sflag:$0x3] =	stream.linear.gather @p0 [spmem:s6], $0x4000, $0x38;
	[tilespmem:$0x1D000] =	vst v63  }
0x171: {  	s6 =	simm.s32 @p0 $0x3  }
0x172: {  	_ =	swait.ge @p0 [sflag:s6], $0x4000  }
0x173: {  	[sflag:s6] =	ssyncset.done @p0 $0x0  }
0x174: {  	s19 =	simm.s32 @p0 $0x0;
	s23 =	rddreg [dreg:$0x1e];
	[sflag:s6] =	ssyncadd.s32 @p0 $0xFFFFC000  }
0x175: {  	[hbm4b:s23+s19] =	stream.linear.scatter @p0 [tilespmem:s5], [sflag:$0x3], $0x4000, $0x38;
	[tilespmem:$0x1D000] =	vst v63  }
0x176: {  	_ =	swait.ge @p0 [sflag:s6], $0x4000  }
0x177: {  	s23 =	sld [smem:$0x7F9]  }
0x178: {  	[sflag:s6] =	ssyncset.done @p0 $0x0  }
0x179: {  	[sflag:s6] =	ssyncadd.s32 @p0 $0xFFFFC000  }
0x17a: {  	[tilespmem:s5], [sflag:$0x3] =	stream.linear.gather @p0 [spmem:s23], $0x4000, $0x38;
	[tilespmem:$0x1D000] =	vst v63  }
0x17b: {  	_ =	swait.ge @p0 [sflag:s6], $0x4000  }
0x17c: {  	[sflag:s6] =	ssyncset.done @p0 $0x0  }
0x17d: {  	s23 =	rddreg [dreg:$0x1f];
	[sflag:s6] =	ssyncadd.s32 @p0 $0xFFFFC000  }
0x17e: {  	[hbm4b:s23+s19] =	stream.linear.scatter @p0 [tilespmem:s5], [sflag:$0x3], $0x4000, $0x38;
	[tilespmem:$0x1D000] =	vst v63  }
0x17f: {  	_ =	swait.ge @p0 [sflag:s6], $0x4000  }
0x180: {  	s23 =	sld [smem:$0x7FB]  }
0x181: {  	[sflag:s6] =	ssyncset.done @p0 $0x0  }
0x182: {  	[sflag:s6] =	ssyncadd.s32 @p0 $0xFFFFC000  }
0x183: {  	[tilespmem:s5], [sflag:$0x3] =	stream.linear.gather @p0 [spmem:s23], $0x4000, $0x38;
	[tilespmem:$0x1D000] =	vst v63  }
0x184: {  	_ =	swait.ge @p0 [sflag:s6], $0x4000  }
0x185: {  	s23 =	sld [smem:$0x7F1]  }
0x186: {  	[sflag:s6] =	ssyncset.done @p0 $0x0  }
0x187: {  	[sflag:s6] =	ssyncadd.s32 @p0 $0xFFFFC000  }
0x188: {  	[hbm4b:s23+s19] =	stream.linear.scatter @p0 [tilespmem:s5], [sflag:$0x3], $0x4000, $0x38;
	[tilespmem:$0x1D000] =	vst v63  }
0x189: {  	_ =	swait.ge @p0 [sflag:s6], $0x4000  }
0x18a: {  	s23 =	sld [smem:$0x7FC]  }
0x18b: {  	[sflag:s6] =	ssyncset.done @p0 $0x0  }
0x18c: {  	[sflag:s6] =	ssyncadd.s32 @p0 $0xFFFFC000  }
0x18d: {  	[tilespmem:s5], [sflag:$0x3] =	stream.linear.gather @p0 [spmem:s23], $0x4000, $0x38;
	[tilespmem:$0x1D000] =	vst v63  }
0x18e: {  	_ =	swait.ge @p0 [sflag:s6], $0x4000  }
0x18f: {  	s23 =	sld [smem:$0x7F2]  }
0x190: {  	[sflag:s6] =	ssyncset.done @p0 $0x0  }
0x191: {  	[sflag:s6] =	ssyncadd.s32 @p0 $0xFFFFC000  }
0x192: {  	[hbm4b:s23+s19] =	stream.linear.scatter @p0 [tilespmem:s5], [sflag:$0x3], $0x4000, $0x38;
	[tilespmem:$0x1D000] =	vst v63  }
0x193: {  	_ =	swait.ge @p0 [sflag:s6], $0x4000  }
0x194: {  	s23 =	sld [smem:$0x7FD]  }
0x195: {  	[sflag:s6] =	ssyncset.done @p0 $0x0  }
0x196: {  	[sflag:s6] =	ssyncadd.s32 @p0 $0xFFFFC000  }
0x197: {  	[tilespmem:s5], [sflag:$0x3] =	stream.linear.gather @p0 [spmem:s23], $0x400, $0x38;
	[tilespmem:$0x1D000] =	vst v63  }
0x198: {  	_ =	swait.ge @p0 [sflag:s6], $0x400  }
0x199: {  	s23 =	sld [smem:$0x7F3]  }
0x19a: {  	[sflag:s6] =	ssyncset.done @p0 $0x0  }
0x19b: {  	[sflag:s6] =	ssyncadd.s32 @p0 $0xFFFFFC00  }
0x19c: {  	[hbm4b:s23+s19] =	stream.linear.scatter @p0 [tilespmem:s5], [sflag:$0x3], $0x400, $0x38;
	[tilespmem:$0x1D000] =	vst v63  }
0x19d: {  	_ =	swait.ge @p0 [sflag:s6], $0x400  }
0x19e: {  	[sflag:s6] =	ssyncset.done @p0 $0x0  }
0x19f: {  	s5 =	simm.s32 @!p0 $0x1000;
	[sflag:s6] =	ssyncadd.s32 @p0 $0xFFFFFC00;
	s6 =	rddreg [dreg:$0x15]  }
0x1a0: {  	[tilespmem:s5], [sflag:$0x3] =	stream.linear.gather @!p0 [spmem:s6], $0x4000, $0x38;
	[tilespmem:$0x1D000] =	vst v63  }
0x1a1: {  	s6 =	simm.s32 @!p0 $0x3  }
0x1a2: {  	_ =	swait.ge @!p0 [sflag:s6], $0x4000  }
0x1a3: {  	[sflag:s6] =	ssyncset.done @!p0 $0x0  }
0x1a4: {  	s19 =	simm.s32 @!p0 $0x0;
	s23 =	rddreg [dreg:$0x16];
	[sflag:s6] =	ssyncadd.s32 @!p0 $0xFFFFC000  }
0x1a5: {  	[hbm4b:s23+s19] =	stream.linear.scatter @!p0 [tilespmem:s5], [sflag:$0x3], $0x4000, $0x38;
	[tilespmem:$0x1D000] =	vst v63  }
0x1a6: {  	_ =	swait.ge @!p0 [sflag:s6], $0x4000  }
0x1a7: {  	[sflag:s6] =	ssyncset.done @!p0 $0x0  }
0x1a8: {  	s23 =	rddreg [dreg:$0x17];
	[sflag:s6] =	ssyncadd.s32 @!p0 $0xFFFFC000  }
0x1a9: {  	[tilespmem:s5], [sflag:$0x3] =	stream.linear.gather @!p0 [spmem:s23], $0x4000, $0x38;
	[tilespmem:$0x1D000] =	vst v63  }
0x1aa: {  	_ =	swait.ge @!p0 [sflag:s6], $0x4000  }
0x1ab: {  	[sflag:s6] =	ssyncset.done @!p0 $0x0  }
0x1ac: {  	s23 =	rddreg [dreg:$0x18];
	[sflag:s6] =	ssyncadd.s32 @!p0 $0xFFFFC000  }
0x1ad: {  	[hbm4b:s23+s19] =	stream.linear.scatter @!p0 [tilespmem:s5], [sflag:$0x3], $0x4000, $0x38;
	[tilespmem:$0x1D000] =	vst v63  }
0x1ae: {  	_ =	swait.ge @!p0 [sflag:s6], $0x4000  }
0x1af: {  	[sflag:s6] =	ssyncset.done @!p0 $0x0  }
0x1b0: {  	s23 =	rddreg [dreg:$0x19];
	[sflag:s6] =	ssyncadd.s32 @!p0 $0xFFFFC000  }
0x1b1: {  	[tilespmem:s5], [sflag:$0x3] =	stream.linear.gather @!p0 [spmem:s23], $0x4000, $0x38;
	[tilespmem:$0x1D000] =	vst v63  }
0x1b2: {  	_ =	swait.ge @!p0 [sflag:s6], $0x4000  }
0x1b3: {  	[sflag:s6] =	ssyncset.done @!p0 $0x0  }
0x1b4: {  	s23 =	rddreg [dreg:$0x1a];
	[sflag:s6] =	ssyncadd.s32 @!p0 $0xFFFFC000  }
0x1b5: {  	[hbm4b:s23+s19] =	stream.linear.scatter @!p0 [tilespmem:s5], [sflag:$0x3], $0x4000, $0x38;
	[tilespmem:$0x1D000] =	vst v63  }
0x1b6: {  	_ =	swait.ge @!p0 [sflag:s6], $0x4000  }
0x1b7: {  	[sflag:s6] =	ssyncset.done @!p0 $0x0  }
0x1b8: {  	s23 =	rddreg [dreg:$0x1b];
	[sflag:s6] =	ssyncadd.s32 @!p0 $0xFFFFC000  }
0x1b9: {  	[tilespmem:s5], [sflag:$0x3] =	stream.linear.gather @!p0 [spmem:s23], $0x4000, $0x38;
	[tilespmem:$0x1D000] =	vst v63  }
0x1ba: {  	_ =	swait.ge @!p0 [sflag:s6], $0x4000  }
0x1bb: {  	[sflag:s6] =	ssyncset.done @!p0 $0x0  }
0x1bc: {  	s23 =	rddreg [dreg:$0x1c];
	[sflag:s6] =	ssyncadd.s32 @!p0 $0xFFFFC000  }
0x1bd: {  	[hbm4b:s23+s19] =	stream.linear.scatter @!p0 [tilespmem:s5], [sflag:$0x3], $0x4000, $0x38;
	[tilespmem:$0x1D000] =	vst v63  }
0x1be: {  	_ =	swait.ge @!p0 [sflag:s6], $0x4000  }
0x1bf: {  	s23 =	sld [smem:$0x7F7]  }
0x1c0: {  	[sflag:s6] =	ssyncset.done @!p0 $0x0  }
0x1c1: {  	[sflag:s6] =	ssyncadd.s32 @!p0 $0xFFFFC000  }
0x1c2: {  	[tilespmem:s5], [sflag:$0x3] =	stream.linear.gather @!p0 [spmem:s23], $0x3C00, $0x38;
	[tilespmem:$0x1D000] =	vst v63  }
0x1c3: {  	_ =	swait.ge @!p0 [sflag:s6], $0x3C00  }
0x1c4: {  	[sflag:s6] =	ssyncset.done @!p0 $0x0  }
0x1c5: {  	s23 =	rddreg [dreg:$0x1d];
	[sflag:s6] =	ssyncadd.s32 @!p0 $0xFFFFC400  }
0x1c6: {  	[hbm4b:s23+s19] =	stream.linear.scatter @!p0 [tilespmem:s5], [sflag:$0x3], $0x3C00, $0x38;
	[tilespmem:$0x1D000] =	vst v63  }
0x1c7: {  	_ =	swait.ge @!p0 [sflag:s6], $0x3C00  }
0x1c8: {  	s23 =	sld [smem:$0x7FA];
	_ =	sdelay $0x1  }
0x1c9: {  	s0 =	sadd.s32 $0x1, s0  }
0x1ca: {  	p1 =	sne.s32 s0, s23  }
.Ltmp3:
0x1cb: {  	_ = 	snop;
	(pc) =	sbr.rel @p1 .LBB2_1-.Ltmp3, $3  }
0x1cc: {  	_ =	sdelay $0x1  }
0x1cd: {  	[sflag:s6] =	ssyncset.done @!p0 $0x0  }
0x1ce: {  	[sflag:s6] =	ssyncadd.s32 @!p0 $0xFFFFC400  }
0x1cf: {  	_ =	sfence.sel $0x180000  }
0x1d0: {  	[bflag:$0x0] =	sbarrier.arrive $0xFFFF  }
0x1d1: {  	_ =	strace $0x90000050  }
0x1d2: {  	s0 =	stileid.u32;
	[bflag:$0x2] =	sbarrier.arrive $0xFFFF  }
0x1d3: {  	p0 =	sne.s32 s0, $0x0;
	s0 =	rddreg [dreg:$0x3]  }
0x1d4: {  	s0 =	sadd.s32 @!p0 $0x100000, s0  }
0x1d5: {  	[sflag:s0] =	ssyncadd.tile.s32 @!p0 $0x1;
	_ =	shalt  }
.Lfunc_end2:
_tile_overlayer_lowered:
.L_overlay_start_2:
0x1d6: {  	(tag) =	ssettag $0x2  }
0x1d7: {  	s0 =	rddreg [dreg:$0x0];
	s2 =	stileid.u32  }
0x1d8: {  	s1 =	rddreg [dreg:$0x1];
	p0 =	sne.s32 s2, $0x0  }
0x1d9: {  	s3 =	rddreg [dreg:$0x2];
	[bflag:$0x3] =	sbarrier.arrive $0xFFFF;
	s2 =	simm.s32 @!p0 $0x1C03  }
0x1da: {  	[timem:s3], [sflag:s2] =	dma.local @!p0 [hbm:s0], s1  }
0x1db: {  	s0 =	simm.s32 @!p0 $0x3  }
0x1dc: {  	_ =	swait.ge @!p0 [sflag:s0], s1  }
0x1dd: {  	s1 =	ssub.s32 @!p0 $0x0, s1;
	[sflag:s0] =	ssyncset.done @!p0 $0x0  }
0x1de: {  	[sflag:s0] =	ssyncadd.s32 @!p0 s1  }
0x1df: {  	[bflag:$0x3] =	sbarrier.arrive $0xFFFF  }
0x1e0: {  	_ =	shalt  }

</sc_bundles>
